<compile_context>
chip_gen: v7x
topology: tpu7x:2x2x1
jax: 0.10.2.dev20260603
libtpu: 0.0.44.dev20260713+nightly
codegen_flags: <defaults>
</compile_context>

<pallas_src>
import functools

import jax
import jax.numpy as jnp
from jax import lax
from jax.experimental import pallas as pl
from jax.experimental.pallas import tpu as pltpu
from jax.experimental.pallas import tpu_sc as plsc

B = 16384
L = 200
D = 32
NC, NS, LANES = 2, 16, 16
NW = NC * NS
BPW = B // NW
SGR = 64
NSG = BPW // SGR
LH = L // 2
LHA = 96
LHB = 104
NBUF = 8

_mesh = plsc.VectorSubcoreMesh(
    core_axis_name="c", subcore_axis_name="s", num_cores=NC, num_subcores=NS
)


@functools.partial(
    pl.kernel,
    out_type=jax.ShapeDtypeStruct((B * D,), jnp.float32),
    mesh=_mesh,
    compiler_params=pltpu.CompilerParams(use_tc_tiling_on_sc=False),
    scratch_types=[
        pltpu.VMEM((2, 2 * SGR * LH), jnp.int32),
        pltpu.VMEM((BPW,), jnp.int32),
        pltpu.VMEM((BPW,), jnp.float32),
        pltpu.VMEM((NBUF, L, D), jnp.float32),
        pltpu.VMEM((2, SGR * D), jnp.float32),
        [pltpu.SemaphoreType.DMA] * NBUF,
        pltpu.SemaphoreType.DMA,
        [pltpu.SemaphoreType.DMA] * 2,
    ],
)
def _pool_kernel(ids_hbm, len_hbm, table_hbm, out_hbm,
                 ids_v, len_v, rcp_v, rows_v, out_v, sems, sem_ids, semo):
    wid = lax.axis_index("s") * NC + lax.axis_index("c")
    base = wid * BPW

    pltpu.sync_copy(len_hbm.at[pl.ds(base, BPW)], len_v)

    def rcp_body(i, carry):
        lenf = len_v[pl.ds(i * LANES, LANES)].astype(jnp.float32)
        rcp_v[pl.ds(i * LANES, LANES)] = 1.0 / jnp.maximum(lenf, 1.0)
        return carry

    lax.fori_loop(0, BPW // LANES, rcp_body, 0)

    def ids_load_desc(s):
        return pltpu.make_async_copy(
            ids_hbm.at[pl.ds((base + s * SGR) * L, SGR * L)],
            ids_v.at[lax.rem(s, 2)], sem_ids)

    def out_write_desc(s, p):
        return pltpu.make_async_copy(
            out_v.at[p], out_hbm.at[pl.ds((base + s * SGR) * D, SGR * D)], semo[p])

    def out_write_op(s, op):
        for p in range(2):
            @pl.when(lax.rem(s, 2) == p)
            def _():
                op(out_write_desc(s, p))

    def gather_descs(r, buf):
        p = lax.rem(r // SGR, 2)
        ro = lax.rem(r, SGR)
        return (
            pltpu.make_async_copy(
                table_hbm.at[ids_v.at[p, pl.ds(ro * L, LHA)]],
                rows_v.at[buf, pl.ds(0, LHA)], sems[buf]),
            pltpu.make_async_copy(
                table_hbm.at[ids_v.at[p, pl.ds(ro * L + LHA, LHB)]],
                rows_v.at[buf, pl.ds(LHA, LHB)], sems[buf]),
        )

    def issue(r, buf):
        for h in gather_descs(r, buf):
            h.start()

    def wait(r, buf):
        for h in gather_descs(r, buf):
            h.wait()

    def process(r, buf):
        U = 8
        z = jnp.zeros((LANES,), jnp.float32)

        def j_body(j, accs):
            accs = list(accs)
            jb = j * U
            for t in range(U):
                accs[2 * t] = accs[2 * t] + rows_v[buf, jb + t, pl.ds(0, LANES)]
                accs[2 * t + 1] = (
                    accs[2 * t + 1] + rows_v[buf, jb + t, pl.ds(LANES, LANES)])
            return tuple(accs)

        accs = lax.fori_loop(0, L // U, j_body, (z,) * (2 * U))
        a0, a1 = accs[0], accs[1]
        for t in range(1, U):
            a0 = a0 + accs[2 * t]
            a1 = a1 + accs[2 * t + 1]
        lane = lax.rem(r, LANES)
        rvec = rcp_v[pl.ds(r - lane, LANES)]
        rb = jnp.take_along_axis(rvec, jnp.full((LANES,), lane), axis=0)
        p = lax.rem(r // SGR, 2)
        ro = lax.rem(r, SGR)
        out_v[p, pl.ds(ro * D, LANES)] = a0 * rb
        out_v[p, pl.ds(ro * D + LANES, LANES)] = a1 * rb

    h = ids_load_desc(0)
    h.start()
    h.wait()
    for t in range(NBUF - 1):
        issue(t, t)

    KPS = SGR // NBUF

    def k_body(k, carry):
        kin = lax.rem(k, KPS)
        s = k // KPS
        for t in range(NBUF):
            r = NBUF * k + t
            if t == 0:
                @pl.when((kin == 1) & (s + 1 < NSG))
                def _():
                    ids_load_desc(s + 1).start()

                @pl.when((kin == 0) & (s >= 2))
                def _():
                    out_write_op(s - 2, lambda h: h.wait())

                @pl.when((kin == KPS - 1) & (s + 1 < NSG))
                def _():
                    ids_load_desc(s + 1).wait()

            rr = r + NBUF - 1

            @pl.when(rr < BPW)
            def _():
                issue(rr, (t + NBUF - 1) % NBUF)

            wait(r, t)
            process(r, t)

            if t == NBUF - 1:
                @pl.when(kin == KPS - 1)
                def _():
                    out_write_op(s, lambda h: h.start())
        return carry

    lax.fori_loop(0, BPW // NBUF, k_body, 0)
    out_write_desc(NSG - 2, (NSG - 2) % 2).wait()
    out_write_desc(NSG - 1, (NSG - 1) % 2).wait()


def kernel(ids, lengths, table):
    ids_flat = ids.reshape(B * L)
    return _pool_kernel(ids_flat, lengths, table).reshape(B, D)

# --- scband reference (transcript-rebuilt; emitter-appended) ---
"""Pipeline reference for scband-mean-pool-embedding-9216999818018 (READ-ONLY COPY).

The authoritative reference and input builder live on the scoring server;
editing this copy changes nothing except your own understanding.
"""

import jax, jax.numpy as jnp
import numpy as np

PAD = 0
VOCAB = 1000000
EMB = 32
BATCH = 16384
HIST = 200

def setup_inputs(seed: int = 0) -> dict:
    key = jax.random.key(seed)
    k1, k2, k3 = jax.random.split(key, 3)
    ids = jax.random.randint(k1, (BATCH, HIST), 0, VOCAB, dtype=jnp.int64 if jax.config.jax_enable_x64 else jnp.int32).astype(jnp.int32)
    lengths = jax.random.randint(k2, (BATCH,), 0, HIST).astype(jnp.int32)
    table = jax.random.normal(k3, (VOCAB, EMB), dtype=jnp.float32) * 0.02
    table = table.at[PAD].set(0.0)  # padding_idx row zeroed like nn.Embedding(padding_idx=0)
    return {"ids": ids, "lengths": lengths, "table": table}

def reference(ids, lengths, table):
    E = jnp.take(table, ids, axis=0)                 # [B, L, D] gather
    mask = (ids != PAD)[..., None].astype(E.dtype)   # [B, L, 1]
    summed = jnp.sum(E * mask, axis=1)               # [B, D]
    denom = jnp.clip(lengths, 1, None)[:, None].astype(jnp.float32)
    return summed / denom

if __name__ == "__main__":
    import jax
    _d = setup_inputs()
    print(jax.jit(kernel)(*tuple(_d.values())))

</pallas_src>

<mosaic_0001>
#map = affine_map<(d0, d1) -> (0)>
#map1 = affine_map<(d0, d1) -> (0, 0)>
module attributes {stable_mosaic.version = 14 : i64} {
  func.func @_pool_kernel(%arg0: i32, %arg1: i32, %arg2: memref<3276800xi32, #tpu.memory_space<hbm>>, %arg3: memref<16384xi32, #tpu.memory_space<hbm>>, %arg4: memref<1000000x32xf32, #tpu.memory_space<hbm>>, %arg5: memref<524288xf32, #tpu.memory_space<hbm>>, %arg6: memref<2x12800xi32, #tpu.memory_space<vmem>>, %arg7: memref<512xi32, #tpu.memory_space<vmem>>, %arg8: memref<512xf32, #tpu.memory_space<vmem>>, %arg9: memref<8x200x32xf32, #tpu.memory_space<vmem>>, %arg10: memref<2x2048xf32, #tpu.memory_space<vmem>>, %arg11: memref<!tpu.dma_semaphore, #tpu.memory_space<semaphore_mem>>, %arg12: memref<!tpu.dma_semaphore, #tpu.memory_space<semaphore_mem>>, %arg13: memref<!tpu.dma_semaphore, #tpu.memory_space<semaphore_mem>>, %arg14: memref<!tpu.dma_semaphore, #tpu.memory_space<semaphore_mem>>, %arg15: memref<!tpu.dma_semaphore, #tpu.memory_space<semaphore_mem>>, %arg16: memref<!tpu.dma_semaphore, #tpu.memory_space<semaphore_mem>>, %arg17: memref<!tpu.dma_semaphore, #tpu.memory_space<semaphore_mem>>, %arg18: memref<!tpu.dma_semaphore, #tpu.memory_space<semaphore_mem>>, %arg19: memref<!tpu.dma_semaphore, #tpu.memory_space<semaphore_mem>>, %arg20: memref<!tpu.dma_semaphore, #tpu.memory_space<semaphore_mem>>, %arg21: memref<!tpu.dma_semaphore, #tpu.memory_space<semaphore_mem>>) attributes {dimension_semantics = [#tpu.dimension_semantics<core_parallel>, #tpu.dimension_semantics<subcore_parallel>], iteration_bounds = array<i64: 2, 16>, scalar_prefetch = 0 : i64, scratch_operands = 16 : i64, tpu.core_type = #tpu.core_type<sc_vector_subcore>, window_params = [{transform_indices = #map}, {transform_indices = #map}, {transform_indices = #map1}, {transform_indices = #map}]} {
    %mul3A = arith.constant 2 : i32
    %mul3A_0 = arith.muli %arg1, %mul3A : i32
    %add3A = arith.addi %mul3A_0, %arg0 : i32
    %mul3A_1 = arith.constant 512 : i32
    %mul3A_2 = arith.muli %add3A, %mul3A_1 : i32
    "tpu.region"() ({
      %run_scoped3A = tpu.sem_alloc : memref<!tpu.dma_semaphore, #tpu.memory_space<semaphore_mem>>
      %dma_start3A_284 = tpu.memref_slice %arg3[%mul3A_2] : memref<16384xi32, #tpu.memory_space<hbm>> -> memref<512xi32, #tpu.memory_space<hbm>>
      %dma_start3A_285 = tpu.memref_slice %arg3[%mul3A_2] : memref<16384xi32, #tpu.memory_space<hbm>> -> memref<512xi32, #tpu.memory_space<hbm>>
      tpu.enqueue_dma source(%dma_start3A_285 : memref<512xi32, #tpu.memory_space<hbm>>) target(%arg7 : memref<512xi32, #tpu.memory_space<vmem>>) target_semaphore(%run_scoped3A : memref<!tpu.dma_semaphore, #tpu.memory_space<semaphore_mem>>)
      %dma_wait3A_286 = tpu.memref_slice %arg3[%mul3A_2] : memref<16384xi32, #tpu.memory_space<hbm>> -> memref<512xi32, #tpu.memory_space<hbm>>
      %dma_wait3A_287 = tpu.memref_slice %arg3[%mul3A_2] : memref<16384xi32, #tpu.memory_space<hbm>> -> memref<512xi32, #tpu.memory_space<hbm>>
      tpu.wait_dma2 semaphore(%run_scoped3A : memref<!tpu.dma_semaphore, #tpu.memory_space<semaphore_mem>>) src(%dma_wait3A_287 : memref<512xi32, #tpu.memory_space<hbm>>) dst(%arg7 : memref<512xi32, #tpu.memory_space<vmem>>)
      tpu.yield
    }) : () -> ()
    %scan3A = arith.constant 0 : i32
    %scan3A_3 = arith.constant 0 : i32
    %scan3A_4 = arith.constant 32 : i32
    %scan3A_5 = arith.addi %scan3A_3, %scan3A_4 : i32
    %scan3A_6 = arith.constant 1 : i32
    scf.for %scan3A_284 = %scan3A_3 to %scan3A_5 step %scan3A_6  : i32 {
      %mul3A_285 = arith.constant 16 : i32
      %mul3A_286 = arith.muli %scan3A_284, %mul3A_285 : i32
      %get3A = arith.index_cast %mul3A_286 : i32 to index
      %get3A_287 = tpu.vector_load %arg7[%get3A] {strides = array<i32>} : memref<512xi32, #tpu.memory_space<vmem>>, vector<16xi32>,
      %get3A_288 = vector.shape_cast %get3A_287 : vector<16xi32> to vector<16xi32>
      %convert_element_type3A = arith.sitofp %get3A_288 : vector<16xi32> to vector<16xf32>
      %max3A = arith.constant 1.000000e+00 : f32
      %max3A_289 = vector.broadcast %max3A : f32 to vector<16xf32>
      %max3A_290 = arith.maximumf %convert_element_type3A, %max3A_289 : vector<16xf32>
      %div3A = arith.constant 1.000000e+00 : f32
      %div3A_291 = vector.broadcast %div3A : f32 to vector<16xf32>
      %div3A_292 = arith.divf %div3A_291, %max3A_290 : vector<16xf32>
      %mul3A_293 = arith.constant 16 : i32
      %mul3A_294 = arith.muli %scan3A_284, %mul3A_293 : i32
      %swap3A = arith.index_cast %mul3A_294 : i32 to index
      %swap3A_295 = tpu.vector_load %arg8[%swap3A] {strides = array<i32>} : memref<512xf32, #tpu.memory_space<vmem>>, vector<16xf32>,
      %swap3A_296 = vector.shape_cast %swap3A_295 : vector<16xf32> to vector<16xf32>
      %swap3A_297 = vector.shape_cast %div3A_292 : vector<16xf32> to vector<16xf32>
      tpu.vector_store %arg8[%swap3A], %swap3A_297 {strides = array<i32>} : memref<512xf32, #tpu.memory_space<vmem>>, vector<16xf32>,
    }
    %scan3A_7 = arith.constant 32 : i32
    %add3A_8 = arith.constant 0 : i32
    %add3A_9 = arith.addi %mul3A_2, %add3A_8 : i32
    %mul3A_10 = arith.constant 200 : i32
    %mul3A_11 = arith.muli %add3A_9, %mul3A_10 : i32
    %rem3A = arith.constant 0 : i32
    %rem3A_12 = arith.constant 2 : i32
    %rem3A_13 = arith.remsi %rem3A, %rem3A_12 : i32
    %dma_start3A = arith.constant 0 : i32
    %dma_start3A_14 = tpu.memref_slice %arg6[%rem3A_13, %dma_start3A] : memref<2x12800xi32, #tpu.memory_space<vmem>> -> memref<1x12800xi32, #tpu.memory_space<vmem>>
    %dma_start3A_15 = tpu.memref_squeeze %dma_start3A_14 : memref<1x12800xi32, #tpu.memory_space<vmem>> -> memref<12800xi32, #tpu.memory_space<vmem>>
    %dma_start3A_16 = tpu.memref_slice %arg2[%mul3A_11] : memref<3276800xi32, #tpu.memory_space<hbm>> -> memref<12800xi32, #tpu.memory_space<hbm>>
    %dma_start3A_17 = arith.constant 0 : i32
    %dma_start3A_18 = tpu.memref_slice %arg6[%rem3A_13, %dma_start3A_17] : memref<2x12800xi32, #tpu.memory_space<vmem>> -> memref<1x12800xi32, #tpu.memory_space<vmem>>
    %dma_start3A_19 = tpu.memref_squeeze %dma_start3A_18 : memref<1x12800xi32, #tpu.memory_space<vmem>> -> memref<12800xi32, #tpu.memory_space<vmem>>
    %dma_start3A_20 = tpu.memref_slice %arg2[%mul3A_11] : memref<3276800xi32, #tpu.memory_space<hbm>> -> memref<12800xi32, #tpu.memory_space<hbm>>
    tpu.enqueue_dma source(%dma_start3A_20 : memref<12800xi32, #tpu.memory_space<hbm>>) target(%dma_start3A_19 : memref<12800xi32, #tpu.memory_space<vmem>>) target_semaphore(%arg19 : memref<!tpu.dma_semaphore, #tpu.memory_space<semaphore_mem>>)
    %dma_wait3A = arith.constant 0 : i32
    %dma_wait3A_21 = tpu.memref_slice %arg6[%rem3A_13, %dma_wait3A] : memref<2x12800xi32, #tpu.memory_space<vmem>> -> memref<1x12800xi32, #tpu.memory_space<vmem>>
    %dma_wait3A_22 = tpu.memref_squeeze %dma_wait3A_21 : memref<1x12800xi32, #tpu.memory_space<vmem>> -> memref<12800xi32, #tpu.memory_space<vmem>>
    %dma_wait3A_23 = tpu.memref_slice %arg2[%mul3A_11] : memref<3276800xi32, #tpu.memory_space<hbm>> -> memref<12800xi32, #tpu.memory_space<hbm>>
    %dma_wait3A_24 = arith.constant 0 : i32
    %dma_wait3A_25 = tpu.memref_slice %arg6[%rem3A_13, %dma_wait3A_24] : memref<2x12800xi32, #tpu.memory_space<vmem>> -> memref<1x12800xi32, #tpu.memory_space<vmem>>
    %dma_wait3A_26 = tpu.memref_squeeze %dma_wait3A_25 : memref<1x12800xi32, #tpu.memory_space<vmem>> -> memref<12800xi32, #tpu.memory_space<vmem>>
    %dma_wait3A_27 = tpu.memref_slice %arg2[%mul3A_11] : memref<3276800xi32, #tpu.memory_space<hbm>> -> memref<12800xi32, #tpu.memory_space<hbm>>
    tpu.wait_dma2 semaphore(%arg19 : memref<!tpu.dma_semaphore, #tpu.memory_space<semaphore_mem>>) src(%dma_wait3A_27 : memref<12800xi32, #tpu.memory_space<hbm>>) dst(%dma_wait3A_26 : memref<12800xi32, #tpu.memory_space<vmem>>)
    %rem3A_28 = arith.constant 0 : i32
    %rem3A_29 = arith.constant 2 : i32
    %rem3A_30 = arith.remsi %rem3A_28, %rem3A_29 : i32
    %rem3A_31 = arith.constant 0 : i32
    %rem3A_32 = arith.constant 64 : i32
    %rem3A_33 = arith.remsi %rem3A_31, %rem3A_32 : i32
    %mul3A_34 = arith.constant 200 : i32
    %mul3A_35 = arith.muli %rem3A_33, %mul3A_34 : i32
    %mul3A_36 = arith.constant 200 : i32
    %mul3A_37 = arith.muli %rem3A_33, %mul3A_36 : i32
    %add3A_38 = arith.constant 96 : i32
    %add3A_39 = arith.addi %mul3A_37, %add3A_38 : i32
    %dma_start3A_40 = arith.constant 0 : i32
    %dma_start3A_41 = arith.constant 0 : i32
    %dma_start3A_42 = arith.constant 0 : i32
    %dma_start3A_43 = tpu.memref_slice %arg9[%dma_start3A_40, %dma_start3A_41, %dma_start3A_42] : memref<8x200x32xf32, #tpu.memory_space<vmem>> -> memref<1x96x32xf32, #tpu.memory_space<vmem>>
    %dma_start3A_44 = tpu.memref_squeeze %dma_start3A_43 : memref<1x96x32xf32, #tpu.memory_space<vmem>> -> memref<96x32xf32, #tpu.memory_space<vmem>>
    %dma_start3A_45 = tpu.memref_slice %arg6[%rem3A_30, %mul3A_35] : memref<2x12800xi32, #tpu.memory_space<vmem>> -> memref<1x96xi32, #tpu.memory_space<vmem>>
    %dma_start3A_46 = tpu.memref_squeeze %dma_start3A_45 : memref<1x96xi32, #tpu.memory_space<vmem>> -> memref<96xi32, #tpu.memory_space<vmem>>
    %dma_start3A_47 = arith.constant 0 : i32
    %dma_start3A_48 = arith.constant 0 : i32
    %dma_start3A_49 = tpu.memref_slice %arg4[%dma_start3A_47, %dma_start3A_48] : memref<1000000x32xf32, #tpu.memory_space<hbm>> -> memref<1000000x32xf32, #tpu.memory_space<hbm>>
    tpu.enqueue_indirect_dma source(%dma_start3A_49 : memref<1000000x32xf32, #tpu.memory_space<hbm>>) target(%dma_start3A_44 : memref<96x32xf32, #tpu.memory_space<vmem>>) offsets(%dma_start3A_46 : memref<96xi32, #tpu.memory_space<vmem>>) semaphore(%arg11 : memref<!tpu.dma_semaphore, #tpu.memory_space<semaphore_mem>>)
    %dma_start3A_50 = arith.constant 0 : i32
    %dma_start3A_51 = arith.constant 96 : i32
    %dma_start3A_52 = arith.constant 0 : i32
    %dma_start3A_53 = tpu.memref_slice %arg9[%dma_start3A_50, %dma_start3A_51, %dma_start3A_52] : memref<8x200x32xf32, #tpu.memory_space<vmem>> -> memref<1x104x32xf32, #tpu.memory_space<vmem>>
    %dma_start3A_54 = tpu.memref_squeeze %dma_start3A_53 : memref<1x104x32xf32, #tpu.memory_space<vmem>> -> memref<104x32xf32, #tpu.memory_space<vmem>>
    %dma_start3A_55 = tpu.memref_slice %arg6[%rem3A_30, %add3A_39] : memref<2x12800xi32, #tpu.memory_space<vmem>> -> memref<1x104xi32, #tpu.memory_space<vmem>>
    %dma_start3A_56 = tpu.memref_squeeze %dma_start3A_55 : memref<1x104xi32, #tpu.memory_space<vmem>> -> memref<104xi32, #tpu.memory_space<vmem>>
    %dma_start3A_57 = arith.constant 0 : i32
    %dma_start3A_58 = arith.constant 0 : i32
    %dma_start3A_59 = tpu.memref_slice %arg4[%dma_start3A_57, %dma_start3A_58] : memref<1000000x32xf32, #tpu.memory_space<hbm>> -> memref<1000000x32xf32, #tpu.memory_space<hbm>>
    tpu.enqueue_indirect_dma source(%dma_start3A_59 : memref<1000000x32xf32, #tpu.memory_space<hbm>>) target(%dma_start3A_54 : memref<104x32xf32, #tpu.memory_space<vmem>>) offsets(%dma_start3A_56 : memref<104xi32, #tpu.memory_space<vmem>>) semaphore(%arg11 : memref<!tpu.dma_semaphore, #tpu.memory_space<semaphore_mem>>)
    %rem3A_60 = arith.constant 0 : i32
    %rem3A_61 = arith.constant 2 : i32
    %rem3A_62 = arith.remsi %rem3A_60, %rem3A_61 : i32
    %rem3A_63 = arith.constant 1 : i32
    %rem3A_64 = arith.constant 64 : i32
    %rem3A_65 = arith.remsi %rem3A_63, %rem3A_64 : i32
    %mul3A_66 = arith.constant 200 : i32
    %mul3A_67 = arith.muli %rem3A_65, %mul3A_66 : i32
    %mul3A_68 = arith.constant 200 : i32
    %mul3A_69 = arith.muli %rem3A_65, %mul3A_68 : i32
    %add3A_70 = arith.constant 96 : i32
    %add3A_71 = arith.addi %mul3A_69, %add3A_70 : i32
    %dma_start3A_72 = arith.constant 1 : i32
    %dma_start3A_73 = arith.constant 0 : i32
    %dma_start3A_74 = arith.constant 0 : i32
    %dma_start3A_75 = tpu.memref_slice %arg9[%dma_start3A_72, %dma_start3A_73, %dma_start3A_74] : memref<8x200x32xf32, #tpu.memory_space<vmem>> -> memref<1x96x32xf32, #tpu.memory_space<vmem>>
    %dma_start3A_76 = tpu.memref_squeeze %dma_start3A_75 : memref<1x96x32xf32, #tpu.memory_space<vmem>> -> memref<96x32xf32, #tpu.memory_space<vmem>>
    %dma_start3A_77 = tpu.memref_slice %arg6[%rem3A_62, %mul3A_67] : memref<2x12800xi32, #tpu.memory_space<vmem>> -> memref<1x96xi32, #tpu.memory_space<vmem>>
    %dma_start3A_78 = tpu.memref_squeeze %dma_start3A_77 : memref<1x96xi32, #tpu.memory_space<vmem>> -> memref<96xi32, #tpu.memory_space<vmem>>
    %dma_start3A_79 = arith.constant 0 : i32
    %dma_start3A_80 = arith.constant 0 : i32
    %dma_start3A_81 = tpu.memref_slice %arg4[%dma_start3A_79, %dma_start3A_80] : memref<1000000x32xf32, #tpu.memory_space<hbm>> -> memref<1000000x32xf32, #tpu.memory_space<hbm>>
    tpu.enqueue_indirect_dma source(%dma_start3A_81 : memref<1000000x32xf32, #tpu.memory_space<hbm>>) target(%dma_start3A_76 : memref<96x32xf32, #tpu.memory_space<vmem>>) offsets(%dma_start3A_78 : memref<96xi32, #tpu.memory_space<vmem>>) semaphore(%arg12 : memref<!tpu.dma_semaphore, #tpu.memory_space<semaphore_mem>>)
    %dma_start3A_82 = arith.constant 1 : i32
    %dma_start3A_83 = arith.constant 96 : i32
    %dma_start3A_84 = arith.constant 0 : i32
    %dma_start3A_85 = tpu.memref_slice %arg9[%dma_start3A_82, %dma_start3A_83, %dma_start3A_84] : memref<8x200x32xf32, #tpu.memory_space<vmem>> -> memref<1x104x32xf32, #tpu.memory_space<vmem>>
    %dma_start3A_86 = tpu.memref_squeeze %dma_start3A_85 : memref<1x104x32xf32, #tpu.memory_space<vmem>> -> memref<104x32xf32, #tpu.memory_space<vmem>>
    %dma_start3A_87 = tpu.memref_slice %arg6[%rem3A_62, %add3A_71] : memref<2x12800xi32, #tpu.memory_space<vmem>> -> memref<1x104xi32, #tpu.memory_space<vmem>>
    %dma_start3A_88 = tpu.memref_squeeze %dma_start3A_87 : memref<1x104xi32, #tpu.memory_space<vmem>> -> memref<104xi32, #tpu.memory_space<vmem>>
    %dma_start3A_89 = arith.constant 0 : i32
    %dma_start3A_90 = arith.constant 0 : i32
    %dma_start3A_91 = tpu.memref_slice %arg4[%dma_start3A_89, %dma_start3A_90] : memref<1000000x32xf32, #tpu.memory_space<hbm>> -> memref<1000000x32xf32, #tpu.memory_space<hbm>>
    tpu.enqueue_indirect_dma source(%dma_start3A_91 : memref<1000000x32xf32, #tpu.memory_space<hbm>>) target(%dma_start3A_86 : memref<104x32xf32, #tpu.memory_space<vmem>>) offsets(%dma_start3A_88 : memref<104xi32, #tpu.memory_space<vmem>>) semaphore(%arg12 : memref<!tpu.dma_semaphore, #tpu.memory_space<semaphore_mem>>)
    %rem3A_92 = arith.constant 0 : i32
    %rem3A_93 = arith.constant 2 : i32
    %rem3A_94 = arith.remsi %rem3A_92, %rem3A_93 : i32
    %rem3A_95 = arith.constant 2 : i32
    %rem3A_96 = arith.constant 64 : i32
    %rem3A_97 = arith.remsi %rem3A_95, %rem3A_96 : i32
    %mul3A_98 = arith.constant 200 : i32
    %mul3A_99 = arith.muli %rem3A_97, %mul3A_98 : i32
    %mul3A_100 = arith.constant 200 : i32
    %mul3A_101 = arith.muli %rem3A_97, %mul3A_100 : i32
    %add3A_102 = arith.constant 96 : i32
    %add3A_103 = arith.addi %mul3A_101, %add3A_102 : i32
    %dma_start3A_104 = arith.constant 2 : i32
    %dma_start3A_105 = arith.constant 0 : i32
    %dma_start3A_106 = arith.constant 0 : i32
    %dma_start3A_107 = tpu.memref_slice %arg9[%dma_start3A_104, %dma_start3A_105, %dma_start3A_106] : memref<8x200x32xf32, #tpu.memory_space<vmem>> -> memref<1x96x32xf32, #tpu.memory_space<vmem>>
    %dma_start3A_108 = tpu.memref_squeeze %dma_start3A_107 : memref<1x96x32xf32, #tpu.memory_space<vmem>> -> memref<96x32xf32, #tpu.memory_space<vmem>>
    %dma_start3A_109 = tpu.memref_slice %arg6[%rem3A_94, %mul3A_99] : memref<2x12800xi32, #tpu.memory_space<vmem>> -> memref<1x96xi32, #tpu.memory_space<vmem>>
    %dma_start3A_110 = tpu.memref_squeeze %dma_start3A_109 : memref<1x96xi32, #tpu.memory_space<vmem>> -> memref<96xi32, #tpu.memory_space<vmem>>
    %dma_start3A_111 = arith.constant 0 : i32
    %dma_start3A_112 = arith.constant 0 : i32
    %dma_start3A_113 = tpu.memref_slice %arg4[%dma_start3A_111, %dma_start3A_112] : memref<1000000x32xf32, #tpu.memory_space<hbm>> -> memref<1000000x32xf32, #tpu.memory_space<hbm>>
    tpu.enqueue_indirect_dma source(%dma_start3A_113 : memref<1000000x32xf32, #tpu.memory_space<hbm>>) target(%dma_start3A_108 : memref<96x32xf32, #tpu.memory_space<vmem>>) offsets(%dma_start3A_110 : memref<96xi32, #tpu.memory_space<vmem>>) semaphore(%arg13 : memref<!tpu.dma_semaphore, #tpu.memory_space<semaphore_mem>>)
    %dma_start3A_114 = arith.constant 2 : i32
    %dma_start3A_115 = arith.constant 96 : i32
    %dma_start3A_116 = arith.constant 0 : i32
    %dma_start3A_117 = tpu.memref_slice %arg9[%dma_start3A_114, %dma_start3A_115, %dma_start3A_116] : memref<8x200x32xf32, #tpu.memory_space<vmem>> -> memref<1x104x32xf32, #tpu.memory_space<vmem>>
    %dma_start3A_118 = tpu.memref_squeeze %dma_start3A_117 : memref<1x104x32xf32, #tpu.memory_space<vmem>> -> memref<104x32xf32, #tpu.memory_space<vmem>>
    %dma_start3A_119 = tpu.memref_slice %arg6[%rem3A_94, %add3A_103] : memref<2x12800xi32, #tpu.memory_space<vmem>> -> memref<1x104xi32, #tpu.memory_space<vmem>>
    %dma_start3A_120 = tpu.memref_squeeze %dma_start3A_119 : memref<1x104xi32, #tpu.memory_space<vmem>> -> memref<104xi32, #tpu.memory_space<vmem>>
    %dma_start3A_121 = arith.constant 0 : i32
    %dma_start3A_122 = arith.constant 0 : i32
    %dma_start3A_123 = tpu.memref_slice %arg4[%dma_start3A_121, %dma_start3A_122] : memref<1000000x32xf32, #tpu.memory_space<hbm>> -> memref<1000000x32xf32, #tpu.memory_space<hbm>>
    tpu.enqueue_indirect_dma source(%dma_start3A_123 : memref<1000000x32xf32, #tpu.memory_space<hbm>>) target(%dma_start3A_118 : memref<104x32xf32, #tpu.memory_space<vmem>>) offsets(%dma_start3A_120 : memref<104xi32, #tpu.memory_space<vmem>>) semaphore(%arg13 : memref<!tpu.dma_semaphore, #tpu.memory_space<semaphore_mem>>)
    %rem3A_124 = arith.constant 0 : i32
    %rem3A_125 = arith.constant 2 : i32
    %rem3A_126 = arith.remsi %rem3A_124, %rem3A_125 : i32
    %rem3A_127 = arith.constant 3 : i32
    %rem3A_128 = arith.constant 64 : i32
    %rem3A_129 = arith.remsi %rem3A_127, %rem3A_128 : i32
    %mul3A_130 = arith.constant 200 : i32
    %mul3A_131 = arith.muli %rem3A_129, %mul3A_130 : i32
    %mul3A_132 = arith.constant 200 : i32
    %mul3A_133 = arith.muli %rem3A_129, %mul3A_132 : i32
    %add3A_134 = arith.constant 96 : i32
    %add3A_135 = arith.addi %mul3A_133, %add3A_134 : i32
    %dma_start3A_136 = arith.constant 3 : i32
    %dma_start3A_137 = arith.constant 0 : i32
    %dma_start3A_138 = arith.constant 0 : i32
    %dma_start3A_139 = tpu.memref_slice %arg9[%dma_start3A_136, %dma_start3A_137, %dma_start3A_138] : memref<8x200x32xf32, #tpu.memory_space<vmem>> -> memref<1x96x32xf32, #tpu.memory_space<vmem>>
    %dma_start3A_140 = tpu.memref_squeeze %dma_start3A_139 : memref<1x96x32xf32, #tpu.memory_space<vmem>> -> memref<96x32xf32, #tpu.memory_space<vmem>>
    %dma_start3A_141 = tpu.memref_slice %arg6[%rem3A_126, %mul3A_131] : memref<2x12800xi32, #tpu.memory_space<vmem>> -> memref<1x96xi32, #tpu.memory_space<vmem>>
    %dma_start3A_142 = tpu.memref_squeeze %dma_start3A_141 : memref<1x96xi32, #tpu.memory_space<vmem>> -> memref<96xi32, #tpu.memory_space<vmem>>
    %dma_start3A_143 = arith.constant 0 : i32
    %dma_start3A_144 = arith.constant 0 : i32
    %dma_start3A_145 = tpu.memref_slice %arg4[%dma_start3A_143, %dma_start3A_144] : memref<1000000x32xf32, #tpu.memory_space<hbm>> -> memref<1000000x32xf32, #tpu.memory_space<hbm>>
    tpu.enqueue_indirect_dma source(%dma_start3A_145 : memref<1000000x32xf32, #tpu.memory_space<hbm>>) target(%dma_start3A_140 : memref<96x32xf32, #tpu.memory_space<vmem>>) offsets(%dma_start3A_142 : memref<96xi32, #tpu.memory_space<vmem>>) semaphore(%arg14 : memref<!tpu.dma_semaphore, #tpu.memory_space<semaphore_mem>>)
    %dma_start3A_146 = arith.constant 3 : i32
    %dma_start3A_147 = arith.constant 96 : i32
    %dma_start3A_148 = arith.constant 0 : i32
    %dma_start3A_149 = tpu.memref_slice %arg9[%dma_start3A_146, %dma_start3A_147, %dma_start3A_148] : memref<8x200x32xf32, #tpu.memory_space<vmem>> -> memref<1x104x32xf32, #tpu.memory_space<vmem>>
    %dma_start3A_150 = tpu.memref_squeeze %dma_start3A_149 : memref<1x104x32xf32, #tpu.memory_space<vmem>> -> memref<104x32xf32, #tpu.memory_space<vmem>>
    %dma_start3A_151 = tpu.memref_slice %arg6[%rem3A_126, %add3A_135] : memref<2x12800xi32, #tpu.memory_space<vmem>> -> memref<1x104xi32, #tpu.memory_space<vmem>>
    %dma_start3A_152 = tpu.memref_squeeze %dma_start3A_151 : memref<1x104xi32, #tpu.memory_space<vmem>> -> memref<104xi32, #tpu.memory_space<vmem>>
    %dma_start3A_153 = arith.constant 0 : i32
    %dma_start3A_154 = arith.constant 0 : i32
    %dma_start3A_155 = tpu.memref_slice %arg4[%dma_start3A_153, %dma_start3A_154] : memref<1000000x32xf32, #tpu.memory_space<hbm>> -> memref<1000000x32xf32, #tpu.memory_space<hbm>>
    tpu.enqueue_indirect_dma source(%dma_start3A_155 : memref<1000000x32xf32, #tpu.memory_space<hbm>>) target(%dma_start3A_150 : memref<104x32xf32, #tpu.memory_space<vmem>>) offsets(%dma_start3A_152 : memref<104xi32, #tpu.memory_space<vmem>>) semaphore(%arg14 : memref<!tpu.dma_semaphore, #tpu.memory_space<semaphore_mem>>)
    %rem3A_156 = arith.constant 0 : i32
    %rem3A_157 = arith.constant 2 : i32
    %rem3A_158 = arith.remsi %rem3A_156, %rem3A_157 : i32
    %rem3A_159 = arith.constant 4 : i32
    %rem3A_160 = arith.constant 64 : i32
    %rem3A_161 = arith.remsi %rem3A_159, %rem3A_160 : i32
    %mul3A_162 = arith.constant 200 : i32
    %mul3A_163 = arith.muli %rem3A_161, %mul3A_162 : i32
    %mul3A_164 = arith.constant 200 : i32
    %mul3A_165 = arith.muli %rem3A_161, %mul3A_164 : i32
    %add3A_166 = arith.constant 96 : i32
    %add3A_167 = arith.addi %mul3A_165, %add3A_166 : i32
    %dma_start3A_168 = arith.constant 4 : i32
    %dma_start3A_169 = arith.constant 0 : i32
    %dma_start3A_170 = arith.constant 0 : i32
    %dma_start3A_171 = tpu.memref_slice %arg9[%dma_start3A_168, %dma_start3A_169, %dma_start3A_170] : memref<8x200x32xf32, #tpu.memory_space<vmem>> -> memref<1x96x32xf32, #tpu.memory_space<vmem>>
    %dma_start3A_172 = tpu.memref_squeeze %dma_start3A_171 : memref<1x96x32xf32, #tpu.memory_space<vmem>> -> memref<96x32xf32, #tpu.memory_space<vmem>>
    %dma_start3A_173 = tpu.memref_slice %arg6[%rem3A_158, %mul3A_163] : memref<2x12800xi32, #tpu.memory_space<vmem>> -> memref<1x96xi32, #tpu.memory_space<vmem>>
    %dma_start3A_174 = tpu.memref_squeeze %dma_start3A_173 : memref<1x96xi32, #tpu.memory_space<vmem>> -> memref<96xi32, #tpu.memory_space<vmem>>
    %dma_start3A_175 = arith.constant 0 : i32
    %dma_start3A_176 = arith.constant 0 : i32
    %dma_start3A_177 = tpu.memref_slice %arg4[%dma_start3A_175, %dma_start3A_176] : memref<1000000x32xf32, #tpu.memory_space<hbm>> -> memref<1000000x32xf32, #tpu.memory_space<hbm>>
    tpu.enqueue_indirect_dma source(%dma_start3A_177 : memref<1000000x32xf32, #tpu.memory_space<hbm>>) target(%dma_start3A_172 : memref<96x32xf32, #tpu.memory_space<vmem>>) offsets(%dma_start3A_174 : memref<96xi32, #tpu.memory_space<vmem>>) semaphore(%arg15 : memref<!tpu.dma_semaphore, #tpu.memory_space<semaphore_mem>>)
    %dma_start3A_178 = arith.constant 4 : i32
    %dma_start3A_179 = arith.constant 96 : i32
    %dma_start3A_180 = arith.constant 0 : i32
    %dma_start3A_181 = tpu.memref_slice %arg9[%dma_start3A_178, %dma_start3A_179, %dma_start3A_180] : memref<8x200x32xf32, #tpu.memory_space<vmem>> -> memref<1x104x32xf32, #tpu.memory_space<vmem>>
    %dma_start3A_182 = tpu.memref_squeeze %dma_start3A_181 : memref<1x104x32xf32, #tpu.memory_space<vmem>> -> memref<104x32xf32, #tpu.memory_space<vmem>>
    %dma_start3A_183 = tpu.memref_slice %arg6[%rem3A_158, %add3A_167] : memref<2x12800xi32, #tpu.memory_space<vmem>> -> memref<1x104xi32, #tpu.memory_space<vmem>>
    %dma_start3A_184 = tpu.memref_squeeze %dma_start3A_183 : memref<1x104xi32, #tpu.memory_space<vmem>> -> memref<104xi32, #tpu.memory_space<vmem>>
    %dma_start3A_185 = arith.constant 0 : i32
    %dma_start3A_186 = arith.constant 0 : i32
    %dma_start3A_187 = tpu.memref_slice %arg4[%dma_start3A_185, %dma_start3A_186] : memref<1000000x32xf32, #tpu.memory_space<hbm>> -> memref<1000000x32xf32, #tpu.memory_space<hbm>>
    tpu.enqueue_indirect_dma source(%dma_start3A_187 : memref<1000000x32xf32, #tpu.memory_space<hbm>>) target(%dma_start3A_182 : memref<104x32xf32, #tpu.memory_space<vmem>>) offsets(%dma_start3A_184 : memref<104xi32, #tpu.memory_space<vmem>>) semaphore(%arg15 : memref<!tpu.dma_semaphore, #tpu.memory_space<semaphore_mem>>)
    %rem3A_188 = arith.constant 0 : i32
    %rem3A_189 = arith.constant 2 : i32
    %rem3A_190 = arith.remsi %rem3A_188, %rem3A_189 : i32
    %rem3A_191 = arith.constant 5 : i32
    %rem3A_192 = arith.constant 64 : i32
    %rem3A_193 = arith.remsi %rem3A_191, %rem3A_192 : i32
    %mul3A_194 = arith.constant 200 : i32
    %mul3A_195 = arith.muli %rem3A_193, %mul3A_194 : i32
    %mul3A_196 = arith.constant 200 : i32
    %mul3A_197 = arith.muli %rem3A_193, %mul3A_196 : i32
    %add3A_198 = arith.constant 96 : i32
    %add3A_199 = arith.addi %mul3A_197, %add3A_198 : i32
    %dma_start3A_200 = arith.constant 5 : i32
    %dma_start3A_201 = arith.constant 0 : i32
    %dma_start3A_202 = arith.constant 0 : i32
    %dma_start3A_203 = tpu.memref_slice %arg9[%dma_start3A_200, %dma_start3A_201, %dma_start3A_202] : memref<8x200x32xf32, #tpu.memory_space<vmem>> -> memref<1x96x32xf32, #tpu.memory_space<vmem>>
    %dma_start3A_204 = tpu.memref_squeeze %dma_start3A_203 : memref<1x96x32xf32, #tpu.memory_space<vmem>> -> memref<96x32xf32, #tpu.memory_space<vmem>>
    %dma_start3A_205 = tpu.memref_slice %arg6[%rem3A_190, %mul3A_195] : memref<2x12800xi32, #tpu.memory_space<vmem>> -> memref<1x96xi32, #tpu.memory_space<vmem>>
    %dma_start3A_206 = tpu.memref_squeeze %dma_start3A_205 : memref<1x96xi32, #tpu.memory_space<vmem>> -> memref<96xi32, #tpu.memory_space<vmem>>
    %dma_start3A_207 = arith.constant 0 : i32
    %dma_start3A_208 = arith.constant 0 : i32
    %dma_start3A_209 = tpu.memref_slice %arg4[%dma_start3A_207, %dma_start3A_208] : memref<1000000x32xf32, #tpu.memory_space<hbm>> -> memref<1000000x32xf32, #tpu.memory_space<hbm>>
    tpu.enqueue_indirect_dma source(%dma_start3A_209 : memref<1000000x32xf32, #tpu.memory_space<hbm>>) target(%dma_start3A_204 : memref<96x32xf32, #tpu.memory_space<vmem>>) offsets(%dma_start3A_206 : memref<96xi32, #tpu.memory_space<vmem>>) semaphore(%arg16 : memref<!tpu.dma_semaphore, #tpu.memory_space<semaphore_mem>>)
    %dma_start3A_210 = arith.constant 5 : i32
    %dma_start3A_211 = arith.constant 96 : i32
    %dma_start3A_212 = arith.constant 0 : i32
    %dma_start3A_213 = tpu.memref_slice %arg9[%dma_start3A_210, %dma_start3A_211, %dma_start3A_212] : memref<8x200x32xf32, #tpu.memory_space<vmem>> -> memref<1x104x32xf32, #tpu.memory_space<vmem>>
    %dma_start3A_214 = tpu.memref_squeeze %dma_start3A_213 : memref<1x104x32xf32, #tpu.memory_space<vmem>> -> memref<104x32xf32, #tpu.memory_space<vmem>>
    %dma_start3A_215 = tpu.memref_slice %arg6[%rem3A_190, %add3A_199] : memref<2x12800xi32, #tpu.memory_space<vmem>> -> memref<1x104xi32, #tpu.memory_space<vmem>>
    %dma_start3A_216 = tpu.memref_squeeze %dma_start3A_215 : memref<1x104xi32, #tpu.memory_space<vmem>> -> memref<104xi32, #tpu.memory_space<vmem>>
    %dma_start3A_217 = arith.constant 0 : i32
    %dma_start3A_218 = arith.constant 0 : i32
    %dma_start3A_219 = tpu.memref_slice %arg4[%dma_start3A_217, %dma_start3A_218] : memref<1000000x32xf32, #tpu.memory_space<hbm>> -> memref<1000000x32xf32, #tpu.memory_space<hbm>>
    tpu.enqueue_indirect_dma source(%dma_start3A_219 : memref<1000000x32xf32, #tpu.memory_space<hbm>>) target(%dma_start3A_214 : memref<104x32xf32, #tpu.memory_space<vmem>>) offsets(%dma_start3A_216 : memref<104xi32, #tpu.memory_space<vmem>>) semaphore(%arg16 : memref<!tpu.dma_semaphore, #tpu.memory_space<semaphore_mem>>)
    %rem3A_220 = arith.constant 0 : i32
    %rem3A_221 = arith.constant 2 : i32
    %rem3A_222 = arith.remsi %rem3A_220, %rem3A_221 : i32
    %rem3A_223 = arith.constant 6 : i32
    %rem3A_224 = arith.constant 64 : i32
    %rem3A_225 = arith.remsi %rem3A_223, %rem3A_224 : i32
    %mul3A_226 = arith.constant 200 : i32
    %mul3A_227 = arith.muli %rem3A_225, %mul3A_226 : i32
    %mul3A_228 = arith.constant 200 : i32
    %mul3A_229 = arith.muli %rem3A_225, %mul3A_228 : i32
    %add3A_230 = arith.constant 96 : i32
    %add3A_231 = arith.addi %mul3A_229, %add3A_230 : i32
    %dma_start3A_232 = arith.constant 6 : i32
    %dma_start3A_233 = arith.constant 0 : i32
    %dma_start3A_234 = arith.constant 0 : i32
    %dma_start3A_235 = tpu.memref_slice %arg9[%dma_start3A_232, %dma_start3A_233, %dma_start3A_234] : memref<8x200x32xf32, #tpu.memory_space<vmem>> -> memref<1x96x32xf32, #tpu.memory_space<vmem>>
    %dma_start3A_236 = tpu.memref_squeeze %dma_start3A_235 : memref<1x96x32xf32, #tpu.memory_space<vmem>> -> memref<96x32xf32, #tpu.memory_space<vmem>>
    %dma_start3A_237 = tpu.memref_slice %arg6[%rem3A_222, %mul3A_227] : memref<2x12800xi32, #tpu.memory_space<vmem>> -> memref<1x96xi32, #tpu.memory_space<vmem>>
    %dma_start3A_238 = tpu.memref_squeeze %dma_start3A_237 : memref<1x96xi32, #tpu.memory_space<vmem>> -> memref<96xi32, #tpu.memory_space<vmem>>
    %dma_start3A_239 = arith.constant 0 : i32
    %dma_start3A_240 = arith.constant 0 : i32
    %dma_start3A_241 = tpu.memref_slice %arg4[%dma_start3A_239, %dma_start3A_240] : memref<1000000x32xf32, #tpu.memory_space<hbm>> -> memref<1000000x32xf32, #tpu.memory_space<hbm>>
    tpu.enqueue_indirect_dma source(%dma_start3A_241 : memref<1000000x32xf32, #tpu.memory_space<hbm>>) target(%dma_start3A_236 : memref<96x32xf32, #tpu.memory_space<vmem>>) offsets(%dma_start3A_238 : memref<96xi32, #tpu.memory_space<vmem>>) semaphore(%arg17 : memref<!tpu.dma_semaphore, #tpu.memory_space<semaphore_mem>>)
    %dma_start3A_242 = arith.constant 6 : i32
    %dma_start3A_243 = arith.constant 96 : i32
    %dma_start3A_244 = arith.constant 0 : i32
    %dma_start3A_245 = tpu.memref_slice %arg9[%dma_start3A_242, %dma_start3A_243, %dma_start3A_244] : memref<8x200x32xf32, #tpu.memory_space<vmem>> -> memref<1x104x32xf32, #tpu.memory_space<vmem>>
    %dma_start3A_246 = tpu.memref_squeeze %dma_start3A_245 : memref<1x104x32xf32, #tpu.memory_space<vmem>> -> memref<104x32xf32, #tpu.memory_space<vmem>>
    %dma_start3A_247 = tpu.memref_slice %arg6[%rem3A_222, %add3A_231] : memref<2x12800xi32, #tpu.memory_space<vmem>> -> memref<1x104xi32, #tpu.memory_space<vmem>>
    %dma_start3A_248 = tpu.memref_squeeze %dma_start3A_247 : memref<1x104xi32, #tpu.memory_space<vmem>> -> memref<104xi32, #tpu.memory_space<vmem>>
    %dma_start3A_249 = arith.constant 0 : i32
    %dma_start3A_250 = arith.constant 0 : i32
    %dma_start3A_251 = tpu.memref_slice %arg4[%dma_start3A_249, %dma_start3A_250] : memref<1000000x32xf32, #tpu.memory_space<hbm>> -> memref<1000000x32xf32, #tpu.memory_space<hbm>>
    tpu.enqueue_indirect_dma source(%dma_start3A_251 : memref<1000000x32xf32, #tpu.memory_space<hbm>>) target(%dma_start3A_246 : memref<104x32xf32, #tpu.memory_space<vmem>>) offsets(%dma_start3A_248 : memref<104xi32, #tpu.memory_space<vmem>>) semaphore(%arg17 : memref<!tpu.dma_semaphore, #tpu.memory_space<semaphore_mem>>)
    %scan3A_252 = arith.constant 0 : i32
    %scan3A_253 = arith.constant 0 : i32
    %scan3A_254 = arith.constant 64 : i32
    %scan3A_255 = arith.addi %scan3A_253, %scan3A_254 : i32
    %scan3A_256 = arith.constant 1 : i32
    scf.for %scan3A_284 = %scan3A_253 to %scan3A_255 step %scan3A_256  : i32 {
      %rem3A_285 = arith.constant 8 : i32
      %rem3A_286 = arith.remsi %scan3A_284, %rem3A_285 : i32
      %jit3A = arith.constant 8 : i32
      %div3A = arith.divsi %scan3A_284, %jit3A : i32
      %sign3A = arith.constant 0 : i32
      %sign3A_287 = arith.cmpi sgt, %scan3A_284, %sign3A : i32
      %sign3A_288 = arith.extui %sign3A_287 : i1 to i32
      %sign3A_289 = arith.constant 0 : i32
      %sign3A_290 = arith.cmpi slt, %scan3A_284, %sign3A_289 : i32
      %sign3A_291 = arith.extui %sign3A_290 : i1 to i32
      %sign3A_292 = arith.subi %sign3A_288, %sign3A_291 : i32
      %sign3A_293 = arith.constant 0 : i32
      %sign3A_294 = arith.cmpi sgt, %jit3A, %sign3A_293 : i32
      %sign3A_295 = arith.extui %sign3A_294 : i1 to i32
      %sign3A_296 = arith.constant 0 : i32
      %sign3A_297 = arith.cmpi slt, %jit3A, %sign3A_296 : i32
      %sign3A_298 = arith.extui %sign3A_297 : i1 to i32
      %sign3A_299 = arith.subi %sign3A_295, %sign3A_298 : i32
      %ne3A = arith.cmpi ne, %sign3A_292, %sign3A_299 : i32
      %rem3A_300 = arith.remsi %scan3A_284, %jit3A : i32
      %ne3A_301 = arith.constant 0 : i32
      %ne3A_302 = arith.cmpi ne, %rem3A_300, %ne3A_301 : i32
      %and3A = arith.andi %ne3A, %ne3A_302 : i1
      %sub3A = arith.constant 1 : i32
      %sub3A_303 = arith.subi %div3A, %sub3A : i32
      %select_n3A = arith.select %and3A, %sub3A_303, %div3A : i32
      %mul3A_304 = arith.constant 8 : i32
      %mul3A_305 = arith.muli %mul3A_304, %scan3A_284 : i32
      %add3A_306 = arith.constant 0 : i32
      %add3A_307 = arith.addi %mul3A_305, %add3A_306 : i32
      %eq3A = arith.constant 1 : i32
      %eq3A_308 = arith.cmpi eq, %rem3A_286, %eq3A : i32
      %add3A_309 = arith.constant 1 : i32
      %add3A_310 = arith.addi %select_n3A, %add3A_309 : i32
      %lt3A = arith.constant 8 : i32
      %lt3A_311 = arith.cmpi slt, %add3A_310, %lt3A : i32
      %and3A_312 = arith.andi %eq3A_308, %lt3A_311 : i1
      %convert_element_type3A = arith.extui %and3A_312 : i1 to i32
      %cond3A = arith.constant 0 : i32
      %cond3A_313 = arith.cmpi ne, %convert_element_type3A, %cond3A : i32
      scf.if %cond3A_313 {
        %add3A_1543 = arith.constant 1 : i32
        %add3A_1544 = arith.addi %select_n3A, %add3A_1543 : i32
        %mul3A_1545 = arith.constant 64 : i32
        %mul3A_1546 = arith.muli %add3A_1544, %mul3A_1545 : i32
        %add3A_1547 = arith.addi %mul3A_2, %mul3A_1546 : i32
        %mul3A_1548 = arith.constant 200 : i32
        %mul3A_1549 = arith.muli %add3A_1547, %mul3A_1548 : i32
        %rem3A_1550 = arith.constant 2 : i32
        %rem3A_1551 = arith.remsi %add3A_1544, %rem3A_1550 : i32
        %dma_start3A_1552 = arith.constant 0 : i32
        %dma_start3A_1553 = tpu.memref_slice %arg6[%rem3A_1551, %dma_start3A_1552] : memref<2x12800xi32, #tpu.memory_space<vmem>> -> memref<1x12800xi32, #tpu.memory_space<vmem>>
        %dma_start3A_1554 = tpu.memref_squeeze %dma_start3A_1553 : memref<1x12800xi32, #tpu.memory_space<vmem>> -> memref<12800xi32, #tpu.memory_space<vmem>>
        %dma_start3A_1555 = tpu.memref_slice %arg2[%mul3A_1549] : memref<3276800xi32, #tpu.memory_space<hbm>> -> memref<12800xi32, #tpu.memory_space<hbm>>
        %dma_start3A_1556 = arith.constant 0 : i32
        %dma_start3A_1557 = tpu.memref_slice %arg6[%rem3A_1551, %dma_start3A_1556] : memref<2x12800xi32, #tpu.memory_space<vmem>> -> memref<1x12800xi32, #tpu.memory_space<vmem>>
        %dma_start3A_1558 = tpu.memref_squeeze %dma_start3A_1557 : memref<1x12800xi32, #tpu.memory_space<vmem>> -> memref<12800xi32, #tpu.memory_space<vmem>>
        %dma_start3A_1559 = tpu.memref_slice %arg2[%mul3A_1549] : memref<3276800xi32, #tpu.memory_space<hbm>> -> memref<12800xi32, #tpu.memory_space<hbm>>
        tpu.enqueue_dma source(%dma_start3A_1559 : memref<12800xi32, #tpu.memory_space<hbm>>) target(%dma_start3A_1558 : memref<12800xi32, #tpu.memory_space<vmem>>) target_semaphore(%arg19 : memref<!tpu.dma_semaphore, #tpu.memory_space<semaphore_mem>>)
      } else {
      }
      %eq3A_314 = arith.constant 0 : i32
      %eq3A_315 = arith.cmpi eq, %rem3A_286, %eq3A_314 : i32
      %ge3A = arith.constant 2 : i32
      %ge3A_316 = arith.cmpi sge, %select_n3A, %ge3A : i32
      %and3A_317 = arith.andi %eq3A_315, %ge3A_316 : i1
      %convert_element_type3A_318 = arith.extui %and3A_317 : i1 to i32
      %cond3A_319 = arith.constant 0 : i32
      %cond3A_320 = arith.cmpi ne, %convert_element_type3A_318, %cond3A_319 : i32
      scf.if %cond3A_320 {
        %sub3A_1543 = arith.constant 2 : i32
        %sub3A_1544 = arith.subi %select_n3A, %sub3A_1543 : i32
        %rem3A_1545 = arith.constant 2 : i32
        %rem3A_1546 = arith.remsi %sub3A_1544, %rem3A_1545 : i32
        %eq3A_1547 = arith.constant 0 : i32
        %eq3A_1548 = arith.cmpi eq, %rem3A_1546, %eq3A_1547 : i32
        %convert_element_type3A_1549 = arith.extui %eq3A_1548 : i1 to i32
        %cond3A_1550 = arith.constant 0 : i32
        %cond3A_1551 = arith.cmpi ne, %convert_element_type3A_1549, %cond3A_1550 : i32
        scf.if %cond3A_1551 {
          %mul3A_1559 = arith.constant 64 : i32
          %mul3A_1560 = arith.muli %sub3A_1544, %mul3A_1559 : i32
          %add3A_1561 = arith.addi %mul3A_2, %mul3A_1560 : i32
          %mul3A_1562 = arith.constant 32 : i32
          %mul3A_1563 = arith.muli %add3A_1561, %mul3A_1562 : i32
          %dma_wait3A_1564 = arith.constant 0 : i32
          %dma_wait3A_1565 = arith.constant 0 : i32
          %dma_wait3A_1566 = tpu.memref_slice %arg10[%dma_wait3A_1564, %dma_wait3A_1565] : memref<2x2048xf32, #tpu.memory_space<vmem>> -> memref<1x2048xf32, #tpu.memory_space<vmem>>
          %dma_wait3A_1567 = tpu.memref_squeeze %dma_wait3A_1566 : memref<1x2048xf32, #tpu.memory_space<vmem>> -> memref<2048xf32, #tpu.memory_space<vmem>>
          %dma_wait3A_1568 = tpu.memref_slice %arg5[%mul3A_1563] : memref<524288xf32, #tpu.memory_space<hbm>> -> memref<2048xf32, #tpu.memory_space<hbm>>
          %dma_wait3A_1569 = tpu.memref_slice %arg5[%mul3A_1563] : memref<524288xf32, #tpu.memory_space<hbm>> -> memref<2048xf32, #tpu.memory_space<hbm>>
          %dma_wait3A_1570 = arith.constant 0 : i32
          %dma_wait3A_1571 = tpu.memref_slice %arg10[%dma_wait3A_1564, %dma_wait3A_1570] : memref<2x2048xf32, #tpu.memory_space<vmem>> -> memref<1x2048xf32, #tpu.memory_space<vmem>>
          %dma_wait3A_1572 = tpu.memref_squeeze %dma_wait3A_1571 : memref<1x2048xf32, #tpu.memory_space<vmem>> -> memref<2048xf32, #tpu.memory_space<vmem>>
          tpu.wait_dma2 semaphore(%arg20 : memref<!tpu.dma_semaphore, #tpu.memory_space<semaphore_mem>>) src(%dma_wait3A_1572 : memref<2048xf32, #tpu.memory_space<vmem>>) dst(%dma_wait3A_1569 : memref<2048xf32, #tpu.memory_space<hbm>>)
        } else {
        }
        %rem3A_1552 = arith.constant 2 : i32
        %rem3A_1553 = arith.remsi %sub3A_1544, %rem3A_1552 : i32
        %eq3A_1554 = arith.constant 1 : i32
        %eq3A_1555 = arith.cmpi eq, %rem3A_1553, %eq3A_1554 : i32
        %convert_element_type3A_1556 = arith.extui %eq3A_1555 : i1 to i32
        %cond3A_1557 = arith.constant 0 : i32
        %cond3A_1558 = arith.cmpi ne, %convert_element_type3A_1556, %cond3A_1557 : i32
        scf.if %cond3A_1558 {
          %mul3A_1559 = arith.constant 64 : i32
          %mul3A_1560 = arith.muli %sub3A_1544, %mul3A_1559 : i32
          %add3A_1561 = arith.addi %mul3A_2, %mul3A_1560 : i32
          %mul3A_1562 = arith.constant 32 : i32
          %mul3A_1563 = arith.muli %add3A_1561, %mul3A_1562 : i32
          %dma_wait3A_1564 = arith.constant 1 : i32
          %dma_wait3A_1565 = arith.constant 0 : i32
          %dma_wait3A_1566 = tpu.memref_slice %arg10[%dma_wait3A_1564, %dma_wait3A_1565] : memref<2x2048xf32, #tpu.memory_space<vmem>> -> memref<1x2048xf32, #tpu.memory_space<vmem>>
          %dma_wait3A_1567 = tpu.memref_squeeze %dma_wait3A_1566 : memref<1x2048xf32, #tpu.memory_space<vmem>> -> memref<2048xf32, #tpu.memory_space<vmem>>
          %dma_wait3A_1568 = tpu.memref_slice %arg5[%mul3A_1563] : memref<524288xf32, #tpu.memory_space<hbm>> -> memref<2048xf32, #tpu.memory_space<hbm>>
          %dma_wait3A_1569 = tpu.memref_slice %arg5[%mul3A_1563] : memref<524288xf32, #tpu.memory_space<hbm>> -> memref<2048xf32, #tpu.memory_space<hbm>>
          %dma_wait3A_1570 = arith.constant 0 : i32
          %dma_wait3A_1571 = tpu.memref_slice %arg10[%dma_wait3A_1564, %dma_wait3A_1570] : memref<2x2048xf32, #tpu.memory_space<vmem>> -> memref<1x2048xf32, #tpu.memory_space<vmem>>
          %dma_wait3A_1572 = tpu.memref_squeeze %dma_wait3A_1571 : memref<1x2048xf32, #tpu.memory_space<vmem>> -> memref<2048xf32, #tpu.memory_space<vmem>>
          tpu.wait_dma2 semaphore(%arg21 : memref<!tpu.dma_semaphore, #tpu.memory_space<semaphore_mem>>) src(%dma_wait3A_1572 : memref<2048xf32, #tpu.memory_space<vmem>>) dst(%dma_wait3A_1569 : memref<2048xf32, #tpu.memory_space<hbm>>)
        } else {
        }
      } else {
      }
      %eq3A_321 = arith.constant 7 : i32
      %eq3A_322 = arith.cmpi eq, %rem3A_286, %eq3A_321 : i32
      %add3A_323 = arith.constant 1 : i32
      %add3A_324 = arith.addi %select_n3A, %add3A_323 : i32
      %lt3A_325 = arith.constant 8 : i32
      %lt3A_326 = arith.cmpi slt, %add3A_324, %lt3A_325 : i32
      %and3A_327 = arith.andi %eq3A_322, %lt3A_326 : i1
      %convert_element_type3A_328 = arith.extui %and3A_327 : i1 to i32
      %cond3A_329 = arith.constant 0 : i32
      %cond3A_330 = arith.cmpi ne, %convert_element_type3A_328, %cond3A_329 : i32
      scf.if %cond3A_330 {
        %add3A_1543 = arith.constant 1 : i32
        %add3A_1544 = arith.addi %select_n3A, %add3A_1543 : i32
        %mul3A_1545 = arith.constant 64 : i32
        %mul3A_1546 = arith.muli %add3A_1544, %mul3A_1545 : i32
        %add3A_1547 = arith.addi %mul3A_2, %mul3A_1546 : i32
        %mul3A_1548 = arith.constant 200 : i32
        %mul3A_1549 = arith.muli %add3A_1547, %mul3A_1548 : i32
        %rem3A_1550 = arith.constant 2 : i32
        %rem3A_1551 = arith.remsi %add3A_1544, %rem3A_1550 : i32
        %dma_wait3A_1552 = arith.constant 0 : i32
        %dma_wait3A_1553 = tpu.memref_slice %arg6[%rem3A_1551, %dma_wait3A_1552] : memref<2x12800xi32, #tpu.memory_space<vmem>> -> memref<1x12800xi32, #tpu.memory_space<vmem>>
        %dma_wait3A_1554 = tpu.memref_squeeze %dma_wait3A_1553 : memref<1x12800xi32, #tpu.memory_space<vmem>> -> memref<12800xi32, #tpu.memory_space<vmem>>
        %dma_wait3A_1555 = tpu.memref_slice %arg2[%mul3A_1549] : memref<3276800xi32, #tpu.memory_space<hbm>> -> memref<12800xi32, #tpu.memory_space<hbm>>
        %dma_wait3A_1556 = arith.constant 0 : i32
        %dma_wait3A_1557 = tpu.memref_slice %arg6[%rem3A_1551, %dma_wait3A_1556] : memref<2x12800xi32, #tpu.memory_space<vmem>> -> memref<1x12800xi32, #tpu.memory_space<vmem>>
        %dma_wait3A_1558 = tpu.memref_squeeze %dma_wait3A_1557 : memref<1x12800xi32, #tpu.memory_space<vmem>> -> memref<12800xi32, #tpu.memory_space<vmem>>
        %dma_wait3A_1559 = tpu.memref_slice %arg2[%mul3A_1549] : memref<3276800xi32, #tpu.memory_space<hbm>> -> memref<12800xi32, #tpu.memory_space<hbm>>
        tpu.wait_dma2 semaphore(%arg19 : memref<!tpu.dma_semaphore, #tpu.memory_space<semaphore_mem>>) src(%dma_wait3A_1559 : memref<12800xi32, #tpu.memory_space<hbm>>) dst(%dma_wait3A_1558 : memref<12800xi32, #tpu.memory_space<vmem>>)
      } else {
      }
      %add3A_331 = arith.constant 8 : i32
      %add3A_332 = arith.addi %add3A_307, %add3A_331 : i32
      %sub3A_333 = arith.constant 1 : i32
      %sub3A_334 = arith.subi %add3A_332, %sub3A_333 : i32
      %lt3A_335 = arith.constant 512 : i32
      %lt3A_336 = arith.cmpi slt, %sub3A_334, %lt3A_335 : i32
      %convert_element_type3A_337 = arith.extui %lt3A_336 : i1 to i32
      %cond3A_338 = arith.constant 0 : i32
      %cond3A_339 = arith.cmpi ne, %convert_element_type3A_337, %cond3A_338 : i32
      scf.if %cond3A_339 {
        %jit3A_1543 = arith.constant 64 : i32
        %div3A_1544 = arith.divsi %sub3A_334, %jit3A_1543 : i32
        %sign3A_1545 = arith.constant 0 : i32
        %sign3A_1546 = arith.cmpi sgt, %sub3A_334, %sign3A_1545 : i32
        %sign3A_1547 = arith.extui %sign3A_1546 : i1 to i32
        %sign3A_1548 = arith.constant 0 : i32
        %sign3A_1549 = arith.cmpi slt, %sub3A_334, %sign3A_1548 : i32
        %sign3A_1550 = arith.extui %sign3A_1549 : i1 to i32
        %sign3A_1551 = arith.subi %sign3A_1547, %sign3A_1550 : i32
        %sign3A_1552 = arith.constant 0 : i32
        %sign3A_1553 = arith.cmpi sgt, %jit3A_1543, %sign3A_1552 : i32
        %sign3A_1554 = arith.extui %sign3A_1553 : i1 to i32
        %sign3A_1555 = arith.constant 0 : i32
        %sign3A_1556 = arith.cmpi slt, %jit3A_1543, %sign3A_1555 : i32
        %sign3A_1557 = arith.extui %sign3A_1556 : i1 to i32
        %sign3A_1558 = arith.subi %sign3A_1554, %sign3A_1557 : i32
        %ne3A_1559 = arith.cmpi ne, %sign3A_1551, %sign3A_1558 : i32
        %rem3A_1560 = arith.remsi %sub3A_334, %jit3A_1543 : i32
        %ne3A_1561 = arith.constant 0 : i32
        %ne3A_1562 = arith.cmpi ne, %rem3A_1560, %ne3A_1561 : i32
        %and3A_1563 = arith.andi %ne3A_1559, %ne3A_1562 : i1
        %sub3A_1564 = arith.constant 1 : i32
        %sub3A_1565 = arith.subi %div3A_1544, %sub3A_1564 : i32
        %select_n3A_1566 = arith.select %and3A_1563, %sub3A_1565, %div3A_1544 : i32
        %rem3A_1567 = arith.constant 2 : i32
        %rem3A_1568 = arith.remsi %select_n3A_1566, %rem3A_1567 : i32
        %rem3A_1569 = arith.constant 64 : i32
        %rem3A_1570 = arith.remsi %sub3A_334, %rem3A_1569 : i32
        %mul3A_1571 = arith.constant 200 : i32
        %mul3A_1572 = arith.muli %rem3A_1570, %mul3A_1571 : i32
        %mul3A_1573 = arith.constant 200 : i32
        %mul3A_1574 = arith.muli %rem3A_1570, %mul3A_1573 : i32
        %add3A_1575 = arith.constant 96 : i32
        %add3A_1576 = arith.addi %mul3A_1574, %add3A_1575 : i32
        %dma_start3A_1577 = arith.constant 7 : i32
        %dma_start3A_1578 = arith.constant 0 : i32
        %dma_start3A_1579 = arith.constant 0 : i32
        %dma_start3A_1580 = tpu.memref_slice %arg9[%dma_start3A_1577, %dma_start3A_1578, %dma_start3A_1579] : memref<8x200x32xf32, #tpu.memory_space<vmem>> -> memref<1x96x32xf32, #tpu.memory_space<vmem>>
        %dma_start3A_1581 = tpu.memref_squeeze %dma_start3A_1580 : memref<1x96x32xf32, #tpu.memory_space<vmem>> -> memref<96x32xf32, #tpu.memory_space<vmem>>
        %dma_start3A_1582 = tpu.memref_slice %arg6[%rem3A_1568, %mul3A_1572] : memref<2x12800xi32, #tpu.memory_space<vmem>> -> memref<1x96xi32, #tpu.memory_space<vmem>>
        %dma_start3A_1583 = tpu.memref_squeeze %dma_start3A_1582 : memref<1x96xi32, #tpu.memory_space<vmem>> -> memref<96xi32, #tpu.memory_space<vmem>>
        %dma_start3A_1584 = arith.constant 0 : i32
        %dma_start3A_1585 = arith.constant 0 : i32
        %dma_start3A_1586 = tpu.memref_slice %arg4[%dma_start3A_1584, %dma_start3A_1585] : memref<1000000x32xf32, #tpu.memory_space<hbm>> -> memref<1000000x32xf32, #tpu.memory_space<hbm>>
        tpu.enqueue_indirect_dma source(%dma_start3A_1586 : memref<1000000x32xf32, #tpu.memory_space<hbm>>) target(%dma_start3A_1581 : memref<96x32xf32, #tpu.memory_space<vmem>>) offsets(%dma_start3A_1583 : memref<96xi32, #tpu.memory_space<vmem>>) semaphore(%arg18 : memref<!tpu.dma_semaphore, #tpu.memory_space<semaphore_mem>>)
        %dma_start3A_1587 = arith.constant 7 : i32
        %dma_start3A_1588 = arith.constant 96 : i32
        %dma_start3A_1589 = arith.constant 0 : i32
        %dma_start3A_1590 = tpu.memref_slice %arg9[%dma_start3A_1587, %dma_start3A_1588, %dma_start3A_1589] : memref<8x200x32xf32, #tpu.memory_space<vmem>> -> memref<1x104x32xf32, #tpu.memory_space<vmem>>
        %dma_start3A_1591 = tpu.memref_squeeze %dma_start3A_1590 : memref<1x104x32xf32, #tpu.memory_space<vmem>> -> memref<104x32xf32, #tpu.memory_space<vmem>>
        %dma_start3A_1592 = tpu.memref_slice %arg6[%rem3A_1568, %add3A_1576] : memref<2x12800xi32, #tpu.memory_space<vmem>> -> memref<1x104xi32, #tpu.memory_space<vmem>>
        %dma_start3A_1593 = tpu.memref_squeeze %dma_start3A_1592 : memref<1x104xi32, #tpu.memory_space<vmem>> -> memref<104xi32, #tpu.memory_space<vmem>>
        %dma_start3A_1594 = arith.constant 0 : i32
        %dma_start3A_1595 = arith.constant 0 : i32
        %dma_start3A_1596 = tpu.memref_slice %arg4[%dma_start3A_1594, %dma_start3A_1595] : memref<1000000x32xf32, #tpu.memory_space<hbm>> -> memref<1000000x32xf32, #tpu.memory_space<hbm>>
        tpu.enqueue_indirect_dma source(%dma_start3A_1596 : memref<1000000x32xf32, #tpu.memory_space<hbm>>) target(%dma_start3A_1591 : memref<104x32xf32, #tpu.memory_space<vmem>>) offsets(%dma_start3A_1593 : memref<104xi32, #tpu.memory_space<vmem>>) semaphore(%arg18 : memref<!tpu.dma_semaphore, #tpu.memory_space<semaphore_mem>>)
      } else {
      }
      %jit3A_340 = arith.constant 64 : i32
      %div3A_341 = arith.divsi %add3A_307, %jit3A_340 : i32
      %sign3A_342 = arith.constant 0 : i32
      %sign3A_343 = arith.cmpi sgt, %add3A_307, %sign3A_342 : i32
      %sign3A_344 = arith.extui %sign3A_343 : i1 to i32
      %sign3A_345 = arith.constant 0 : i32
      %sign3A_346 = arith.cmpi slt, %add3A_307, %sign3A_345 : i32
      %sign3A_347 = arith.extui %sign3A_346 : i1 to i32
      %sign3A_348 = arith.subi %sign3A_344, %sign3A_347 : i32
      %sign3A_349 = arith.constant 0 : i32
      %sign3A_350 = arith.cmpi sgt, %jit3A_340, %sign3A_349 : i32
      %sign3A_351 = arith.extui %sign3A_350 : i1 to i32
      %sign3A_352 = arith.constant 0 : i32
      %sign3A_353 = arith.cmpi slt, %jit3A_340, %sign3A_352 : i32
      %sign3A_354 = arith.extui %sign3A_353 : i1 to i32
      %sign3A_355 = arith.subi %sign3A_351, %sign3A_354 : i32
      %ne3A_356 = arith.cmpi ne, %sign3A_348, %sign3A_355 : i32
      %rem3A_357 = arith.remsi %add3A_307, %jit3A_340 : i32
      %ne3A_358 = arith.constant 0 : i32
      %ne3A_359 = arith.cmpi ne, %rem3A_357, %ne3A_358 : i32
      %and3A_360 = arith.andi %ne3A_356, %ne3A_359 : i1
      %sub3A_361 = arith.constant 1 : i32
      %sub3A_362 = arith.subi %div3A_341, %sub3A_361 : i32
      %select_n3A_363 = arith.select %and3A_360, %sub3A_362, %div3A_341 : i32
      %rem3A_364 = arith.constant 2 : i32
      %rem3A_365 = arith.remsi %select_n3A_363, %rem3A_364 : i32
      %rem3A_366 = arith.constant 64 : i32
      %rem3A_367 = arith.remsi %add3A_307, %rem3A_366 : i32
      %mul3A_368 = arith.constant 200 : i32
      %mul3A_369 = arith.muli %rem3A_367, %mul3A_368 : i32
      %mul3A_370 = arith.constant 200 : i32
      %mul3A_371 = arith.muli %rem3A_367, %mul3A_370 : i32
      %add3A_372 = arith.constant 96 : i32
      %add3A_373 = arith.addi %mul3A_371, %add3A_372 : i32
      %dma_wait3A_374 = arith.constant 0 : i32
      %dma_wait3A_375 = arith.constant 0 : i32
      %dma_wait3A_376 = arith.constant 0 : i32
      %dma_wait3A_377 = tpu.memref_slice %arg9[%dma_wait3A_374, %dma_wait3A_375, %dma_wait3A_376] : memref<8x200x32xf32, #tpu.memory_space<vmem>> -> memref<1x96x32xf32, #tpu.memory_space<vmem>>
      %dma_wait3A_378 = tpu.memref_squeeze %dma_wait3A_377 : memref<1x96x32xf32, #tpu.memory_space<vmem>> -> memref<96x32xf32, #tpu.memory_space<vmem>>
      %dma_wait3A_379 = tpu.memref_slice %arg6[%rem3A_365, %mul3A_369] : memref<2x12800xi32, #tpu.memory_space<vmem>> -> memref<1x96xi32, #tpu.memory_space<vmem>>
      %dma_wait3A_380 = tpu.memref_squeeze %dma_wait3A_379 : memref<1x96xi32, #tpu.memory_space<vmem>> -> memref<96xi32, #tpu.memory_space<vmem>>
      %dma_wait3A_381 = arith.constant 0 : i32
      %dma_wait3A_382 = arith.constant 0 : i32
      %dma_wait3A_383 = tpu.memref_slice %arg4[%dma_wait3A_381, %dma_wait3A_382] : memref<1000000x32xf32, #tpu.memory_space<hbm>> -> memref<1000000x32xf32, #tpu.memory_space<hbm>>
      tpu.wait_indirect_dma semaphore(%arg11 : memref<!tpu.dma_semaphore, #tpu.memory_space<semaphore_mem>>) src(%dma_wait3A_383 : memref<1000000x32xf32, #tpu.memory_space<hbm>>) dst(%dma_wait3A_378 : memref<96x32xf32, #tpu.memory_space<vmem>>)
      %dma_wait3A_384 = arith.constant 0 : i32
      %dma_wait3A_385 = arith.constant 96 : i32
      %dma_wait3A_386 = arith.constant 0 : i32
      %dma_wait3A_387 = tpu.memref_slice %arg9[%dma_wait3A_384, %dma_wait3A_385, %dma_wait3A_386] : memref<8x200x32xf32, #tpu.memory_space<vmem>> -> memref<1x104x32xf32, #tpu.memory_space<vmem>>
      %dma_wait3A_388 = tpu.memref_squeeze %dma_wait3A_387 : memref<1x104x32xf32, #tpu.memory_space<vmem>> -> memref<104x32xf32, #tpu.memory_space<vmem>>
      %dma_wait3A_389 = tpu.memref_slice %arg6[%rem3A_365, %add3A_373] : memref<2x12800xi32, #tpu.memory_space<vmem>> -> memref<1x104xi32, #tpu.memory_space<vmem>>
      %dma_wait3A_390 = tpu.memref_squeeze %dma_wait3A_389 : memref<1x104xi32, #tpu.memory_space<vmem>> -> memref<104xi32, #tpu.memory_space<vmem>>
      %dma_wait3A_391 = arith.constant 0 : i32
      %dma_wait3A_392 = arith.constant 0 : i32
      %dma_wait3A_393 = tpu.memref_slice %arg4[%dma_wait3A_391, %dma_wait3A_392] : memref<1000000x32xf32, #tpu.memory_space<hbm>> -> memref<1000000x32xf32, #tpu.memory_space<hbm>>
      tpu.wait_indirect_dma semaphore(%arg11 : memref<!tpu.dma_semaphore, #tpu.memory_space<semaphore_mem>>) src(%dma_wait3A_393 : memref<1000000x32xf32, #tpu.memory_space<hbm>>) dst(%dma_wait3A_388 : memref<104x32xf32, #tpu.memory_space<vmem>>)
      %broadcast_in_dim3A = arith.constant 0.000000e+00 : f32
      %broadcast_in_dim3A_394 = vector.broadcast %broadcast_in_dim3A : f32 to vector<16xf32>
      %scan3A_395 = arith.constant 0 : i32
      %scan3A_396 = arith.constant 25 : i32
      %scan3A_397 = arith.addi %scan3A_395, %scan3A_396 : i32
      %scan3A_398 = arith.constant 1 : i32
      %scan3A_399:16 = scf.for %scan3A_1543 = %scan3A_395 to %scan3A_397 step %scan3A_398 iter_args(%scan3A_1544 = %broadcast_in_dim3A_394, %scan3A_1545 = %broadcast_in_dim3A_394, %scan3A_1546 = %broadcast_in_dim3A_394, %scan3A_1547 = %broadcast_in_dim3A_394, %scan3A_1548 = %broadcast_in_dim3A_394, %scan3A_1549 = %broadcast_in_dim3A_394, %scan3A_1550 = %broadcast_in_dim3A_394, %scan3A_1551 = %broadcast_in_dim3A_394, %scan3A_1552 = %broadcast_in_dim3A_394, %scan3A_1553 = %broadcast_in_dim3A_394, %scan3A_1554 = %broadcast_in_dim3A_394, %scan3A_1555 = %broadcast_in_dim3A_394, %scan3A_1556 = %broadcast_in_dim3A_394, %scan3A_1557 = %broadcast_in_dim3A_394, %scan3A_1558 = %broadcast_in_dim3A_394, %scan3A_1559 = %broadcast_in_dim3A_394) -> (vector<16xf32>, vector<16xf32>, vector<16xf32>, vector<16xf32>, vector<16xf32>, vector<16xf32>, vector<16xf32>, vector<16xf32>, vector<16xf32>, vector<16xf32>, vector<16xf32>, vector<16xf32>, vector<16xf32>, vector<16xf32>, vector<16xf32>, vector<16xf32>)  : i32 {
        %mul3A_1560 = arith.constant 8 : i32
        %mul3A_1561 = arith.muli %scan3A_1543, %mul3A_1560 : i32
        %add3A_1562 = arith.constant 0 : i32
        %add3A_1563 = arith.addi %mul3A_1561, %add3A_1562 : i32
        %get3A_1564 = arith.constant 0 : i32
        %get3A_1565 = arith.index_cast %get3A_1564 : i32 to index
        %get3A_1566 = arith.index_cast %add3A_1563 : i32 to index
        %get3A_1567 = arith.constant 0 : index
        %get3A_1568 = tpu.vector_load %arg9[%get3A_1565, %get3A_1566, %get3A_1567] {strides = array<i32>} : memref<8x200x32xf32, #tpu.memory_space<vmem>>, vector<1x1x16xf32>,
        %get3A_1569 = vector.shape_cast %get3A_1568 : vector<1x1x16xf32> to vector<16xf32>
        %add3A_1570 = arith.addf %scan3A_1544, %get3A_1569 : vector<16xf32>
        %add3A_1571 = arith.constant 0 : i32
        %add3A_1572 = arith.addi %mul3A_1561, %add3A_1571 : i32
        %get3A_1573 = arith.constant 0 : i32
        %get3A_1574 = arith.index_cast %get3A_1573 : i32 to index
        %get3A_1575 = arith.index_cast %add3A_1572 : i32 to index
        %get3A_1576 = arith.constant 16 : index
        %get3A_1577 = tpu.vector_load %arg9[%get3A_1574, %get3A_1575, %get3A_1576] {strides = array<i32>} : memref<8x200x32xf32, #tpu.memory_space<vmem>>, vector<1x1x16xf32>,
        %get3A_1578 = vector.shape_cast %get3A_1577 : vector<1x1x16xf32> to vector<16xf32>
        %add3A_1579 = arith.addf %scan3A_1545, %get3A_1578 : vector<16xf32>
        %add3A_1580 = arith.constant 1 : i32
        %add3A_1581 = arith.addi %mul3A_1561, %add3A_1580 : i32
        %get3A_1582 = arith.constant 0 : i32
        %get3A_1583 = arith.index_cast %get3A_1582 : i32 to index
        %get3A_1584 = arith.index_cast %add3A_1581 : i32 to index
        %get3A_1585 = arith.constant 0 : index
        %get3A_1586 = tpu.vector_load %arg9[%get3A_1583, %get3A_1584, %get3A_1585] {strides = array<i32>} : memref<8x200x32xf32, #tpu.memory_space<vmem>>, vector<1x1x16xf32>,
        %get3A_1587 = vector.shape_cast %get3A_1586 : vector<1x1x16xf32> to vector<16xf32>
        %add3A_1588 = arith.addf %scan3A_1546, %get3A_1587 : vector<16xf32>
        %add3A_1589 = arith.constant 1 : i32
        %add3A_1590 = arith.addi %mul3A_1561, %add3A_1589 : i32
        %get3A_1591 = arith.constant 0 : i32
        %get3A_1592 = arith.index_cast %get3A_1591 : i32 to index
        %get3A_1593 = arith.index_cast %add3A_1590 : i32 to index
        %get3A_1594 = arith.constant 16 : index
        %get3A_1595 = tpu.vector_load %arg9[%get3A_1592, %get3A_1593, %get3A_1594] {strides = array<i32>} : memref<8x200x32xf32, #tpu.memory_space<vmem>>, vector<1x1x16xf32>,
        %get3A_1596 = vector.shape_cast %get3A_1595 : vector<1x1x16xf32> to vector<16xf32>
        %add3A_1597 = arith.addf %scan3A_1547, %get3A_1596 : vector<16xf32>
        %add3A_1598 = arith.constant 2 : i32
        %add3A_1599 = arith.addi %mul3A_1561, %add3A_1598 : i32
        %get3A_1600 = arith.constant 0 : i32
        %get3A_1601 = arith.index_cast %get3A_1600 : i32 to index
        %get3A_1602 = arith.index_cast %add3A_1599 : i32 to index
        %get3A_1603 = arith.constant 0 : index
        %get3A_1604 = tpu.vector_load %arg9[%get3A_1601, %get3A_1602, %get3A_1603] {strides = array<i32>} : memref<8x200x32xf32, #tpu.memory_space<vmem>>, vector<1x1x16xf32>,
        %get3A_1605 = vector.shape_cast %get3A_1604 : vector<1x1x16xf32> to vector<16xf32>
        %add3A_1606 = arith.addf %scan3A_1548, %get3A_1605 : vector<16xf32>
        %add3A_1607 = arith.constant 2 : i32
        %add3A_1608 = arith.addi %mul3A_1561, %add3A_1607 : i32
        %get3A_1609 = arith.constant 0 : i32
        %get3A_1610 = arith.index_cast %get3A_1609 : i32 to index
        %get3A_1611 = arith.index_cast %add3A_1608 : i32 to index
        %get3A_1612 = arith.constant 16 : index
        %get3A_1613 = tpu.vector_load %arg9[%get3A_1610, %get3A_1611, %get3A_1612] {strides = array<i32>} : memref<8x200x32xf32, #tpu.memory_space<vmem>>, vector<1x1x16xf32>,
        %get3A_1614 = vector.shape_cast %get3A_1613 : vector<1x1x16xf32> to vector<16xf32>
        %add3A_1615 = arith.addf %scan3A_1549, %get3A_1614 : vector<16xf32>
        %add3A_1616 = arith.constant 3 : i32
        %add3A_1617 = arith.addi %mul3A_1561, %add3A_1616 : i32
        %get3A_1618 = arith.constant 0 : i32
        %get3A_1619 = arith.index_cast %get3A_1618 : i32 to index
        %get3A_1620 = arith.index_cast %add3A_1617 : i32 to index
        %get3A_1621 = arith.constant 0 : index
        %get3A_1622 = tpu.vector_load %arg9[%get3A_1619, %get3A_1620, %get3A_1621] {strides = array<i32>} : memref<8x200x32xf32, #tpu.memory_space<vmem>>, vector<1x1x16xf32>,
        %get3A_1623 = vector.shape_cast %get3A_1622 : vector<1x1x16xf32> to vector<16xf32>
        %add3A_1624 = arith.addf %scan3A_1550, %get3A_1623 : vector<16xf32>
        %add3A_1625 = arith.constant 3 : i32
        %add3A_1626 = arith.addi %mul3A_1561, %add3A_1625 : i32
        %get3A_1627 = arith.constant 0 : i32
        %get3A_1628 = arith.index_cast %get3A_1627 : i32 to index
        %get3A_1629 = arith.index_cast %add3A_1626 : i32 to index
        %get3A_1630 = arith.constant 16 : index
        %get3A_1631 = tpu.vector_load %arg9[%get3A_1628, %get3A_1629, %get3A_1630] {strides = array<i32>} : memref<8x200x32xf32, #tpu.memory_space<vmem>>, vector<1x1x16xf32>,
        %get3A_1632 = vector.shape_cast %get3A_1631 : vector<1x1x16xf32> to vector<16xf32>
        %add3A_1633 = arith.addf %scan3A_1551, %get3A_1632 : vector<16xf32>
        %add3A_1634 = arith.constant 4 : i32
        %add3A_1635 = arith.addi %mul3A_1561, %add3A_1634 : i32
        %get3A_1636 = arith.constant 0 : i32
        %get3A_1637 = arith.index_cast %get3A_1636 : i32 to index
        %get3A_1638 = arith.index_cast %add3A_1635 : i32 to index
        %get3A_1639 = arith.constant 0 : index
        %get3A_1640 = tpu.vector_load %arg9[%get3A_1637, %get3A_1638, %get3A_1639] {strides = array<i32>} : memref<8x200x32xf32, #tpu.memory_space<vmem>>, vector<1x1x16xf32>,
        %get3A_1641 = vector.shape_cast %get3A_1640 : vector<1x1x16xf32> to vector<16xf32>
        %add3A_1642 = arith.addf %scan3A_1552, %get3A_1641 : vector<16xf32>
        %add3A_1643 = arith.constant 4 : i32
        %add3A_1644 = arith.addi %mul3A_1561, %add3A_1643 : i32
        %get3A_1645 = arith.constant 0 : i32
        %get3A_1646 = arith.index_cast %get3A_1645 : i32 to index
        %get3A_1647 = arith.index_cast %add3A_1644 : i32 to index
        %get3A_1648 = arith.constant 16 : index
        %get3A_1649 = tpu.vector_load %arg9[%get3A_1646, %get3A_1647, %get3A_1648] {strides = array<i32>} : memref<8x200x32xf32, #tpu.memory_space<vmem>>, vector<1x1x16xf32>,
        %get3A_1650 = vector.shape_cast %get3A_1649 : vector<1x1x16xf32> to vector<16xf32>
        %add3A_1651 = arith.addf %scan3A_1553, %get3A_1650 : vector<16xf32>
        %add3A_1652 = arith.constant 5 : i32
        %add3A_1653 = arith.addi %mul3A_1561, %add3A_1652 : i32
        %get3A_1654 = arith.constant 0 : i32
        %get3A_1655 = arith.index_cast %get3A_1654 : i32 to index
        %get3A_1656 = arith.index_cast %add3A_1653 : i32 to index
        %get3A_1657 = arith.constant 0 : index
        %get3A_1658 = tpu.vector_load %arg9[%get3A_1655, %get3A_1656, %get3A_1657] {strides = array<i32>} : memref<8x200x32xf32, #tpu.memory_space<vmem>>, vector<1x1x16xf32>,
        %get3A_1659 = vector.shape_cast %get3A_1658 : vector<1x1x16xf32> to vector<16xf32>
        %add3A_1660 = arith.addf %scan3A_1554, %get3A_1659 : vector<16xf32>
        %add3A_1661 = arith.constant 5 : i32
        %add3A_1662 = arith.addi %mul3A_1561, %add3A_1661 : i32
        %get3A_1663 = arith.constant 0 : i32
        %get3A_1664 = arith.index_cast %get3A_1663 : i32 to index
        %get3A_1665 = arith.index_cast %add3A_1662 : i32 to index
        %get3A_1666 = arith.constant 16 : index
        %get3A_1667 = tpu.vector_load %arg9[%get3A_1664, %get3A_1665, %get3A_1666] {strides = array<i32>} : memref<8x200x32xf32, #tpu.memory_space<vmem>>, vector<1x1x16xf32>,
        %get3A_1668 = vector.shape_cast %get3A_1667 : vector<1x1x16xf32> to vector<16xf32>
        %add3A_1669 = arith.addf %scan3A_1555, %get3A_1668 : vector<16xf32>
        %add3A_1670 = arith.constant 6 : i32
        %add3A_1671 = arith.addi %mul3A_1561, %add3A_1670 : i32
        %get3A_1672 = arith.constant 0 : i32
        %get3A_1673 = arith.index_cast %get3A_1672 : i32 to index
        %get3A_1674 = arith.index_cast %add3A_1671 : i32 to index
        %get3A_1675 = arith.constant 0 : index
        %get3A_1676 = tpu.vector_load %arg9[%get3A_1673, %get3A_1674, %get3A_1675] {strides = array<i32>} : memref<8x200x32xf32, #tpu.memory_space<vmem>>, vector<1x1x16xf32>,
        %get3A_1677 = vector.shape_cast %get3A_1676 : vector<1x1x16xf32> to vector<16xf32>
        %add3A_1678 = arith.addf %scan3A_1556, %get3A_1677 : vector<16xf32>
        %add3A_1679 = arith.constant 6 : i32
        %add3A_1680 = arith.addi %mul3A_1561, %add3A_1679 : i32
        %get3A_1681 = arith.constant 0 : i32
        %get3A_1682 = arith.index_cast %get3A_1681 : i32 to index
        %get3A_1683 = arith.index_cast %add3A_1680 : i32 to index
        %get3A_1684 = arith.constant 16 : index
        %get3A_1685 = tpu.vector_load %arg9[%get3A_1682, %get3A_1683, %get3A_1684] {strides = array<i32>} : memref<8x200x32xf32, #tpu.memory_space<vmem>>, vector<1x1x16xf32>,
        %get3A_1686 = vector.shape_cast %get3A_1685 : vector<1x1x16xf32> to vector<16xf32>
        %add3A_1687 = arith.addf %scan3A_1557, %get3A_1686 : vector<16xf32>
        %add3A_1688 = arith.constant 7 : i32
        %add3A_1689 = arith.addi %mul3A_1561, %add3A_1688 : i32
        %get3A_1690 = arith.constant 0 : i32
        %get3A_1691 = arith.index_cast %get3A_1690 : i32 to index
        %get3A_1692 = arith.index_cast %add3A_1689 : i32 to index
        %get3A_1693 = arith.constant 0 : index
        %get3A_1694 = tpu.vector_load %arg9[%get3A_1691, %get3A_1692, %get3A_1693] {strides = array<i32>} : memref<8x200x32xf32, #tpu.memory_space<vmem>>, vector<1x1x16xf32>,
        %get3A_1695 = vector.shape_cast %get3A_1694 : vector<1x1x16xf32> to vector<16xf32>
        %add3A_1696 = arith.addf %scan3A_1558, %get3A_1695 : vector<16xf32>
        %add3A_1697 = arith.constant 7 : i32
        %add3A_1698 = arith.addi %mul3A_1561, %add3A_1697 : i32
        %get3A_1699 = arith.constant 0 : i32
        %get3A_1700 = arith.index_cast %get3A_1699 : i32 to index
        %get3A_1701 = arith.index_cast %add3A_1698 : i32 to index
        %get3A_1702 = arith.constant 16 : index
        %get3A_1703 = tpu.vector_load %arg9[%get3A_1700, %get3A_1701, %get3A_1702] {strides = array<i32>} : memref<8x200x32xf32, #tpu.memory_space<vmem>>, vector<1x1x16xf32>,
        %get3A_1704 = vector.shape_cast %get3A_1703 : vector<1x1x16xf32> to vector<16xf32>
        %add3A_1705 = arith.addf %scan3A_1559, %get3A_1704 : vector<16xf32>
        scf.yield %add3A_1570, %add3A_1579, %add3A_1588, %add3A_1597, %add3A_1606, %add3A_1615, %add3A_1624, %add3A_1633, %add3A_1642, %add3A_1651, %add3A_1660, %add3A_1669, %add3A_1678, %add3A_1687, %add3A_1696, %add3A_1705 : vector<16xf32>, vector<16xf32>, vector<16xf32>, vector<16xf32>, vector<16xf32>, vector<16xf32>, vector<16xf32>, vector<16xf32>, vector<16xf32>, vector<16xf32>, vector<16xf32>, vector<16xf32>, vector<16xf32>, vector<16xf32>, vector<16xf32>, vector<16xf32>
      }
      %scan3A_400 = arith.constant 25 : i32
      %add3A_401 = arith.addf %scan3A_399#0, %scan3A_399#2 : vector<16xf32>
      %add3A_402 = arith.addf %scan3A_399#1, %scan3A_399#3 : vector<16xf32>
      %add3A_403 = arith.addf %add3A_401, %scan3A_399#4 : vector<16xf32>
      %add3A_404 = arith.addf %add3A_402, %scan3A_399#5 : vector<16xf32>
      %add3A_405 = arith.addf %add3A_403, %scan3A_399#6 : vector<16xf32>
      %add3A_406 = arith.addf %add3A_404, %scan3A_399#7 : vector<16xf32>
      %add3A_407 = arith.addf %add3A_405, %scan3A_399#8 : vector<16xf32>
      %add3A_408 = arith.addf %add3A_406, %scan3A_399#9 : vector<16xf32>
      %add3A_409 = arith.addf %add3A_407, %scan3A_399#10 : vector<16xf32>
      %add3A_410 = arith.addf %add3A_408, %scan3A_399#11 : vector<16xf32>
      %add3A_411 = arith.addf %add3A_409, %scan3A_399#12 : vector<16xf32>
      %add3A_412 = arith.addf %add3A_410, %scan3A_399#13 : vector<16xf32>
      %add3A_413 = arith.addf %add3A_411, %scan3A_399#14 : vector<16xf32>
      %add3A_414 = arith.addf %add3A_412, %scan3A_399#15 : vector<16xf32>
      %rem3A_415 = arith.constant 16 : i32
      %rem3A_416 = arith.remsi %add3A_307, %rem3A_415 : i32
      %sub3A_417 = arith.subi %add3A_307, %rem3A_416 : i32
      %get3A = arith.index_cast %sub3A_417 : i32 to index
      %get3A_418 = tpu.vector_load %arg8[%get3A] {strides = array<i32>} : memref<512xf32, #tpu.memory_space<vmem>>, vector<16xf32>,
      %get3A_419 = vector.shape_cast %get3A_418 : vector<16xf32> to vector<16xf32>
      %broadcast_in_dim3A_420 = vector.broadcast %rem3A_416 : i32 to vector<16xi32>
      %lt3A_421 = arith.constant 0 : i32
      %lt3A_422 = vector.broadcast %lt3A_421 : i32 to vector<16xi32>
      %lt3A_423 = arith.cmpi slt, %broadcast_in_dim3A_420, %lt3A_422 : vector<16xi32>
      %add3A_424 = arith.constant 16 : i32
      %add3A_425 = vector.broadcast %add3A_424 : i32 to vector<16xi32>
      %add3A_426 = arith.addi %broadcast_in_dim3A_420, %add3A_425 : vector<16xi32>
      %select_n3A_427 = arith.select %lt3A_423, %add3A_426, %broadcast_in_dim3A_420 : vector<16xi1>, vector<16xi32>
      %reshape3A = vector.shape_cast %select_n3A_427 : vector<16xi32> to vector<16x1xi32>
      %gather3A = vector.shape_cast %reshape3A : vector<16x1xi32> to vector<16xi32>
      %gather3A_428 = tpu.dynamic_gather %get3A_419[%gather3A] in [0] : vector<16xf32>, vector<16xi32> -> vector<16xf32>
      %jit3A_429 = arith.constant 64 : i32
      %div3A_430 = arith.divsi %add3A_307, %jit3A_429 : i32
      %sign3A_431 = arith.constant 0 : i32
      %sign3A_432 = arith.cmpi sgt, %add3A_307, %sign3A_431 : i32
      %sign3A_433 = arith.extui %sign3A_432 : i1 to i32
      %sign3A_434 = arith.constant 0 : i32
      %sign3A_435 = arith.cmpi slt, %add3A_307, %sign3A_434 : i32
      %sign3A_436 = arith.extui %sign3A_435 : i1 to i32
      %sign3A_437 = arith.subi %sign3A_433, %sign3A_436 : i32
      %sign3A_438 = arith.constant 0 : i32
      %sign3A_439 = arith.cmpi sgt, %jit3A_429, %sign3A_438 : i32
      %sign3A_440 = arith.extui %sign3A_439 : i1 to i32
      %sign3A_441 = arith.constant 0 : i32
      %sign3A_442 = arith.cmpi slt, %jit3A_429, %sign3A_441 : i32
      %sign3A_443 = arith.extui %sign3A_442 : i1 to i32
      %sign3A_444 = arith.subi %sign3A_440, %sign3A_443 : i32
      %ne3A_445 = arith.cmpi ne, %sign3A_437, %sign3A_444 : i32
      %rem3A_446 = arith.remsi %add3A_307, %jit3A_429 : i32
      %ne3A_447 = arith.constant 0 : i32
      %ne3A_448 = arith.cmpi ne, %rem3A_446, %ne3A_447 : i32
      %and3A_449 = arith.andi %ne3A_445, %ne3A_448 : i1
      %sub3A_450 = arith.constant 1 : i32
      %sub3A_451 = arith.subi %div3A_430, %sub3A_450 : i32
      %select_n3A_452 = arith.select %and3A_449, %sub3A_451, %div3A_430 : i32
      %rem3A_453 = arith.constant 2 : i32
      %rem3A_454 = arith.remsi %select_n3A_452, %rem3A_453 : i32
      %rem3A_455 = arith.constant 64 : i32
      %rem3A_456 = arith.remsi %add3A_307, %rem3A_455 : i32
      %mul3A_457 = arith.mulf %add3A_413, %gather3A_428 : vector<16xf32>
      %mul3A_458 = arith.constant 32 : i32
      %mul3A_459 = arith.muli %rem3A_456, %mul3A_458 : i32
      %swap3A = arith.index_cast %rem3A_454 : i32 to index
      %swap3A_460 = arith.index_cast %mul3A_459 : i32 to index
      %swap3A_461 = tpu.vector_load %arg10[%swap3A, %swap3A_460] {strides = array<i32>} : memref<2x2048xf32, #tpu.memory_space<vmem>>, vector<1x16xf32>,
      %swap3A_462 = vector.shape_cast %swap3A_461 : vector<1x16xf32> to vector<16xf32>
      %swap3A_463 = vector.shape_cast %mul3A_457 : vector<16xf32> to vector<1x16xf32>
      tpu.vector_store %arg10[%swap3A, %swap3A_460], %swap3A_463 {strides = array<i32>} : memref<2x2048xf32, #tpu.memory_space<vmem>>, vector<1x16xf32>,
      %mul3A_464 = arith.mulf %add3A_414, %gather3A_428 : vector<16xf32>
      %mul3A_465 = arith.constant 32 : i32
      %mul3A_466 = arith.muli %rem3A_456, %mul3A_465 : i32
      %add3A_467 = arith.constant 16 : i32
      %add3A_468 = arith.addi %mul3A_466, %add3A_467 : i32
      %swap3A_469 = arith.index_cast %rem3A_454 : i32 to index
      %swap3A_470 = arith.index_cast %add3A_468 : i32 to index
      %swap3A_471 = tpu.vector_load %arg10[%swap3A_469, %swap3A_470] {strides = array<i32>} : memref<2x2048xf32, #tpu.memory_space<vmem>>, vector<1x16xf32>,
      %swap3A_472 = vector.shape_cast %swap3A_471 : vector<1x16xf32> to vector<16xf32>
      %swap3A_473 = vector.shape_cast %mul3A_464 : vector<16xf32> to vector<1x16xf32>
      tpu.vector_store %arg10[%swap3A_469, %swap3A_470], %swap3A_473 {strides = array<i32>} : memref<2x2048xf32, #tpu.memory_space<vmem>>, vector<1x16xf32>,
      %mul3A_474 = arith.constant 8 : i32
      %mul3A_475 = arith.muli %mul3A_474, %scan3A_284 : i32
      %add3A_476 = arith.constant 1 : i32
      %add3A_477 = arith.addi %mul3A_475, %add3A_476 : i32
      %add3A_478 = arith.constant 8 : i32
      %add3A_479 = arith.addi %add3A_477, %add3A_478 : i32
      %sub3A_480 = arith.constant 1 : i32
      %sub3A_481 = arith.subi %add3A_479, %sub3A_480 : i32
      %lt3A_482 = arith.constant 512 : i32
      %lt3A_483 = arith.cmpi slt, %sub3A_481, %lt3A_482 : i32
      %convert_element_type3A_484 = arith.extui %lt3A_483 : i1 to i32
      %cond3A_485 = arith.constant 0 : i32
      %cond3A_486 = arith.cmpi ne, %convert_element_type3A_484, %cond3A_485 : i32
      scf.if %cond3A_486 {
        %jit3A_1543 = arith.constant 64 : i32
        %div3A_1544 = arith.divsi %sub3A_481, %jit3A_1543 : i32
        %sign3A_1545 = arith.constant 0 : i32
        %sign3A_1546 = arith.cmpi sgt, %sub3A_481, %sign3A_1545 : i32
        %sign3A_1547 = arith.extui %sign3A_1546 : i1 to i32
        %sign3A_1548 = arith.constant 0 : i32
        %sign3A_1549 = arith.cmpi slt, %sub3A_481, %sign3A_1548 : i32
        %sign3A_1550 = arith.extui %sign3A_1549 : i1 to i32
        %sign3A_1551 = arith.subi %sign3A_1547, %sign3A_1550 : i32
        %sign3A_1552 = arith.constant 0 : i32
        %sign3A_1553 = arith.cmpi sgt, %jit3A_1543, %sign3A_1552 : i32
        %sign3A_1554 = arith.extui %sign3A_1553 : i1 to i32
        %sign3A_1555 = arith.constant 0 : i32
        %sign3A_1556 = arith.cmpi slt, %jit3A_1543, %sign3A_1555 : i32
        %sign3A_1557 = arith.extui %sign3A_1556 : i1 to i32
        %sign3A_1558 = arith.subi %sign3A_1554, %sign3A_1557 : i32
        %ne3A_1559 = arith.cmpi ne, %sign3A_1551, %sign3A_1558 : i32
        %rem3A_1560 = arith.remsi %sub3A_481, %jit3A_1543 : i32
        %ne3A_1561 = arith.constant 0 : i32
        %ne3A_1562 = arith.cmpi ne, %rem3A_1560, %ne3A_1561 : i32
        %and3A_1563 = arith.andi %ne3A_1559, %ne3A_1562 : i1
        %sub3A_1564 = arith.constant 1 : i32
        %sub3A_1565 = arith.subi %div3A_1544, %sub3A_1564 : i32
        %select_n3A_1566 = arith.select %and3A_1563, %sub3A_1565, %div3A_1544 : i32
        %rem3A_1567 = arith.constant 2 : i32
        %rem3A_1568 = arith.remsi %select_n3A_1566, %rem3A_1567 : i32
        %rem3A_1569 = arith.constant 64 : i32
        %rem3A_1570 = arith.remsi %sub3A_481, %rem3A_1569 : i32
        %mul3A_1571 = arith.constant 200 : i32
        %mul3A_1572 = arith.muli %rem3A_1570, %mul3A_1571 : i32
        %mul3A_1573 = arith.constant 200 : i32
        %mul3A_1574 = arith.muli %rem3A_1570, %mul3A_1573 : i32
        %add3A_1575 = arith.constant 96 : i32
        %add3A_1576 = arith.addi %mul3A_1574, %add3A_1575 : i32
        %dma_start3A_1577 = arith.constant 0 : i32
        %dma_start3A_1578 = arith.constant 0 : i32
        %dma_start3A_1579 = arith.constant 0 : i32
        %dma_start3A_1580 = tpu.memref_slice %arg9[%dma_start3A_1577, %dma_start3A_1578, %dma_start3A_1579] : memref<8x200x32xf32, #tpu.memory_space<vmem>> -> memref<1x96x32xf32, #tpu.memory_space<vmem>>
        %dma_start3A_1581 = tpu.memref_squeeze %dma_start3A_1580 : memref<1x96x32xf32, #tpu.memory_space<vmem>> -> memref<96x32xf32, #tpu.memory_space<vmem>>
        %dma_start3A_1582 = tpu.memref_slice %arg6[%rem3A_1568, %mul3A_1572] : memref<2x12800xi32, #tpu.memory_space<vmem>> -> memref<1x96xi32, #tpu.memory_space<vmem>>
        %dma_start3A_1583 = tpu.memref_squeeze %dma_start3A_1582 : memref<1x96xi32, #tpu.memory_space<vmem>> -> memref<96xi32, #tpu.memory_space<vmem>>
        %dma_start3A_1584 = arith.constant 0 : i32
        %dma_start3A_1585 = arith.constant 0 : i32
        %dma_start3A_1586 = tpu.memref_slice %arg4[%dma_start3A_1584, %dma_start3A_1585] : memref<1000000x32xf32, #tpu.memory_space<hbm>> -> memref<1000000x32xf32, #tpu.memory_space<hbm>>
        tpu.enqueue_indirect_dma source(%dma_start3A_1586 : memref<1000000x32xf32, #tpu.memory_space<hbm>>) target(%dma_start3A_1581 : memref<96x32xf32, #tpu.memory_space<vmem>>) offsets(%dma_start3A_1583 : memref<96xi32, #tpu.memory_space<vmem>>) semaphore(%arg11 : memref<!tpu.dma_semaphore, #tpu.memory_space<semaphore_mem>>)
        %dma_start3A_1587 = arith.constant 0 : i32
        %dma_start3A_1588 = arith.constant 96 : i32
        %dma_start3A_1589 = arith.constant 0 : i32
        %dma_start3A_1590 = tpu.memref_slice %arg9[%dma_start3A_1587, %dma_start3A_1588, %dma_start3A_1589] : memref<8x200x32xf32, #tpu.memory_space<vmem>> -> memref<1x104x32xf32, #tpu.memory_space<vmem>>
        %dma_start3A_1591 = tpu.memref_squeeze %dma_start3A_1590 : memref<1x104x32xf32, #tpu.memory_space<vmem>> -> memref<104x32xf32, #tpu.memory_space<vmem>>
        %dma_start3A_1592 = tpu.memref_slice %arg6[%rem3A_1568, %add3A_1576] : memref<2x12800xi32, #tpu.memory_space<vmem>> -> memref<1x104xi32, #tpu.memory_space<vmem>>
        %dma_start3A_1593 = tpu.memref_squeeze %dma_start3A_1592 : memref<1x104xi32, #tpu.memory_space<vmem>> -> memref<104xi32, #tpu.memory_space<vmem>>
        %dma_start3A_1594 = arith.constant 0 : i32
        %dma_start3A_1595 = arith.constant 0 : i32
        %dma_start3A_1596 = tpu.memref_slice %arg4[%dma_start3A_1594, %dma_start3A_1595] : memref<1000000x32xf32, #tpu.memory_space<hbm>> -> memref<1000000x32xf32, #tpu.memory_space<hbm>>
        tpu.enqueue_indirect_dma source(%dma_start3A_1596 : memref<1000000x32xf32, #tpu.memory_space<hbm>>) target(%dma_start3A_1591 : memref<104x32xf32, #tpu.memory_space<vmem>>) offsets(%dma_start3A_1593 : memref<104xi32, #tpu.memory_space<vmem>>) semaphore(%arg11 : memref<!tpu.dma_semaphore, #tpu.memory_space<semaphore_mem>>)
      } else {
      }
      %jit3A_487 = arith.constant 64 : i32
      %div3A_488 = arith.divsi %add3A_477, %jit3A_487 : i32
      %sign3A_489 = arith.constant 0 : i32
      %sign3A_490 = arith.cmpi sgt, %add3A_477, %sign3A_489 : i32
      %sign3A_491 = arith.extui %sign3A_490 : i1 to i32
      %sign3A_492 = arith.constant 0 : i32
      %sign3A_493 = arith.cmpi slt, %add3A_477, %sign3A_492 : i32
      %sign3A_494 = arith.extui %sign3A_493 : i1 to i32
      %sign3A_495 = arith.subi %sign3A_491, %sign3A_494 : i32
      %sign3A_496 = arith.constant 0 : i32
      %sign3A_497 = arith.cmpi sgt, %jit3A_487, %sign3A_496 : i32
      %sign3A_498 = arith.extui %sign3A_497 : i1 to i32
      %sign3A_499 = arith.constant 0 : i32
      %sign3A_500 = arith.cmpi slt, %jit3A_487, %sign3A_499 : i32
      %sign3A_501 = arith.extui %sign3A_500 : i1 to i32
      %sign3A_502 = arith.subi %sign3A_498, %sign3A_501 : i32
      %ne3A_503 = arith.cmpi ne, %sign3A_495, %sign3A_502 : i32
      %rem3A_504 = arith.remsi %add3A_477, %jit3A_487 : i32
      %ne3A_505 = arith.constant 0 : i32
      %ne3A_506 = arith.cmpi ne, %rem3A_504, %ne3A_505 : i32
      %and3A_507 = arith.andi %ne3A_503, %ne3A_506 : i1
      %sub3A_508 = arith.constant 1 : i32
      %sub3A_509 = arith.subi %div3A_488, %sub3A_508 : i32
      %select_n3A_510 = arith.select %and3A_507, %sub3A_509, %div3A_488 : i32
      %rem3A_511 = arith.constant 2 : i32
      %rem3A_512 = arith.remsi %select_n3A_510, %rem3A_511 : i32
      %rem3A_513 = arith.constant 64 : i32
      %rem3A_514 = arith.remsi %add3A_477, %rem3A_513 : i32
      %mul3A_515 = arith.constant 200 : i32
      %mul3A_516 = arith.muli %rem3A_514, %mul3A_515 : i32
      %mul3A_517 = arith.constant 200 : i32
      %mul3A_518 = arith.muli %rem3A_514, %mul3A_517 : i32
      %add3A_519 = arith.constant 96 : i32
      %add3A_520 = arith.addi %mul3A_518, %add3A_519 : i32
      %dma_wait3A_521 = arith.constant 1 : i32
      %dma_wait3A_522 = arith.constant 0 : i32
      %dma_wait3A_523 = arith.constant 0 : i32
      %dma_wait3A_524 = tpu.memref_slice %arg9[%dma_wait3A_521, %dma_wait3A_522, %dma_wait3A_523] : memref<8x200x32xf32, #tpu.memory_space<vmem>> -> memref<1x96x32xf32, #tpu.memory_space<vmem>>
      %dma_wait3A_525 = tpu.memref_squeeze %dma_wait3A_524 : memref<1x96x32xf32, #tpu.memory_space<vmem>> -> memref<96x32xf32, #tpu.memory_space<vmem>>
      %dma_wait3A_526 = tpu.memref_slice %arg6[%rem3A_512, %mul3A_516] : memref<2x12800xi32, #tpu.memory_space<vmem>> -> memref<1x96xi32, #tpu.memory_space<vmem>>
      %dma_wait3A_527 = tpu.memref_squeeze %dma_wait3A_526 : memref<1x96xi32, #tpu.memory_space<vmem>> -> memref<96xi32, #tpu.memory_space<vmem>>
      %dma_wait3A_528 = arith.constant 0 : i32
      %dma_wait3A_529 = arith.constant 0 : i32
      %dma_wait3A_530 = tpu.memref_slice %arg4[%dma_wait3A_528, %dma_wait3A_529] : memref<1000000x32xf32, #tpu.memory_space<hbm>> -> memref<1000000x32xf32, #tpu.memory_space<hbm>>
      tpu.wait_indirect_dma semaphore(%arg12 : memref<!tpu.dma_semaphore, #tpu.memory_space<semaphore_mem>>) src(%dma_wait3A_530 : memref<1000000x32xf32, #tpu.memory_space<hbm>>) dst(%dma_wait3A_525 : memref<96x32xf32, #tpu.memory_space<vmem>>)
      %dma_wait3A_531 = arith.constant 1 : i32
      %dma_wait3A_532 = arith.constant 96 : i32
      %dma_wait3A_533 = arith.constant 0 : i32
      %dma_wait3A_534 = tpu.memref_slice %arg9[%dma_wait3A_531, %dma_wait3A_532, %dma_wait3A_533] : memref<8x200x32xf32, #tpu.memory_space<vmem>> -> memref<1x104x32xf32, #tpu.memory_space<vmem>>
      %dma_wait3A_535 = tpu.memref_squeeze %dma_wait3A_534 : memref<1x104x32xf32, #tpu.memory_space<vmem>> -> memref<104x32xf32, #tpu.memory_space<vmem>>
      %dma_wait3A_536 = tpu.memref_slice %arg6[%rem3A_512, %add3A_520] : memref<2x12800xi32, #tpu.memory_space<vmem>> -> memref<1x104xi32, #tpu.memory_space<vmem>>
      %dma_wait3A_537 = tpu.memref_squeeze %dma_wait3A_536 : memref<1x104xi32, #tpu.memory_space<vmem>> -> memref<104xi32, #tpu.memory_space<vmem>>
      %dma_wait3A_538 = arith.constant 0 : i32
      %dma_wait3A_539 = arith.constant 0 : i32
      %dma_wait3A_540 = tpu.memref_slice %arg4[%dma_wait3A_538, %dma_wait3A_539] : memref<1000000x32xf32, #tpu.memory_space<hbm>> -> memref<1000000x32xf32, #tpu.memory_space<hbm>>
      tpu.wait_indirect_dma semaphore(%arg12 : memref<!tpu.dma_semaphore, #tpu.memory_space<semaphore_mem>>) src(%dma_wait3A_540 : memref<1000000x32xf32, #tpu.memory_space<hbm>>) dst(%dma_wait3A_535 : memref<104x32xf32, #tpu.memory_space<vmem>>)
      %broadcast_in_dim3A_541 = arith.constant 0.000000e+00 : f32
      %broadcast_in_dim3A_542 = vector.broadcast %broadcast_in_dim3A_541 : f32 to vector<16xf32>
      %scan3A_543 = arith.constant 0 : i32
      %scan3A_544 = arith.constant 25 : i32
      %scan3A_545 = arith.addi %scan3A_543, %scan3A_544 : i32
      %scan3A_546 = arith.constant 1 : i32
      %scan3A_547:16 = scf.for %scan3A_1543 = %scan3A_543 to %scan3A_545 step %scan3A_546 iter_args(%scan3A_1544 = %broadcast_in_dim3A_542, %scan3A_1545 = %broadcast_in_dim3A_542, %scan3A_1546 = %broadcast_in_dim3A_542, %scan3A_1547 = %broadcast_in_dim3A_542, %scan3A_1548 = %broadcast_in_dim3A_542, %scan3A_1549 = %broadcast_in_dim3A_542, %scan3A_1550 = %broadcast_in_dim3A_542, %scan3A_1551 = %broadcast_in_dim3A_542, %scan3A_1552 = %broadcast_in_dim3A_542, %scan3A_1553 = %broadcast_in_dim3A_542, %scan3A_1554 = %broadcast_in_dim3A_542, %scan3A_1555 = %broadcast_in_dim3A_542, %scan3A_1556 = %broadcast_in_dim3A_542, %scan3A_1557 = %broadcast_in_dim3A_542, %scan3A_1558 = %broadcast_in_dim3A_542, %scan3A_1559 = %broadcast_in_dim3A_542) -> (vector<16xf32>, vector<16xf32>, vector<16xf32>, vector<16xf32>, vector<16xf32>, vector<16xf32>, vector<16xf32>, vector<16xf32>, vector<16xf32>, vector<16xf32>, vector<16xf32>, vector<16xf32>, vector<16xf32>, vector<16xf32>, vector<16xf32>, vector<16xf32>)  : i32 {
        %mul3A_1560 = arith.constant 8 : i32
        %mul3A_1561 = arith.muli %scan3A_1543, %mul3A_1560 : i32
        %add3A_1562 = arith.constant 0 : i32
        %add3A_1563 = arith.addi %mul3A_1561, %add3A_1562 : i32
        %get3A_1564 = arith.constant 1 : i32
        %get3A_1565 = arith.index_cast %get3A_1564 : i32 to index
        %get3A_1566 = arith.index_cast %add3A_1563 : i32 to index
        %get3A_1567 = arith.constant 0 : index
        %get3A_1568 = tpu.vector_load %arg9[%get3A_1565, %get3A_1566, %get3A_1567] {strides = array<i32>} : memref<8x200x32xf32, #tpu.memory_space<vmem>>, vector<1x1x16xf32>,
        %get3A_1569 = vector.shape_cast %get3A_1568 : vector<1x1x16xf32> to vector<16xf32>
        %add3A_1570 = arith.addf %scan3A_1544, %get3A_1569 : vector<16xf32>
        %add3A_1571 = arith.constant 0 : i32
        %add3A_1572 = arith.addi %mul3A_1561, %add3A_1571 : i32
        %get3A_1573 = arith.constant 1 : i32
        %get3A_1574 = arith.index_cast %get3A_1573 : i32 to index
        %get3A_1575 = arith.index_cast %add3A_1572 : i32 to index
        %get3A_1576 = arith.constant 16 : index
        %get3A_1577 = tpu.vector_load %arg9[%get3A_1574, %get3A_1575, %get3A_1576] {strides = array<i32>} : memref<8x200x32xf32, #tpu.memory_space<vmem>>, vector<1x1x16xf32>,
        %get3A_1578 = vector.shape_cast %get3A_1577 : vector<1x1x16xf32> to vector<16xf32>
        %add3A_1579 = arith.addf %scan3A_1545, %get3A_1578 : vector<16xf32>
        %add3A_1580 = arith.constant 1 : i32
        %add3A_1581 = arith.addi %mul3A_1561, %add3A_1580 : i32
        %get3A_1582 = arith.constant 1 : i32
        %get3A_1583 = arith.index_cast %get3A_1582 : i32 to index
        %get3A_1584 = arith.index_cast %add3A_1581 : i32 to index
        %get3A_1585 = arith.constant 0 : index
        %get3A_1586 = tpu.vector_load %arg9[%get3A_1583, %get3A_1584, %get3A_1585] {strides = array<i32>} : memref<8x200x32xf32, #tpu.memory_space<vmem>>, vector<1x1x16xf32>,
        %get3A_1587 = vector.shape_cast %get3A_1586 : vector<1x1x16xf32> to vector<16xf32>
        %add3A_1588 = arith.addf %scan3A_1546, %get3A_1587 : vector<16xf32>
        %add3A_1589 = arith.constant 1 : i32
        %add3A_1590 = arith.addi %mul3A_1561, %add3A_1589 : i32
        %get3A_1591 = arith.constant 1 : i32
        %get3A_1592 = arith.index_cast %get3A_1591 : i32 to index
        %get3A_1593 = arith.index_cast %add3A_1590 : i32 to index
        %get3A_1594 = arith.constant 16 : index
        %get3A_1595 = tpu.vector_load %arg9[%get3A_1592, %get3A_1593, %get3A_1594] {strides = array<i32>} : memref<8x200x32xf32, #tpu.memory_space<vmem>>, vector<1x1x16xf32>,
        %get3A_1596 = vector.shape_cast %get3A_1595 : vector<1x1x16xf32> to vector<16xf32>
        %add3A_1597 = arith.addf %scan3A_1547, %get3A_1596 : vector<16xf32>
        %add3A_1598 = arith.constant 2 : i32
        %add3A_1599 = arith.addi %mul3A_1561, %add3A_1598 : i32
        %get3A_1600 = arith.constant 1 : i32
        %get3A_1601 = arith.index_cast %get3A_1600 : i32 to index
        %get3A_1602 = arith.index_cast %add3A_1599 : i32 to index
        %get3A_1603 = arith.constant 0 : index
        %get3A_1604 = tpu.vector_load %arg9[%get3A_1601, %get3A_1602, %get3A_1603] {strides = array<i32>} : memref<8x200x32xf32, #tpu.memory_space<vmem>>, vector<1x1x16xf32>,
        %get3A_1605 = vector.shape_cast %get3A_1604 : vector<1x1x16xf32> to vector<16xf32>
        %add3A_1606 = arith.addf %scan3A_1548, %get3A_1605 : vector<16xf32>
        %add3A_1607 = arith.constant 2 : i32
        %add3A_1608 = arith.addi %mul3A_1561, %add3A_1607 : i32
        %get3A_1609 = arith.constant 1 : i32
        %get3A_1610 = arith.index_cast %get3A_1609 : i32 to index
        %get3A_1611 = arith.index_cast %add3A_1608 : i32 to index
        %get3A_1612 = arith.constant 16 : index
        %get3A_1613 = tpu.vector_load %arg9[%get3A_1610, %get3A_1611, %get3A_1612] {strides = array<i32>} : memref<8x200x32xf32, #tpu.memory_space<vmem>>, vector<1x1x16xf32>,
        %get3A_1614 = vector.shape_cast %get3A_1613 : vector<1x1x16xf32> to vector<16xf32>
        %add3A_1615 = arith.addf %scan3A_1549, %get3A_1614 : vector<16xf32>
        %add3A_1616 = arith.constant 3 : i32
        %add3A_1617 = arith.addi %mul3A_1561, %add3A_1616 : i32
        %get3A_1618 = arith.constant 1 : i32
        %get3A_1619 = arith.index_cast %get3A_1618 : i32 to index
        %get3A_1620 = arith.index_cast %add3A_1617 : i32 to index
        %get3A_1621 = arith.constant 0 : index
        %get3A_1622 = tpu.vector_load %arg9[%get3A_1619, %get3A_1620, %get3A_1621] {strides = array<i32>} : memref<8x200x32xf32, #tpu.memory_space<vmem>>, vector<1x1x16xf32>,
        %get3A_1623 = vector.shape_cast %get3A_1622 : vector<1x1x16xf32> to vector<16xf32>
        %add3A_1624 = arith.addf %scan3A_1550, %get3A_1623 : vector<16xf32>
        %add3A_1625 = arith.constant 3 : i32
        %add3A_1626 = arith.addi %mul3A_1561, %add3A_1625 : i32
        %get3A_1627 = arith.constant 1 : i32
        %get3A_1628 = arith.index_cast %get3A_1627 : i32 to index
        %get3A_1629 = arith.index_cast %add3A_1626 : i32 to index
        %get3A_1630 = arith.constant 16 : index
        %get3A_1631 = tpu.vector_load %arg9[%get3A_1628, %get3A_1629, %get3A_1630] {strides = array<i32>} : memref<8x200x32xf32, #tpu.memory_space<vmem>>, vector<1x1x16xf32>,
        %get3A_1632 = vector.shape_cast %get3A_1631 : vector<1x1x16xf32> to vector<16xf32>
        %add3A_1633 = arith.addf %scan3A_1551, %get3A_1632 : vector<16xf32>
        %add3A_1634 = arith.constant 4 : i32
        %add3A_1635 = arith.addi %mul3A_1561, %add3A_1634 : i32
        %get3A_1636 = arith.constant 1 : i32
        %get3A_1637 = arith.index_cast %get3A_1636 : i32 to index
        %get3A_1638 = arith.index_cast %add3A_1635 : i32 to index
        %get3A_1639 = arith.constant 0 : index
        %get3A_1640 = tpu.vector_load %arg9[%get3A_1637, %get3A_1638, %get3A_1639] {strides = array<i32>} : memref<8x200x32xf32, #tpu.memory_space<vmem>>, vector<1x1x16xf32>,
        %get3A_1641 = vector.shape_cast %get3A_1640 : vector<1x1x16xf32> to vector<16xf32>
        %add3A_1642 = arith.addf %scan3A_1552, %get3A_1641 : vector<16xf32>
        %add3A_1643 = arith.constant 4 : i32
        %add3A_1644 = arith.addi %mul3A_1561, %add3A_1643 : i32
        %get3A_1645 = arith.constant 1 : i32
        %get3A_1646 = arith.index_cast %get3A_1645 : i32 to index
        %get3A_1647 = arith.index_cast %add3A_1644 : i32 to index
        %get3A_1648 = arith.constant 16 : index
        %get3A_1649 = tpu.vector_load %arg9[%get3A_1646, %get3A_1647, %get3A_1648] {strides = array<i32>} : memref<8x200x32xf32, #tpu.memory_space<vmem>>, vector<1x1x16xf32>,
        %get3A_1650 = vector.shape_cast %get3A_1649 : vector<1x1x16xf32> to vector<16xf32>
        %add3A_1651 = arith.addf %scan3A_1553, %get3A_1650 : vector<16xf32>
        %add3A_1652 = arith.constant 5 : i32
        %add3A_1653 = arith.addi %mul3A_1561, %add3A_1652 : i32
        %get3A_1654 = arith.constant 1 : i32
        %get3A_1655 = arith.index_cast %get3A_1654 : i32 to index
        %get3A_1656 = arith.index_cast %add3A_1653 : i32 to index
        %get3A_1657 = arith.constant 0 : index
        %get3A_1658 = tpu.vector_load %arg9[%get3A_1655, %get3A_1656, %get3A_1657] {strides = array<i32>} : memref<8x200x32xf32, #tpu.memory_space<vmem>>, vector<1x1x16xf32>,
        %get3A_1659 = vector.shape_cast %get3A_1658 : vector<1x1x16xf32> to vector<16xf32>
        %add3A_1660 = arith.addf %scan3A_1554, %get3A_1659 : vector<16xf32>
        %add3A_1661 = arith.constant 5 : i32
        %add3A_1662 = arith.addi %mul3A_1561, %add3A_1661 : i32
        %get3A_1663 = arith.constant 1 : i32
        %get3A_1664 = arith.index_cast %get3A_1663 : i32 to index
        %get3A_1665 = arith.index_cast %add3A_1662 : i32 to index
        %get3A_1666 = arith.constant 16 : index
        %get3A_1667 = tpu.vector_load %arg9[%get3A_1664, %get3A_1665, %get3A_1666] {strides = array<i32>} : memref<8x200x32xf32, #tpu.memory_space<vmem>>, vector<1x1x16xf32>,
        %get3A_1668 = vector.shape_cast %get3A_1667 : vector<1x1x16xf32> to vector<16xf32>
        %add3A_1669 = arith.addf %scan3A_1555, %get3A_1668 : vector<16xf32>
        %add3A_1670 = arith.constant 6 : i32
        %add3A_1671 = arith.addi %mul3A_1561, %add3A_1670 : i32
        %get3A_1672 = arith.constant 1 : i32
        %get3A_1673 = arith.index_cast %get3A_1672 : i32 to index
        %get3A_1674 = arith.index_cast %add3A_1671 : i32 to index
        %get3A_1675 = arith.constant 0 : index
        %get3A_1676 = tpu.vector_load %arg9[%get3A_1673, %get3A_1674, %get3A_1675] {strides = array<i32>} : memref<8x200x32xf32, #tpu.memory_space<vmem>>, vector<1x1x16xf32>,
        %get3A_1677 = vector.shape_cast %get3A_1676 : vector<1x1x16xf32> to vector<16xf32>
        %add3A_1678 = arith.addf %scan3A_1556, %get3A_1677 : vector<16xf32>
        %add3A_1679 = arith.constant 6 : i32
        %add3A_1680 = arith.addi %mul3A_1561, %add3A_1679 : i32
        %get3A_1681 = arith.constant 1 : i32
        %get3A_1682 = arith.index_cast %get3A_1681 : i32 to index
        %get3A_1683 = arith.index_cast %add3A_1680 : i32 to index
        %get3A_1684 = arith.constant 16 : index
        %get3A_1685 = tpu.vector_load %arg9[%get3A_1682, %get3A_1683, %get3A_1684] {strides = array<i32>} : memref<8x200x32xf32, #tpu.memory_space<vmem>>, vector<1x1x16xf32>,
        %get3A_1686 = vector.shape_cast %get3A_1685 : vector<1x1x16xf32> to vector<16xf32>
        %add3A_1687 = arith.addf %scan3A_1557, %get3A_1686 : vector<16xf32>
        %add3A_1688 = arith.constant 7 : i32
        %add3A_1689 = arith.addi %mul3A_1561, %add3A_1688 : i32
        %get3A_1690 = arith.constant 1 : i32
        %get3A_1691 = arith.index_cast %get3A_1690 : i32 to index
        %get3A_1692 = arith.index_cast %add3A_1689 : i32 to index
        %get3A_1693 = arith.constant 0 : index
        %get3A_1694 = tpu.vector_load %arg9[%get3A_1691, %get3A_1692, %get3A_1693] {strides = array<i32>} : memref<8x200x32xf32, #tpu.memory_space<vmem>>, vector<1x1x16xf32>,
        %get3A_1695 = vector.shape_cast %get3A_1694 : vector<1x1x16xf32> to vector<16xf32>
        %add3A_1696 = arith.addf %scan3A_1558, %get3A_1695 : vector<16xf32>
        %add3A_1697 = arith.constant 7 : i32
        %add3A_1698 = arith.addi %mul3A_1561, %add3A_1697 : i32
        %get3A_1699 = arith.constant 1 : i32
        %get3A_1700 = arith.index_cast %get3A_1699 : i32 to index
        %get3A_1701 = arith.index_cast %add3A_1698 : i32 to index
        %get3A_1702 = arith.constant 16 : index
        %get3A_1703 = tpu.vector_load %arg9[%get3A_1700, %get3A_1701, %get3A_1702] {strides = array<i32>} : memref<8x200x32xf32, #tpu.memory_space<vmem>>, vector<1x1x16xf32>,
        %get3A_1704 = vector.shape_cast %get3A_1703 : vector<1x1x16xf32> to vector<16xf32>
        %add3A_1705 = arith.addf %scan3A_1559, %get3A_1704 : vector<16xf32>
        scf.yield %add3A_1570, %add3A_1579, %add3A_1588, %add3A_1597, %add3A_1606, %add3A_1615, %add3A_1624, %add3A_1633, %add3A_1642, %add3A_1651, %add3A_1660, %add3A_1669, %add3A_1678, %add3A_1687, %add3A_1696, %add3A_1705 : vector<16xf32>, vector<16xf32>, vector<16xf32>, vector<16xf32>, vector<16xf32>, vector<16xf32>, vector<16xf32>, vector<16xf32>, vector<16xf32>, vector<16xf32>, vector<16xf32>, vector<16xf32>, vector<16xf32>, vector<16xf32>, vector<16xf32>, vector<16xf32>
      }
      %scan3A_548 = arith.constant 25 : i32
      %add3A_549 = arith.addf %scan3A_547#0, %scan3A_547#2 : vector<16xf32>
      %add3A_550 = arith.addf %scan3A_547#1, %scan3A_547#3 : vector<16xf32>
      %add3A_551 = arith.addf %add3A_549, %scan3A_547#4 : vector<16xf32>
      %add3A_552 = arith.addf %add3A_550, %scan3A_547#5 : vector<16xf32>
      %add3A_553 = arith.addf %add3A_551, %scan3A_547#6 : vector<16xf32>
      %add3A_554 = arith.addf %add3A_552, %scan3A_547#7 : vector<16xf32>
      %add3A_555 = arith.addf %add3A_553, %scan3A_547#8 : vector<16xf32>
      %add3A_556 = arith.addf %add3A_554, %scan3A_547#9 : vector<16xf32>
      %add3A_557 = arith.addf %add3A_555, %scan3A_547#10 : vector<16xf32>
      %add3A_558 = arith.addf %add3A_556, %scan3A_547#11 : vector<16xf32>
      %add3A_559 = arith.addf %add3A_557, %scan3A_547#12 : vector<16xf32>
      %add3A_560 = arith.addf %add3A_558, %scan3A_547#13 : vector<16xf32>
      %add3A_561 = arith.addf %add3A_559, %scan3A_547#14 : vector<16xf32>
      %add3A_562 = arith.addf %add3A_560, %scan3A_547#15 : vector<16xf32>
      %rem3A_563 = arith.constant 16 : i32
      %rem3A_564 = arith.remsi %add3A_477, %rem3A_563 : i32
      %sub3A_565 = arith.subi %add3A_477, %rem3A_564 : i32
      %get3A_566 = arith.index_cast %sub3A_565 : i32 to index
      %get3A_567 = tpu.vector_load %arg8[%get3A_566] {strides = array<i32>} : memref<512xf32, #tpu.memory_space<vmem>>, vector<16xf32>,
      %get3A_568 = vector.shape_cast %get3A_567 : vector<16xf32> to vector<16xf32>
      %broadcast_in_dim3A_569 = vector.broadcast %rem3A_564 : i32 to vector<16xi32>
      %lt3A_570 = arith.constant 0 : i32
      %lt3A_571 = vector.broadcast %lt3A_570 : i32 to vector<16xi32>
      %lt3A_572 = arith.cmpi slt, %broadcast_in_dim3A_569, %lt3A_571 : vector<16xi32>
      %add3A_573 = arith.constant 16 : i32
      %add3A_574 = vector.broadcast %add3A_573 : i32 to vector<16xi32>
      %add3A_575 = arith.addi %broadcast_in_dim3A_569, %add3A_574 : vector<16xi32>
      %select_n3A_576 = arith.select %lt3A_572, %add3A_575, %broadcast_in_dim3A_569 : vector<16xi1>, vector<16xi32>
      %reshape3A_577 = vector.shape_cast %select_n3A_576 : vector<16xi32> to vector<16x1xi32>
      %gather3A_578 = vector.shape_cast %reshape3A_577 : vector<16x1xi32> to vector<16xi32>
      %gather3A_579 = tpu.dynamic_gather %get3A_568[%gather3A_578] in [0] : vector<16xf32>, vector<16xi32> -> vector<16xf32>
      %jit3A_580 = arith.constant 64 : i32
      %div3A_581 = arith.divsi %add3A_477, %jit3A_580 : i32
      %sign3A_582 = arith.constant 0 : i32
      %sign3A_583 = arith.cmpi sgt, %add3A_477, %sign3A_582 : i32
      %sign3A_584 = arith.extui %sign3A_583 : i1 to i32
      %sign3A_585 = arith.constant 0 : i32
      %sign3A_586 = arith.cmpi slt, %add3A_477, %sign3A_585 : i32
      %sign3A_587 = arith.extui %sign3A_586 : i1 to i32
      %sign3A_588 = arith.subi %sign3A_584, %sign3A_587 : i32
      %sign3A_589 = arith.constant 0 : i32
      %sign3A_590 = arith.cmpi sgt, %jit3A_580, %sign3A_589 : i32
      %sign3A_591 = arith.extui %sign3A_590 : i1 to i32
      %sign3A_592 = arith.constant 0 : i32
      %sign3A_593 = arith.cmpi slt, %jit3A_580, %sign3A_592 : i32
      %sign3A_594 = arith.extui %sign3A_593 : i1 to i32
      %sign3A_595 = arith.subi %sign3A_591, %sign3A_594 : i32
      %ne3A_596 = arith.cmpi ne, %sign3A_588, %sign3A_595 : i32
      %rem3A_597 = arith.remsi %add3A_477, %jit3A_580 : i32
      %ne3A_598 = arith.constant 0 : i32
      %ne3A_599 = arith.cmpi ne, %rem3A_597, %ne3A_598 : i32
      %and3A_600 = arith.andi %ne3A_596, %ne3A_599 : i1
      %sub3A_601 = arith.constant 1 : i32
      %sub3A_602 = arith.subi %div3A_581, %sub3A_601 : i32
      %select_n3A_603 = arith.select %and3A_600, %sub3A_602, %div3A_581 : i32
      %rem3A_604 = arith.constant 2 : i32
      %rem3A_605 = arith.remsi %select_n3A_603, %rem3A_604 : i32
      %rem3A_606 = arith.constant 64 : i32
      %rem3A_607 = arith.remsi %add3A_477, %rem3A_606 : i32
      %mul3A_608 = arith.mulf %add3A_561, %gather3A_579 : vector<16xf32>
      %mul3A_609 = arith.constant 32 : i32
      %mul3A_610 = arith.muli %rem3A_607, %mul3A_609 : i32
      %swap3A_611 = arith.index_cast %rem3A_605 : i32 to index
      %swap3A_612 = arith.index_cast %mul3A_610 : i32 to index
      %swap3A_613 = tpu.vector_load %arg10[%swap3A_611, %swap3A_612] {strides = array<i32>} : memref<2x2048xf32, #tpu.memory_space<vmem>>, vector<1x16xf32>,
      %swap3A_614 = vector.shape_cast %swap3A_613 : vector<1x16xf32> to vector<16xf32>
      %swap3A_615 = vector.shape_cast %mul3A_608 : vector<16xf32> to vector<1x16xf32>
      tpu.vector_store %arg10[%swap3A_611, %swap3A_612], %swap3A_615 {strides = array<i32>} : memref<2x2048xf32, #tpu.memory_space<vmem>>, vector<1x16xf32>,
      %mul3A_616 = arith.mulf %add3A_562, %gather3A_579 : vector<16xf32>
      %mul3A_617 = arith.constant 32 : i32
      %mul3A_618 = arith.muli %rem3A_607, %mul3A_617 : i32
      %add3A_619 = arith.constant 16 : i32
      %add3A_620 = arith.addi %mul3A_618, %add3A_619 : i32
      %swap3A_621 = arith.index_cast %rem3A_605 : i32 to index
      %swap3A_622 = arith.index_cast %add3A_620 : i32 to index
      %swap3A_623 = tpu.vector_load %arg10[%swap3A_621, %swap3A_622] {strides = array<i32>} : memref<2x2048xf32, #tpu.memory_space<vmem>>, vector<1x16xf32>,
      %swap3A_624 = vector.shape_cast %swap3A_623 : vector<1x16xf32> to vector<16xf32>
      %swap3A_625 = vector.shape_cast %mul3A_616 : vector<16xf32> to vector<1x16xf32>
      tpu.vector_store %arg10[%swap3A_621, %swap3A_622], %swap3A_625 {strides = array<i32>} : memref<2x2048xf32, #tpu.memory_space<vmem>>, vector<1x16xf32>,
      %mul3A_626 = arith.constant 8 : i32
      %mul3A_627 = arith.muli %mul3A_626, %scan3A_284 : i32
      %add3A_628 = arith.constant 2 : i32
      %add3A_629 = arith.addi %mul3A_627, %add3A_628 : i32
      %add3A_630 = arith.constant 8 : i32
      %add3A_631 = arith.addi %add3A_629, %add3A_630 : i32
      %sub3A_632 = arith.constant 1 : i32
      %sub3A_633 = arith.subi %add3A_631, %sub3A_632 : i32
      %lt3A_634 = arith.constant 512 : i32
      %lt3A_635 = arith.cmpi slt, %sub3A_633, %lt3A_634 : i32
      %convert_element_type3A_636 = arith.extui %lt3A_635 : i1 to i32
      %cond3A_637 = arith.constant 0 : i32
      %cond3A_638 = arith.cmpi ne, %convert_element_type3A_636, %cond3A_637 : i32
      scf.if %cond3A_638 {
        %jit3A_1543 = arith.constant 64 : i32
        %div3A_1544 = arith.divsi %sub3A_633, %jit3A_1543 : i32
        %sign3A_1545 = arith.constant 0 : i32
        %sign3A_1546 = arith.cmpi sgt, %sub3A_633, %sign3A_1545 : i32
        %sign3A_1547 = arith.extui %sign3A_1546 : i1 to i32
        %sign3A_1548 = arith.constant 0 : i32
        %sign3A_1549 = arith.cmpi slt, %sub3A_633, %sign3A_1548 : i32
        %sign3A_1550 = arith.extui %sign3A_1549 : i1 to i32
        %sign3A_1551 = arith.subi %sign3A_1547, %sign3A_1550 : i32
        %sign3A_1552 = arith.constant 0 : i32
        %sign3A_1553 = arith.cmpi sgt, %jit3A_1543, %sign3A_1552 : i32
        %sign3A_1554 = arith.extui %sign3A_1553 : i1 to i32
        %sign3A_1555 = arith.constant 0 : i32
        %sign3A_1556 = arith.cmpi slt, %jit3A_1543, %sign3A_1555 : i32
        %sign3A_1557 = arith.extui %sign3A_1556 : i1 to i32
        %sign3A_1558 = arith.subi %sign3A_1554, %sign3A_1557 : i32
        %ne3A_1559 = arith.cmpi ne, %sign3A_1551, %sign3A_1558 : i32
        %rem3A_1560 = arith.remsi %sub3A_633, %jit3A_1543 : i32
        %ne3A_1561 = arith.constant 0 : i32
        %ne3A_1562 = arith.cmpi ne, %rem3A_1560, %ne3A_1561 : i32
        %and3A_1563 = arith.andi %ne3A_1559, %ne3A_1562 : i1
        %sub3A_1564 = arith.constant 1 : i32
        %sub3A_1565 = arith.subi %div3A_1544, %sub3A_1564 : i32
        %select_n3A_1566 = arith.select %and3A_1563, %sub3A_1565, %div3A_1544 : i32
        %rem3A_1567 = arith.constant 2 : i32
        %rem3A_1568 = arith.remsi %select_n3A_1566, %rem3A_1567 : i32
        %rem3A_1569 = arith.constant 64 : i32
        %rem3A_1570 = arith.remsi %sub3A_633, %rem3A_1569 : i32
        %mul3A_1571 = arith.constant 200 : i32
        %mul3A_1572 = arith.muli %rem3A_1570, %mul3A_1571 : i32
        %mul3A_1573 = arith.constant 200 : i32
        %mul3A_1574 = arith.muli %rem3A_1570, %mul3A_1573 : i32
        %add3A_1575 = arith.constant 96 : i32
        %add3A_1576 = arith.addi %mul3A_1574, %add3A_1575 : i32
        %dma_start3A_1577 = arith.constant 1 : i32
        %dma_start3A_1578 = arith.constant 0 : i32
        %dma_start3A_1579 = arith.constant 0 : i32
        %dma_start3A_1580 = tpu.memref_slice %arg9[%dma_start3A_1577, %dma_start3A_1578, %dma_start3A_1579] : memref<8x200x32xf32, #tpu.memory_space<vmem>> -> memref<1x96x32xf32, #tpu.memory_space<vmem>>
        %dma_start3A_1581 = tpu.memref_squeeze %dma_start3A_1580 : memref<1x96x32xf32, #tpu.memory_space<vmem>> -> memref<96x32xf32, #tpu.memory_space<vmem>>
        %dma_start3A_1582 = tpu.memref_slice %arg6[%rem3A_1568, %mul3A_1572] : memref<2x12800xi32, #tpu.memory_space<vmem>> -> memref<1x96xi32, #tpu.memory_space<vmem>>
        %dma_start3A_1583 = tpu.memref_squeeze %dma_start3A_1582 : memref<1x96xi32, #tpu.memory_space<vmem>> -> memref<96xi32, #tpu.memory_space<vmem>>
        %dma_start3A_1584 = arith.constant 0 : i32
        %dma_start3A_1585 = arith.constant 0 : i32
        %dma_start3A_1586 = tpu.memref_slice %arg4[%dma_start3A_1584, %dma_start3A_1585] : memref<1000000x32xf32, #tpu.memory_space<hbm>> -> memref<1000000x32xf32, #tpu.memory_space<hbm>>
        tpu.enqueue_indirect_dma source(%dma_start3A_1586 : memref<1000000x32xf32, #tpu.memory_space<hbm>>) target(%dma_start3A_1581 : memref<96x32xf32, #tpu.memory_space<vmem>>) offsets(%dma_start3A_1583 : memref<96xi32, #tpu.memory_space<vmem>>) semaphore(%arg12 : memref<!tpu.dma_semaphore, #tpu.memory_space<semaphore_mem>>)
        %dma_start3A_1587 = arith.constant 1 : i32
        %dma_start3A_1588 = arith.constant 96 : i32
        %dma_start3A_1589 = arith.constant 0 : i32
        %dma_start3A_1590 = tpu.memref_slice %arg9[%dma_start3A_1587, %dma_start3A_1588, %dma_start3A_1589] : memref<8x200x32xf32, #tpu.memory_space<vmem>> -> memref<1x104x32xf32, #tpu.memory_space<vmem>>
        %dma_start3A_1591 = tpu.memref_squeeze %dma_start3A_1590 : memref<1x104x32xf32, #tpu.memory_space<vmem>> -> memref<104x32xf32, #tpu.memory_space<vmem>>
        %dma_start3A_1592 = tpu.memref_slice %arg6[%rem3A_1568, %add3A_1576] : memref<2x12800xi32, #tpu.memory_space<vmem>> -> memref<1x104xi32, #tpu.memory_space<vmem>>
        %dma_start3A_1593 = tpu.memref_squeeze %dma_start3A_1592 : memref<1x104xi32, #tpu.memory_space<vmem>> -> memref<104xi32, #tpu.memory_space<vmem>>
        %dma_start3A_1594 = arith.constant 0 : i32
        %dma_start3A_1595 = arith.constant 0 : i32
        %dma_start3A_1596 = tpu.memref_slice %arg4[%dma_start3A_1594, %dma_start3A_1595] : memref<1000000x32xf32, #tpu.memory_space<hbm>> -> memref<1000000x32xf32, #tpu.memory_space<hbm>>
        tpu.enqueue_indirect_dma source(%dma_start3A_1596 : memref<1000000x32xf32, #tpu.memory_space<hbm>>) target(%dma_start3A_1591 : memref<104x32xf32, #tpu.memory_space<vmem>>) offsets(%dma_start3A_1593 : memref<104xi32, #tpu.memory_space<vmem>>) semaphore(%arg12 : memref<!tpu.dma_semaphore, #tpu.memory_space<semaphore_mem>>)
      } else {
      }
      %jit3A_639 = arith.constant 64 : i32
      %div3A_640 = arith.divsi %add3A_629, %jit3A_639 : i32
      %sign3A_641 = arith.constant 0 : i32
      %sign3A_642 = arith.cmpi sgt, %add3A_629, %sign3A_641 : i32
      %sign3A_643 = arith.extui %sign3A_642 : i1 to i32
      %sign3A_644 = arith.constant 0 : i32
      %sign3A_645 = arith.cmpi slt, %add3A_629, %sign3A_644 : i32
      %sign3A_646 = arith.extui %sign3A_645 : i1 to i32
      %sign3A_647 = arith.subi %sign3A_643, %sign3A_646 : i32
      %sign3A_648 = arith.constant 0 : i32
      %sign3A_649 = arith.cmpi sgt, %jit3A_639, %sign3A_648 : i32
      %sign3A_650 = arith.extui %sign3A_649 : i1 to i32
      %sign3A_651 = arith.constant 0 : i32
      %sign3A_652 = arith.cmpi slt, %jit3A_639, %sign3A_651 : i32
      %sign3A_653 = arith.extui %sign3A_652 : i1 to i32
      %sign3A_654 = arith.subi %sign3A_650, %sign3A_653 : i32
      %ne3A_655 = arith.cmpi ne, %sign3A_647, %sign3A_654 : i32
      %rem3A_656 = arith.remsi %add3A_629, %jit3A_639 : i32
      %ne3A_657 = arith.constant 0 : i32
      %ne3A_658 = arith.cmpi ne, %rem3A_656, %ne3A_657 : i32
      %and3A_659 = arith.andi %ne3A_655, %ne3A_658 : i1
      %sub3A_660 = arith.constant 1 : i32
      %sub3A_661 = arith.subi %div3A_640, %sub3A_660 : i32
      %select_n3A_662 = arith.select %and3A_659, %sub3A_661, %div3A_640 : i32
      %rem3A_663 = arith.constant 2 : i32
      %rem3A_664 = arith.remsi %select_n3A_662, %rem3A_663 : i32
      %rem3A_665 = arith.constant 64 : i32
      %rem3A_666 = arith.remsi %add3A_629, %rem3A_665 : i32
      %mul3A_667 = arith.constant 200 : i32
      %mul3A_668 = arith.muli %rem3A_666, %mul3A_667 : i32
      %mul3A_669 = arith.constant 200 : i32
      %mul3A_670 = arith.muli %rem3A_666, %mul3A_669 : i32
      %add3A_671 = arith.constant 96 : i32
      %add3A_672 = arith.addi %mul3A_670, %add3A_671 : i32
      %dma_wait3A_673 = arith.constant 2 : i32
      %dma_wait3A_674 = arith.constant 0 : i32
      %dma_wait3A_675 = arith.constant 0 : i32
      %dma_wait3A_676 = tpu.memref_slice %arg9[%dma_wait3A_673, %dma_wait3A_674, %dma_wait3A_675] : memref<8x200x32xf32, #tpu.memory_space<vmem>> -> memref<1x96x32xf32, #tpu.memory_space<vmem>>
      %dma_wait3A_677 = tpu.memref_squeeze %dma_wait3A_676 : memref<1x96x32xf32, #tpu.memory_space<vmem>> -> memref<96x32xf32, #tpu.memory_space<vmem>>
      %dma_wait3A_678 = tpu.memref_slice %arg6[%rem3A_664, %mul3A_668] : memref<2x12800xi32, #tpu.memory_space<vmem>> -> memref<1x96xi32, #tpu.memory_space<vmem>>
      %dma_wait3A_679 = tpu.memref_squeeze %dma_wait3A_678 : memref<1x96xi32, #tpu.memory_space<vmem>> -> memref<96xi32, #tpu.memory_space<vmem>>
      %dma_wait3A_680 = arith.constant 0 : i32
      %dma_wait3A_681 = arith.constant 0 : i32
      %dma_wait3A_682 = tpu.memref_slice %arg4[%dma_wait3A_680, %dma_wait3A_681] : memref<1000000x32xf32, #tpu.memory_space<hbm>> -> memref<1000000x32xf32, #tpu.memory_space<hbm>>
      tpu.wait_indirect_dma semaphore(%arg13 : memref<!tpu.dma_semaphore, #tpu.memory_space<semaphore_mem>>) src(%dma_wait3A_682 : memref<1000000x32xf32, #tpu.memory_space<hbm>>) dst(%dma_wait3A_677 : memref<96x32xf32, #tpu.memory_space<vmem>>)
      %dma_wait3A_683 = arith.constant 2 : i32
      %dma_wait3A_684 = arith.constant 96 : i32
      %dma_wait3A_685 = arith.constant 0 : i32
      %dma_wait3A_686 = tpu.memref_slice %arg9[%dma_wait3A_683, %dma_wait3A_684, %dma_wait3A_685] : memref<8x200x32xf32, #tpu.memory_space<vmem>> -> memref<1x104x32xf32, #tpu.memory_space<vmem>>
      %dma_wait3A_687 = tpu.memref_squeeze %dma_wait3A_686 : memref<1x104x32xf32, #tpu.memory_space<vmem>> -> memref<104x32xf32, #tpu.memory_space<vmem>>
      %dma_wait3A_688 = tpu.memref_slice %arg6[%rem3A_664, %add3A_672] : memref<2x12800xi32, #tpu.memory_space<vmem>> -> memref<1x104xi32, #tpu.memory_space<vmem>>
      %dma_wait3A_689 = tpu.memref_squeeze %dma_wait3A_688 : memref<1x104xi32, #tpu.memory_space<vmem>> -> memref<104xi32, #tpu.memory_space<vmem>>
      %dma_wait3A_690 = arith.constant 0 : i32
      %dma_wait3A_691 = arith.constant 0 : i32
      %dma_wait3A_692 = tpu.memref_slice %arg4[%dma_wait3A_690, %dma_wait3A_691] : memref<1000000x32xf32, #tpu.memory_space<hbm>> -> memref<1000000x32xf32, #tpu.memory_space<hbm>>
      tpu.wait_indirect_dma semaphore(%arg13 : memref<!tpu.dma_semaphore, #tpu.memory_space<semaphore_mem>>) src(%dma_wait3A_692 : memref<1000000x32xf32, #tpu.memory_space<hbm>>) dst(%dma_wait3A_687 : memref<104x32xf32, #tpu.memory_space<vmem>>)
      %broadcast_in_dim3A_693 = arith.constant 0.000000e+00 : f32
      %broadcast_in_dim3A_694 = vector.broadcast %broadcast_in_dim3A_693 : f32 to vector<16xf32>
      %scan3A_695 = arith.constant 0 : i32
      %scan3A_696 = arith.constant 25 : i32
      %scan3A_697 = arith.addi %scan3A_695, %scan3A_696 : i32
      %scan3A_698 = arith.constant 1 : i32
      %scan3A_699:16 = scf.for %scan3A_1543 = %scan3A_695 to %scan3A_697 step %scan3A_698 iter_args(%scan3A_1544 = %broadcast_in_dim3A_694, %scan3A_1545 = %broadcast_in_dim3A_694, %scan3A_1546 = %broadcast_in_dim3A_694, %scan3A_1547 = %broadcast_in_dim3A_694, %scan3A_1548 = %broadcast_in_dim3A_694, %scan3A_1549 = %broadcast_in_dim3A_694, %scan3A_1550 = %broadcast_in_dim3A_694, %scan3A_1551 = %broadcast_in_dim3A_694, %scan3A_1552 = %broadcast_in_dim3A_694, %scan3A_1553 = %broadcast_in_dim3A_694, %scan3A_1554 = %broadcast_in_dim3A_694, %scan3A_1555 = %broadcast_in_dim3A_694, %scan3A_1556 = %broadcast_in_dim3A_694, %scan3A_1557 = %broadcast_in_dim3A_694, %scan3A_1558 = %broadcast_in_dim3A_694, %scan3A_1559 = %broadcast_in_dim3A_694) -> (vector<16xf32>, vector<16xf32>, vector<16xf32>, vector<16xf32>, vector<16xf32>, vector<16xf32>, vector<16xf32>, vector<16xf32>, vector<16xf32>, vector<16xf32>, vector<16xf32>, vector<16xf32>, vector<16xf32>, vector<16xf32>, vector<16xf32>, vector<16xf32>)  : i32 {
        %mul3A_1560 = arith.constant 8 : i32
        %mul3A_1561 = arith.muli %scan3A_1543, %mul3A_1560 : i32
        %add3A_1562 = arith.constant 0 : i32
        %add3A_1563 = arith.addi %mul3A_1561, %add3A_1562 : i32
        %get3A_1564 = arith.constant 2 : i32
        %get3A_1565 = arith.index_cast %get3A_1564 : i32 to index
        %get3A_1566 = arith.index_cast %add3A_1563 : i32 to index
        %get3A_1567 = arith.constant 0 : index
        %get3A_1568 = tpu.vector_load %arg9[%get3A_1565, %get3A_1566, %get3A_1567] {strides = array<i32>} : memref<8x200x32xf32, #tpu.memory_space<vmem>>, vector<1x1x16xf32>,
        %get3A_1569 = vector.shape_cast %get3A_1568 : vector<1x1x16xf32> to vector<16xf32>
        %add3A_1570 = arith.addf %scan3A_1544, %get3A_1569 : vector<16xf32>
        %add3A_1571 = arith.constant 0 : i32
        %add3A_1572 = arith.addi %mul3A_1561, %add3A_1571 : i32
        %get3A_1573 = arith.constant 2 : i32
        %get3A_1574 = arith.index_cast %get3A_1573 : i32 to index
        %get3A_1575 = arith.index_cast %add3A_1572 : i32 to index
        %get3A_1576 = arith.constant 16 : index
        %get3A_1577 = tpu.vector_load %arg9[%get3A_1574, %get3A_1575, %get3A_1576] {strides = array<i32>} : memref<8x200x32xf32, #tpu.memory_space<vmem>>, vector<1x1x16xf32>,
        %get3A_1578 = vector.shape_cast %get3A_1577 : vector<1x1x16xf32> to vector<16xf32>
        %add3A_1579 = arith.addf %scan3A_1545, %get3A_1578 : vector<16xf32>
        %add3A_1580 = arith.constant 1 : i32
        %add3A_1581 = arith.addi %mul3A_1561, %add3A_1580 : i32
        %get3A_1582 = arith.constant 2 : i32
        %get3A_1583 = arith.index_cast %get3A_1582 : i32 to index
        %get3A_1584 = arith.index_cast %add3A_1581 : i32 to index
        %get3A_1585 = arith.constant 0 : index
        %get3A_1586 = tpu.vector_load %arg9[%get3A_1583, %get3A_1584, %get3A_1585] {strides = array<i32>} : memref<8x200x32xf32, #tpu.memory_space<vmem>>, vector<1x1x16xf32>,
        %get3A_1587 = vector.shape_cast %get3A_1586 : vector<1x1x16xf32> to vector<16xf32>
        %add3A_1588 = arith.addf %scan3A_1546, %get3A_1587 : vector<16xf32>
        %add3A_1589 = arith.constant 1 : i32
        %add3A_1590 = arith.addi %mul3A_1561, %add3A_1589 : i32
        %get3A_1591 = arith.constant 2 : i32
        %get3A_1592 = arith.index_cast %get3A_1591 : i32 to index
        %get3A_1593 = arith.index_cast %add3A_1590 : i32 to index
        %get3A_1594 = arith.constant 16 : index
        %get3A_1595 = tpu.vector_load %arg9[%get3A_1592, %get3A_1593, %get3A_1594] {strides = array<i32>} : memref<8x200x32xf32, #tpu.memory_space<vmem>>, vector<1x1x16xf32>,
        %get3A_1596 = vector.shape_cast %get3A_1595 : vector<1x1x16xf32> to vector<16xf32>
        %add3A_1597 = arith.addf %scan3A_1547, %get3A_1596 : vector<16xf32>
        %add3A_1598 = arith.constant 2 : i32
        %add3A_1599 = arith.addi %mul3A_1561, %add3A_1598 : i32
        %get3A_1600 = arith.constant 2 : i32
        %get3A_1601 = arith.index_cast %get3A_1600 : i32 to index
        %get3A_1602 = arith.index_cast %add3A_1599 : i32 to index
        %get3A_1603 = arith.constant 0 : index
        %get3A_1604 = tpu.vector_load %arg9[%get3A_1601, %get3A_1602, %get3A_1603] {strides = array<i32>} : memref<8x200x32xf32, #tpu.memory_space<vmem>>, vector<1x1x16xf32>,
        %get3A_1605 = vector.shape_cast %get3A_1604 : vector<1x1x16xf32> to vector<16xf32>
        %add3A_1606 = arith.addf %scan3A_1548, %get3A_1605 : vector<16xf32>
        %add3A_1607 = arith.constant 2 : i32
        %add3A_1608 = arith.addi %mul3A_1561, %add3A_1607 : i32
        %get3A_1609 = arith.constant 2 : i32
        %get3A_1610 = arith.index_cast %get3A_1609 : i32 to index
        %get3A_1611 = arith.index_cast %add3A_1608 : i32 to index
        %get3A_1612 = arith.constant 16 : index
        %get3A_1613 = tpu.vector_load %arg9[%get3A_1610, %get3A_1611, %get3A_1612] {strides = array<i32>} : memref<8x200x32xf32, #tpu.memory_space<vmem>>, vector<1x1x16xf32>,
        %get3A_1614 = vector.shape_cast %get3A_1613 : vector<1x1x16xf32> to vector<16xf32>
        %add3A_1615 = arith.addf %scan3A_1549, %get3A_1614 : vector<16xf32>
        %add3A_1616 = arith.constant 3 : i32
        %add3A_1617 = arith.addi %mul3A_1561, %add3A_1616 : i32
        %get3A_1618 = arith.constant 2 : i32
        %get3A_1619 = arith.index_cast %get3A_1618 : i32 to index
        %get3A_1620 = arith.index_cast %add3A_1617 : i32 to index
        %get3A_1621 = arith.constant 0 : index
        %get3A_1622 = tpu.vector_load %arg9[%get3A_1619, %get3A_1620, %get3A_1621] {strides = array<i32>} : memref<8x200x32xf32, #tpu.memory_space<vmem>>, vector<1x1x16xf32>,
        %get3A_1623 = vector.shape_cast %get3A_1622 : vector<1x1x16xf32> to vector<16xf32>
        %add3A_1624 = arith.addf %scan3A_1550, %get3A_1623 : vector<16xf32>
        %add3A_1625 = arith.constant 3 : i32
        %add3A_1626 = arith.addi %mul3A_1561, %add3A_1625 : i32
        %get3A_1627 = arith.constant 2 : i32
        %get3A_1628 = arith.index_cast %get3A_1627 : i32 to index
        %get3A_1629 = arith.index_cast %add3A_1626 : i32 to index
        %get3A_1630 = arith.constant 16 : index
        %get3A_1631 = tpu.vector_load %arg9[%get3A_1628, %get3A_1629, %get3A_1630] {strides = array<i32>} : memref<8x200x32xf32, #tpu.memory_space<vmem>>, vector<1x1x16xf32>,
        %get3A_1632 = vector.shape_cast %get3A_1631 : vector<1x1x16xf32> to vector<16xf32>
        %add3A_1633 = arith.addf %scan3A_1551, %get3A_1632 : vector<16xf32>
        %add3A_1634 = arith.constant 4 : i32
        %add3A_1635 = arith.addi %mul3A_1561, %add3A_1634 : i32
        %get3A_1636 = arith.constant 2 : i32
        %get3A_1637 = arith.index_cast %get3A_1636 : i32 to index
        %get3A_1638 = arith.index_cast %add3A_1635 : i32 to index
        %get3A_1639 = arith.constant 0 : index
        %get3A_1640 = tpu.vector_load %arg9[%get3A_1637, %get3A_1638, %get3A_1639] {strides = array<i32>} : memref<8x200x32xf32, #tpu.memory_space<vmem>>, vector<1x1x16xf32>,
        %get3A_1641 = vector.shape_cast %get3A_1640 : vector<1x1x16xf32> to vector<16xf32>
        %add3A_1642 = arith.addf %scan3A_1552, %get3A_1641 : vector<16xf32>
        %add3A_1643 = arith.constant 4 : i32
        %add3A_1644 = arith.addi %mul3A_1561, %add3A_1643 : i32
        %get3A_1645 = arith.constant 2 : i32
        %get3A_1646 = arith.index_cast %get3A_1645 : i32 to index
        %get3A_1647 = arith.index_cast %add3A_1644 : i32 to index
        %get3A_1648 = arith.constant 16 : index
        %get3A_1649 = tpu.vector_load %arg9[%get3A_1646, %get3A_1647, %get3A_1648] {strides = array<i32>} : memref<8x200x32xf32, #tpu.memory_space<vmem>>, vector<1x1x16xf32>,
        %get3A_1650 = vector.shape_cast %get3A_1649 : vector<1x1x16xf32> to vector<16xf32>
        %add3A_1651 = arith.addf %scan3A_1553, %get3A_1650 : vector<16xf32>
        %add3A_1652 = arith.constant 5 : i32
        %add3A_1653 = arith.addi %mul3A_1561, %add3A_1652 : i32
        %get3A_1654 = arith.constant 2 : i32
        %get3A_1655 = arith.index_cast %get3A_1654 : i32 to index
        %get3A_1656 = arith.index_cast %add3A_1653 : i32 to index
        %get3A_1657 = arith.constant 0 : index
        %get3A_1658 = tpu.vector_load %arg9[%get3A_1655, %get3A_1656, %get3A_1657] {strides = array<i32>} : memref<8x200x32xf32, #tpu.memory_space<vmem>>, vector<1x1x16xf32>,
        %get3A_1659 = vector.shape_cast %get3A_1658 : vector<1x1x16xf32> to vector<16xf32>
        %add3A_1660 = arith.addf %scan3A_1554, %get3A_1659 : vector<16xf32>
        %add3A_1661 = arith.constant 5 : i32
        %add3A_1662 = arith.addi %mul3A_1561, %add3A_1661 : i32
        %get3A_1663 = arith.constant 2 : i32
        %get3A_1664 = arith.index_cast %get3A_1663 : i32 to index
        %get3A_1665 = arith.index_cast %add3A_1662 : i32 to index
        %get3A_1666 = arith.constant 16 : index
        %get3A_1667 = tpu.vector_load %arg9[%get3A_1664, %get3A_1665, %get3A_1666] {strides = array<i32>} : memref<8x200x32xf32, #tpu.memory_space<vmem>>, vector<1x1x16xf32>,
        %get3A_1668 = vector.shape_cast %get3A_1667 : vector<1x1x16xf32> to vector<16xf32>
        %add3A_1669 = arith.addf %scan3A_1555, %get3A_1668 : vector<16xf32>
        %add3A_1670 = arith.constant 6 : i32
        %add3A_1671 = arith.addi %mul3A_1561, %add3A_1670 : i32
        %get3A_1672 = arith.constant 2 : i32
        %get3A_1673 = arith.index_cast %get3A_1672 : i32 to index
        %get3A_1674 = arith.index_cast %add3A_1671 : i32 to index
        %get3A_1675 = arith.constant 0 : index
        %get3A_1676 = tpu.vector_load %arg9[%get3A_1673, %get3A_1674, %get3A_1675] {strides = array<i32>} : memref<8x200x32xf32, #tpu.memory_space<vmem>>, vector<1x1x16xf32>,
        %get3A_1677 = vector.shape_cast %get3A_1676 : vector<1x1x16xf32> to vector<16xf32>
        %add3A_1678 = arith.addf %scan3A_1556, %get3A_1677 : vector<16xf32>
        %add3A_1679 = arith.constant 6 : i32
        %add3A_1680 = arith.addi %mul3A_1561, %add3A_1679 : i32
        %get3A_1681 = arith.constant 2 : i32
        %get3A_1682 = arith.index_cast %get3A_1681 : i32 to index
        %get3A_1683 = arith.index_cast %add3A_1680 : i32 to index
        %get3A_1684 = arith.constant 16 : index
        %get3A_1685 = tpu.vector_load %arg9[%get3A_1682, %get3A_1683, %get3A_1684] {strides = array<i32>} : memref<8x200x32xf32, #tpu.memory_space<vmem>>, vector<1x1x16xf32>,
        %get3A_1686 = vector.shape_cast %get3A_1685 : vector<1x1x16xf32> to vector<16xf32>
        %add3A_1687 = arith.addf %scan3A_1557, %get3A_1686 : vector<16xf32>
        %add3A_1688 = arith.constant 7 : i32
        %add3A_1689 = arith.addi %mul3A_1561, %add3A_1688 : i32
        %get3A_1690 = arith.constant 2 : i32
        %get3A_1691 = arith.index_cast %get3A_1690 : i32 to index
        %get3A_1692 = arith.index_cast %add3A_1689 : i32 to index
        %get3A_1693 = arith.constant 0 : index
        %get3A_1694 = tpu.vector_load %arg9[%get3A_1691, %get3A_1692, %get3A_1693] {strides = array<i32>} : memref<8x200x32xf32, #tpu.memory_space<vmem>>, vector<1x1x16xf32>,
        %get3A_1695 = vector.shape_cast %get3A_1694 : vector<1x1x16xf32> to vector<16xf32>
        %add3A_1696 = arith.addf %scan3A_1558, %get3A_1695 : vector<16xf32>
        %add3A_1697 = arith.constant 7 : i32
        %add3A_1698 = arith.addi %mul3A_1561, %add3A_1697 : i32
        %get3A_1699 = arith.constant 2 : i32
        %get3A_1700 = arith.index_cast %get3A_1699 : i32 to index
        %get3A_1701 = arith.index_cast %add3A_1698 : i32 to index
        %get3A_1702 = arith.constant 16 : index
        %get3A_1703 = tpu.vector_load %arg9[%get3A_1700, %get3A_1701, %get3A_1702] {strides = array<i32>} : memref<8x200x32xf32, #tpu.memory_space<vmem>>, vector<1x1x16xf32>,
        %get3A_1704 = vector.shape_cast %get3A_1703 : vector<1x1x16xf32> to vector<16xf32>
        %add3A_1705 = arith.addf %scan3A_1559, %get3A_1704 : vector<16xf32>
        scf.yield %add3A_1570, %add3A_1579, %add3A_1588, %add3A_1597, %add3A_1606, %add3A_1615, %add3A_1624, %add3A_1633, %add3A_1642, %add3A_1651, %add3A_1660, %add3A_1669, %add3A_1678, %add3A_1687, %add3A_1696, %add3A_1705 : vector<16xf32>, vector<16xf32>, vector<16xf32>, vector<16xf32>, vector<16xf32>, vector<16xf32>, vector<16xf32>, vector<16xf32>, vector<16xf32>, vector<16xf32>, vector<16xf32>, vector<16xf32>, vector<16xf32>, vector<16xf32>, vector<16xf32>, vector<16xf32>
      }
      %scan3A_700 = arith.constant 25 : i32
      %add3A_701 = arith.addf %scan3A_699#0, %scan3A_699#2 : vector<16xf32>
      %add3A_702 = arith.addf %scan3A_699#1, %scan3A_699#3 : vector<16xf32>
      %add3A_703 = arith.addf %add3A_701, %scan3A_699#4 : vector<16xf32>
      %add3A_704 = arith.addf %add3A_702, %scan3A_699#5 : vector<16xf32>
      %add3A_705 = arith.addf %add3A_703, %scan3A_699#6 : vector<16xf32>
      %add3A_706 = arith.addf %add3A_704, %scan3A_699#7 : vector<16xf32>
      %add3A_707 = arith.addf %add3A_705, %scan3A_699#8 : vector<16xf32>
      %add3A_708 = arith.addf %add3A_706, %scan3A_699#9 : vector<16xf32>
      %add3A_709 = arith.addf %add3A_707, %scan3A_699#10 : vector<16xf32>
      %add3A_710 = arith.addf %add3A_708, %scan3A_699#11 : vector<16xf32>
      %add3A_711 = arith.addf %add3A_709, %scan3A_699#12 : vector<16xf32>
      %add3A_712 = arith.addf %add3A_710, %scan3A_699#13 : vector<16xf32>
      %add3A_713 = arith.addf %add3A_711, %scan3A_699#14 : vector<16xf32>
      %add3A_714 = arith.addf %add3A_712, %scan3A_699#15 : vector<16xf32>
      %rem3A_715 = arith.constant 16 : i32
      %rem3A_716 = arith.remsi %add3A_629, %rem3A_715 : i32
      %sub3A_717 = arith.subi %add3A_629, %rem3A_716 : i32
      %get3A_718 = arith.index_cast %sub3A_717 : i32 to index
      %get3A_719 = tpu.vector_load %arg8[%get3A_718] {strides = array<i32>} : memref<512xf32, #tpu.memory_space<vmem>>, vector<16xf32>,
      %get3A_720 = vector.shape_cast %get3A_719 : vector<16xf32> to vector<16xf32>
      %broadcast_in_dim3A_721 = vector.broadcast %rem3A_716 : i32 to vector<16xi32>
      %lt3A_722 = arith.constant 0 : i32
      %lt3A_723 = vector.broadcast %lt3A_722 : i32 to vector<16xi32>
      %lt3A_724 = arith.cmpi slt, %broadcast_in_dim3A_721, %lt3A_723 : vector<16xi32>
      %add3A_725 = arith.constant 16 : i32
      %add3A_726 = vector.broadcast %add3A_725 : i32 to vector<16xi32>
      %add3A_727 = arith.addi %broadcast_in_dim3A_721, %add3A_726 : vector<16xi32>
      %select_n3A_728 = arith.select %lt3A_724, %add3A_727, %broadcast_in_dim3A_721 : vector<16xi1>, vector<16xi32>
      %reshape3A_729 = vector.shape_cast %select_n3A_728 : vector<16xi32> to vector<16x1xi32>
      %gather3A_730 = vector.shape_cast %reshape3A_729 : vector<16x1xi32> to vector<16xi32>
      %gather3A_731 = tpu.dynamic_gather %get3A_720[%gather3A_730] in [0] : vector<16xf32>, vector<16xi32> -> vector<16xf32>
      %jit3A_732 = arith.constant 64 : i32
      %div3A_733 = arith.divsi %add3A_629, %jit3A_732 : i32
      %sign3A_734 = arith.constant 0 : i32
      %sign3A_735 = arith.cmpi sgt, %add3A_629, %sign3A_734 : i32
      %sign3A_736 = arith.extui %sign3A_735 : i1 to i32
      %sign3A_737 = arith.constant 0 : i32
      %sign3A_738 = arith.cmpi slt, %add3A_629, %sign3A_737 : i32
      %sign3A_739 = arith.extui %sign3A_738 : i1 to i32
      %sign3A_740 = arith.subi %sign3A_736, %sign3A_739 : i32
      %sign3A_741 = arith.constant 0 : i32
      %sign3A_742 = arith.cmpi sgt, %jit3A_732, %sign3A_741 : i32
      %sign3A_743 = arith.extui %sign3A_742 : i1 to i32
      %sign3A_744 = arith.constant 0 : i32
      %sign3A_745 = arith.cmpi slt, %jit3A_732, %sign3A_744 : i32
      %sign3A_746 = arith.extui %sign3A_745 : i1 to i32
      %sign3A_747 = arith.subi %sign3A_743, %sign3A_746 : i32
      %ne3A_748 = arith.cmpi ne, %sign3A_740, %sign3A_747 : i32
      %rem3A_749 = arith.remsi %add3A_629, %jit3A_732 : i32
      %ne3A_750 = arith.constant 0 : i32
      %ne3A_751 = arith.cmpi ne, %rem3A_749, %ne3A_750 : i32
      %and3A_752 = arith.andi %ne3A_748, %ne3A_751 : i1
      %sub3A_753 = arith.constant 1 : i32
      %sub3A_754 = arith.subi %div3A_733, %sub3A_753 : i32
      %select_n3A_755 = arith.select %and3A_752, %sub3A_754, %div3A_733 : i32
      %rem3A_756 = arith.constant 2 : i32
      %rem3A_757 = arith.remsi %select_n3A_755, %rem3A_756 : i32
      %rem3A_758 = arith.constant 64 : i32
      %rem3A_759 = arith.remsi %add3A_629, %rem3A_758 : i32
      %mul3A_760 = arith.mulf %add3A_713, %gather3A_731 : vector<16xf32>
      %mul3A_761 = arith.constant 32 : i32
      %mul3A_762 = arith.muli %rem3A_759, %mul3A_761 : i32
      %swap3A_763 = arith.index_cast %rem3A_757 : i32 to index
      %swap3A_764 = arith.index_cast %mul3A_762 : i32 to index
      %swap3A_765 = tpu.vector_load %arg10[%swap3A_763, %swap3A_764] {strides = array<i32>} : memref<2x2048xf32, #tpu.memory_space<vmem>>, vector<1x16xf32>,
      %swap3A_766 = vector.shape_cast %swap3A_765 : vector<1x16xf32> to vector<16xf32>
      %swap3A_767 = vector.shape_cast %mul3A_760 : vector<16xf32> to vector<1x16xf32>
      tpu.vector_store %arg10[%swap3A_763, %swap3A_764], %swap3A_767 {strides = array<i32>} : memref<2x2048xf32, #tpu.memory_space<vmem>>, vector<1x16xf32>,
      %mul3A_768 = arith.mulf %add3A_714, %gather3A_731 : vector<16xf32>
      %mul3A_769 = arith.constant 32 : i32
      %mul3A_770 = arith.muli %rem3A_759, %mul3A_769 : i32
      %add3A_771 = arith.constant 16 : i32
      %add3A_772 = arith.addi %mul3A_770, %add3A_771 : i32
      %swap3A_773 = arith.index_cast %rem3A_757 : i32 to index
      %swap3A_774 = arith.index_cast %add3A_772 : i32 to index
      %swap3A_775 = tpu.vector_load %arg10[%swap3A_773, %swap3A_774] {strides = array<i32>} : memref<2x2048xf32, #tpu.memory_space<vmem>>, vector<1x16xf32>,
      %swap3A_776 = vector.shape_cast %swap3A_775 : vector<1x16xf32> to vector<16xf32>
      %swap3A_777 = vector.shape_cast %mul3A_768 : vector<16xf32> to vector<1x16xf32>
      tpu.vector_store %arg10[%swap3A_773, %swap3A_774], %swap3A_777 {strides = array<i32>} : memref<2x2048xf32, #tpu.memory_space<vmem>>, vector<1x16xf32>,
      %mul3A_778 = arith.constant 8 : i32
      %mul3A_779 = arith.muli %mul3A_778, %scan3A_284 : i32
      %add3A_780 = arith.constant 3 : i32
      %add3A_781 = arith.addi %mul3A_779, %add3A_780 : i32
      %add3A_782 = arith.constant 8 : i32
      %add3A_783 = arith.addi %add3A_781, %add3A_782 : i32
      %sub3A_784 = arith.constant 1 : i32
      %sub3A_785 = arith.subi %add3A_783, %sub3A_784 : i32
      %lt3A_786 = arith.constant 512 : i32
      %lt3A_787 = arith.cmpi slt, %sub3A_785, %lt3A_786 : i32
      %convert_element_type3A_788 = arith.extui %lt3A_787 : i1 to i32
      %cond3A_789 = arith.constant 0 : i32
      %cond3A_790 = arith.cmpi ne, %convert_element_type3A_788, %cond3A_789 : i32
      scf.if %cond3A_790 {
        %jit3A_1543 = arith.constant 64 : i32
        %div3A_1544 = arith.divsi %sub3A_785, %jit3A_1543 : i32
        %sign3A_1545 = arith.constant 0 : i32
        %sign3A_1546 = arith.cmpi sgt, %sub3A_785, %sign3A_1545 : i32
        %sign3A_1547 = arith.extui %sign3A_1546 : i1 to i32
        %sign3A_1548 = arith.constant 0 : i32
        %sign3A_1549 = arith.cmpi slt, %sub3A_785, %sign3A_1548 : i32
        %sign3A_1550 = arith.extui %sign3A_1549 : i1 to i32
        %sign3A_1551 = arith.subi %sign3A_1547, %sign3A_1550 : i32
        %sign3A_1552 = arith.constant 0 : i32
        %sign3A_1553 = arith.cmpi sgt, %jit3A_1543, %sign3A_1552 : i32
        %sign3A_1554 = arith.extui %sign3A_1553 : i1 to i32
        %sign3A_1555 = arith.constant 0 : i32
        %sign3A_1556 = arith.cmpi slt, %jit3A_1543, %sign3A_1555 : i32
        %sign3A_1557 = arith.extui %sign3A_1556 : i1 to i32
        %sign3A_1558 = arith.subi %sign3A_1554, %sign3A_1557 : i32
        %ne3A_1559 = arith.cmpi ne, %sign3A_1551, %sign3A_1558 : i32
        %rem3A_1560 = arith.remsi %sub3A_785, %jit3A_1543 : i32
        %ne3A_1561 = arith.constant 0 : i32
        %ne3A_1562 = arith.cmpi ne, %rem3A_1560, %ne3A_1561 : i32
        %and3A_1563 = arith.andi %ne3A_1559, %ne3A_1562 : i1
        %sub3A_1564 = arith.constant 1 : i32
        %sub3A_1565 = arith.subi %div3A_1544, %sub3A_1564 : i32
        %select_n3A_1566 = arith.select %and3A_1563, %sub3A_1565, %div3A_1544 : i32
        %rem3A_1567 = arith.constant 2 : i32
        %rem3A_1568 = arith.remsi %select_n3A_1566, %rem3A_1567 : i32
        %rem3A_1569 = arith.constant 64 : i32
        %rem3A_1570 = arith.remsi %sub3A_785, %rem3A_1569 : i32
        %mul3A_1571 = arith.constant 200 : i32
        %mul3A_1572 = arith.muli %rem3A_1570, %mul3A_1571 : i32
        %mul3A_1573 = arith.constant 200 : i32
        %mul3A_1574 = arith.muli %rem3A_1570, %mul3A_1573 : i32
        %add3A_1575 = arith.constant 96 : i32
        %add3A_1576 = arith.addi %mul3A_1574, %add3A_1575 : i32
        %dma_start3A_1577 = arith.constant 2 : i32
        %dma_start3A_1578 = arith.constant 0 : i32
        %dma_start3A_1579 = arith.constant 0 : i32
        %dma_start3A_1580 = tpu.memref_slice %arg9[%dma_start3A_1577, %dma_start3A_1578, %dma_start3A_1579] : memref<8x200x32xf32, #tpu.memory_space<vmem>> -> memref<1x96x32xf32, #tpu.memory_space<vmem>>
        %dma_start3A_1581 = tpu.memref_squeeze %dma_start3A_1580 : memref<1x96x32xf32, #tpu.memory_space<vmem>> -> memref<96x32xf32, #tpu.memory_space<vmem>>
        %dma_start3A_1582 = tpu.memref_slice %arg6[%rem3A_1568, %mul3A_1572] : memref<2x12800xi32, #tpu.memory_space<vmem>> -> memref<1x96xi32, #tpu.memory_space<vmem>>
        %dma_start3A_1583 = tpu.memref_squeeze %dma_start3A_1582 : memref<1x96xi32, #tpu.memory_space<vmem>> -> memref<96xi32, #tpu.memory_space<vmem>>
        %dma_start3A_1584 = arith.constant 0 : i32
        %dma_start3A_1585 = arith.constant 0 : i32
        %dma_start3A_1586 = tpu.memref_slice %arg4[%dma_start3A_1584, %dma_start3A_1585] : memref<1000000x32xf32, #tpu.memory_space<hbm>> -> memref<1000000x32xf32, #tpu.memory_space<hbm>>
        tpu.enqueue_indirect_dma source(%dma_start3A_1586 : memref<1000000x32xf32, #tpu.memory_space<hbm>>) target(%dma_start3A_1581 : memref<96x32xf32, #tpu.memory_space<vmem>>) offsets(%dma_start3A_1583 : memref<96xi32, #tpu.memory_space<vmem>>) semaphore(%arg13 : memref<!tpu.dma_semaphore, #tpu.memory_space<semaphore_mem>>)
        %dma_start3A_1587 = arith.constant 2 : i32
        %dma_start3A_1588 = arith.constant 96 : i32
        %dma_start3A_1589 = arith.constant 0 : i32
        %dma_start3A_1590 = tpu.memref_slice %arg9[%dma_start3A_1587, %dma_start3A_1588, %dma_start3A_1589] : memref<8x200x32xf32, #tpu.memory_space<vmem>> -> memref<1x104x32xf32, #tpu.memory_space<vmem>>
        %dma_start3A_1591 = tpu.memref_squeeze %dma_start3A_1590 : memref<1x104x32xf32, #tpu.memory_space<vmem>> -> memref<104x32xf32, #tpu.memory_space<vmem>>
        %dma_start3A_1592 = tpu.memref_slice %arg6[%rem3A_1568, %add3A_1576] : memref<2x12800xi32, #tpu.memory_space<vmem>> -> memref<1x104xi32, #tpu.memory_space<vmem>>
        %dma_start3A_1593 = tpu.memref_squeeze %dma_start3A_1592 : memref<1x104xi32, #tpu.memory_space<vmem>> -> memref<104xi32, #tpu.memory_space<vmem>>
        %dma_start3A_1594 = arith.constant 0 : i32
        %dma_start3A_1595 = arith.constant 0 : i32
        %dma_start3A_1596 = tpu.memref_slice %arg4[%dma_start3A_1594, %dma_start3A_1595] : memref<1000000x32xf32, #tpu.memory_space<hbm>> -> memref<1000000x32xf32, #tpu.memory_space<hbm>>
        tpu.enqueue_indirect_dma source(%dma_start3A_1596 : memref<1000000x32xf32, #tpu.memory_space<hbm>>) target(%dma_start3A_1591 : memref<104x32xf32, #tpu.memory_space<vmem>>) offsets(%dma_start3A_1593 : memref<104xi32, #tpu.memory_space<vmem>>) semaphore(%arg13 : memref<!tpu.dma_semaphore, #tpu.memory_space<semaphore_mem>>)
      } else {
      }
      %jit3A_791 = arith.constant 64 : i32
      %div3A_792 = arith.divsi %add3A_781, %jit3A_791 : i32
      %sign3A_793 = arith.constant 0 : i32
      %sign3A_794 = arith.cmpi sgt, %add3A_781, %sign3A_793 : i32
      %sign3A_795 = arith.extui %sign3A_794 : i1 to i32
      %sign3A_796 = arith.constant 0 : i32
      %sign3A_797 = arith.cmpi slt, %add3A_781, %sign3A_796 : i32
      %sign3A_798 = arith.extui %sign3A_797 : i1 to i32
      %sign3A_799 = arith.subi %sign3A_795, %sign3A_798 : i32
      %sign3A_800 = arith.constant 0 : i32
      %sign3A_801 = arith.cmpi sgt, %jit3A_791, %sign3A_800 : i32
      %sign3A_802 = arith.extui %sign3A_801 : i1 to i32
      %sign3A_803 = arith.constant 0 : i32
      %sign3A_804 = arith.cmpi slt, %jit3A_791, %sign3A_803 : i32
      %sign3A_805 = arith.extui %sign3A_804 : i1 to i32
      %sign3A_806 = arith.subi %sign3A_802, %sign3A_805 : i32
      %ne3A_807 = arith.cmpi ne, %sign3A_799, %sign3A_806 : i32
      %rem3A_808 = arith.remsi %add3A_781, %jit3A_791 : i32
      %ne3A_809 = arith.constant 0 : i32
      %ne3A_810 = arith.cmpi ne, %rem3A_808, %ne3A_809 : i32
      %and3A_811 = arith.andi %ne3A_807, %ne3A_810 : i1
      %sub3A_812 = arith.constant 1 : i32
      %sub3A_813 = arith.subi %div3A_792, %sub3A_812 : i32
      %select_n3A_814 = arith.select %and3A_811, %sub3A_813, %div3A_792 : i32
      %rem3A_815 = arith.constant 2 : i32
      %rem3A_816 = arith.remsi %select_n3A_814, %rem3A_815 : i32
      %rem3A_817 = arith.constant 64 : i32
      %rem3A_818 = arith.remsi %add3A_781, %rem3A_817 : i32
      %mul3A_819 = arith.constant 200 : i32
      %mul3A_820 = arith.muli %rem3A_818, %mul3A_819 : i32
      %mul3A_821 = arith.constant 200 : i32
      %mul3A_822 = arith.muli %rem3A_818, %mul3A_821 : i32
      %add3A_823 = arith.constant 96 : i32
      %add3A_824 = arith.addi %mul3A_822, %add3A_823 : i32
      %dma_wait3A_825 = arith.constant 3 : i32
      %dma_wait3A_826 = arith.constant 0 : i32
      %dma_wait3A_827 = arith.constant 0 : i32
      %dma_wait3A_828 = tpu.memref_slice %arg9[%dma_wait3A_825, %dma_wait3A_826, %dma_wait3A_827] : memref<8x200x32xf32, #tpu.memory_space<vmem>> -> memref<1x96x32xf32, #tpu.memory_space<vmem>>
      %dma_wait3A_829 = tpu.memref_squeeze %dma_wait3A_828 : memref<1x96x32xf32, #tpu.memory_space<vmem>> -> memref<96x32xf32, #tpu.memory_space<vmem>>
      %dma_wait3A_830 = tpu.memref_slice %arg6[%rem3A_816, %mul3A_820] : memref<2x12800xi32, #tpu.memory_space<vmem>> -> memref<1x96xi32, #tpu.memory_space<vmem>>
      %dma_wait3A_831 = tpu.memref_squeeze %dma_wait3A_830 : memref<1x96xi32, #tpu.memory_space<vmem>> -> memref<96xi32, #tpu.memory_space<vmem>>
      %dma_wait3A_832 = arith.constant 0 : i32
      %dma_wait3A_833 = arith.constant 0 : i32
      %dma_wait3A_834 = tpu.memref_slice %arg4[%dma_wait3A_832, %dma_wait3A_833] : memref<1000000x32xf32, #tpu.memory_space<hbm>> -> memref<1000000x32xf32, #tpu.memory_space<hbm>>
      tpu.wait_indirect_dma semaphore(%arg14 : memref<!tpu.dma_semaphore, #tpu.memory_space<semaphore_mem>>) src(%dma_wait3A_834 : memref<1000000x32xf32, #tpu.memory_space<hbm>>) dst(%dma_wait3A_829 : memref<96x32xf32, #tpu.memory_space<vmem>>)
      %dma_wait3A_835 = arith.constant 3 : i32
      %dma_wait3A_836 = arith.constant 96 : i32
      %dma_wait3A_837 = arith.constant 0 : i32
      %dma_wait3A_838 = tpu.memref_slice %arg9[%dma_wait3A_835, %dma_wait3A_836, %dma_wait3A_837] : memref<8x200x32xf32, #tpu.memory_space<vmem>> -> memref<1x104x32xf32, #tpu.memory_space<vmem>>
      %dma_wait3A_839 = tpu.memref_squeeze %dma_wait3A_838 : memref<1x104x32xf32, #tpu.memory_space<vmem>> -> memref<104x32xf32, #tpu.memory_space<vmem>>
      %dma_wait3A_840 = tpu.memref_slice %arg6[%rem3A_816, %add3A_824] : memref<2x12800xi32, #tpu.memory_space<vmem>> -> memref<1x104xi32, #tpu.memory_space<vmem>>
      %dma_wait3A_841 = tpu.memref_squeeze %dma_wait3A_840 : memref<1x104xi32, #tpu.memory_space<vmem>> -> memref<104xi32, #tpu.memory_space<vmem>>
      %dma_wait3A_842 = arith.constant 0 : i32
      %dma_wait3A_843 = arith.constant 0 : i32
      %dma_wait3A_844 = tpu.memref_slice %arg4[%dma_wait3A_842, %dma_wait3A_843] : memref<1000000x32xf32, #tpu.memory_space<hbm>> -> memref<1000000x32xf32, #tpu.memory_space<hbm>>
      tpu.wait_indirect_dma semaphore(%arg14 : memref<!tpu.dma_semaphore, #tpu.memory_space<semaphore_mem>>) src(%dma_wait3A_844 : memref<1000000x32xf32, #tpu.memory_space<hbm>>) dst(%dma_wait3A_839 : memref<104x32xf32, #tpu.memory_space<vmem>>)
      %broadcast_in_dim3A_845 = arith.constant 0.000000e+00 : f32
      %broadcast_in_dim3A_846 = vector.broadcast %broadcast_in_dim3A_845 : f32 to vector<16xf32>
      %scan3A_847 = arith.constant 0 : i32
      %scan3A_848 = arith.constant 25 : i32
      %scan3A_849 = arith.addi %scan3A_847, %scan3A_848 : i32
      %scan3A_850 = arith.constant 1 : i32
      %scan3A_851:16 = scf.for %scan3A_1543 = %scan3A_847 to %scan3A_849 step %scan3A_850 iter_args(%scan3A_1544 = %broadcast_in_dim3A_846, %scan3A_1545 = %broadcast_in_dim3A_846, %scan3A_1546 = %broadcast_in_dim3A_846, %scan3A_1547 = %broadcast_in_dim3A_846, %scan3A_1548 = %broadcast_in_dim3A_846, %scan3A_1549 = %broadcast_in_dim3A_846, %scan3A_1550 = %broadcast_in_dim3A_846, %scan3A_1551 = %broadcast_in_dim3A_846, %scan3A_1552 = %broadcast_in_dim3A_846, %scan3A_1553 = %broadcast_in_dim3A_846, %scan3A_1554 = %broadcast_in_dim3A_846, %scan3A_1555 = %broadcast_in_dim3A_846, %scan3A_1556 = %broadcast_in_dim3A_846, %scan3A_1557 = %broadcast_in_dim3A_846, %scan3A_1558 = %broadcast_in_dim3A_846, %scan3A_1559 = %broadcast_in_dim3A_846) -> (vector<16xf32>, vector<16xf32>, vector<16xf32>, vector<16xf32>, vector<16xf32>, vector<16xf32>, vector<16xf32>, vector<16xf32>, vector<16xf32>, vector<16xf32>, vector<16xf32>, vector<16xf32>, vector<16xf32>, vector<16xf32>, vector<16xf32>, vector<16xf32>)  : i32 {
        %mul3A_1560 = arith.constant 8 : i32
        %mul3A_1561 = arith.muli %scan3A_1543, %mul3A_1560 : i32
        %add3A_1562 = arith.constant 0 : i32
        %add3A_1563 = arith.addi %mul3A_1561, %add3A_1562 : i32
        %get3A_1564 = arith.constant 3 : i32
        %get3A_1565 = arith.index_cast %get3A_1564 : i32 to index
        %get3A_1566 = arith.index_cast %add3A_1563 : i32 to index
        %get3A_1567 = arith.constant 0 : index
        %get3A_1568 = tpu.vector_load %arg9[%get3A_1565, %get3A_1566, %get3A_1567] {strides = array<i32>} : memref<8x200x32xf32, #tpu.memory_space<vmem>>, vector<1x1x16xf32>,
        %get3A_1569 = vector.shape_cast %get3A_1568 : vector<1x1x16xf32> to vector<16xf32>
        %add3A_1570 = arith.addf %scan3A_1544, %get3A_1569 : vector<16xf32>
        %add3A_1571 = arith.constant 0 : i32
        %add3A_1572 = arith.addi %mul3A_1561, %add3A_1571 : i32
        %get3A_1573 = arith.constant 3 : i32
        %get3A_1574 = arith.index_cast %get3A_1573 : i32 to index
        %get3A_1575 = arith.index_cast %add3A_1572 : i32 to index
        %get3A_1576 = arith.constant 16 : index
        %get3A_1577 = tpu.vector_load %arg9[%get3A_1574, %get3A_1575, %get3A_1576] {strides = array<i32>} : memref<8x200x32xf32, #tpu.memory_space<vmem>>, vector<1x1x16xf32>,
        %get3A_1578 = vector.shape_cast %get3A_1577 : vector<1x1x16xf32> to vector<16xf32>
        %add3A_1579 = arith.addf %scan3A_1545, %get3A_1578 : vector<16xf32>
        %add3A_1580 = arith.constant 1 : i32
        %add3A_1581 = arith.addi %mul3A_1561, %add3A_1580 : i32
        %get3A_1582 = arith.constant 3 : i32
        %get3A_1583 = arith.index_cast %get3A_1582 : i32 to index
        %get3A_1584 = arith.index_cast %add3A_1581 : i32 to index
        %get3A_1585 = arith.constant 0 : index
        %get3A_1586 = tpu.vector_load %arg9[%get3A_1583, %get3A_1584, %get3A_1585] {strides = array<i32>} : memref<8x200x32xf32, #tpu.memory_space<vmem>>, vector<1x1x16xf32>,
        %get3A_1587 = vector.shape_cast %get3A_1586 : vector<1x1x16xf32> to vector<16xf32>
        %add3A_1588 = arith.addf %scan3A_1546, %get3A_1587 : vector<16xf32>
        %add3A_1589 = arith.constant 1 : i32
        %add3A_1590 = arith.addi %mul3A_1561, %add3A_1589 : i32
        %get3A_1591 = arith.constant 3 : i32
        %get3A_1592 = arith.index_cast %get3A_1591 : i32 to index
        %get3A_1593 = arith.index_cast %add3A_1590 : i32 to index
        %get3A_1594 = arith.constant 16 : index
        %get3A_1595 = tpu.vector_load %arg9[%get3A_1592, %get3A_1593, %get3A_1594] {strides = array<i32>} : memref<8x200x32xf32, #tpu.memory_space<vmem>>, vector<1x1x16xf32>,
        %get3A_1596 = vector.shape_cast %get3A_1595 : vector<1x1x16xf32> to vector<16xf32>
        %add3A_1597 = arith.addf %scan3A_1547, %get3A_1596 : vector<16xf32>
        %add3A_1598 = arith.constant 2 : i32
        %add3A_1599 = arith.addi %mul3A_1561, %add3A_1598 : i32
        %get3A_1600 = arith.constant 3 : i32
        %get3A_1601 = arith.index_cast %get3A_1600 : i32 to index
        %get3A_1602 = arith.index_cast %add3A_1599 : i32 to index
        %get3A_1603 = arith.constant 0 : index
        %get3A_1604 = tpu.vector_load %arg9[%get3A_1601, %get3A_1602, %get3A_1603] {strides = array<i32>} : memref<8x200x32xf32, #tpu.memory_space<vmem>>, vector<1x1x16xf32>,
        %get3A_1605 = vector.shape_cast %get3A_1604 : vector<1x1x16xf32> to vector<16xf32>
        %add3A_1606 = arith.addf %scan3A_1548, %get3A_1605 : vector<16xf32>
        %add3A_1607 = arith.constant 2 : i32
        %add3A_1608 = arith.addi %mul3A_1561, %add3A_1607 : i32
        %get3A_1609 = arith.constant 3 : i32
        %get3A_1610 = arith.index_cast %get3A_1609 : i32 to index
        %get3A_1611 = arith.index_cast %add3A_1608 : i32 to index
        %get3A_1612 = arith.constant 16 : index
        %get3A_1613 = tpu.vector_load %arg9[%get3A_1610, %get3A_1611, %get3A_1612] {strides = array<i32>} : memref<8x200x32xf32, #tpu.memory_space<vmem>>, vector<1x1x16xf32>,
        %get3A_1614 = vector.shape_cast %get3A_1613 : vector<1x1x16xf32> to vector<16xf32>
        %add3A_1615 = arith.addf %scan3A_1549, %get3A_1614 : vector<16xf32>
        %add3A_1616 = arith.constant 3 : i32
        %add3A_1617 = arith.addi %mul3A_1561, %add3A_1616 : i32
        %get3A_1618 = arith.constant 3 : i32
        %get3A_1619 = arith.index_cast %get3A_1618 : i32 to index
        %get3A_1620 = arith.index_cast %add3A_1617 : i32 to index
        %get3A_1621 = arith.constant 0 : index
        %get3A_1622 = tpu.vector_load %arg9[%get3A_1619, %get3A_1620, %get3A_1621] {strides = array<i32>} : memref<8x200x32xf32, #tpu.memory_space<vmem>>, vector<1x1x16xf32>,
        %get3A_1623 = vector.shape_cast %get3A_1622 : vector<1x1x16xf32> to vector<16xf32>
        %add3A_1624 = arith.addf %scan3A_1550, %get3A_1623 : vector<16xf32>
        %add3A_1625 = arith.constant 3 : i32
        %add3A_1626 = arith.addi %mul3A_1561, %add3A_1625 : i32
        %get3A_1627 = arith.constant 3 : i32
        %get3A_1628 = arith.index_cast %get3A_1627 : i32 to index
        %get3A_1629 = arith.index_cast %add3A_1626 : i32 to index
        %get3A_1630 = arith.constant 16 : index
        %get3A_1631 = tpu.vector_load %arg9[%get3A_1628, %get3A_1629, %get3A_1630] {strides = array<i32>} : memref<8x200x32xf32, #tpu.memory_space<vmem>>, vector<1x1x16xf32>,
        %get3A_1632 = vector.shape_cast %get3A_1631 : vector<1x1x16xf32> to vector<16xf32>
        %add3A_1633 = arith.addf %scan3A_1551, %get3A_1632 : vector<16xf32>
        %add3A_1634 = arith.constant 4 : i32
        %add3A_1635 = arith.addi %mul3A_1561, %add3A_1634 : i32
        %get3A_1636 = arith.constant 3 : i32
        %get3A_1637 = arith.index_cast %get3A_1636 : i32 to index
        %get3A_1638 = arith.index_cast %add3A_1635 : i32 to index
        %get3A_1639 = arith.constant 0 : index
        %get3A_1640 = tpu.vector_load %arg9[%get3A_1637, %get3A_1638, %get3A_1639] {strides = array<i32>} : memref<8x200x32xf32, #tpu.memory_space<vmem>>, vector<1x1x16xf32>,
        %get3A_1641 = vector.shape_cast %get3A_1640 : vector<1x1x16xf32> to vector<16xf32>
        %add3A_1642 = arith.addf %scan3A_1552, %get3A_1641 : vector<16xf32>
        %add3A_1643 = arith.constant 4 : i32
        %add3A_1644 = arith.addi %mul3A_1561, %add3A_1643 : i32
        %get3A_1645 = arith.constant 3 : i32
        %get3A_1646 = arith.index_cast %get3A_1645 : i32 to index
        %get3A_1647 = arith.index_cast %add3A_1644 : i32 to index
        %get3A_1648 = arith.constant 16 : index
        %get3A_1649 = tpu.vector_load %arg9[%get3A_1646, %get3A_1647, %get3A_1648] {strides = array<i32>} : memref<8x200x32xf32, #tpu.memory_space<vmem>>, vector<1x1x16xf32>,
        %get3A_1650 = vector.shape_cast %get3A_1649 : vector<1x1x16xf32> to vector<16xf32>
        %add3A_1651 = arith.addf %scan3A_1553, %get3A_1650 : vector<16xf32>
        %add3A_1652 = arith.constant 5 : i32
        %add3A_1653 = arith.addi %mul3A_1561, %add3A_1652 : i32
        %get3A_1654 = arith.constant 3 : i32
        %get3A_1655 = arith.index_cast %get3A_1654 : i32 to index
        %get3A_1656 = arith.index_cast %add3A_1653 : i32 to index
        %get3A_1657 = arith.constant 0 : index
        %get3A_1658 = tpu.vector_load %arg9[%get3A_1655, %get3A_1656, %get3A_1657] {strides = array<i32>} : memref<8x200x32xf32, #tpu.memory_space<vmem>>, vector<1x1x16xf32>,
        %get3A_1659 = vector.shape_cast %get3A_1658 : vector<1x1x16xf32> to vector<16xf32>
        %add3A_1660 = arith.addf %scan3A_1554, %get3A_1659 : vector<16xf32>
        %add3A_1661 = arith.constant 5 : i32
        %add3A_1662 = arith.addi %mul3A_1561, %add3A_1661 : i32
        %get3A_1663 = arith.constant 3 : i32
        %get3A_1664 = arith.index_cast %get3A_1663 : i32 to index
        %get3A_1665 = arith.index_cast %add3A_1662 : i32 to index
        %get3A_1666 = arith.constant 16 : index
        %get3A_1667 = tpu.vector_load %arg9[%get3A_1664, %get3A_1665, %get3A_1666] {strides = array<i32>} : memref<8x200x32xf32, #tpu.memory_space<vmem>>, vector<1x1x16xf32>,
        %get3A_1668 = vector.shape_cast %get3A_1667 : vector<1x1x16xf32> to vector<16xf32>
        %add3A_1669 = arith.addf %scan3A_1555, %get3A_1668 : vector<16xf32>
        %add3A_1670 = arith.constant 6 : i32
        %add3A_1671 = arith.addi %mul3A_1561, %add3A_1670 : i32
        %get3A_1672 = arith.constant 3 : i32
        %get3A_1673 = arith.index_cast %get3A_1672 : i32 to index
        %get3A_1674 = arith.index_cast %add3A_1671 : i32 to index
        %get3A_1675 = arith.constant 0 : index
        %get3A_1676 = tpu.vector_load %arg9[%get3A_1673, %get3A_1674, %get3A_1675] {strides = array<i32>} : memref<8x200x32xf32, #tpu.memory_space<vmem>>, vector<1x1x16xf32>,
        %get3A_1677 = vector.shape_cast %get3A_1676 : vector<1x1x16xf32> to vector<16xf32>
        %add3A_1678 = arith.addf %scan3A_1556, %get3A_1677 : vector<16xf32>
        %add3A_1679 = arith.constant 6 : i32
        %add3A_1680 = arith.addi %mul3A_1561, %add3A_1679 : i32
        %get3A_1681 = arith.constant 3 : i32
        %get3A_1682 = arith.index_cast %get3A_1681 : i32 to index
        %get3A_1683 = arith.index_cast %add3A_1680 : i32 to index
        %get3A_1684 = arith.constant 16 : index
        %get3A_1685 = tpu.vector_load %arg9[%get3A_1682, %get3A_1683, %get3A_1684] {strides = array<i32>} : memref<8x200x32xf32, #tpu.memory_space<vmem>>, vector<1x1x16xf32>,
        %get3A_1686 = vector.shape_cast %get3A_1685 : vector<1x1x16xf32> to vector<16xf32>
        %add3A_1687 = arith.addf %scan3A_1557, %get3A_1686 : vector<16xf32>
        %add3A_1688 = arith.constant 7 : i32
        %add3A_1689 = arith.addi %mul3A_1561, %add3A_1688 : i32
        %get3A_1690 = arith.constant 3 : i32
        %get3A_1691 = arith.index_cast %get3A_1690 : i32 to index
        %get3A_1692 = arith.index_cast %add3A_1689 : i32 to index
        %get3A_1693 = arith.constant 0 : index
        %get3A_1694 = tpu.vector_load %arg9[%get3A_1691, %get3A_1692, %get3A_1693] {strides = array<i32>} : memref<8x200x32xf32, #tpu.memory_space<vmem>>, vector<1x1x16xf32>,
        %get3A_1695 = vector.shape_cast %get3A_1694 : vector<1x1x16xf32> to vector<16xf32>
        %add3A_1696 = arith.addf %scan3A_1558, %get3A_1695 : vector<16xf32>
        %add3A_1697 = arith.constant 7 : i32
        %add3A_1698 = arith.addi %mul3A_1561, %add3A_1697 : i32
        %get3A_1699 = arith.constant 3 : i32
        %get3A_1700 = arith.index_cast %get3A_1699 : i32 to index
        %get3A_1701 = arith.index_cast %add3A_1698 : i32 to index
        %get3A_1702 = arith.constant 16 : index
        %get3A_1703 = tpu.vector_load %arg9[%get3A_1700, %get3A_1701, %get3A_1702] {strides = array<i32>} : memref<8x200x32xf32, #tpu.memory_space<vmem>>, vector<1x1x16xf32>,
        %get3A_1704 = vector.shape_cast %get3A_1703 : vector<1x1x16xf32> to vector<16xf32>
        %add3A_1705 = arith.addf %scan3A_1559, %get3A_1704 : vector<16xf32>
        scf.yield %add3A_1570, %add3A_1579, %add3A_1588, %add3A_1597, %add3A_1606, %add3A_1615, %add3A_1624, %add3A_1633, %add3A_1642, %add3A_1651, %add3A_1660, %add3A_1669, %add3A_1678, %add3A_1687, %add3A_1696, %add3A_1705 : vector<16xf32>, vector<16xf32>, vector<16xf32>, vector<16xf32>, vector<16xf32>, vector<16xf32>, vector<16xf32>, vector<16xf32>, vector<16xf32>, vector<16xf32>, vector<16xf32>, vector<16xf32>, vector<16xf32>, vector<16xf32>, vector<16xf32>, vector<16xf32>
      }
      %scan3A_852 = arith.constant 25 : i32
      %add3A_853 = arith.addf %scan3A_851#0, %scan3A_851#2 : vector<16xf32>
      %add3A_854 = arith.addf %scan3A_851#1, %scan3A_851#3 : vector<16xf32>
      %add3A_855 = arith.addf %add3A_853, %scan3A_851#4 : vector<16xf32>
      %add3A_856 = arith.addf %add3A_854, %scan3A_851#5 : vector<16xf32>
      %add3A_857 = arith.addf %add3A_855, %scan3A_851#6 : vector<16xf32>
      %add3A_858 = arith.addf %add3A_856, %scan3A_851#7 : vector<16xf32>
      %add3A_859 = arith.addf %add3A_857, %scan3A_851#8 : vector<16xf32>
      %add3A_860 = arith.addf %add3A_858, %scan3A_851#9 : vector<16xf32>
      %add3A_861 = arith.addf %add3A_859, %scan3A_851#10 : vector<16xf32>
      %add3A_862 = arith.addf %add3A_860, %scan3A_851#11 : vector<16xf32>
      %add3A_863 = arith.addf %add3A_861, %scan3A_851#12 : vector<16xf32>
      %add3A_864 = arith.addf %add3A_862, %scan3A_851#13 : vector<16xf32>
      %add3A_865 = arith.addf %add3A_863, %scan3A_851#14 : vector<16xf32>
      %add3A_866 = arith.addf %add3A_864, %scan3A_851#15 : vector<16xf32>
      %rem3A_867 = arith.constant 16 : i32
      %rem3A_868 = arith.remsi %add3A_781, %rem3A_867 : i32
      %sub3A_869 = arith.subi %add3A_781, %rem3A_868 : i32
      %get3A_870 = arith.index_cast %sub3A_869 : i32 to index
      %get3A_871 = tpu.vector_load %arg8[%get3A_870] {strides = array<i32>} : memref<512xf32, #tpu.memory_space<vmem>>, vector<16xf32>,
      %get3A_872 = vector.shape_cast %get3A_871 : vector<16xf32> to vector<16xf32>
      %broadcast_in_dim3A_873 = vector.broadcast %rem3A_868 : i32 to vector<16xi32>
      %lt3A_874 = arith.constant 0 : i32
      %lt3A_875 = vector.broadcast %lt3A_874 : i32 to vector<16xi32>
      %lt3A_876 = arith.cmpi slt, %broadcast_in_dim3A_873, %lt3A_875 : vector<16xi32>
      %add3A_877 = arith.constant 16 : i32
      %add3A_878 = vector.broadcast %add3A_877 : i32 to vector<16xi32>
      %add3A_879 = arith.addi %broadcast_in_dim3A_873, %add3A_878 : vector<16xi32>
      %select_n3A_880 = arith.select %lt3A_876, %add3A_879, %broadcast_in_dim3A_873 : vector<16xi1>, vector<16xi32>
      %reshape3A_881 = vector.shape_cast %select_n3A_880 : vector<16xi32> to vector<16x1xi32>
      %gather3A_882 = vector.shape_cast %reshape3A_881 : vector<16x1xi32> to vector<16xi32>
      %gather3A_883 = tpu.dynamic_gather %get3A_872[%gather3A_882] in [0] : vector<16xf32>, vector<16xi32> -> vector<16xf32>
      %jit3A_884 = arith.constant 64 : i32
      %div3A_885 = arith.divsi %add3A_781, %jit3A_884 : i32
      %sign3A_886 = arith.constant 0 : i32
      %sign3A_887 = arith.cmpi sgt, %add3A_781, %sign3A_886 : i32
      %sign3A_888 = arith.extui %sign3A_887 : i1 to i32
      %sign3A_889 = arith.constant 0 : i32
      %sign3A_890 = arith.cmpi slt, %add3A_781, %sign3A_889 : i32
      %sign3A_891 = arith.extui %sign3A_890 : i1 to i32
      %sign3A_892 = arith.subi %sign3A_888, %sign3A_891 : i32
      %sign3A_893 = arith.constant 0 : i32
      %sign3A_894 = arith.cmpi sgt, %jit3A_884, %sign3A_893 : i32
      %sign3A_895 = arith.extui %sign3A_894 : i1 to i32
      %sign3A_896 = arith.constant 0 : i32
      %sign3A_897 = arith.cmpi slt, %jit3A_884, %sign3A_896 : i32
      %sign3A_898 = arith.extui %sign3A_897 : i1 to i32
      %sign3A_899 = arith.subi %sign3A_895, %sign3A_898 : i32
      %ne3A_900 = arith.cmpi ne, %sign3A_892, %sign3A_899 : i32
      %rem3A_901 = arith.remsi %add3A_781, %jit3A_884 : i32
      %ne3A_902 = arith.constant 0 : i32
      %ne3A_903 = arith.cmpi ne, %rem3A_901, %ne3A_902 : i32
      %and3A_904 = arith.andi %ne3A_900, %ne3A_903 : i1
      %sub3A_905 = arith.constant 1 : i32
      %sub3A_906 = arith.subi %div3A_885, %sub3A_905 : i32
      %select_n3A_907 = arith.select %and3A_904, %sub3A_906, %div3A_885 : i32
      %rem3A_908 = arith.constant 2 : i32
      %rem3A_909 = arith.remsi %select_n3A_907, %rem3A_908 : i32
      %rem3A_910 = arith.constant 64 : i32
      %rem3A_911 = arith.remsi %add3A_781, %rem3A_910 : i32
      %mul3A_912 = arith.mulf %add3A_865, %gather3A_883 : vector<16xf32>
      %mul3A_913 = arith.constant 32 : i32
      %mul3A_914 = arith.muli %rem3A_911, %mul3A_913 : i32
      %swap3A_915 = arith.index_cast %rem3A_909 : i32 to index
      %swap3A_916 = arith.index_cast %mul3A_914 : i32 to index
      %swap3A_917 = tpu.vector_load %arg10[%swap3A_915, %swap3A_916] {strides = array<i32>} : memref<2x2048xf32, #tpu.memory_space<vmem>>, vector<1x16xf32>,
      %swap3A_918 = vector.shape_cast %swap3A_917 : vector<1x16xf32> to vector<16xf32>
      %swap3A_919 = vector.shape_cast %mul3A_912 : vector<16xf32> to vector<1x16xf32>
      tpu.vector_store %arg10[%swap3A_915, %swap3A_916], %swap3A_919 {strides = array<i32>} : memref<2x2048xf32, #tpu.memory_space<vmem>>, vector<1x16xf32>,
      %mul3A_920 = arith.mulf %add3A_866, %gather3A_883 : vector<16xf32>
      %mul3A_921 = arith.constant 32 : i32
      %mul3A_922 = arith.muli %rem3A_911, %mul3A_921 : i32
      %add3A_923 = arith.constant 16 : i32
      %add3A_924 = arith.addi %mul3A_922, %add3A_923 : i32
      %swap3A_925 = arith.index_cast %rem3A_909 : i32 to index
      %swap3A_926 = arith.index_cast %add3A_924 : i32 to index
      %swap3A_927 = tpu.vector_load %arg10[%swap3A_925, %swap3A_926] {strides = array<i32>} : memref<2x2048xf32, #tpu.memory_space<vmem>>, vector<1x16xf32>,
      %swap3A_928 = vector.shape_cast %swap3A_927 : vector<1x16xf32> to vector<16xf32>
      %swap3A_929 = vector.shape_cast %mul3A_920 : vector<16xf32> to vector<1x16xf32>
      tpu.vector_store %arg10[%swap3A_925, %swap3A_926], %swap3A_929 {strides = array<i32>} : memref<2x2048xf32, #tpu.memory_space<vmem>>, vector<1x16xf32>,
      %mul3A_930 = arith.constant 8 : i32
      %mul3A_931 = arith.muli %mul3A_930, %scan3A_284 : i32
      %add3A_932 = arith.constant 4 : i32
      %add3A_933 = arith.addi %mul3A_931, %add3A_932 : i32
      %add3A_934 = arith.constant 8 : i32
      %add3A_935 = arith.addi %add3A_933, %add3A_934 : i32
      %sub3A_936 = arith.constant 1 : i32
      %sub3A_937 = arith.subi %add3A_935, %sub3A_936 : i32
      %lt3A_938 = arith.constant 512 : i32
      %lt3A_939 = arith.cmpi slt, %sub3A_937, %lt3A_938 : i32
      %convert_element_type3A_940 = arith.extui %lt3A_939 : i1 to i32
      %cond3A_941 = arith.constant 0 : i32
      %cond3A_942 = arith.cmpi ne, %convert_element_type3A_940, %cond3A_941 : i32
      scf.if %cond3A_942 {
        %jit3A_1543 = arith.constant 64 : i32
        %div3A_1544 = arith.divsi %sub3A_937, %jit3A_1543 : i32
        %sign3A_1545 = arith.constant 0 : i32
        %sign3A_1546 = arith.cmpi sgt, %sub3A_937, %sign3A_1545 : i32
        %sign3A_1547 = arith.extui %sign3A_1546 : i1 to i32
        %sign3A_1548 = arith.constant 0 : i32
        %sign3A_1549 = arith.cmpi slt, %sub3A_937, %sign3A_1548 : i32
        %sign3A_1550 = arith.extui %sign3A_1549 : i1 to i32
        %sign3A_1551 = arith.subi %sign3A_1547, %sign3A_1550 : i32
        %sign3A_1552 = arith.constant 0 : i32
        %sign3A_1553 = arith.cmpi sgt, %jit3A_1543, %sign3A_1552 : i32
        %sign3A_1554 = arith.extui %sign3A_1553 : i1 to i32
        %sign3A_1555 = arith.constant 0 : i32
        %sign3A_1556 = arith.cmpi slt, %jit3A_1543, %sign3A_1555 : i32
        %sign3A_1557 = arith.extui %sign3A_1556 : i1 to i32
        %sign3A_1558 = arith.subi %sign3A_1554, %sign3A_1557 : i32
        %ne3A_1559 = arith.cmpi ne, %sign3A_1551, %sign3A_1558 : i32
        %rem3A_1560 = arith.remsi %sub3A_937, %jit3A_1543 : i32
        %ne3A_1561 = arith.constant 0 : i32
        %ne3A_1562 = arith.cmpi ne, %rem3A_1560, %ne3A_1561 : i32
        %and3A_1563 = arith.andi %ne3A_1559, %ne3A_1562 : i1
        %sub3A_1564 = arith.constant 1 : i32
        %sub3A_1565 = arith.subi %div3A_1544, %sub3A_1564 : i32
        %select_n3A_1566 = arith.select %and3A_1563, %sub3A_1565, %div3A_1544 : i32
        %rem3A_1567 = arith.constant 2 : i32
        %rem3A_1568 = arith.remsi %select_n3A_1566, %rem3A_1567 : i32
        %rem3A_1569 = arith.constant 64 : i32
        %rem3A_1570 = arith.remsi %sub3A_937, %rem3A_1569 : i32
        %mul3A_1571 = arith.constant 200 : i32
        %mul3A_1572 = arith.muli %rem3A_1570, %mul3A_1571 : i32
        %mul3A_1573 = arith.constant 200 : i32
        %mul3A_1574 = arith.muli %rem3A_1570, %mul3A_1573 : i32
        %add3A_1575 = arith.constant 96 : i32
        %add3A_1576 = arith.addi %mul3A_1574, %add3A_1575 : i32
        %dma_start3A_1577 = arith.constant 3 : i32
        %dma_start3A_1578 = arith.constant 0 : i32
        %dma_start3A_1579 = arith.constant 0 : i32
        %dma_start3A_1580 = tpu.memref_slice %arg9[%dma_start3A_1577, %dma_start3A_1578, %dma_start3A_1579] : memref<8x200x32xf32, #tpu.memory_space<vmem>> -> memref<1x96x32xf32, #tpu.memory_space<vmem>>
        %dma_start3A_1581 = tpu.memref_squeeze %dma_start3A_1580 : memref<1x96x32xf32, #tpu.memory_space<vmem>> -> memref<96x32xf32, #tpu.memory_space<vmem>>
        %dma_start3A_1582 = tpu.memref_slice %arg6[%rem3A_1568, %mul3A_1572] : memref<2x12800xi32, #tpu.memory_space<vmem>> -> memref<1x96xi32, #tpu.memory_space<vmem>>
        %dma_start3A_1583 = tpu.memref_squeeze %dma_start3A_1582 : memref<1x96xi32, #tpu.memory_space<vmem>> -> memref<96xi32, #tpu.memory_space<vmem>>
        %dma_start3A_1584 = arith.constant 0 : i32
        %dma_start3A_1585 = arith.constant 0 : i32
        %dma_start3A_1586 = tpu.memref_slice %arg4[%dma_start3A_1584, %dma_start3A_1585] : memref<1000000x32xf32, #tpu.memory_space<hbm>> -> memref<1000000x32xf32, #tpu.memory_space<hbm>>
        tpu.enqueue_indirect_dma source(%dma_start3A_1586 : memref<1000000x32xf32, #tpu.memory_space<hbm>>) target(%dma_start3A_1581 : memref<96x32xf32, #tpu.memory_space<vmem>>) offsets(%dma_start3A_1583 : memref<96xi32, #tpu.memory_space<vmem>>) semaphore(%arg14 : memref<!tpu.dma_semaphore, #tpu.memory_space<semaphore_mem>>)
        %dma_start3A_1587 = arith.constant 3 : i32
        %dma_start3A_1588 = arith.constant 96 : i32
        %dma_start3A_1589 = arith.constant 0 : i32
        %dma_start3A_1590 = tpu.memref_slice %arg9[%dma_start3A_1587, %dma_start3A_1588, %dma_start3A_1589] : memref<8x200x32xf32, #tpu.memory_space<vmem>> -> memref<1x104x32xf32, #tpu.memory_space<vmem>>
        %dma_start3A_1591 = tpu.memref_squeeze %dma_start3A_1590 : memref<1x104x32xf32, #tpu.memory_space<vmem>> -> memref<104x32xf32, #tpu.memory_space<vmem>>
        %dma_start3A_1592 = tpu.memref_slice %arg6[%rem3A_1568, %add3A_1576] : memref<2x12800xi32, #tpu.memory_space<vmem>> -> memref<1x104xi32, #tpu.memory_space<vmem>>
        %dma_start3A_1593 = tpu.memref_squeeze %dma_start3A_1592 : memref<1x104xi32, #tpu.memory_space<vmem>> -> memref<104xi32, #tpu.memory_space<vmem>>
        %dma_start3A_1594 = arith.constant 0 : i32
        %dma_start3A_1595 = arith.constant 0 : i32
        %dma_start3A_1596 = tpu.memref_slice %arg4[%dma_start3A_1594, %dma_start3A_1595] : memref<1000000x32xf32, #tpu.memory_space<hbm>> -> memref<1000000x32xf32, #tpu.memory_space<hbm>>
        tpu.enqueue_indirect_dma source(%dma_start3A_1596 : memref<1000000x32xf32, #tpu.memory_space<hbm>>) target(%dma_start3A_1591 : memref<104x32xf32, #tpu.memory_space<vmem>>) offsets(%dma_start3A_1593 : memref<104xi32, #tpu.memory_space<vmem>>) semaphore(%arg14 : memref<!tpu.dma_semaphore, #tpu.memory_space<semaphore_mem>>)
      } else {
      }
      %jit3A_943 = arith.constant 64 : i32
      %div3A_944 = arith.divsi %add3A_933, %jit3A_943 : i32
      %sign3A_945 = arith.constant 0 : i32
      %sign3A_946 = arith.cmpi sgt, %add3A_933, %sign3A_945 : i32
      %sign3A_947 = arith.extui %sign3A_946 : i1 to i32
      %sign3A_948 = arith.constant 0 : i32
      %sign3A_949 = arith.cmpi slt, %add3A_933, %sign3A_948 : i32
      %sign3A_950 = arith.extui %sign3A_949 : i1 to i32
      %sign3A_951 = arith.subi %sign3A_947, %sign3A_950 : i32
      %sign3A_952 = arith.constant 0 : i32
      %sign3A_953 = arith.cmpi sgt, %jit3A_943, %sign3A_952 : i32
      %sign3A_954 = arith.extui %sign3A_953 : i1 to i32
      %sign3A_955 = arith.constant 0 : i32
      %sign3A_956 = arith.cmpi slt, %jit3A_943, %sign3A_955 : i32
      %sign3A_957 = arith.extui %sign3A_956 : i1 to i32
      %sign3A_958 = arith.subi %sign3A_954, %sign3A_957 : i32
      %ne3A_959 = arith.cmpi ne, %sign3A_951, %sign3A_958 : i32
      %rem3A_960 = arith.remsi %add3A_933, %jit3A_943 : i32
      %ne3A_961 = arith.constant 0 : i32
      %ne3A_962 = arith.cmpi ne, %rem3A_960, %ne3A_961 : i32
      %and3A_963 = arith.andi %ne3A_959, %ne3A_962 : i1
      %sub3A_964 = arith.constant 1 : i32
      %sub3A_965 = arith.subi %div3A_944, %sub3A_964 : i32
      %select_n3A_966 = arith.select %and3A_963, %sub3A_965, %div3A_944 : i32
      %rem3A_967 = arith.constant 2 : i32
      %rem3A_968 = arith.remsi %select_n3A_966, %rem3A_967 : i32
      %rem3A_969 = arith.constant 64 : i32
      %rem3A_970 = arith.remsi %add3A_933, %rem3A_969 : i32
      %mul3A_971 = arith.constant 200 : i32
      %mul3A_972 = arith.muli %rem3A_970, %mul3A_971 : i32
      %mul3A_973 = arith.constant 200 : i32
      %mul3A_974 = arith.muli %rem3A_970, %mul3A_973 : i32
      %add3A_975 = arith.constant 96 : i32
      %add3A_976 = arith.addi %mul3A_974, %add3A_975 : i32
      %dma_wait3A_977 = arith.constant 4 : i32
      %dma_wait3A_978 = arith.constant 0 : i32
      %dma_wait3A_979 = arith.constant 0 : i32
      %dma_wait3A_980 = tpu.memref_slice %arg9[%dma_wait3A_977, %dma_wait3A_978, %dma_wait3A_979] : memref<8x200x32xf32, #tpu.memory_space<vmem>> -> memref<1x96x32xf32, #tpu.memory_space<vmem>>
      %dma_wait3A_981 = tpu.memref_squeeze %dma_wait3A_980 : memref<1x96x32xf32, #tpu.memory_space<vmem>> -> memref<96x32xf32, #tpu.memory_space<vmem>>
      %dma_wait3A_982 = tpu.memref_slice %arg6[%rem3A_968, %mul3A_972] : memref<2x12800xi32, #tpu.memory_space<vmem>> -> memref<1x96xi32, #tpu.memory_space<vmem>>
      %dma_wait3A_983 = tpu.memref_squeeze %dma_wait3A_982 : memref<1x96xi32, #tpu.memory_space<vmem>> -> memref<96xi32, #tpu.memory_space<vmem>>
      %dma_wait3A_984 = arith.constant 0 : i32
      %dma_wait3A_985 = arith.constant 0 : i32
      %dma_wait3A_986 = tpu.memref_slice %arg4[%dma_wait3A_984, %dma_wait3A_985] : memref<1000000x32xf32, #tpu.memory_space<hbm>> -> memref<1000000x32xf32, #tpu.memory_space<hbm>>
      tpu.wait_indirect_dma semaphore(%arg15 : memref<!tpu.dma_semaphore, #tpu.memory_space<semaphore_mem>>) src(%dma_wait3A_986 : memref<1000000x32xf32, #tpu.memory_space<hbm>>) dst(%dma_wait3A_981 : memref<96x32xf32, #tpu.memory_space<vmem>>)
      %dma_wait3A_987 = arith.constant 4 : i32
      %dma_wait3A_988 = arith.constant 96 : i32
      %dma_wait3A_989 = arith.constant 0 : i32
      %dma_wait3A_990 = tpu.memref_slice %arg9[%dma_wait3A_987, %dma_wait3A_988, %dma_wait3A_989] : memref<8x200x32xf32, #tpu.memory_space<vmem>> -> memref<1x104x32xf32, #tpu.memory_space<vmem>>
      %dma_wait3A_991 = tpu.memref_squeeze %dma_wait3A_990 : memref<1x104x32xf32, #tpu.memory_space<vmem>> -> memref<104x32xf32, #tpu.memory_space<vmem>>
      %dma_wait3A_992 = tpu.memref_slice %arg6[%rem3A_968, %add3A_976] : memref<2x12800xi32, #tpu.memory_space<vmem>> -> memref<1x104xi32, #tpu.memory_space<vmem>>
      %dma_wait3A_993 = tpu.memref_squeeze %dma_wait3A_992 : memref<1x104xi32, #tpu.memory_space<vmem>> -> memref<104xi32, #tpu.memory_space<vmem>>
      %dma_wait3A_994 = arith.constant 0 : i32
      %dma_wait3A_995 = arith.constant 0 : i32
      %dma_wait3A_996 = tpu.memref_slice %arg4[%dma_wait3A_994, %dma_wait3A_995] : memref<1000000x32xf32, #tpu.memory_space<hbm>> -> memref<1000000x32xf32, #tpu.memory_space<hbm>>
      tpu.wait_indirect_dma semaphore(%arg15 : memref<!tpu.dma_semaphore, #tpu.memory_space<semaphore_mem>>) src(%dma_wait3A_996 : memref<1000000x32xf32, #tpu.memory_space<hbm>>) dst(%dma_wait3A_991 : memref<104x32xf32, #tpu.memory_space<vmem>>)
      %broadcast_in_dim3A_997 = arith.constant 0.000000e+00 : f32
      %broadcast_in_dim3A_998 = vector.broadcast %broadcast_in_dim3A_997 : f32 to vector<16xf32>
      %scan3A_999 = arith.constant 0 : i32
      %scan3A_1000 = arith.constant 25 : i32
      %scan3A_1001 = arith.addi %scan3A_999, %scan3A_1000 : i32
      %scan3A_1002 = arith.constant 1 : i32
      %scan3A_1003:16 = scf.for %scan3A_1543 = %scan3A_999 to %scan3A_1001 step %scan3A_1002 iter_args(%scan3A_1544 = %broadcast_in_dim3A_998, %scan3A_1545 = %broadcast_in_dim3A_998, %scan3A_1546 = %broadcast_in_dim3A_998, %scan3A_1547 = %broadcast_in_dim3A_998, %scan3A_1548 = %broadcast_in_dim3A_998, %scan3A_1549 = %broadcast_in_dim3A_998, %scan3A_1550 = %broadcast_in_dim3A_998, %scan3A_1551 = %broadcast_in_dim3A_998, %scan3A_1552 = %broadcast_in_dim3A_998, %scan3A_1553 = %broadcast_in_dim3A_998, %scan3A_1554 = %broadcast_in_dim3A_998, %scan3A_1555 = %broadcast_in_dim3A_998, %scan3A_1556 = %broadcast_in_dim3A_998, %scan3A_1557 = %broadcast_in_dim3A_998, %scan3A_1558 = %broadcast_in_dim3A_998, %scan3A_1559 = %broadcast_in_dim3A_998) -> (vector<16xf32>, vector<16xf32>, vector<16xf32>, vector<16xf32>, vector<16xf32>, vector<16xf32>, vector<16xf32>, vector<16xf32>, vector<16xf32>, vector<16xf32>, vector<16xf32>, vector<16xf32>, vector<16xf32>, vector<16xf32>, vector<16xf32>, vector<16xf32>)  : i32 {
        %mul3A_1560 = arith.constant 8 : i32
        %mul3A_1561 = arith.muli %scan3A_1543, %mul3A_1560 : i32
        %add3A_1562 = arith.constant 0 : i32
        %add3A_1563 = arith.addi %mul3A_1561, %add3A_1562 : i32
        %get3A_1564 = arith.constant 4 : i32
        %get3A_1565 = arith.index_cast %get3A_1564 : i32 to index
        %get3A_1566 = arith.index_cast %add3A_1563 : i32 to index
        %get3A_1567 = arith.constant 0 : index
        %get3A_1568 = tpu.vector_load %arg9[%get3A_1565, %get3A_1566, %get3A_1567] {strides = array<i32>} : memref<8x200x32xf32, #tpu.memory_space<vmem>>, vector<1x1x16xf32>,
        %get3A_1569 = vector.shape_cast %get3A_1568 : vector<1x1x16xf32> to vector<16xf32>
        %add3A_1570 = arith.addf %scan3A_1544, %get3A_1569 : vector<16xf32>
        %add3A_1571 = arith.constant 0 : i32
        %add3A_1572 = arith.addi %mul3A_1561, %add3A_1571 : i32
        %get3A_1573 = arith.constant 4 : i32
        %get3A_1574 = arith.index_cast %get3A_1573 : i32 to index
        %get3A_1575 = arith.index_cast %add3A_1572 : i32 to index
        %get3A_1576 = arith.constant 16 : index
        %get3A_1577 = tpu.vector_load %arg9[%get3A_1574, %get3A_1575, %get3A_1576] {strides = array<i32>} : memref<8x200x32xf32, #tpu.memory_space<vmem>>, vector<1x1x16xf32>,
        %get3A_1578 = vector.shape_cast %get3A_1577 : vector<1x1x16xf32> to vector<16xf32>
        %add3A_1579 = arith.addf %scan3A_1545, %get3A_1578 : vector<16xf32>
        %add3A_1580 = arith.constant 1 : i32
        %add3A_1581 = arith.addi %mul3A_1561, %add3A_1580 : i32
        %get3A_1582 = arith.constant 4 : i32
        %get3A_1583 = arith.index_cast %get3A_1582 : i32 to index
        %get3A_1584 = arith.index_cast %add3A_1581 : i32 to index
        %get3A_1585 = arith.constant 0 : index
        %get3A_1586 = tpu.vector_load %arg9[%get3A_1583, %get3A_1584, %get3A_1585] {strides = array<i32>} : memref<8x200x32xf32, #tpu.memory_space<vmem>>, vector<1x1x16xf32>,
        %get3A_1587 = vector.shape_cast %get3A_1586 : vector<1x1x16xf32> to vector<16xf32>
        %add3A_1588 = arith.addf %scan3A_1546, %get3A_1587 : vector<16xf32>
        %add3A_1589 = arith.constant 1 : i32
        %add3A_1590 = arith.addi %mul3A_1561, %add3A_1589 : i32
        %get3A_1591 = arith.constant 4 : i32
        %get3A_1592 = arith.index_cast %get3A_1591 : i32 to index
        %get3A_1593 = arith.index_cast %add3A_1590 : i32 to index
        %get3A_1594 = arith.constant 16 : index
        %get3A_1595 = tpu.vector_load %arg9[%get3A_1592, %get3A_1593, %get3A_1594] {strides = array<i32>} : memref<8x200x32xf32, #tpu.memory_space<vmem>>, vector<1x1x16xf32>,
        %get3A_1596 = vector.shape_cast %get3A_1595 : vector<1x1x16xf32> to vector<16xf32>
        %add3A_1597 = arith.addf %scan3A_1547, %get3A_1596 : vector<16xf32>
        %add3A_1598 = arith.constant 2 : i32
        %add3A_1599 = arith.addi %mul3A_1561, %add3A_1598 : i32
        %get3A_1600 = arith.constant 4 : i32
        %get3A_1601 = arith.index_cast %get3A_1600 : i32 to index
        %get3A_1602 = arith.index_cast %add3A_1599 : i32 to index
        %get3A_1603 = arith.constant 0 : index
        %get3A_1604 = tpu.vector_load %arg9[%get3A_1601, %get3A_1602, %get3A_1603] {strides = array<i32>} : memref<8x200x32xf32, #tpu.memory_space<vmem>>, vector<1x1x16xf32>,
        %get3A_1605 = vector.shape_cast %get3A_1604 : vector<1x1x16xf32> to vector<16xf32>
        %add3A_1606 = arith.addf %scan3A_1548, %get3A_1605 : vector<16xf32>
        %add3A_1607 = arith.constant 2 : i32
        %add3A_1608 = arith.addi %mul3A_1561, %add3A_1607 : i32
        %get3A_1609 = arith.constant 4 : i32
        %get3A_1610 = arith.index_cast %get3A_1609 : i32 to index
        %get3A_1611 = arith.index_cast %add3A_1608 : i32 to index
        %get3A_1612 = arith.constant 16 : index
        %get3A_1613 = tpu.vector_load %arg9[%get3A_1610, %get3A_1611, %get3A_1612] {strides = array<i32>} : memref<8x200x32xf32, #tpu.memory_space<vmem>>, vector<1x1x16xf32>,
        %get3A_1614 = vector.shape_cast %get3A_1613 : vector<1x1x16xf32> to vector<16xf32>
        %add3A_1615 = arith.addf %scan3A_1549, %get3A_1614 : vector<16xf32>
        %add3A_1616 = arith.constant 3 : i32
        %add3A_1617 = arith.addi %mul3A_1561, %add3A_1616 : i32
        %get3A_1618 = arith.constant 4 : i32
        %get3A_1619 = arith.index_cast %get3A_1618 : i32 to index
        %get3A_1620 = arith.index_cast %add3A_1617 : i32 to index
        %get3A_1621 = arith.constant 0 : index
        %get3A_1622 = tpu.vector_load %arg9[%get3A_1619, %get3A_1620, %get3A_1621] {strides = array<i32>} : memref<8x200x32xf32, #tpu.memory_space<vmem>>, vector<1x1x16xf32>,
        %get3A_1623 = vector.shape_cast %get3A_1622 : vector<1x1x16xf32> to vector<16xf32>
        %add3A_1624 = arith.addf %scan3A_1550, %get3A_1623 : vector<16xf32>
        %add3A_1625 = arith.constant 3 : i32
        %add3A_1626 = arith.addi %mul3A_1561, %add3A_1625 : i32
        %get3A_1627 = arith.constant 4 : i32
        %get3A_1628 = arith.index_cast %get3A_1627 : i32 to index
        %get3A_1629 = arith.index_cast %add3A_1626 : i32 to index
        %get3A_1630 = arith.constant 16 : index
        %get3A_1631 = tpu.vector_load %arg9[%get3A_1628, %get3A_1629, %get3A_1630] {strides = array<i32>} : memref<8x200x32xf32, #tpu.memory_space<vmem>>, vector<1x1x16xf32>,
        %get3A_1632 = vector.shape_cast %get3A_1631 : vector<1x1x16xf32> to vector<16xf32>
        %add3A_1633 = arith.addf %scan3A_1551, %get3A_1632 : vector<16xf32>
        %add3A_1634 = arith.constant 4 : i32
        %add3A_1635 = arith.addi %mul3A_1561, %add3A_1634 : i32
        %get3A_1636 = arith.constant 4 : i32
        %get3A_1637 = arith.index_cast %get3A_1636 : i32 to index
        %get3A_1638 = arith.index_cast %add3A_1635 : i32 to index
        %get3A_1639 = arith.constant 0 : index
        %get3A_1640 = tpu.vector_load %arg9[%get3A_1637, %get3A_1638, %get3A_1639] {strides = array<i32>} : memref<8x200x32xf32, #tpu.memory_space<vmem>>, vector<1x1x16xf32>,
        %get3A_1641 = vector.shape_cast %get3A_1640 : vector<1x1x16xf32> to vector<16xf32>
        %add3A_1642 = arith.addf %scan3A_1552, %get3A_1641 : vector<16xf32>
        %add3A_1643 = arith.constant 4 : i32
        %add3A_1644 = arith.addi %mul3A_1561, %add3A_1643 : i32
        %get3A_1645 = arith.constant 4 : i32
        %get3A_1646 = arith.index_cast %get3A_1645 : i32 to index
        %get3A_1647 = arith.index_cast %add3A_1644 : i32 to index
        %get3A_1648 = arith.constant 16 : index
        %get3A_1649 = tpu.vector_load %arg9[%get3A_1646, %get3A_1647, %get3A_1648] {strides = array<i32>} : memref<8x200x32xf32, #tpu.memory_space<vmem>>, vector<1x1x16xf32>,
        %get3A_1650 = vector.shape_cast %get3A_1649 : vector<1x1x16xf32> to vector<16xf32>
        %add3A_1651 = arith.addf %scan3A_1553, %get3A_1650 : vector<16xf32>
        %add3A_1652 = arith.constant 5 : i32
        %add3A_1653 = arith.addi %mul3A_1561, %add3A_1652 : i32
        %get3A_1654 = arith.constant 4 : i32
        %get3A_1655 = arith.index_cast %get3A_1654 : i32 to index
        %get3A_1656 = arith.index_cast %add3A_1653 : i32 to index
        %get3A_1657 = arith.constant 0 : index
        %get3A_1658 = tpu.vector_load %arg9[%get3A_1655, %get3A_1656, %get3A_1657] {strides = array<i32>} : memref<8x200x32xf32, #tpu.memory_space<vmem>>, vector<1x1x16xf32>,
        %get3A_1659 = vector.shape_cast %get3A_1658 : vector<1x1x16xf32> to vector<16xf32>
        %add3A_1660 = arith.addf %scan3A_1554, %get3A_1659 : vector<16xf32>
        %add3A_1661 = arith.constant 5 : i32
        %add3A_1662 = arith.addi %mul3A_1561, %add3A_1661 : i32
        %get3A_1663 = arith.constant 4 : i32
        %get3A_1664 = arith.index_cast %get3A_1663 : i32 to index
        %get3A_1665 = arith.index_cast %add3A_1662 : i32 to index
        %get3A_1666 = arith.constant 16 : index
        %get3A_1667 = tpu.vector_load %arg9[%get3A_1664, %get3A_1665, %get3A_1666] {strides = array<i32>} : memref<8x200x32xf32, #tpu.memory_space<vmem>>, vector<1x1x16xf32>,
        %get3A_1668 = vector.shape_cast %get3A_1667 : vector<1x1x16xf32> to vector<16xf32>
        %add3A_1669 = arith.addf %scan3A_1555, %get3A_1668 : vector<16xf32>
        %add3A_1670 = arith.constant 6 : i32
        %add3A_1671 = arith.addi %mul3A_1561, %add3A_1670 : i32
        %get3A_1672 = arith.constant 4 : i32
        %get3A_1673 = arith.index_cast %get3A_1672 : i32 to index
        %get3A_1674 = arith.index_cast %add3A_1671 : i32 to index
        %get3A_1675 = arith.constant 0 : index
        %get3A_1676 = tpu.vector_load %arg9[%get3A_1673, %get3A_1674, %get3A_1675] {strides = array<i32>} : memref<8x200x32xf32, #tpu.memory_space<vmem>>, vector<1x1x16xf32>,
        %get3A_1677 = vector.shape_cast %get3A_1676 : vector<1x1x16xf32> to vector<16xf32>
        %add3A_1678 = arith.addf %scan3A_1556, %get3A_1677 : vector<16xf32>
        %add3A_1679 = arith.constant 6 : i32
        %add3A_1680 = arith.addi %mul3A_1561, %add3A_1679 : i32
        %get3A_1681 = arith.constant 4 : i32
        %get3A_1682 = arith.index_cast %get3A_1681 : i32 to index
        %get3A_1683 = arith.index_cast %add3A_1680 : i32 to index
        %get3A_1684 = arith.constant 16 : index
        %get3A_1685 = tpu.vector_load %arg9[%get3A_1682, %get3A_1683, %get3A_1684] {strides = array<i32>} : memref<8x200x32xf32, #tpu.memory_space<vmem>>, vector<1x1x16xf32>,
        %get3A_1686 = vector.shape_cast %get3A_1685 : vector<1x1x16xf32> to vector<16xf32>
        %add3A_1687 = arith.addf %scan3A_1557, %get3A_1686 : vector<16xf32>
        %add3A_1688 = arith.constant 7 : i32
        %add3A_1689 = arith.addi %mul3A_1561, %add3A_1688 : i32
        %get3A_1690 = arith.constant 4 : i32
        %get3A_1691 = arith.index_cast %get3A_1690 : i32 to index
        %get3A_1692 = arith.index_cast %add3A_1689 : i32 to index
        %get3A_1693 = arith.constant 0 : index
        %get3A_1694 = tpu.vector_load %arg9[%get3A_1691, %get3A_1692, %get3A_1693] {strides = array<i32>} : memref<8x200x32xf32, #tpu.memory_space<vmem>>, vector<1x1x16xf32>,
        %get3A_1695 = vector.shape_cast %get3A_1694 : vector<1x1x16xf32> to vector<16xf32>
        %add3A_1696 = arith.addf %scan3A_1558, %get3A_1695 : vector<16xf32>
        %add3A_1697 = arith.constant 7 : i32
        %add3A_1698 = arith.addi %mul3A_1561, %add3A_1697 : i32
        %get3A_1699 = arith.constant 4 : i32
        %get3A_1700 = arith.index_cast %get3A_1699 : i32 to index
        %get3A_1701 = arith.index_cast %add3A_1698 : i32 to index
        %get3A_1702 = arith.constant 16 : index
        %get3A_1703 = tpu.vector_load %arg9[%get3A_1700, %get3A_1701, %get3A_1702] {strides = array<i32>} : memref<8x200x32xf32, #tpu.memory_space<vmem>>, vector<1x1x16xf32>,
        %get3A_1704 = vector.shape_cast %get3A_1703 : vector<1x1x16xf32> to vector<16xf32>
        %add3A_1705 = arith.addf %scan3A_1559, %get3A_1704 : vector<16xf32>
        scf.yield %add3A_1570, %add3A_1579, %add3A_1588, %add3A_1597, %add3A_1606, %add3A_1615, %add3A_1624, %add3A_1633, %add3A_1642, %add3A_1651, %add3A_1660, %add3A_1669, %add3A_1678, %add3A_1687, %add3A_1696, %add3A_1705 : vector<16xf32>, vector<16xf32>, vector<16xf32>, vector<16xf32>, vector<16xf32>, vector<16xf32>, vector<16xf32>, vector<16xf32>, vector<16xf32>, vector<16xf32>, vector<16xf32>, vector<16xf32>, vector<16xf32>, vector<16xf32>, vector<16xf32>, vector<16xf32>
      }
      %scan3A_1004 = arith.constant 25 : i32
      %add3A_1005 = arith.addf %scan3A_1003#0, %scan3A_1003#2 : vector<16xf32>
      %add3A_1006 = arith.addf %scan3A_1003#1, %scan3A_1003#3 : vector<16xf32>
      %add3A_1007 = arith.addf %add3A_1005, %scan3A_1003#4 : vector<16xf32>
      %add3A_1008 = arith.addf %add3A_1006, %scan3A_1003#5 : vector<16xf32>
      %add3A_1009 = arith.addf %add3A_1007, %scan3A_1003#6 : vector<16xf32>
      %add3A_1010 = arith.addf %add3A_1008, %scan3A_1003#7 : vector<16xf32>
      %add3A_1011 = arith.addf %add3A_1009, %scan3A_1003#8 : vector<16xf32>
      %add3A_1012 = arith.addf %add3A_1010, %scan3A_1003#9 : vector<16xf32>
      %add3A_1013 = arith.addf %add3A_1011, %scan3A_1003#10 : vector<16xf32>
      %add3A_1014 = arith.addf %add3A_1012, %scan3A_1003#11 : vector<16xf32>
      %add3A_1015 = arith.addf %add3A_1013, %scan3A_1003#12 : vector<16xf32>
      %add3A_1016 = arith.addf %add3A_1014, %scan3A_1003#13 : vector<16xf32>
      %add3A_1017 = arith.addf %add3A_1015, %scan3A_1003#14 : vector<16xf32>
      %add3A_1018 = arith.addf %add3A_1016, %scan3A_1003#15 : vector<16xf32>
      %rem3A_1019 = arith.constant 16 : i32
      %rem3A_1020 = arith.remsi %add3A_933, %rem3A_1019 : i32
      %sub3A_1021 = arith.subi %add3A_933, %rem3A_1020 : i32
      %get3A_1022 = arith.index_cast %sub3A_1021 : i32 to index
      %get3A_1023 = tpu.vector_load %arg8[%get3A_1022] {strides = array<i32>} : memref<512xf32, #tpu.memory_space<vmem>>, vector<16xf32>,
      %get3A_1024 = vector.shape_cast %get3A_1023 : vector<16xf32> to vector<16xf32>
      %broadcast_in_dim3A_1025 = vector.broadcast %rem3A_1020 : i32 to vector<16xi32>
      %lt3A_1026 = arith.constant 0 : i32
      %lt3A_1027 = vector.broadcast %lt3A_1026 : i32 to vector<16xi32>
      %lt3A_1028 = arith.cmpi slt, %broadcast_in_dim3A_1025, %lt3A_1027 : vector<16xi32>
      %add3A_1029 = arith.constant 16 : i32
      %add3A_1030 = vector.broadcast %add3A_1029 : i32 to vector<16xi32>
      %add3A_1031 = arith.addi %broadcast_in_dim3A_1025, %add3A_1030 : vector<16xi32>
      %select_n3A_1032 = arith.select %lt3A_1028, %add3A_1031, %broadcast_in_dim3A_1025 : vector<16xi1>, vector<16xi32>
      %reshape3A_1033 = vector.shape_cast %select_n3A_1032 : vector<16xi32> to vector<16x1xi32>
      %gather3A_1034 = vector.shape_cast %reshape3A_1033 : vector<16x1xi32> to vector<16xi32>
      %gather3A_1035 = tpu.dynamic_gather %get3A_1024[%gather3A_1034] in [0] : vector<16xf32>, vector<16xi32> -> vector<16xf32>
      %jit3A_1036 = arith.constant 64 : i32
      %div3A_1037 = arith.divsi %add3A_933, %jit3A_1036 : i32
      %sign3A_1038 = arith.constant 0 : i32
      %sign3A_1039 = arith.cmpi sgt, %add3A_933, %sign3A_1038 : i32
      %sign3A_1040 = arith.extui %sign3A_1039 : i1 to i32
      %sign3A_1041 = arith.constant 0 : i32
      %sign3A_1042 = arith.cmpi slt, %add3A_933, %sign3A_1041 : i32
      %sign3A_1043 = arith.extui %sign3A_1042 : i1 to i32
      %sign3A_1044 = arith.subi %sign3A_1040, %sign3A_1043 : i32
      %sign3A_1045 = arith.constant 0 : i32
      %sign3A_1046 = arith.cmpi sgt, %jit3A_1036, %sign3A_1045 : i32
      %sign3A_1047 = arith.extui %sign3A_1046 : i1 to i32
      %sign3A_1048 = arith.constant 0 : i32
      %sign3A_1049 = arith.cmpi slt, %jit3A_1036, %sign3A_1048 : i32
      %sign3A_1050 = arith.extui %sign3A_1049 : i1 to i32
      %sign3A_1051 = arith.subi %sign3A_1047, %sign3A_1050 : i32
      %ne3A_1052 = arith.cmpi ne, %sign3A_1044, %sign3A_1051 : i32
      %rem3A_1053 = arith.remsi %add3A_933, %jit3A_1036 : i32
      %ne3A_1054 = arith.constant 0 : i32
      %ne3A_1055 = arith.cmpi ne, %rem3A_1053, %ne3A_1054 : i32
      %and3A_1056 = arith.andi %ne3A_1052, %ne3A_1055 : i1
      %sub3A_1057 = arith.constant 1 : i32
      %sub3A_1058 = arith.subi %div3A_1037, %sub3A_1057 : i32
      %select_n3A_1059 = arith.select %and3A_1056, %sub3A_1058, %div3A_1037 : i32
      %rem3A_1060 = arith.constant 2 : i32
      %rem3A_1061 = arith.remsi %select_n3A_1059, %rem3A_1060 : i32
      %rem3A_1062 = arith.constant 64 : i32
      %rem3A_1063 = arith.remsi %add3A_933, %rem3A_1062 : i32
      %mul3A_1064 = arith.mulf %add3A_1017, %gather3A_1035 : vector<16xf32>
      %mul3A_1065 = arith.constant 32 : i32
      %mul3A_1066 = arith.muli %rem3A_1063, %mul3A_1065 : i32
      %swap3A_1067 = arith.index_cast %rem3A_1061 : i32 to index
      %swap3A_1068 = arith.index_cast %mul3A_1066 : i32 to index
      %swap3A_1069 = tpu.vector_load %arg10[%swap3A_1067, %swap3A_1068] {strides = array<i32>} : memref<2x2048xf32, #tpu.memory_space<vmem>>, vector<1x16xf32>,
      %swap3A_1070 = vector.shape_cast %swap3A_1069 : vector<1x16xf32> to vector<16xf32>
      %swap3A_1071 = vector.shape_cast %mul3A_1064 : vector<16xf32> to vector<1x16xf32>
      tpu.vector_store %arg10[%swap3A_1067, %swap3A_1068], %swap3A_1071 {strides = array<i32>} : memref<2x2048xf32, #tpu.memory_space<vmem>>, vector<1x16xf32>,
      %mul3A_1072 = arith.mulf %add3A_1018, %gather3A_1035 : vector<16xf32>
      %mul3A_1073 = arith.constant 32 : i32
      %mul3A_1074 = arith.muli %rem3A_1063, %mul3A_1073 : i32
      %add3A_1075 = arith.constant 16 : i32
      %add3A_1076 = arith.addi %mul3A_1074, %add3A_1075 : i32
      %swap3A_1077 = arith.index_cast %rem3A_1061 : i32 to index
      %swap3A_1078 = arith.index_cast %add3A_1076 : i32 to index
      %swap3A_1079 = tpu.vector_load %arg10[%swap3A_1077, %swap3A_1078] {strides = array<i32>} : memref<2x2048xf32, #tpu.memory_space<vmem>>, vector<1x16xf32>,
      %swap3A_1080 = vector.shape_cast %swap3A_1079 : vector<1x16xf32> to vector<16xf32>
      %swap3A_1081 = vector.shape_cast %mul3A_1072 : vector<16xf32> to vector<1x16xf32>
      tpu.vector_store %arg10[%swap3A_1077, %swap3A_1078], %swap3A_1081 {strides = array<i32>} : memref<2x2048xf32, #tpu.memory_space<vmem>>, vector<1x16xf32>,
      %mul3A_1082 = arith.constant 8 : i32
      %mul3A_1083 = arith.muli %mul3A_1082, %scan3A_284 : i32
      %add3A_1084 = arith.constant 5 : i32
      %add3A_1085 = arith.addi %mul3A_1083, %add3A_1084 : i32
      %add3A_1086 = arith.constant 8 : i32
      %add3A_1087 = arith.addi %add3A_1085, %add3A_1086 : i32
      %sub3A_1088 = arith.constant 1 : i32
      %sub3A_1089 = arith.subi %add3A_1087, %sub3A_1088 : i32
      %lt3A_1090 = arith.constant 512 : i32
      %lt3A_1091 = arith.cmpi slt, %sub3A_1089, %lt3A_1090 : i32
      %convert_element_type3A_1092 = arith.extui %lt3A_1091 : i1 to i32
      %cond3A_1093 = arith.constant 0 : i32
      %cond3A_1094 = arith.cmpi ne, %convert_element_type3A_1092, %cond3A_1093 : i32
      scf.if %cond3A_1094 {
        %jit3A_1543 = arith.constant 64 : i32
        %div3A_1544 = arith.divsi %sub3A_1089, %jit3A_1543 : i32
        %sign3A_1545 = arith.constant 0 : i32
        %sign3A_1546 = arith.cmpi sgt, %sub3A_1089, %sign3A_1545 : i32
        %sign3A_1547 = arith.extui %sign3A_1546 : i1 to i32
        %sign3A_1548 = arith.constant 0 : i32
        %sign3A_1549 = arith.cmpi slt, %sub3A_1089, %sign3A_1548 : i32
        %sign3A_1550 = arith.extui %sign3A_1549 : i1 to i32
        %sign3A_1551 = arith.subi %sign3A_1547, %sign3A_1550 : i32
        %sign3A_1552 = arith.constant 0 : i32
        %sign3A_1553 = arith.cmpi sgt, %jit3A_1543, %sign3A_1552 : i32
        %sign3A_1554 = arith.extui %sign3A_1553 : i1 to i32
        %sign3A_1555 = arith.constant 0 : i32
        %sign3A_1556 = arith.cmpi slt, %jit3A_1543, %sign3A_1555 : i32
        %sign3A_1557 = arith.extui %sign3A_1556 : i1 to i32
        %sign3A_1558 = arith.subi %sign3A_1554, %sign3A_1557 : i32
        %ne3A_1559 = arith.cmpi ne, %sign3A_1551, %sign3A_1558 : i32
        %rem3A_1560 = arith.remsi %sub3A_1089, %jit3A_1543 : i32
        %ne3A_1561 = arith.constant 0 : i32
        %ne3A_1562 = arith.cmpi ne, %rem3A_1560, %ne3A_1561 : i32
        %and3A_1563 = arith.andi %ne3A_1559, %ne3A_1562 : i1
        %sub3A_1564 = arith.constant 1 : i32
        %sub3A_1565 = arith.subi %div3A_1544, %sub3A_1564 : i32
        %select_n3A_1566 = arith.select %and3A_1563, %sub3A_1565, %div3A_1544 : i32
        %rem3A_1567 = arith.constant 2 : i32
        %rem3A_1568 = arith.remsi %select_n3A_1566, %rem3A_1567 : i32
        %rem3A_1569 = arith.constant 64 : i32
        %rem3A_1570 = arith.remsi %sub3A_1089, %rem3A_1569 : i32
        %mul3A_1571 = arith.constant 200 : i32
        %mul3A_1572 = arith.muli %rem3A_1570, %mul3A_1571 : i32
        %mul3A_1573 = arith.constant 200 : i32
        %mul3A_1574 = arith.muli %rem3A_1570, %mul3A_1573 : i32
        %add3A_1575 = arith.constant 96 : i32
        %add3A_1576 = arith.addi %mul3A_1574, %add3A_1575 : i32
        %dma_start3A_1577 = arith.constant 4 : i32
        %dma_start3A_1578 = arith.constant 0 : i32
        %dma_start3A_1579 = arith.constant 0 : i32
        %dma_start3A_1580 = tpu.memref_slice %arg9[%dma_start3A_1577, %dma_start3A_1578, %dma_start3A_1579] : memref<8x200x32xf32, #tpu.memory_space<vmem>> -> memref<1x96x32xf32, #tpu.memory_space<vmem>>
        %dma_start3A_1581 = tpu.memref_squeeze %dma_start3A_1580 : memref<1x96x32xf32, #tpu.memory_space<vmem>> -> memref<96x32xf32, #tpu.memory_space<vmem>>
        %dma_start3A_1582 = tpu.memref_slice %arg6[%rem3A_1568, %mul3A_1572] : memref<2x12800xi32, #tpu.memory_space<vmem>> -> memref<1x96xi32, #tpu.memory_space<vmem>>
        %dma_start3A_1583 = tpu.memref_squeeze %dma_start3A_1582 : memref<1x96xi32, #tpu.memory_space<vmem>> -> memref<96xi32, #tpu.memory_space<vmem>>
        %dma_start3A_1584 = arith.constant 0 : i32
        %dma_start3A_1585 = arith.constant 0 : i32
        %dma_start3A_1586 = tpu.memref_slice %arg4[%dma_start3A_1584, %dma_start3A_1585] : memref<1000000x32xf32, #tpu.memory_space<hbm>> -> memref<1000000x32xf32, #tpu.memory_space<hbm>>
        tpu.enqueue_indirect_dma source(%dma_start3A_1586 : memref<1000000x32xf32, #tpu.memory_space<hbm>>) target(%dma_start3A_1581 : memref<96x32xf32, #tpu.memory_space<vmem>>) offsets(%dma_start3A_1583 : memref<96xi32, #tpu.memory_space<vmem>>) semaphore(%arg15 : memref<!tpu.dma_semaphore, #tpu.memory_space<semaphore_mem>>)
        %dma_start3A_1587 = arith.constant 4 : i32
        %dma_start3A_1588 = arith.constant 96 : i32
        %dma_start3A_1589 = arith.constant 0 : i32
        %dma_start3A_1590 = tpu.memref_slice %arg9[%dma_start3A_1587, %dma_start3A_1588, %dma_start3A_1589] : memref<8x200x32xf32, #tpu.memory_space<vmem>> -> memref<1x104x32xf32, #tpu.memory_space<vmem>>
        %dma_start3A_1591 = tpu.memref_squeeze %dma_start3A_1590 : memref<1x104x32xf32, #tpu.memory_space<vmem>> -> memref<104x32xf32, #tpu.memory_space<vmem>>
        %dma_start3A_1592 = tpu.memref_slice %arg6[%rem3A_1568, %add3A_1576] : memref<2x12800xi32, #tpu.memory_space<vmem>> -> memref<1x104xi32, #tpu.memory_space<vmem>>
        %dma_start3A_1593 = tpu.memref_squeeze %dma_start3A_1592 : memref<1x104xi32, #tpu.memory_space<vmem>> -> memref<104xi32, #tpu.memory_space<vmem>>
        %dma_start3A_1594 = arith.constant 0 : i32
        %dma_start3A_1595 = arith.constant 0 : i32
        %dma_start3A_1596 = tpu.memref_slice %arg4[%dma_start3A_1594, %dma_start3A_1595] : memref<1000000x32xf32, #tpu.memory_space<hbm>> -> memref<1000000x32xf32, #tpu.memory_space<hbm>>
        tpu.enqueue_indirect_dma source(%dma_start3A_1596 : memref<1000000x32xf32, #tpu.memory_space<hbm>>) target(%dma_start3A_1591 : memref<104x32xf32, #tpu.memory_space<vmem>>) offsets(%dma_start3A_1593 : memref<104xi32, #tpu.memory_space<vmem>>) semaphore(%arg15 : memref<!tpu.dma_semaphore, #tpu.memory_space<semaphore_mem>>)
      } else {
      }
      %jit3A_1095 = arith.constant 64 : i32
      %div3A_1096 = arith.divsi %add3A_1085, %jit3A_1095 : i32
      %sign3A_1097 = arith.constant 0 : i32
      %sign3A_1098 = arith.cmpi sgt, %add3A_1085, %sign3A_1097 : i32
      %sign3A_1099 = arith.extui %sign3A_1098 : i1 to i32
      %sign3A_1100 = arith.constant 0 : i32
      %sign3A_1101 = arith.cmpi slt, %add3A_1085, %sign3A_1100 : i32
      %sign3A_1102 = arith.extui %sign3A_1101 : i1 to i32
      %sign3A_1103 = arith.subi %sign3A_1099, %sign3A_1102 : i32
      %sign3A_1104 = arith.constant 0 : i32
      %sign3A_1105 = arith.cmpi sgt, %jit3A_1095, %sign3A_1104 : i32
      %sign3A_1106 = arith.extui %sign3A_1105 : i1 to i32
      %sign3A_1107 = arith.constant 0 : i32
      %sign3A_1108 = arith.cmpi slt, %jit3A_1095, %sign3A_1107 : i32
      %sign3A_1109 = arith.extui %sign3A_1108 : i1 to i32
      %sign3A_1110 = arith.subi %sign3A_1106, %sign3A_1109 : i32
      %ne3A_1111 = arith.cmpi ne, %sign3A_1103, %sign3A_1110 : i32
      %rem3A_1112 = arith.remsi %add3A_1085, %jit3A_1095 : i32
      %ne3A_1113 = arith.constant 0 : i32
      %ne3A_1114 = arith.cmpi ne, %rem3A_1112, %ne3A_1113 : i32
      %and3A_1115 = arith.andi %ne3A_1111, %ne3A_1114 : i1
      %sub3A_1116 = arith.constant 1 : i32
      %sub3A_1117 = arith.subi %div3A_1096, %sub3A_1116 : i32
      %select_n3A_1118 = arith.select %and3A_1115, %sub3A_1117, %div3A_1096 : i32
      %rem3A_1119 = arith.constant 2 : i32
      %rem3A_1120 = arith.remsi %select_n3A_1118, %rem3A_1119 : i32
      %rem3A_1121 = arith.constant 64 : i32
      %rem3A_1122 = arith.remsi %add3A_1085, %rem3A_1121 : i32
      %mul3A_1123 = arith.constant 200 : i32
      %mul3A_1124 = arith.muli %rem3A_1122, %mul3A_1123 : i32
      %mul3A_1125 = arith.constant 200 : i32
      %mul3A_1126 = arith.muli %rem3A_1122, %mul3A_1125 : i32
      %add3A_1127 = arith.constant 96 : i32
      %add3A_1128 = arith.addi %mul3A_1126, %add3A_1127 : i32
      %dma_wait3A_1129 = arith.constant 5 : i32
      %dma_wait3A_1130 = arith.constant 0 : i32
      %dma_wait3A_1131 = arith.constant 0 : i32
      %dma_wait3A_1132 = tpu.memref_slice %arg9[%dma_wait3A_1129, %dma_wait3A_1130, %dma_wait3A_1131] : memref<8x200x32xf32, #tpu.memory_space<vmem>> -> memref<1x96x32xf32, #tpu.memory_space<vmem>>
      %dma_wait3A_1133 = tpu.memref_squeeze %dma_wait3A_1132 : memref<1x96x32xf32, #tpu.memory_space<vmem>> -> memref<96x32xf32, #tpu.memory_space<vmem>>
      %dma_wait3A_1134 = tpu.memref_slice %arg6[%rem3A_1120, %mul3A_1124] : memref<2x12800xi32, #tpu.memory_space<vmem>> -> memref<1x96xi32, #tpu.memory_space<vmem>>
      %dma_wait3A_1135 = tpu.memref_squeeze %dma_wait3A_1134 : memref<1x96xi32, #tpu.memory_space<vmem>> -> memref<96xi32, #tpu.memory_space<vmem>>
      %dma_wait3A_1136 = arith.constant 0 : i32
      %dma_wait3A_1137 = arith.constant 0 : i32
      %dma_wait3A_1138 = tpu.memref_slice %arg4[%dma_wait3A_1136, %dma_wait3A_1137] : memref<1000000x32xf32, #tpu.memory_space<hbm>> -> memref<1000000x32xf32, #tpu.memory_space<hbm>>
      tpu.wait_indirect_dma semaphore(%arg16 : memref<!tpu.dma_semaphore, #tpu.memory_space<semaphore_mem>>) src(%dma_wait3A_1138 : memref<1000000x32xf32, #tpu.memory_space<hbm>>) dst(%dma_wait3A_1133 : memref<96x32xf32, #tpu.memory_space<vmem>>)
      %dma_wait3A_1139 = arith.constant 5 : i32
      %dma_wait3A_1140 = arith.constant 96 : i32
      %dma_wait3A_1141 = arith.constant 0 : i32
      %dma_wait3A_1142 = tpu.memref_slice %arg9[%dma_wait3A_1139, %dma_wait3A_1140, %dma_wait3A_1141] : memref<8x200x32xf32, #tpu.memory_space<vmem>> -> memref<1x104x32xf32, #tpu.memory_space<vmem>>
      %dma_wait3A_1143 = tpu.memref_squeeze %dma_wait3A_1142 : memref<1x104x32xf32, #tpu.memory_space<vmem>> -> memref<104x32xf32, #tpu.memory_space<vmem>>
      %dma_wait3A_1144 = tpu.memref_slice %arg6[%rem3A_1120, %add3A_1128] : memref<2x12800xi32, #tpu.memory_space<vmem>> -> memref<1x104xi32, #tpu.memory_space<vmem>>
      %dma_wait3A_1145 = tpu.memref_squeeze %dma_wait3A_1144 : memref<1x104xi32, #tpu.memory_space<vmem>> -> memref<104xi32, #tpu.memory_space<vmem>>
      %dma_wait3A_1146 = arith.constant 0 : i32
      %dma_wait3A_1147 = arith.constant 0 : i32
      %dma_wait3A_1148 = tpu.memref_slice %arg4[%dma_wait3A_1146, %dma_wait3A_1147] : memref<1000000x32xf32, #tpu.memory_space<hbm>> -> memref<1000000x32xf32, #tpu.memory_space<hbm>>
      tpu.wait_indirect_dma semaphore(%arg16 : memref<!tpu.dma_semaphore, #tpu.memory_space<semaphore_mem>>) src(%dma_wait3A_1148 : memref<1000000x32xf32, #tpu.memory_space<hbm>>) dst(%dma_wait3A_1143 : memref<104x32xf32, #tpu.memory_space<vmem>>)
      %broadcast_in_dim3A_1149 = arith.constant 0.000000e+00 : f32
      %broadcast_in_dim3A_1150 = vector.broadcast %broadcast_in_dim3A_1149 : f32 to vector<16xf32>
      %scan3A_1151 = arith.constant 0 : i32
      %scan3A_1152 = arith.constant 25 : i32
      %scan3A_1153 = arith.addi %scan3A_1151, %scan3A_1152 : i32
      %scan3A_1154 = arith.constant 1 : i32
      %scan3A_1155:16 = scf.for %scan3A_1543 = %scan3A_1151 to %scan3A_1153 step %scan3A_1154 iter_args(%scan3A_1544 = %broadcast_in_dim3A_1150, %scan3A_1545 = %broadcast_in_dim3A_1150, %scan3A_1546 = %broadcast_in_dim3A_1150, %scan3A_1547 = %broadcast_in_dim3A_1150, %scan3A_1548 = %broadcast_in_dim3A_1150, %scan3A_1549 = %broadcast_in_dim3A_1150, %scan3A_1550 = %broadcast_in_dim3A_1150, %scan3A_1551 = %broadcast_in_dim3A_1150, %scan3A_1552 = %broadcast_in_dim3A_1150, %scan3A_1553 = %broadcast_in_dim3A_1150, %scan3A_1554 = %broadcast_in_dim3A_1150, %scan3A_1555 = %broadcast_in_dim3A_1150, %scan3A_1556 = %broadcast_in_dim3A_1150, %scan3A_1557 = %broadcast_in_dim3A_1150, %scan3A_1558 = %broadcast_in_dim3A_1150, %scan3A_1559 = %broadcast_in_dim3A_1150) -> (vector<16xf32>, vector<16xf32>, vector<16xf32>, vector<16xf32>, vector<16xf32>, vector<16xf32>, vector<16xf32>, vector<16xf32>, vector<16xf32>, vector<16xf32>, vector<16xf32>, vector<16xf32>, vector<16xf32>, vector<16xf32>, vector<16xf32>, vector<16xf32>)  : i32 {
        %mul3A_1560 = arith.constant 8 : i32
        %mul3A_1561 = arith.muli %scan3A_1543, %mul3A_1560 : i32
        %add3A_1562 = arith.constant 0 : i32
        %add3A_1563 = arith.addi %mul3A_1561, %add3A_1562 : i32
        %get3A_1564 = arith.constant 5 : i32
        %get3A_1565 = arith.index_cast %get3A_1564 : i32 to index
        %get3A_1566 = arith.index_cast %add3A_1563 : i32 to index
        %get3A_1567 = arith.constant 0 : index
        %get3A_1568 = tpu.vector_load %arg9[%get3A_1565, %get3A_1566, %get3A_1567] {strides = array<i32>} : memref<8x200x32xf32, #tpu.memory_space<vmem>>, vector<1x1x16xf32>,
        %get3A_1569 = vector.shape_cast %get3A_1568 : vector<1x1x16xf32> to vector<16xf32>
        %add3A_1570 = arith.addf %scan3A_1544, %get3A_1569 : vector<16xf32>
        %add3A_1571 = arith.constant 0 : i32
        %add3A_1572 = arith.addi %mul3A_1561, %add3A_1571 : i32
        %get3A_1573 = arith.constant 5 : i32
        %get3A_1574 = arith.index_cast %get3A_1573 : i32 to index
        %get3A_1575 = arith.index_cast %add3A_1572 : i32 to index
        %get3A_1576 = arith.constant 16 : index
        %get3A_1577 = tpu.vector_load %arg9[%get3A_1574, %get3A_1575, %get3A_1576] {strides = array<i32>} : memref<8x200x32xf32, #tpu.memory_space<vmem>>, vector<1x1x16xf32>,
        %get3A_1578 = vector.shape_cast %get3A_1577 : vector<1x1x16xf32> to vector<16xf32>
        %add3A_1579 = arith.addf %scan3A_1545, %get3A_1578 : vector<16xf32>
        %add3A_1580 = arith.constant 1 : i32
        %add3A_1581 = arith.addi %mul3A_1561, %add3A_1580 : i32
        %get3A_1582 = arith.constant 5 : i32
        %get3A_1583 = arith.index_cast %get3A_1582 : i32 to index
        %get3A_1584 = arith.index_cast %add3A_1581 : i32 to index
        %get3A_1585 = arith.constant 0 : index
        %get3A_1586 = tpu.vector_load %arg9[%get3A_1583, %get3A_1584, %get3A_1585] {strides = array<i32>} : memref<8x200x32xf32, #tpu.memory_space<vmem>>, vector<1x1x16xf32>,
        %get3A_1587 = vector.shape_cast %get3A_1586 : vector<1x1x16xf32> to vector<16xf32>
        %add3A_1588 = arith.addf %scan3A_1546, %get3A_1587 : vector<16xf32>
        %add3A_1589 = arith.constant 1 : i32
        %add3A_1590 = arith.addi %mul3A_1561, %add3A_1589 : i32
        %get3A_1591 = arith.constant 5 : i32
        %get3A_1592 = arith.index_cast %get3A_1591 : i32 to index
        %get3A_1593 = arith.index_cast %add3A_1590 : i32 to index
        %get3A_1594 = arith.constant 16 : index
        %get3A_1595 = tpu.vector_load %arg9[%get3A_1592, %get3A_1593, %get3A_1594] {strides = array<i32>} : memref<8x200x32xf32, #tpu.memory_space<vmem>>, vector<1x1x16xf32>,
        %get3A_1596 = vector.shape_cast %get3A_1595 : vector<1x1x16xf32> to vector<16xf32>
        %add3A_1597 = arith.addf %scan3A_1547, %get3A_1596 : vector<16xf32>
        %add3A_1598 = arith.constant 2 : i32
        %add3A_1599 = arith.addi %mul3A_1561, %add3A_1598 : i32
        %get3A_1600 = arith.constant 5 : i32
        %get3A_1601 = arith.index_cast %get3A_1600 : i32 to index
        %get3A_1602 = arith.index_cast %add3A_1599 : i32 to index
        %get3A_1603 = arith.constant 0 : index
        %get3A_1604 = tpu.vector_load %arg9[%get3A_1601, %get3A_1602, %get3A_1603] {strides = array<i32>} : memref<8x200x32xf32, #tpu.memory_space<vmem>>, vector<1x1x16xf32>,
        %get3A_1605 = vector.shape_cast %get3A_1604 : vector<1x1x16xf32> to vector<16xf32>
        %add3A_1606 = arith.addf %scan3A_1548, %get3A_1605 : vector<16xf32>
        %add3A_1607 = arith.constant 2 : i32
        %add3A_1608 = arith.addi %mul3A_1561, %add3A_1607 : i32
        %get3A_1609 = arith.constant 5 : i32
        %get3A_1610 = arith.index_cast %get3A_1609 : i32 to index
        %get3A_1611 = arith.index_cast %add3A_1608 : i32 to index
        %get3A_1612 = arith.constant 16 : index
        %get3A_1613 = tpu.vector_load %arg9[%get3A_1610, %get3A_1611, %get3A_1612] {strides = array<i32>} : memref<8x200x32xf32, #tpu.memory_space<vmem>>, vector<1x1x16xf32>,
        %get3A_1614 = vector.shape_cast %get3A_1613 : vector<1x1x16xf32> to vector<16xf32>
        %add3A_1615 = arith.addf %scan3A_1549, %get3A_1614 : vector<16xf32>
        %add3A_1616 = arith.constant 3 : i32
        %add3A_1617 = arith.addi %mul3A_1561, %add3A_1616 : i32
        %get3A_1618 = arith.constant 5 : i32
        %get3A_1619 = arith.index_cast %get3A_1618 : i32 to index
        %get3A_1620 = arith.index_cast %add3A_1617 : i32 to index
        %get3A_1621 = arith.constant 0 : index
        %get3A_1622 = tpu.vector_load %arg9[%get3A_1619, %get3A_1620, %get3A_1621] {strides = array<i32>} : memref<8x200x32xf32, #tpu.memory_space<vmem>>, vector<1x1x16xf32>,
        %get3A_1623 = vector.shape_cast %get3A_1622 : vector<1x1x16xf32> to vector<16xf32>
        %add3A_1624 = arith.addf %scan3A_1550, %get3A_1623 : vector<16xf32>
        %add3A_1625 = arith.constant 3 : i32
        %add3A_1626 = arith.addi %mul3A_1561, %add3A_1625 : i32
        %get3A_1627 = arith.constant 5 : i32
        %get3A_1628 = arith.index_cast %get3A_1627 : i32 to index
        %get3A_1629 = arith.index_cast %add3A_1626 : i32 to index
        %get3A_1630 = arith.constant 16 : index
        %get3A_1631 = tpu.vector_load %arg9[%get3A_1628, %get3A_1629, %get3A_1630] {strides = array<i32>} : memref<8x200x32xf32, #tpu.memory_space<vmem>>, vector<1x1x16xf32>,
        %get3A_1632 = vector.shape_cast %get3A_1631 : vector<1x1x16xf32> to vector<16xf32>
        %add3A_1633 = arith.addf %scan3A_1551, %get3A_1632 : vector<16xf32>
        %add3A_1634 = arith.constant 4 : i32
        %add3A_1635 = arith.addi %mul3A_1561, %add3A_1634 : i32
        %get3A_1636 = arith.constant 5 : i32
        %get3A_1637 = arith.index_cast %get3A_1636 : i32 to index
        %get3A_1638 = arith.index_cast %add3A_1635 : i32 to index
        %get3A_1639 = arith.constant 0 : index
        %get3A_1640 = tpu.vector_load %arg9[%get3A_1637, %get3A_1638, %get3A_1639] {strides = array<i32>} : memref<8x200x32xf32, #tpu.memory_space<vmem>>, vector<1x1x16xf32>,
        %get3A_1641 = vector.shape_cast %get3A_1640 : vector<1x1x16xf32> to vector<16xf32>
        %add3A_1642 = arith.addf %scan3A_1552, %get3A_1641 : vector<16xf32>
        %add3A_1643 = arith.constant 4 : i32
        %add3A_1644 = arith.addi %mul3A_1561, %add3A_1643 : i32
        %get3A_1645 = arith.constant 5 : i32
        %get3A_1646 = arith.index_cast %get3A_1645 : i32 to index
        %get3A_1647 = arith.index_cast %add3A_1644 : i32 to index
        %get3A_1648 = arith.constant 16 : index
        %get3A_1649 = tpu.vector_load %arg9[%get3A_1646, %get3A_1647, %get3A_1648] {strides = array<i32>} : memref<8x200x32xf32, #tpu.memory_space<vmem>>, vector<1x1x16xf32>,
        %get3A_1650 = vector.shape_cast %get3A_1649 : vector<1x1x16xf32> to vector<16xf32>
        %add3A_1651 = arith.addf %scan3A_1553, %get3A_1650 : vector<16xf32>
        %add3A_1652 = arith.constant 5 : i32
        %add3A_1653 = arith.addi %mul3A_1561, %add3A_1652 : i32
        %get3A_1654 = arith.constant 5 : i32
        %get3A_1655 = arith.index_cast %get3A_1654 : i32 to index
        %get3A_1656 = arith.index_cast %add3A_1653 : i32 to index
        %get3A_1657 = arith.constant 0 : index
        %get3A_1658 = tpu.vector_load %arg9[%get3A_1655, %get3A_1656, %get3A_1657] {strides = array<i32>} : memref<8x200x32xf32, #tpu.memory_space<vmem>>, vector<1x1x16xf32>,
        %get3A_1659 = vector.shape_cast %get3A_1658 : vector<1x1x16xf32> to vector<16xf32>
        %add3A_1660 = arith.addf %scan3A_1554, %get3A_1659 : vector<16xf32>
        %add3A_1661 = arith.constant 5 : i32
        %add3A_1662 = arith.addi %mul3A_1561, %add3A_1661 : i32
        %get3A_1663 = arith.constant 5 : i32
        %get3A_1664 = arith.index_cast %get3A_1663 : i32 to index
        %get3A_1665 = arith.index_cast %add3A_1662 : i32 to index
        %get3A_1666 = arith.constant 16 : index
        %get3A_1667 = tpu.vector_load %arg9[%get3A_1664, %get3A_1665, %get3A_1666] {strides = array<i32>} : memref<8x200x32xf32, #tpu.memory_space<vmem>>, vector<1x1x16xf32>,
        %get3A_1668 = vector.shape_cast %get3A_1667 : vector<1x1x16xf32> to vector<16xf32>
        %add3A_1669 = arith.addf %scan3A_1555, %get3A_1668 : vector<16xf32>
        %add3A_1670 = arith.constant 6 : i32
        %add3A_1671 = arith.addi %mul3A_1561, %add3A_1670 : i32
        %get3A_1672 = arith.constant 5 : i32
        %get3A_1673 = arith.index_cast %get3A_1672 : i32 to index
        %get3A_1674 = arith.index_cast %add3A_1671 : i32 to index
        %get3A_1675 = arith.constant 0 : index
        %get3A_1676 = tpu.vector_load %arg9[%get3A_1673, %get3A_1674, %get3A_1675] {strides = array<i32>} : memref<8x200x32xf32, #tpu.memory_space<vmem>>, vector<1x1x16xf32>,
        %get3A_1677 = vector.shape_cast %get3A_1676 : vector<1x1x16xf32> to vector<16xf32>
        %add3A_1678 = arith.addf %scan3A_1556, %get3A_1677 : vector<16xf32>
        %add3A_1679 = arith.constant 6 : i32
        %add3A_1680 = arith.addi %mul3A_1561, %add3A_1679 : i32
        %get3A_1681 = arith.constant 5 : i32
        %get3A_1682 = arith.index_cast %get3A_1681 : i32 to index
        %get3A_1683 = arith.index_cast %add3A_1680 : i32 to index
        %get3A_1684 = arith.constant 16 : index
        %get3A_1685 = tpu.vector_load %arg9[%get3A_1682, %get3A_1683, %get3A_1684] {strides = array<i32>} : memref<8x200x32xf32, #tpu.memory_space<vmem>>, vector<1x1x16xf32>,
        %get3A_1686 = vector.shape_cast %get3A_1685 : vector<1x1x16xf32> to vector<16xf32>
        %add3A_1687 = arith.addf %scan3A_1557, %get3A_1686 : vector<16xf32>
        %add3A_1688 = arith.constant 7 : i32
        %add3A_1689 = arith.addi %mul3A_1561, %add3A_1688 : i32
        %get3A_1690 = arith.constant 5 : i32
        %get3A_1691 = arith.index_cast %get3A_1690 : i32 to index
        %get3A_1692 = arith.index_cast %add3A_1689 : i32 to index
        %get3A_1693 = arith.constant 0 : index
        %get3A_1694 = tpu.vector_load %arg9[%get3A_1691, %get3A_1692, %get3A_1693] {strides = array<i32>} : memref<8x200x32xf32, #tpu.memory_space<vmem>>, vector<1x1x16xf32>,
        %get3A_1695 = vector.shape_cast %get3A_1694 : vector<1x1x16xf32> to vector<16xf32>
        %add3A_1696 = arith.addf %scan3A_1558, %get3A_1695 : vector<16xf32>
        %add3A_1697 = arith.constant 7 : i32
        %add3A_1698 = arith.addi %mul3A_1561, %add3A_1697 : i32
        %get3A_1699 = arith.constant 5 : i32
        %get3A_1700 = arith.index_cast %get3A_1699 : i32 to index
        %get3A_1701 = arith.index_cast %add3A_1698 : i32 to index
        %get3A_1702 = arith.constant 16 : index
        %get3A_1703 = tpu.vector_load %arg9[%get3A_1700, %get3A_1701, %get3A_1702] {strides = array<i32>} : memref<8x200x32xf32, #tpu.memory_space<vmem>>, vector<1x1x16xf32>,
        %get3A_1704 = vector.shape_cast %get3A_1703 : vector<1x1x16xf32> to vector<16xf32>
        %add3A_1705 = arith.addf %scan3A_1559, %get3A_1704 : vector<16xf32>
        scf.yield %add3A_1570, %add3A_1579, %add3A_1588, %add3A_1597, %add3A_1606, %add3A_1615, %add3A_1624, %add3A_1633, %add3A_1642, %add3A_1651, %add3A_1660, %add3A_1669, %add3A_1678, %add3A_1687, %add3A_1696, %add3A_1705 : vector<16xf32>, vector<16xf32>, vector<16xf32>, vector<16xf32>, vector<16xf32>, vector<16xf32>, vector<16xf32>, vector<16xf32>, vector<16xf32>, vector<16xf32>, vector<16xf32>, vector<16xf32>, vector<16xf32>, vector<16xf32>, vector<16xf32>, vector<16xf32>
      }
      %scan3A_1156 = arith.constant 25 : i32
      %add3A_1157 = arith.addf %scan3A_1155#0, %scan3A_1155#2 : vector<16xf32>
      %add3A_1158 = arith.addf %scan3A_1155#1, %scan3A_1155#3 : vector<16xf32>
      %add3A_1159 = arith.addf %add3A_1157, %scan3A_1155#4 : vector<16xf32>
      %add3A_1160 = arith.addf %add3A_1158, %scan3A_1155#5 : vector<16xf32>
      %add3A_1161 = arith.addf %add3A_1159, %scan3A_1155#6 : vector<16xf32>
      %add3A_1162 = arith.addf %add3A_1160, %scan3A_1155#7 : vector<16xf32>
      %add3A_1163 = arith.addf %add3A_1161, %scan3A_1155#8 : vector<16xf32>
      %add3A_1164 = arith.addf %add3A_1162, %scan3A_1155#9 : vector<16xf32>
      %add3A_1165 = arith.addf %add3A_1163, %scan3A_1155#10 : vector<16xf32>
      %add3A_1166 = arith.addf %add3A_1164, %scan3A_1155#11 : vector<16xf32>
      %add3A_1167 = arith.addf %add3A_1165, %scan3A_1155#12 : vector<16xf32>
      %add3A_1168 = arith.addf %add3A_1166, %scan3A_1155#13 : vector<16xf32>
      %add3A_1169 = arith.addf %add3A_1167, %scan3A_1155#14 : vector<16xf32>
      %add3A_1170 = arith.addf %add3A_1168, %scan3A_1155#15 : vector<16xf32>
      %rem3A_1171 = arith.constant 16 : i32
      %rem3A_1172 = arith.remsi %add3A_1085, %rem3A_1171 : i32
      %sub3A_1173 = arith.subi %add3A_1085, %rem3A_1172 : i32
      %get3A_1174 = arith.index_cast %sub3A_1173 : i32 to index
      %get3A_1175 = tpu.vector_load %arg8[%get3A_1174] {strides = array<i32>} : memref<512xf32, #tpu.memory_space<vmem>>, vector<16xf32>,
      %get3A_1176 = vector.shape_cast %get3A_1175 : vector<16xf32> to vector<16xf32>
      %broadcast_in_dim3A_1177 = vector.broadcast %rem3A_1172 : i32 to vector<16xi32>
      %lt3A_1178 = arith.constant 0 : i32
      %lt3A_1179 = vector.broadcast %lt3A_1178 : i32 to vector<16xi32>
      %lt3A_1180 = arith.cmpi slt, %broadcast_in_dim3A_1177, %lt3A_1179 : vector<16xi32>
      %add3A_1181 = arith.constant 16 : i32
      %add3A_1182 = vector.broadcast %add3A_1181 : i32 to vector<16xi32>
      %add3A_1183 = arith.addi %broadcast_in_dim3A_1177, %add3A_1182 : vector<16xi32>
      %select_n3A_1184 = arith.select %lt3A_1180, %add3A_1183, %broadcast_in_dim3A_1177 : vector<16xi1>, vector<16xi32>
      %reshape3A_1185 = vector.shape_cast %select_n3A_1184 : vector<16xi32> to vector<16x1xi32>
      %gather3A_1186 = vector.shape_cast %reshape3A_1185 : vector<16x1xi32> to vector<16xi32>
      %gather3A_1187 = tpu.dynamic_gather %get3A_1176[%gather3A_1186] in [0] : vector<16xf32>, vector<16xi32> -> vector<16xf32>
      %jit3A_1188 = arith.constant 64 : i32
      %div3A_1189 = arith.divsi %add3A_1085, %jit3A_1188 : i32
      %sign3A_1190 = arith.constant 0 : i32
      %sign3A_1191 = arith.cmpi sgt, %add3A_1085, %sign3A_1190 : i32
      %sign3A_1192 = arith.extui %sign3A_1191 : i1 to i32
      %sign3A_1193 = arith.constant 0 : i32
      %sign3A_1194 = arith.cmpi slt, %add3A_1085, %sign3A_1193 : i32
      %sign3A_1195 = arith.extui %sign3A_1194 : i1 to i32
      %sign3A_1196 = arith.subi %sign3A_1192, %sign3A_1195 : i32
      %sign3A_1197 = arith.constant 0 : i32
      %sign3A_1198 = arith.cmpi sgt, %jit3A_1188, %sign3A_1197 : i32
      %sign3A_1199 = arith.extui %sign3A_1198 : i1 to i32
      %sign3A_1200 = arith.constant 0 : i32
      %sign3A_1201 = arith.cmpi slt, %jit3A_1188, %sign3A_1200 : i32
      %sign3A_1202 = arith.extui %sign3A_1201 : i1 to i32
      %sign3A_1203 = arith.subi %sign3A_1199, %sign3A_1202 : i32
      %ne3A_1204 = arith.cmpi ne, %sign3A_1196, %sign3A_1203 : i32
      %rem3A_1205 = arith.remsi %add3A_1085, %jit3A_1188 : i32
      %ne3A_1206 = arith.constant 0 : i32
      %ne3A_1207 = arith.cmpi ne, %rem3A_1205, %ne3A_1206 : i32
      %and3A_1208 = arith.andi %ne3A_1204, %ne3A_1207 : i1
      %sub3A_1209 = arith.constant 1 : i32
      %sub3A_1210 = arith.subi %div3A_1189, %sub3A_1209 : i32
      %select_n3A_1211 = arith.select %and3A_1208, %sub3A_1210, %div3A_1189 : i32
      %rem3A_1212 = arith.constant 2 : i32
      %rem3A_1213 = arith.remsi %select_n3A_1211, %rem3A_1212 : i32
      %rem3A_1214 = arith.constant 64 : i32
      %rem3A_1215 = arith.remsi %add3A_1085, %rem3A_1214 : i32
      %mul3A_1216 = arith.mulf %add3A_1169, %gather3A_1187 : vector<16xf32>
      %mul3A_1217 = arith.constant 32 : i32
      %mul3A_1218 = arith.muli %rem3A_1215, %mul3A_1217 : i32
      %swap3A_1219 = arith.index_cast %rem3A_1213 : i32 to index
      %swap3A_1220 = arith.index_cast %mul3A_1218 : i32 to index
      %swap3A_1221 = tpu.vector_load %arg10[%swap3A_1219, %swap3A_1220] {strides = array<i32>} : memref<2x2048xf32, #tpu.memory_space<vmem>>, vector<1x16xf32>,
      %swap3A_1222 = vector.shape_cast %swap3A_1221 : vector<1x16xf32> to vector<16xf32>
      %swap3A_1223 = vector.shape_cast %mul3A_1216 : vector<16xf32> to vector<1x16xf32>
      tpu.vector_store %arg10[%swap3A_1219, %swap3A_1220], %swap3A_1223 {strides = array<i32>} : memref<2x2048xf32, #tpu.memory_space<vmem>>, vector<1x16xf32>,
      %mul3A_1224 = arith.mulf %add3A_1170, %gather3A_1187 : vector<16xf32>
      %mul3A_1225 = arith.constant 32 : i32
      %mul3A_1226 = arith.muli %rem3A_1215, %mul3A_1225 : i32
      %add3A_1227 = arith.constant 16 : i32
      %add3A_1228 = arith.addi %mul3A_1226, %add3A_1227 : i32
      %swap3A_1229 = arith.index_cast %rem3A_1213 : i32 to index
      %swap3A_1230 = arith.index_cast %add3A_1228 : i32 to index
      %swap3A_1231 = tpu.vector_load %arg10[%swap3A_1229, %swap3A_1230] {strides = array<i32>} : memref<2x2048xf32, #tpu.memory_space<vmem>>, vector<1x16xf32>,
      %swap3A_1232 = vector.shape_cast %swap3A_1231 : vector<1x16xf32> to vector<16xf32>
      %swap3A_1233 = vector.shape_cast %mul3A_1224 : vector<16xf32> to vector<1x16xf32>
      tpu.vector_store %arg10[%swap3A_1229, %swap3A_1230], %swap3A_1233 {strides = array<i32>} : memref<2x2048xf32, #tpu.memory_space<vmem>>, vector<1x16xf32>,
      %mul3A_1234 = arith.constant 8 : i32
      %mul3A_1235 = arith.muli %mul3A_1234, %scan3A_284 : i32
      %add3A_1236 = arith.constant 6 : i32
      %add3A_1237 = arith.addi %mul3A_1235, %add3A_1236 : i32
      %add3A_1238 = arith.constant 8 : i32
      %add3A_1239 = arith.addi %add3A_1237, %add3A_1238 : i32
      %sub3A_1240 = arith.constant 1 : i32
      %sub3A_1241 = arith.subi %add3A_1239, %sub3A_1240 : i32
      %lt3A_1242 = arith.constant 512 : i32
      %lt3A_1243 = arith.cmpi slt, %sub3A_1241, %lt3A_1242 : i32
      %convert_element_type3A_1244 = arith.extui %lt3A_1243 : i1 to i32
      %cond3A_1245 = arith.constant 0 : i32
      %cond3A_1246 = arith.cmpi ne, %convert_element_type3A_1244, %cond3A_1245 : i32
      scf.if %cond3A_1246 {
        %jit3A_1543 = arith.constant 64 : i32
        %div3A_1544 = arith.divsi %sub3A_1241, %jit3A_1543 : i32
        %sign3A_1545 = arith.constant 0 : i32
        %sign3A_1546 = arith.cmpi sgt, %sub3A_1241, %sign3A_1545 : i32
        %sign3A_1547 = arith.extui %sign3A_1546 : i1 to i32
        %sign3A_1548 = arith.constant 0 : i32
        %sign3A_1549 = arith.cmpi slt, %sub3A_1241, %sign3A_1548 : i32
        %sign3A_1550 = arith.extui %sign3A_1549 : i1 to i32
        %sign3A_1551 = arith.subi %sign3A_1547, %sign3A_1550 : i32
        %sign3A_1552 = arith.constant 0 : i32
        %sign3A_1553 = arith.cmpi sgt, %jit3A_1543, %sign3A_1552 : i32
        %sign3A_1554 = arith.extui %sign3A_1553 : i1 to i32
        %sign3A_1555 = arith.constant 0 : i32
        %sign3A_1556 = arith.cmpi slt, %jit3A_1543, %sign3A_1555 : i32
        %sign3A_1557 = arith.extui %sign3A_1556 : i1 to i32
        %sign3A_1558 = arith.subi %sign3A_1554, %sign3A_1557 : i32
        %ne3A_1559 = arith.cmpi ne, %sign3A_1551, %sign3A_1558 : i32
        %rem3A_1560 = arith.remsi %sub3A_1241, %jit3A_1543 : i32
        %ne3A_1561 = arith.constant 0 : i32
        %ne3A_1562 = arith.cmpi ne, %rem3A_1560, %ne3A_1561 : i32
        %and3A_1563 = arith.andi %ne3A_1559, %ne3A_1562 : i1
        %sub3A_1564 = arith.constant 1 : i32
        %sub3A_1565 = arith.subi %div3A_1544, %sub3A_1564 : i32
        %select_n3A_1566 = arith.select %and3A_1563, %sub3A_1565, %div3A_1544 : i32
        %rem3A_1567 = arith.constant 2 : i32
        %rem3A_1568 = arith.remsi %select_n3A_1566, %rem3A_1567 : i32
        %rem3A_1569 = arith.constant 64 : i32
        %rem3A_1570 = arith.remsi %sub3A_1241, %rem3A_1569 : i32
        %mul3A_1571 = arith.constant 200 : i32
        %mul3A_1572 = arith.muli %rem3A_1570, %mul3A_1571 : i32
        %mul3A_1573 = arith.constant 200 : i32
        %mul3A_1574 = arith.muli %rem3A_1570, %mul3A_1573 : i32
        %add3A_1575 = arith.constant 96 : i32
        %add3A_1576 = arith.addi %mul3A_1574, %add3A_1575 : i32
        %dma_start3A_1577 = arith.constant 5 : i32
        %dma_start3A_1578 = arith.constant 0 : i32
        %dma_start3A_1579 = arith.constant 0 : i32
        %dma_start3A_1580 = tpu.memref_slice %arg9[%dma_start3A_1577, %dma_start3A_1578, %dma_start3A_1579] : memref<8x200x32xf32, #tpu.memory_space<vmem>> -> memref<1x96x32xf32, #tpu.memory_space<vmem>>
        %dma_start3A_1581 = tpu.memref_squeeze %dma_start3A_1580 : memref<1x96x32xf32, #tpu.memory_space<vmem>> -> memref<96x32xf32, #tpu.memory_space<vmem>>
        %dma_start3A_1582 = tpu.memref_slice %arg6[%rem3A_1568, %mul3A_1572] : memref<2x12800xi32, #tpu.memory_space<vmem>> -> memref<1x96xi32, #tpu.memory_space<vmem>>
        %dma_start3A_1583 = tpu.memref_squeeze %dma_start3A_1582 : memref<1x96xi32, #tpu.memory_space<vmem>> -> memref<96xi32, #tpu.memory_space<vmem>>
        %dma_start3A_1584 = arith.constant 0 : i32
        %dma_start3A_1585 = arith.constant 0 : i32
        %dma_start3A_1586 = tpu.memref_slice %arg4[%dma_start3A_1584, %dma_start3A_1585] : memref<1000000x32xf32, #tpu.memory_space<hbm>> -> memref<1000000x32xf32, #tpu.memory_space<hbm>>
        tpu.enqueue_indirect_dma source(%dma_start3A_1586 : memref<1000000x32xf32, #tpu.memory_space<hbm>>) target(%dma_start3A_1581 : memref<96x32xf32, #tpu.memory_space<vmem>>) offsets(%dma_start3A_1583 : memref<96xi32, #tpu.memory_space<vmem>>) semaphore(%arg16 : memref<!tpu.dma_semaphore, #tpu.memory_space<semaphore_mem>>)
        %dma_start3A_1587 = arith.constant 5 : i32
        %dma_start3A_1588 = arith.constant 96 : i32
        %dma_start3A_1589 = arith.constant 0 : i32
        %dma_start3A_1590 = tpu.memref_slice %arg9[%dma_start3A_1587, %dma_start3A_1588, %dma_start3A_1589] : memref<8x200x32xf32, #tpu.memory_space<vmem>> -> memref<1x104x32xf32, #tpu.memory_space<vmem>>
        %dma_start3A_1591 = tpu.memref_squeeze %dma_start3A_1590 : memref<1x104x32xf32, #tpu.memory_space<vmem>> -> memref<104x32xf32, #tpu.memory_space<vmem>>
        %dma_start3A_1592 = tpu.memref_slice %arg6[%rem3A_1568, %add3A_1576] : memref<2x12800xi32, #tpu.memory_space<vmem>> -> memref<1x104xi32, #tpu.memory_space<vmem>>
        %dma_start3A_1593 = tpu.memref_squeeze %dma_start3A_1592 : memref<1x104xi32, #tpu.memory_space<vmem>> -> memref<104xi32, #tpu.memory_space<vmem>>
        %dma_start3A_1594 = arith.constant 0 : i32
        %dma_start3A_1595 = arith.constant 0 : i32
        %dma_start3A_1596 = tpu.memref_slice %arg4[%dma_start3A_1594, %dma_start3A_1595] : memref<1000000x32xf32, #tpu.memory_space<hbm>> -> memref<1000000x32xf32, #tpu.memory_space<hbm>>
        tpu.enqueue_indirect_dma source(%dma_start3A_1596 : memref<1000000x32xf32, #tpu.memory_space<hbm>>) target(%dma_start3A_1591 : memref<104x32xf32, #tpu.memory_space<vmem>>) offsets(%dma_start3A_1593 : memref<104xi32, #tpu.memory_space<vmem>>) semaphore(%arg16 : memref<!tpu.dma_semaphore, #tpu.memory_space<semaphore_mem>>)
      } else {
      }
      %jit3A_1247 = arith.constant 64 : i32
      %div3A_1248 = arith.divsi %add3A_1237, %jit3A_1247 : i32
      %sign3A_1249 = arith.constant 0 : i32
      %sign3A_1250 = arith.cmpi sgt, %add3A_1237, %sign3A_1249 : i32
      %sign3A_1251 = arith.extui %sign3A_1250 : i1 to i32
      %sign3A_1252 = arith.constant 0 : i32
      %sign3A_1253 = arith.cmpi slt, %add3A_1237, %sign3A_1252 : i32
      %sign3A_1254 = arith.extui %sign3A_1253 : i1 to i32
      %sign3A_1255 = arith.subi %sign3A_1251, %sign3A_1254 : i32
      %sign3A_1256 = arith.constant 0 : i32
      %sign3A_1257 = arith.cmpi sgt, %jit3A_1247, %sign3A_1256 : i32
      %sign3A_1258 = arith.extui %sign3A_1257 : i1 to i32
      %sign3A_1259 = arith.constant 0 : i32
      %sign3A_1260 = arith.cmpi slt, %jit3A_1247, %sign3A_1259 : i32
      %sign3A_1261 = arith.extui %sign3A_1260 : i1 to i32
      %sign3A_1262 = arith.subi %sign3A_1258, %sign3A_1261 : i32
      %ne3A_1263 = arith.cmpi ne, %sign3A_1255, %sign3A_1262 : i32
      %rem3A_1264 = arith.remsi %add3A_1237, %jit3A_1247 : i32
      %ne3A_1265 = arith.constant 0 : i32
      %ne3A_1266 = arith.cmpi ne, %rem3A_1264, %ne3A_1265 : i32
      %and3A_1267 = arith.andi %ne3A_1263, %ne3A_1266 : i1
      %sub3A_1268 = arith.constant 1 : i32
      %sub3A_1269 = arith.subi %div3A_1248, %sub3A_1268 : i32
      %select_n3A_1270 = arith.select %and3A_1267, %sub3A_1269, %div3A_1248 : i32
      %rem3A_1271 = arith.constant 2 : i32
      %rem3A_1272 = arith.remsi %select_n3A_1270, %rem3A_1271 : i32
      %rem3A_1273 = arith.constant 64 : i32
      %rem3A_1274 = arith.remsi %add3A_1237, %rem3A_1273 : i32
      %mul3A_1275 = arith.constant 200 : i32
      %mul3A_1276 = arith.muli %rem3A_1274, %mul3A_1275 : i32
      %mul3A_1277 = arith.constant 200 : i32
      %mul3A_1278 = arith.muli %rem3A_1274, %mul3A_1277 : i32
      %add3A_1279 = arith.constant 96 : i32
      %add3A_1280 = arith.addi %mul3A_1278, %add3A_1279 : i32
      %dma_wait3A_1281 = arith.constant 6 : i32
      %dma_wait3A_1282 = arith.constant 0 : i32
      %dma_wait3A_1283 = arith.constant 0 : i32
      %dma_wait3A_1284 = tpu.memref_slice %arg9[%dma_wait3A_1281, %dma_wait3A_1282, %dma_wait3A_1283] : memref<8x200x32xf32, #tpu.memory_space<vmem>> -> memref<1x96x32xf32, #tpu.memory_space<vmem>>
      %dma_wait3A_1285 = tpu.memref_squeeze %dma_wait3A_1284 : memref<1x96x32xf32, #tpu.memory_space<vmem>> -> memref<96x32xf32, #tpu.memory_space<vmem>>
      %dma_wait3A_1286 = tpu.memref_slice %arg6[%rem3A_1272, %mul3A_1276] : memref<2x12800xi32, #tpu.memory_space<vmem>> -> memref<1x96xi32, #tpu.memory_space<vmem>>
      %dma_wait3A_1287 = tpu.memref_squeeze %dma_wait3A_1286 : memref<1x96xi32, #tpu.memory_space<vmem>> -> memref<96xi32, #tpu.memory_space<vmem>>
      %dma_wait3A_1288 = arith.constant 0 : i32
      %dma_wait3A_1289 = arith.constant 0 : i32
      %dma_wait3A_1290 = tpu.memref_slice %arg4[%dma_wait3A_1288, %dma_wait3A_1289] : memref<1000000x32xf32, #tpu.memory_space<hbm>> -> memref<1000000x32xf32, #tpu.memory_space<hbm>>
      tpu.wait_indirect_dma semaphore(%arg17 : memref<!tpu.dma_semaphore, #tpu.memory_space<semaphore_mem>>) src(%dma_wait3A_1290 : memref<1000000x32xf32, #tpu.memory_space<hbm>>) dst(%dma_wait3A_1285 : memref<96x32xf32, #tpu.memory_space<vmem>>)
      %dma_wait3A_1291 = arith.constant 6 : i32
      %dma_wait3A_1292 = arith.constant 96 : i32
      %dma_wait3A_1293 = arith.constant 0 : i32
      %dma_wait3A_1294 = tpu.memref_slice %arg9[%dma_wait3A_1291, %dma_wait3A_1292, %dma_wait3A_1293] : memref<8x200x32xf32, #tpu.memory_space<vmem>> -> memref<1x104x32xf32, #tpu.memory_space<vmem>>
      %dma_wait3A_1295 = tpu.memref_squeeze %dma_wait3A_1294 : memref<1x104x32xf32, #tpu.memory_space<vmem>> -> memref<104x32xf32, #tpu.memory_space<vmem>>
      %dma_wait3A_1296 = tpu.memref_slice %arg6[%rem3A_1272, %add3A_1280] : memref<2x12800xi32, #tpu.memory_space<vmem>> -> memref<1x104xi32, #tpu.memory_space<vmem>>
      %dma_wait3A_1297 = tpu.memref_squeeze %dma_wait3A_1296 : memref<1x104xi32, #tpu.memory_space<vmem>> -> memref<104xi32, #tpu.memory_space<vmem>>
      %dma_wait3A_1298 = arith.constant 0 : i32
      %dma_wait3A_1299 = arith.constant 0 : i32
      %dma_wait3A_1300 = tpu.memref_slice %arg4[%dma_wait3A_1298, %dma_wait3A_1299] : memref<1000000x32xf32, #tpu.memory_space<hbm>> -> memref<1000000x32xf32, #tpu.memory_space<hbm>>
      tpu.wait_indirect_dma semaphore(%arg17 : memref<!tpu.dma_semaphore, #tpu.memory_space<semaphore_mem>>) src(%dma_wait3A_1300 : memref<1000000x32xf32, #tpu.memory_space<hbm>>) dst(%dma_wait3A_1295 : memref<104x32xf32, #tpu.memory_space<vmem>>)
      %broadcast_in_dim3A_1301 = arith.constant 0.000000e+00 : f32
      %broadcast_in_dim3A_1302 = vector.broadcast %broadcast_in_dim3A_1301 : f32 to vector<16xf32>
      %scan3A_1303 = arith.constant 0 : i32
      %scan3A_1304 = arith.constant 25 : i32
      %scan3A_1305 = arith.addi %scan3A_1303, %scan3A_1304 : i32
      %scan3A_1306 = arith.constant 1 : i32
      %scan3A_1307:16 = scf.for %scan3A_1543 = %scan3A_1303 to %scan3A_1305 step %scan3A_1306 iter_args(%scan3A_1544 = %broadcast_in_dim3A_1302, %scan3A_1545 = %broadcast_in_dim3A_1302, %scan3A_1546 = %broadcast_in_dim3A_1302, %scan3A_1547 = %broadcast_in_dim3A_1302, %scan3A_1548 = %broadcast_in_dim3A_1302, %scan3A_1549 = %broadcast_in_dim3A_1302, %scan3A_1550 = %broadcast_in_dim3A_1302, %scan3A_1551 = %broadcast_in_dim3A_1302, %scan3A_1552 = %broadcast_in_dim3A_1302, %scan3A_1553 = %broadcast_in_dim3A_1302, %scan3A_1554 = %broadcast_in_dim3A_1302, %scan3A_1555 = %broadcast_in_dim3A_1302, %scan3A_1556 = %broadcast_in_dim3A_1302, %scan3A_1557 = %broadcast_in_dim3A_1302, %scan3A_1558 = %broadcast_in_dim3A_1302, %scan3A_1559 = %broadcast_in_dim3A_1302) -> (vector<16xf32>, vector<16xf32>, vector<16xf32>, vector<16xf32>, vector<16xf32>, vector<16xf32>, vector<16xf32>, vector<16xf32>, vector<16xf32>, vector<16xf32>, vector<16xf32>, vector<16xf32>, vector<16xf32>, vector<16xf32>, vector<16xf32>, vector<16xf32>)  : i32 {
        %mul3A_1560 = arith.constant 8 : i32
        %mul3A_1561 = arith.muli %scan3A_1543, %mul3A_1560 : i32
        %add3A_1562 = arith.constant 0 : i32
        %add3A_1563 = arith.addi %mul3A_1561, %add3A_1562 : i32
        %get3A_1564 = arith.constant 6 : i32
        %get3A_1565 = arith.index_cast %get3A_1564 : i32 to index
        %get3A_1566 = arith.index_cast %add3A_1563 : i32 to index
        %get3A_1567 = arith.constant 0 : index
        %get3A_1568 = tpu.vector_load %arg9[%get3A_1565, %get3A_1566, %get3A_1567] {strides = array<i32>} : memref<8x200x32xf32, #tpu.memory_space<vmem>>, vector<1x1x16xf32>,
        %get3A_1569 = vector.shape_cast %get3A_1568 : vector<1x1x16xf32> to vector<16xf32>
        %add3A_1570 = arith.addf %scan3A_1544, %get3A_1569 : vector<16xf32>
        %add3A_1571 = arith.constant 0 : i32
        %add3A_1572 = arith.addi %mul3A_1561, %add3A_1571 : i32
        %get3A_1573 = arith.constant 6 : i32
        %get3A_1574 = arith.index_cast %get3A_1573 : i32 to index
        %get3A_1575 = arith.index_cast %add3A_1572 : i32 to index
        %get3A_1576 = arith.constant 16 : index
        %get3A_1577 = tpu.vector_load %arg9[%get3A_1574, %get3A_1575, %get3A_1576] {strides = array<i32>} : memref<8x200x32xf32, #tpu.memory_space<vmem>>, vector<1x1x16xf32>,
        %get3A_1578 = vector.shape_cast %get3A_1577 : vector<1x1x16xf32> to vector<16xf32>
        %add3A_1579 = arith.addf %scan3A_1545, %get3A_1578 : vector<16xf32>
        %add3A_1580 = arith.constant 1 : i32
        %add3A_1581 = arith.addi %mul3A_1561, %add3A_1580 : i32
        %get3A_1582 = arith.constant 6 : i32
        %get3A_1583 = arith.index_cast %get3A_1582 : i32 to index
        %get3A_1584 = arith.index_cast %add3A_1581 : i32 to index
        %get3A_1585 = arith.constant 0 : index
        %get3A_1586 = tpu.vector_load %arg9[%get3A_1583, %get3A_1584, %get3A_1585] {strides = array<i32>} : memref<8x200x32xf32, #tpu.memory_space<vmem>>, vector<1x1x16xf32>,
        %get3A_1587 = vector.shape_cast %get3A_1586 : vector<1x1x16xf32> to vector<16xf32>
        %add3A_1588 = arith.addf %scan3A_1546, %get3A_1587 : vector<16xf32>
        %add3A_1589 = arith.constant 1 : i32
        %add3A_1590 = arith.addi %mul3A_1561, %add3A_1589 : i32
        %get3A_1591 = arith.constant 6 : i32
        %get3A_1592 = arith.index_cast %get3A_1591 : i32 to index
        %get3A_1593 = arith.index_cast %add3A_1590 : i32 to index
        %get3A_1594 = arith.constant 16 : index
        %get3A_1595 = tpu.vector_load %arg9[%get3A_1592, %get3A_1593, %get3A_1594] {strides = array<i32>} : memref<8x200x32xf32, #tpu.memory_space<vmem>>, vector<1x1x16xf32>,
        %get3A_1596 = vector.shape_cast %get3A_1595 : vector<1x1x16xf32> to vector<16xf32>
        %add3A_1597 = arith.addf %scan3A_1547, %get3A_1596 : vector<16xf32>
        %add3A_1598 = arith.constant 2 : i32
        %add3A_1599 = arith.addi %mul3A_1561, %add3A_1598 : i32
        %get3A_1600 = arith.constant 6 : i32
        %get3A_1601 = arith.index_cast %get3A_1600 : i32 to index
        %get3A_1602 = arith.index_cast %add3A_1599 : i32 to index
        %get3A_1603 = arith.constant 0 : index
        %get3A_1604 = tpu.vector_load %arg9[%get3A_1601, %get3A_1602, %get3A_1603] {strides = array<i32>} : memref<8x200x32xf32, #tpu.memory_space<vmem>>, vector<1x1x16xf32>,
        %get3A_1605 = vector.shape_cast %get3A_1604 : vector<1x1x16xf32> to vector<16xf32>
        %add3A_1606 = arith.addf %scan3A_1548, %get3A_1605 : vector<16xf32>
        %add3A_1607 = arith.constant 2 : i32
        %add3A_1608 = arith.addi %mul3A_1561, %add3A_1607 : i32
        %get3A_1609 = arith.constant 6 : i32
        %get3A_1610 = arith.index_cast %get3A_1609 : i32 to index
        %get3A_1611 = arith.index_cast %add3A_1608 : i32 to index
        %get3A_1612 = arith.constant 16 : index
        %get3A_1613 = tpu.vector_load %arg9[%get3A_1610, %get3A_1611, %get3A_1612] {strides = array<i32>} : memref<8x200x32xf32, #tpu.memory_space<vmem>>, vector<1x1x16xf32>,
        %get3A_1614 = vector.shape_cast %get3A_1613 : vector<1x1x16xf32> to vector<16xf32>
        %add3A_1615 = arith.addf %scan3A_1549, %get3A_1614 : vector<16xf32>
        %add3A_1616 = arith.constant 3 : i32
        %add3A_1617 = arith.addi %mul3A_1561, %add3A_1616 : i32
        %get3A_1618 = arith.constant 6 : i32
        %get3A_1619 = arith.index_cast %get3A_1618 : i32 to index
        %get3A_1620 = arith.index_cast %add3A_1617 : i32 to index
        %get3A_1621 = arith.constant 0 : index
        %get3A_1622 = tpu.vector_load %arg9[%get3A_1619, %get3A_1620, %get3A_1621] {strides = array<i32>} : memref<8x200x32xf32, #tpu.memory_space<vmem>>, vector<1x1x16xf32>,
        %get3A_1623 = vector.shape_cast %get3A_1622 : vector<1x1x16xf32> to vector<16xf32>
        %add3A_1624 = arith.addf %scan3A_1550, %get3A_1623 : vector<16xf32>
        %add3A_1625 = arith.constant 3 : i32
        %add3A_1626 = arith.addi %mul3A_1561, %add3A_1625 : i32
        %get3A_1627 = arith.constant 6 : i32
        %get3A_1628 = arith.index_cast %get3A_1627 : i32 to index
        %get3A_1629 = arith.index_cast %add3A_1626 : i32 to index
        %get3A_1630 = arith.constant 16 : index
        %get3A_1631 = tpu.vector_load %arg9[%get3A_1628, %get3A_1629, %get3A_1630] {strides = array<i32>} : memref<8x200x32xf32, #tpu.memory_space<vmem>>, vector<1x1x16xf32>,
        %get3A_1632 = vector.shape_cast %get3A_1631 : vector<1x1x16xf32> to vector<16xf32>
        %add3A_1633 = arith.addf %scan3A_1551, %get3A_1632 : vector<16xf32>
        %add3A_1634 = arith.constant 4 : i32
        %add3A_1635 = arith.addi %mul3A_1561, %add3A_1634 : i32
        %get3A_1636 = arith.constant 6 : i32
        %get3A_1637 = arith.index_cast %get3A_1636 : i32 to index
        %get3A_1638 = arith.index_cast %add3A_1635 : i32 to index
        %get3A_1639 = arith.constant 0 : index
        %get3A_1640 = tpu.vector_load %arg9[%get3A_1637, %get3A_1638, %get3A_1639] {strides = array<i32>} : memref<8x200x32xf32, #tpu.memory_space<vmem>>, vector<1x1x16xf32>,
        %get3A_1641 = vector.shape_cast %get3A_1640 : vector<1x1x16xf32> to vector<16xf32>
        %add3A_1642 = arith.addf %scan3A_1552, %get3A_1641 : vector<16xf32>
        %add3A_1643 = arith.constant 4 : i32
        %add3A_1644 = arith.addi %mul3A_1561, %add3A_1643 : i32
        %get3A_1645 = arith.constant 6 : i32
        %get3A_1646 = arith.index_cast %get3A_1645 : i32 to index
        %get3A_1647 = arith.index_cast %add3A_1644 : i32 to index
        %get3A_1648 = arith.constant 16 : index
        %get3A_1649 = tpu.vector_load %arg9[%get3A_1646, %get3A_1647, %get3A_1648] {strides = array<i32>} : memref<8x200x32xf32, #tpu.memory_space<vmem>>, vector<1x1x16xf32>,
        %get3A_1650 = vector.shape_cast %get3A_1649 : vector<1x1x16xf32> to vector<16xf32>
        %add3A_1651 = arith.addf %scan3A_1553, %get3A_1650 : vector<16xf32>
        %add3A_1652 = arith.constant 5 : i32
        %add3A_1653 = arith.addi %mul3A_1561, %add3A_1652 : i32
        %get3A_1654 = arith.constant 6 : i32
        %get3A_1655 = arith.index_cast %get3A_1654 : i32 to index
        %get3A_1656 = arith.index_cast %add3A_1653 : i32 to index
        %get3A_1657 = arith.constant 0 : index
        %get3A_1658 = tpu.vector_load %arg9[%get3A_1655, %get3A_1656, %get3A_1657] {strides = array<i32>} : memref<8x200x32xf32, #tpu.memory_space<vmem>>, vector<1x1x16xf32>,
        %get3A_1659 = vector.shape_cast %get3A_1658 : vector<1x1x16xf32> to vector<16xf32>
        %add3A_1660 = arith.addf %scan3A_1554, %get3A_1659 : vector<16xf32>
        %add3A_1661 = arith.constant 5 : i32
        %add3A_1662 = arith.addi %mul3A_1561, %add3A_1661 : i32
        %get3A_1663 = arith.constant 6 : i32
        %get3A_1664 = arith.index_cast %get3A_1663 : i32 to index
        %get3A_1665 = arith.index_cast %add3A_1662 : i32 to index
        %get3A_1666 = arith.constant 16 : index
        %get3A_1667 = tpu.vector_load %arg9[%get3A_1664, %get3A_1665, %get3A_1666] {strides = array<i32>} : memref<8x200x32xf32, #tpu.memory_space<vmem>>, vector<1x1x16xf32>,
        %get3A_1668 = vector.shape_cast %get3A_1667 : vector<1x1x16xf32> to vector<16xf32>
        %add3A_1669 = arith.addf %scan3A_1555, %get3A_1668 : vector<16xf32>
        %add3A_1670 = arith.constant 6 : i32
        %add3A_1671 = arith.addi %mul3A_1561, %add3A_1670 : i32
        %get3A_1672 = arith.constant 6 : i32
        %get3A_1673 = arith.index_cast %get3A_1672 : i32 to index
        %get3A_1674 = arith.index_cast %add3A_1671 : i32 to index
        %get3A_1675 = arith.constant 0 : index
        %get3A_1676 = tpu.vector_load %arg9[%get3A_1673, %get3A_1674, %get3A_1675] {strides = array<i32>} : memref<8x200x32xf32, #tpu.memory_space<vmem>>, vector<1x1x16xf32>,
        %get3A_1677 = vector.shape_cast %get3A_1676 : vector<1x1x16xf32> to vector<16xf32>
        %add3A_1678 = arith.addf %scan3A_1556, %get3A_1677 : vector<16xf32>
        %add3A_1679 = arith.constant 6 : i32
        %add3A_1680 = arith.addi %mul3A_1561, %add3A_1679 : i32
        %get3A_1681 = arith.constant 6 : i32
        %get3A_1682 = arith.index_cast %get3A_1681 : i32 to index
        %get3A_1683 = arith.index_cast %add3A_1680 : i32 to index
        %get3A_1684 = arith.constant 16 : index
        %get3A_1685 = tpu.vector_load %arg9[%get3A_1682, %get3A_1683, %get3A_1684] {strides = array<i32>} : memref<8x200x32xf32, #tpu.memory_space<vmem>>, vector<1x1x16xf32>,
        %get3A_1686 = vector.shape_cast %get3A_1685 : vector<1x1x16xf32> to vector<16xf32>
        %add3A_1687 = arith.addf %scan3A_1557, %get3A_1686 : vector<16xf32>
        %add3A_1688 = arith.constant 7 : i32
        %add3A_1689 = arith.addi %mul3A_1561, %add3A_1688 : i32
        %get3A_1690 = arith.constant 6 : i32
        %get3A_1691 = arith.index_cast %get3A_1690 : i32 to index
        %get3A_1692 = arith.index_cast %add3A_1689 : i32 to index
        %get3A_1693 = arith.constant 0 : index
        %get3A_1694 = tpu.vector_load %arg9[%get3A_1691, %get3A_1692, %get3A_1693] {strides = array<i32>} : memref<8x200x32xf32, #tpu.memory_space<vmem>>, vector<1x1x16xf32>,
        %get3A_1695 = vector.shape_cast %get3A_1694 : vector<1x1x16xf32> to vector<16xf32>
        %add3A_1696 = arith.addf %scan3A_1558, %get3A_1695 : vector<16xf32>
        %add3A_1697 = arith.constant 7 : i32
        %add3A_1698 = arith.addi %mul3A_1561, %add3A_1697 : i32
        %get3A_1699 = arith.constant 6 : i32
        %get3A_1700 = arith.index_cast %get3A_1699 : i32 to index
        %get3A_1701 = arith.index_cast %add3A_1698 : i32 to index
        %get3A_1702 = arith.constant 16 : index
        %get3A_1703 = tpu.vector_load %arg9[%get3A_1700, %get3A_1701, %get3A_1702] {strides = array<i32>} : memref<8x200x32xf32, #tpu.memory_space<vmem>>, vector<1x1x16xf32>,
        %get3A_1704 = vector.shape_cast %get3A_1703 : vector<1x1x16xf32> to vector<16xf32>
        %add3A_1705 = arith.addf %scan3A_1559, %get3A_1704 : vector<16xf32>
        scf.yield %add3A_1570, %add3A_1579, %add3A_1588, %add3A_1597, %add3A_1606, %add3A_1615, %add3A_1624, %add3A_1633, %add3A_1642, %add3A_1651, %add3A_1660, %add3A_1669, %add3A_1678, %add3A_1687, %add3A_1696, %add3A_1705 : vector<16xf32>, vector<16xf32>, vector<16xf32>, vector<16xf32>, vector<16xf32>, vector<16xf32>, vector<16xf32>, vector<16xf32>, vector<16xf32>, vector<16xf32>, vector<16xf32>, vector<16xf32>, vector<16xf32>, vector<16xf32>, vector<16xf32>, vector<16xf32>
      }
      %scan3A_1308 = arith.constant 25 : i32
      %add3A_1309 = arith.addf %scan3A_1307#0, %scan3A_1307#2 : vector<16xf32>
      %add3A_1310 = arith.addf %scan3A_1307#1, %scan3A_1307#3 : vector<16xf32>
      %add3A_1311 = arith.addf %add3A_1309, %scan3A_1307#4 : vector<16xf32>
      %add3A_1312 = arith.addf %add3A_1310, %scan3A_1307#5 : vector<16xf32>
      %add3A_1313 = arith.addf %add3A_1311, %scan3A_1307#6 : vector<16xf32>
      %add3A_1314 = arith.addf %add3A_1312, %scan3A_1307#7 : vector<16xf32>
      %add3A_1315 = arith.addf %add3A_1313, %scan3A_1307#8 : vector<16xf32>
      %add3A_1316 = arith.addf %add3A_1314, %scan3A_1307#9 : vector<16xf32>
      %add3A_1317 = arith.addf %add3A_1315, %scan3A_1307#10 : vector<16xf32>
      %add3A_1318 = arith.addf %add3A_1316, %scan3A_1307#11 : vector<16xf32>
      %add3A_1319 = arith.addf %add3A_1317, %scan3A_1307#12 : vector<16xf32>
      %add3A_1320 = arith.addf %add3A_1318, %scan3A_1307#13 : vector<16xf32>
      %add3A_1321 = arith.addf %add3A_1319, %scan3A_1307#14 : vector<16xf32>
      %add3A_1322 = arith.addf %add3A_1320, %scan3A_1307#15 : vector<16xf32>
      %rem3A_1323 = arith.constant 16 : i32
      %rem3A_1324 = arith.remsi %add3A_1237, %rem3A_1323 : i32
      %sub3A_1325 = arith.subi %add3A_1237, %rem3A_1324 : i32
      %get3A_1326 = arith.index_cast %sub3A_1325 : i32 to index
      %get3A_1327 = tpu.vector_load %arg8[%get3A_1326] {strides = array<i32>} : memref<512xf32, #tpu.memory_space<vmem>>, vector<16xf32>,
      %get3A_1328 = vector.shape_cast %get3A_1327 : vector<16xf32> to vector<16xf32>
      %broadcast_in_dim3A_1329 = vector.broadcast %rem3A_1324 : i32 to vector<16xi32>
      %lt3A_1330 = arith.constant 0 : i32
      %lt3A_1331 = vector.broadcast %lt3A_1330 : i32 to vector<16xi32>
      %lt3A_1332 = arith.cmpi slt, %broadcast_in_dim3A_1329, %lt3A_1331 : vector<16xi32>
      %add3A_1333 = arith.constant 16 : i32
      %add3A_1334 = vector.broadcast %add3A_1333 : i32 to vector<16xi32>
      %add3A_1335 = arith.addi %broadcast_in_dim3A_1329, %add3A_1334 : vector<16xi32>
      %select_n3A_1336 = arith.select %lt3A_1332, %add3A_1335, %broadcast_in_dim3A_1329 : vector<16xi1>, vector<16xi32>
      %reshape3A_1337 = vector.shape_cast %select_n3A_1336 : vector<16xi32> to vector<16x1xi32>
      %gather3A_1338 = vector.shape_cast %reshape3A_1337 : vector<16x1xi32> to vector<16xi32>
      %gather3A_1339 = tpu.dynamic_gather %get3A_1328[%gather3A_1338] in [0] : vector<16xf32>, vector<16xi32> -> vector<16xf32>
      %jit3A_1340 = arith.constant 64 : i32
      %div3A_1341 = arith.divsi %add3A_1237, %jit3A_1340 : i32
      %sign3A_1342 = arith.constant 0 : i32
      %sign3A_1343 = arith.cmpi sgt, %add3A_1237, %sign3A_1342 : i32
      %sign3A_1344 = arith.extui %sign3A_1343 : i1 to i32
      %sign3A_1345 = arith.constant 0 : i32
      %sign3A_1346 = arith.cmpi slt, %add3A_1237, %sign3A_1345 : i32
      %sign3A_1347 = arith.extui %sign3A_1346 : i1 to i32
      %sign3A_1348 = arith.subi %sign3A_1344, %sign3A_1347 : i32
      %sign3A_1349 = arith.constant 0 : i32
      %sign3A_1350 = arith.cmpi sgt, %jit3A_1340, %sign3A_1349 : i32
      %sign3A_1351 = arith.extui %sign3A_1350 : i1 to i32
      %sign3A_1352 = arith.constant 0 : i32
      %sign3A_1353 = arith.cmpi slt, %jit3A_1340, %sign3A_1352 : i32
      %sign3A_1354 = arith.extui %sign3A_1353 : i1 to i32
      %sign3A_1355 = arith.subi %sign3A_1351, %sign3A_1354 : i32
      %ne3A_1356 = arith.cmpi ne, %sign3A_1348, %sign3A_1355 : i32
      %rem3A_1357 = arith.remsi %add3A_1237, %jit3A_1340 : i32
      %ne3A_1358 = arith.constant 0 : i32
      %ne3A_1359 = arith.cmpi ne, %rem3A_1357, %ne3A_1358 : i32
      %and3A_1360 = arith.andi %ne3A_1356, %ne3A_1359 : i1
      %sub3A_1361 = arith.constant 1 : i32
      %sub3A_1362 = arith.subi %div3A_1341, %sub3A_1361 : i32
      %select_n3A_1363 = arith.select %and3A_1360, %sub3A_1362, %div3A_1341 : i32
      %rem3A_1364 = arith.constant 2 : i32
      %rem3A_1365 = arith.remsi %select_n3A_1363, %rem3A_1364 : i32
      %rem3A_1366 = arith.constant 64 : i32
      %rem3A_1367 = arith.remsi %add3A_1237, %rem3A_1366 : i32
      %mul3A_1368 = arith.mulf %add3A_1321, %gather3A_1339 : vector<16xf32>
      %mul3A_1369 = arith.constant 32 : i32
      %mul3A_1370 = arith.muli %rem3A_1367, %mul3A_1369 : i32
      %swap3A_1371 = arith.index_cast %rem3A_1365 : i32 to index
      %swap3A_1372 = arith.index_cast %mul3A_1370 : i32 to index
      %swap3A_1373 = tpu.vector_load %arg10[%swap3A_1371, %swap3A_1372] {strides = array<i32>} : memref<2x2048xf32, #tpu.memory_space<vmem>>, vector<1x16xf32>,
      %swap3A_1374 = vector.shape_cast %swap3A_1373 : vector<1x16xf32> to vector<16xf32>
      %swap3A_1375 = vector.shape_cast %mul3A_1368 : vector<16xf32> to vector<1x16xf32>
      tpu.vector_store %arg10[%swap3A_1371, %swap3A_1372], %swap3A_1375 {strides = array<i32>} : memref<2x2048xf32, #tpu.memory_space<vmem>>, vector<1x16xf32>,
      %mul3A_1376 = arith.mulf %add3A_1322, %gather3A_1339 : vector<16xf32>
      %mul3A_1377 = arith.constant 32 : i32
      %mul3A_1378 = arith.muli %rem3A_1367, %mul3A_1377 : i32
      %add3A_1379 = arith.constant 16 : i32
      %add3A_1380 = arith.addi %mul3A_1378, %add3A_1379 : i32
      %swap3A_1381 = arith.index_cast %rem3A_1365 : i32 to index
      %swap3A_1382 = arith.index_cast %add3A_1380 : i32 to index
      %swap3A_1383 = tpu.vector_load %arg10[%swap3A_1381, %swap3A_1382] {strides = array<i32>} : memref<2x2048xf32, #tpu.memory_space<vmem>>, vector<1x16xf32>,
      %swap3A_1384 = vector.shape_cast %swap3A_1383 : vector<1x16xf32> to vector<16xf32>
      %swap3A_1385 = vector.shape_cast %mul3A_1376 : vector<16xf32> to vector<1x16xf32>
      tpu.vector_store %arg10[%swap3A_1381, %swap3A_1382], %swap3A_1385 {strides = array<i32>} : memref<2x2048xf32, #tpu.memory_space<vmem>>, vector<1x16xf32>,
      %mul3A_1386 = arith.constant 8 : i32
      %mul3A_1387 = arith.muli %mul3A_1386, %scan3A_284 : i32
      %add3A_1388 = arith.constant 7 : i32
      %add3A_1389 = arith.addi %mul3A_1387, %add3A_1388 : i32
      %add3A_1390 = arith.constant 8 : i32
      %add3A_1391 = arith.addi %add3A_1389, %add3A_1390 : i32
      %sub3A_1392 = arith.constant 1 : i32
      %sub3A_1393 = arith.subi %add3A_1391, %sub3A_1392 : i32
      %lt3A_1394 = arith.constant 512 : i32
      %lt3A_1395 = arith.cmpi slt, %sub3A_1393, %lt3A_1394 : i32
      %convert_element_type3A_1396 = arith.extui %lt3A_1395 : i1 to i32
      %cond3A_1397 = arith.constant 0 : i32
      %cond3A_1398 = arith.cmpi ne, %convert_element_type3A_1396, %cond3A_1397 : i32
      scf.if %cond3A_1398 {
        %jit3A_1543 = arith.constant 64 : i32
        %div3A_1544 = arith.divsi %sub3A_1393, %jit3A_1543 : i32
        %sign3A_1545 = arith.constant 0 : i32
        %sign3A_1546 = arith.cmpi sgt, %sub3A_1393, %sign3A_1545 : i32
        %sign3A_1547 = arith.extui %sign3A_1546 : i1 to i32
        %sign3A_1548 = arith.constant 0 : i32
        %sign3A_1549 = arith.cmpi slt, %sub3A_1393, %sign3A_1548 : i32
        %sign3A_1550 = arith.extui %sign3A_1549 : i1 to i32
        %sign3A_1551 = arith.subi %sign3A_1547, %sign3A_1550 : i32
        %sign3A_1552 = arith.constant 0 : i32
        %sign3A_1553 = arith.cmpi sgt, %jit3A_1543, %sign3A_1552 : i32
        %sign3A_1554 = arith.extui %sign3A_1553 : i1 to i32
        %sign3A_1555 = arith.constant 0 : i32
        %sign3A_1556 = arith.cmpi slt, %jit3A_1543, %sign3A_1555 : i32
        %sign3A_1557 = arith.extui %sign3A_1556 : i1 to i32
        %sign3A_1558 = arith.subi %sign3A_1554, %sign3A_1557 : i32
        %ne3A_1559 = arith.cmpi ne, %sign3A_1551, %sign3A_1558 : i32
        %rem3A_1560 = arith.remsi %sub3A_1393, %jit3A_1543 : i32
        %ne3A_1561 = arith.constant 0 : i32
        %ne3A_1562 = arith.cmpi ne, %rem3A_1560, %ne3A_1561 : i32
        %and3A_1563 = arith.andi %ne3A_1559, %ne3A_1562 : i1
        %sub3A_1564 = arith.constant 1 : i32
        %sub3A_1565 = arith.subi %div3A_1544, %sub3A_1564 : i32
        %select_n3A_1566 = arith.select %and3A_1563, %sub3A_1565, %div3A_1544 : i32
        %rem3A_1567 = arith.constant 2 : i32
        %rem3A_1568 = arith.remsi %select_n3A_1566, %rem3A_1567 : i32
        %rem3A_1569 = arith.constant 64 : i32
        %rem3A_1570 = arith.remsi %sub3A_1393, %rem3A_1569 : i32
        %mul3A_1571 = arith.constant 200 : i32
        %mul3A_1572 = arith.muli %rem3A_1570, %mul3A_1571 : i32
        %mul3A_1573 = arith.constant 200 : i32
        %mul3A_1574 = arith.muli %rem3A_1570, %mul3A_1573 : i32
        %add3A_1575 = arith.constant 96 : i32
        %add3A_1576 = arith.addi %mul3A_1574, %add3A_1575 : i32
        %dma_start3A_1577 = arith.constant 6 : i32
        %dma_start3A_1578 = arith.constant 0 : i32
        %dma_start3A_1579 = arith.constant 0 : i32
        %dma_start3A_1580 = tpu.memref_slice %arg9[%dma_start3A_1577, %dma_start3A_1578, %dma_start3A_1579] : memref<8x200x32xf32, #tpu.memory_space<vmem>> -> memref<1x96x32xf32, #tpu.memory_space<vmem>>
        %dma_start3A_1581 = tpu.memref_squeeze %dma_start3A_1580 : memref<1x96x32xf32, #tpu.memory_space<vmem>> -> memref<96x32xf32, #tpu.memory_space<vmem>>
        %dma_start3A_1582 = tpu.memref_slice %arg6[%rem3A_1568, %mul3A_1572] : memref<2x12800xi32, #tpu.memory_space<vmem>> -> memref<1x96xi32, #tpu.memory_space<vmem>>
        %dma_start3A_1583 = tpu.memref_squeeze %dma_start3A_1582 : memref<1x96xi32, #tpu.memory_space<vmem>> -> memref<96xi32, #tpu.memory_space<vmem>>
        %dma_start3A_1584 = arith.constant 0 : i32
        %dma_start3A_1585 = arith.constant 0 : i32
        %dma_start3A_1586 = tpu.memref_slice %arg4[%dma_start3A_1584, %dma_start3A_1585] : memref<1000000x32xf32, #tpu.memory_space<hbm>> -> memref<1000000x32xf32, #tpu.memory_space<hbm>>
        tpu.enqueue_indirect_dma source(%dma_start3A_1586 : memref<1000000x32xf32, #tpu.memory_space<hbm>>) target(%dma_start3A_1581 : memref<96x32xf32, #tpu.memory_space<vmem>>) offsets(%dma_start3A_1583 : memref<96xi32, #tpu.memory_space<vmem>>) semaphore(%arg17 : memref<!tpu.dma_semaphore, #tpu.memory_space<semaphore_mem>>)
        %dma_start3A_1587 = arith.constant 6 : i32
        %dma_start3A_1588 = arith.constant 96 : i32
        %dma_start3A_1589 = arith.constant 0 : i32
        %dma_start3A_1590 = tpu.memref_slice %arg9[%dma_start3A_1587, %dma_start3A_1588, %dma_start3A_1589] : memref<8x200x32xf32, #tpu.memory_space<vmem>> -> memref<1x104x32xf32, #tpu.memory_space<vmem>>
        %dma_start3A_1591 = tpu.memref_squeeze %dma_start3A_1590 : memref<1x104x32xf32, #tpu.memory_space<vmem>> -> memref<104x32xf32, #tpu.memory_space<vmem>>
        %dma_start3A_1592 = tpu.memref_slice %arg6[%rem3A_1568, %add3A_1576] : memref<2x12800xi32, #tpu.memory_space<vmem>> -> memref<1x104xi32, #tpu.memory_space<vmem>>
        %dma_start3A_1593 = tpu.memref_squeeze %dma_start3A_1592 : memref<1x104xi32, #tpu.memory_space<vmem>> -> memref<104xi32, #tpu.memory_space<vmem>>
        %dma_start3A_1594 = arith.constant 0 : i32
        %dma_start3A_1595 = arith.constant 0 : i32
        %dma_start3A_1596 = tpu.memref_slice %arg4[%dma_start3A_1594, %dma_start3A_1595] : memref<1000000x32xf32, #tpu.memory_space<hbm>> -> memref<1000000x32xf32, #tpu.memory_space<hbm>>
        tpu.enqueue_indirect_dma source(%dma_start3A_1596 : memref<1000000x32xf32, #tpu.memory_space<hbm>>) target(%dma_start3A_1591 : memref<104x32xf32, #tpu.memory_space<vmem>>) offsets(%dma_start3A_1593 : memref<104xi32, #tpu.memory_space<vmem>>) semaphore(%arg17 : memref<!tpu.dma_semaphore, #tpu.memory_space<semaphore_mem>>)
      } else {
      }
      %jit3A_1399 = arith.constant 64 : i32
      %div3A_1400 = arith.divsi %add3A_1389, %jit3A_1399 : i32
      %sign3A_1401 = arith.constant 0 : i32
      %sign3A_1402 = arith.cmpi sgt, %add3A_1389, %sign3A_1401 : i32
      %sign3A_1403 = arith.extui %sign3A_1402 : i1 to i32
      %sign3A_1404 = arith.constant 0 : i32
      %sign3A_1405 = arith.cmpi slt, %add3A_1389, %sign3A_1404 : i32
      %sign3A_1406 = arith.extui %sign3A_1405 : i1 to i32
      %sign3A_1407 = arith.subi %sign3A_1403, %sign3A_1406 : i32
      %sign3A_1408 = arith.constant 0 : i32
      %sign3A_1409 = arith.cmpi sgt, %jit3A_1399, %sign3A_1408 : i32
      %sign3A_1410 = arith.extui %sign3A_1409 : i1 to i32
      %sign3A_1411 = arith.constant 0 : i32
      %sign3A_1412 = arith.cmpi slt, %jit3A_1399, %sign3A_1411 : i32
      %sign3A_1413 = arith.extui %sign3A_1412 : i1 to i32
      %sign3A_1414 = arith.subi %sign3A_1410, %sign3A_1413 : i32
      %ne3A_1415 = arith.cmpi ne, %sign3A_1407, %sign3A_1414 : i32
      %rem3A_1416 = arith.remsi %add3A_1389, %jit3A_1399 : i32
      %ne3A_1417 = arith.constant 0 : i32
      %ne3A_1418 = arith.cmpi ne, %rem3A_1416, %ne3A_1417 : i32
      %and3A_1419 = arith.andi %ne3A_1415, %ne3A_1418 : i1
      %sub3A_1420 = arith.constant 1 : i32
      %sub3A_1421 = arith.subi %div3A_1400, %sub3A_1420 : i32
      %select_n3A_1422 = arith.select %and3A_1419, %sub3A_1421, %div3A_1400 : i32
      %rem3A_1423 = arith.constant 2 : i32
      %rem3A_1424 = arith.remsi %select_n3A_1422, %rem3A_1423 : i32
      %rem3A_1425 = arith.constant 64 : i32
      %rem3A_1426 = arith.remsi %add3A_1389, %rem3A_1425 : i32
      %mul3A_1427 = arith.constant 200 : i32
      %mul3A_1428 = arith.muli %rem3A_1426, %mul3A_1427 : i32
      %mul3A_1429 = arith.constant 200 : i32
      %mul3A_1430 = arith.muli %rem3A_1426, %mul3A_1429 : i32
      %add3A_1431 = arith.constant 96 : i32
      %add3A_1432 = arith.addi %mul3A_1430, %add3A_1431 : i32
      %dma_wait3A_1433 = arith.constant 7 : i32
      %dma_wait3A_1434 = arith.constant 0 : i32
      %dma_wait3A_1435 = arith.constant 0 : i32
      %dma_wait3A_1436 = tpu.memref_slice %arg9[%dma_wait3A_1433, %dma_wait3A_1434, %dma_wait3A_1435] : memref<8x200x32xf32, #tpu.memory_space<vmem>> -> memref<1x96x32xf32, #tpu.memory_space<vmem>>
      %dma_wait3A_1437 = tpu.memref_squeeze %dma_wait3A_1436 : memref<1x96x32xf32, #tpu.memory_space<vmem>> -> memref<96x32xf32, #tpu.memory_space<vmem>>
      %dma_wait3A_1438 = tpu.memref_slice %arg6[%rem3A_1424, %mul3A_1428] : memref<2x12800xi32, #tpu.memory_space<vmem>> -> memref<1x96xi32, #tpu.memory_space<vmem>>
      %dma_wait3A_1439 = tpu.memref_squeeze %dma_wait3A_1438 : memref<1x96xi32, #tpu.memory_space<vmem>> -> memref<96xi32, #tpu.memory_space<vmem>>
      %dma_wait3A_1440 = arith.constant 0 : i32
      %dma_wait3A_1441 = arith.constant 0 : i32
      %dma_wait3A_1442 = tpu.memref_slice %arg4[%dma_wait3A_1440, %dma_wait3A_1441] : memref<1000000x32xf32, #tpu.memory_space<hbm>> -> memref<1000000x32xf32, #tpu.memory_space<hbm>>
      tpu.wait_indirect_dma semaphore(%arg18 : memref<!tpu.dma_semaphore, #tpu.memory_space<semaphore_mem>>) src(%dma_wait3A_1442 : memref<1000000x32xf32, #tpu.memory_space<hbm>>) dst(%dma_wait3A_1437 : memref<96x32xf32, #tpu.memory_space<vmem>>)
      %dma_wait3A_1443 = arith.constant 7 : i32
      %dma_wait3A_1444 = arith.constant 96 : i32
      %dma_wait3A_1445 = arith.constant 0 : i32
      %dma_wait3A_1446 = tpu.memref_slice %arg9[%dma_wait3A_1443, %dma_wait3A_1444, %dma_wait3A_1445] : memref<8x200x32xf32, #tpu.memory_space<vmem>> -> memref<1x104x32xf32, #tpu.memory_space<vmem>>
      %dma_wait3A_1447 = tpu.memref_squeeze %dma_wait3A_1446 : memref<1x104x32xf32, #tpu.memory_space<vmem>> -> memref<104x32xf32, #tpu.memory_space<vmem>>
      %dma_wait3A_1448 = tpu.memref_slice %arg6[%rem3A_1424, %add3A_1432] : memref<2x12800xi32, #tpu.memory_space<vmem>> -> memref<1x104xi32, #tpu.memory_space<vmem>>
      %dma_wait3A_1449 = tpu.memref_squeeze %dma_wait3A_1448 : memref<1x104xi32, #tpu.memory_space<vmem>> -> memref<104xi32, #tpu.memory_space<vmem>>
      %dma_wait3A_1450 = arith.constant 0 : i32
      %dma_wait3A_1451 = arith.constant 0 : i32
      %dma_wait3A_1452 = tpu.memref_slice %arg4[%dma_wait3A_1450, %dma_wait3A_1451] : memref<1000000x32xf32, #tpu.memory_space<hbm>> -> memref<1000000x32xf32, #tpu.memory_space<hbm>>
      tpu.wait_indirect_dma semaphore(%arg18 : memref<!tpu.dma_semaphore, #tpu.memory_space<semaphore_mem>>) src(%dma_wait3A_1452 : memref<1000000x32xf32, #tpu.memory_space<hbm>>) dst(%dma_wait3A_1447 : memref<104x32xf32, #tpu.memory_space<vmem>>)
      %broadcast_in_dim3A_1453 = arith.constant 0.000000e+00 : f32
      %broadcast_in_dim3A_1454 = vector.broadcast %broadcast_in_dim3A_1453 : f32 to vector<16xf32>
      %scan3A_1455 = arith.constant 0 : i32
      %scan3A_1456 = arith.constant 25 : i32
      %scan3A_1457 = arith.addi %scan3A_1455, %scan3A_1456 : i32
      %scan3A_1458 = arith.constant 1 : i32
      %scan3A_1459:16 = scf.for %scan3A_1543 = %scan3A_1455 to %scan3A_1457 step %scan3A_1458 iter_args(%scan3A_1544 = %broadcast_in_dim3A_1454, %scan3A_1545 = %broadcast_in_dim3A_1454, %scan3A_1546 = %broadcast_in_dim3A_1454, %scan3A_1547 = %broadcast_in_dim3A_1454, %scan3A_1548 = %broadcast_in_dim3A_1454, %scan3A_1549 = %broadcast_in_dim3A_1454, %scan3A_1550 = %broadcast_in_dim3A_1454, %scan3A_1551 = %broadcast_in_dim3A_1454, %scan3A_1552 = %broadcast_in_dim3A_1454, %scan3A_1553 = %broadcast_in_dim3A_1454, %scan3A_1554 = %broadcast_in_dim3A_1454, %scan3A_1555 = %broadcast_in_dim3A_1454, %scan3A_1556 = %broadcast_in_dim3A_1454, %scan3A_1557 = %broadcast_in_dim3A_1454, %scan3A_1558 = %broadcast_in_dim3A_1454, %scan3A_1559 = %broadcast_in_dim3A_1454) -> (vector<16xf32>, vector<16xf32>, vector<16xf32>, vector<16xf32>, vector<16xf32>, vector<16xf32>, vector<16xf32>, vector<16xf32>, vector<16xf32>, vector<16xf32>, vector<16xf32>, vector<16xf32>, vector<16xf32>, vector<16xf32>, vector<16xf32>, vector<16xf32>)  : i32 {
        %mul3A_1560 = arith.constant 8 : i32
        %mul3A_1561 = arith.muli %scan3A_1543, %mul3A_1560 : i32
        %add3A_1562 = arith.constant 0 : i32
        %add3A_1563 = arith.addi %mul3A_1561, %add3A_1562 : i32
        %get3A_1564 = arith.constant 7 : i32
        %get3A_1565 = arith.index_cast %get3A_1564 : i32 to index
        %get3A_1566 = arith.index_cast %add3A_1563 : i32 to index
        %get3A_1567 = arith.constant 0 : index
        %get3A_1568 = tpu.vector_load %arg9[%get3A_1565, %get3A_1566, %get3A_1567] {strides = array<i32>} : memref<8x200x32xf32, #tpu.memory_space<vmem>>, vector<1x1x16xf32>,
        %get3A_1569 = vector.shape_cast %get3A_1568 : vector<1x1x16xf32> to vector<16xf32>
        %add3A_1570 = arith.addf %scan3A_1544, %get3A_1569 : vector<16xf32>
        %add3A_1571 = arith.constant 0 : i32
        %add3A_1572 = arith.addi %mul3A_1561, %add3A_1571 : i32
        %get3A_1573 = arith.constant 7 : i32
        %get3A_1574 = arith.index_cast %get3A_1573 : i32 to index
        %get3A_1575 = arith.index_cast %add3A_1572 : i32 to index
        %get3A_1576 = arith.constant 16 : index
        %get3A_1577 = tpu.vector_load %arg9[%get3A_1574, %get3A_1575, %get3A_1576] {strides = array<i32>} : memref<8x200x32xf32, #tpu.memory_space<vmem>>, vector<1x1x16xf32>,
        %get3A_1578 = vector.shape_cast %get3A_1577 : vector<1x1x16xf32> to vector<16xf32>
        %add3A_1579 = arith.addf %scan3A_1545, %get3A_1578 : vector<16xf32>
        %add3A_1580 = arith.constant 1 : i32
        %add3A_1581 = arith.addi %mul3A_1561, %add3A_1580 : i32
        %get3A_1582 = arith.constant 7 : i32
        %get3A_1583 = arith.index_cast %get3A_1582 : i32 to index
        %get3A_1584 = arith.index_cast %add3A_1581 : i32 to index
        %get3A_1585 = arith.constant 0 : index
        %get3A_1586 = tpu.vector_load %arg9[%get3A_1583, %get3A_1584, %get3A_1585] {strides = array<i32>} : memref<8x200x32xf32, #tpu.memory_space<vmem>>, vector<1x1x16xf32>,
        %get3A_1587 = vector.shape_cast %get3A_1586 : vector<1x1x16xf32> to vector<16xf32>
        %add3A_1588 = arith.addf %scan3A_1546, %get3A_1587 : vector<16xf32>
        %add3A_1589 = arith.constant 1 : i32
        %add3A_1590 = arith.addi %mul3A_1561, %add3A_1589 : i32
        %get3A_1591 = arith.constant 7 : i32
        %get3A_1592 = arith.index_cast %get3A_1591 : i32 to index
        %get3A_1593 = arith.index_cast %add3A_1590 : i32 to index
        %get3A_1594 = arith.constant 16 : index
        %get3A_1595 = tpu.vector_load %arg9[%get3A_1592, %get3A_1593, %get3A_1594] {strides = array<i32>} : memref<8x200x32xf32, #tpu.memory_space<vmem>>, vector<1x1x16xf32>,
        %get3A_1596 = vector.shape_cast %get3A_1595 : vector<1x1x16xf32> to vector<16xf32>
        %add3A_1597 = arith.addf %scan3A_1547, %get3A_1596 : vector<16xf32>
        %add3A_1598 = arith.constant 2 : i32
        %add3A_1599 = arith.addi %mul3A_1561, %add3A_1598 : i32
        %get3A_1600 = arith.constant 7 : i32
        %get3A_1601 = arith.index_cast %get3A_1600 : i32 to index
        %get3A_1602 = arith.index_cast %add3A_1599 : i32 to index
        %get3A_1603 = arith.constant 0 : index
        %get3A_1604 = tpu.vector_load %arg9[%get3A_1601, %get3A_1602, %get3A_1603] {strides = array<i32>} : memref<8x200x32xf32, #tpu.memory_space<vmem>>, vector<1x1x16xf32>,
        %get3A_1605 = vector.shape_cast %get3A_1604 : vector<1x1x16xf32> to vector<16xf32>
        %add3A_1606 = arith.addf %scan3A_1548, %get3A_1605 : vector<16xf32>
        %add3A_1607 = arith.constant 2 : i32
        %add3A_1608 = arith.addi %mul3A_1561, %add3A_1607 : i32
        %get3A_1609 = arith.constant 7 : i32
        %get3A_1610 = arith.index_cast %get3A_1609 : i32 to index
        %get3A_1611 = arith.index_cast %add3A_1608 : i32 to index
        %get3A_1612 = arith.constant 16 : index
        %get3A_1613 = tpu.vector_load %arg9[%get3A_1610, %get3A_1611, %get3A_1612] {strides = array<i32>} : memref<8x200x32xf32, #tpu.memory_space<vmem>>, vector<1x1x16xf32>,
        %get3A_1614 = vector.shape_cast %get3A_1613 : vector<1x1x16xf32> to vector<16xf32>
        %add3A_1615 = arith.addf %scan3A_1549, %get3A_1614 : vector<16xf32>
        %add3A_1616 = arith.constant 3 : i32
        %add3A_1617 = arith.addi %mul3A_1561, %add3A_1616 : i32
        %get3A_1618 = arith.constant 7 : i32
        %get3A_1619 = arith.index_cast %get3A_1618 : i32 to index
        %get3A_1620 = arith.index_cast %add3A_1617 : i32 to index
        %get3A_1621 = arith.constant 0 : index
        %get3A_1622 = tpu.vector_load %arg9[%get3A_1619, %get3A_1620, %get3A_1621] {strides = array<i32>} : memref<8x200x32xf32, #tpu.memory_space<vmem>>, vector<1x1x16xf32>,
        %get3A_1623 = vector.shape_cast %get3A_1622 : vector<1x1x16xf32> to vector<16xf32>
        %add3A_1624 = arith.addf %scan3A_1550, %get3A_1623 : vector<16xf32>
        %add3A_1625 = arith.constant 3 : i32
        %add3A_1626 = arith.addi %mul3A_1561, %add3A_1625 : i32
        %get3A_1627 = arith.constant 7 : i32
        %get3A_1628 = arith.index_cast %get3A_1627 : i32 to index
        %get3A_1629 = arith.index_cast %add3A_1626 : i32 to index
        %get3A_1630 = arith.constant 16 : index
        %get3A_1631 = tpu.vector_load %arg9[%get3A_1628, %get3A_1629, %get3A_1630] {strides = array<i32>} : memref<8x200x32xf32, #tpu.memory_space<vmem>>, vector<1x1x16xf32>,
        %get3A_1632 = vector.shape_cast %get3A_1631 : vector<1x1x16xf32> to vector<16xf32>
        %add3A_1633 = arith.addf %scan3A_1551, %get3A_1632 : vector<16xf32>
        %add3A_1634 = arith.constant 4 : i32
        %add3A_1635 = arith.addi %mul3A_1561, %add3A_1634 : i32
        %get3A_1636 = arith.constant 7 : i32
        %get3A_1637 = arith.index_cast %get3A_1636 : i32 to index
        %get3A_1638 = arith.index_cast %add3A_1635 : i32 to index
        %get3A_1639 = arith.constant 0 : index
        %get3A_1640 = tpu.vector_load %arg9[%get3A_1637, %get3A_1638, %get3A_1639] {strides = array<i32>} : memref<8x200x32xf32, #tpu.memory_space<vmem>>, vector<1x1x16xf32>,
        %get3A_1641 = vector.shape_cast %get3A_1640 : vector<1x1x16xf32> to vector<16xf32>
        %add3A_1642 = arith.addf %scan3A_1552, %get3A_1641 : vector<16xf32>
        %add3A_1643 = arith.constant 4 : i32
        %add3A_1644 = arith.addi %mul3A_1561, %add3A_1643 : i32
        %get3A_1645 = arith.constant 7 : i32
        %get3A_1646 = arith.index_cast %get3A_1645 : i32 to index
        %get3A_1647 = arith.index_cast %add3A_1644 : i32 to index
        %get3A_1648 = arith.constant 16 : index
        %get3A_1649 = tpu.vector_load %arg9[%get3A_1646, %get3A_1647, %get3A_1648] {strides = array<i32>} : memref<8x200x32xf32, #tpu.memory_space<vmem>>, vector<1x1x16xf32>,
        %get3A_1650 = vector.shape_cast %get3A_1649 : vector<1x1x16xf32> to vector<16xf32>
        %add3A_1651 = arith.addf %scan3A_1553, %get3A_1650 : vector<16xf32>
        %add3A_1652 = arith.constant 5 : i32
        %add3A_1653 = arith.addi %mul3A_1561, %add3A_1652 : i32
        %get3A_1654 = arith.constant 7 : i32
        %get3A_1655 = arith.index_cast %get3A_1654 : i32 to index
        %get3A_1656 = arith.index_cast %add3A_1653 : i32 to index
        %get3A_1657 = arith.constant 0 : index
        %get3A_1658 = tpu.vector_load %arg9[%get3A_1655, %get3A_1656, %get3A_1657] {strides = array<i32>} : memref<8x200x32xf32, #tpu.memory_space<vmem>>, vector<1x1x16xf32>,
        %get3A_1659 = vector.shape_cast %get3A_1658 : vector<1x1x16xf32> to vector<16xf32>
        %add3A_1660 = arith.addf %scan3A_1554, %get3A_1659 : vector<16xf32>
        %add3A_1661 = arith.constant 5 : i32
        %add3A_1662 = arith.addi %mul3A_1561, %add3A_1661 : i32
        %get3A_1663 = arith.constant 7 : i32
        %get3A_1664 = arith.index_cast %get3A_1663 : i32 to index
        %get3A_1665 = arith.index_cast %add3A_1662 : i32 to index
        %get3A_1666 = arith.constant 16 : index
        %get3A_1667 = tpu.vector_load %arg9[%get3A_1664, %get3A_1665, %get3A_1666] {strides = array<i32>} : memref<8x200x32xf32, #tpu.memory_space<vmem>>, vector<1x1x16xf32>,
        %get3A_1668 = vector.shape_cast %get3A_1667 : vector<1x1x16xf32> to vector<16xf32>
        %add3A_1669 = arith.addf %scan3A_1555, %get3A_1668 : vector<16xf32>
        %add3A_1670 = arith.constant 6 : i32
        %add3A_1671 = arith.addi %mul3A_1561, %add3A_1670 : i32
        %get3A_1672 = arith.constant 7 : i32
        %get3A_1673 = arith.index_cast %get3A_1672 : i32 to index
        %get3A_1674 = arith.index_cast %add3A_1671 : i32 to index
        %get3A_1675 = arith.constant 0 : index
        %get3A_1676 = tpu.vector_load %arg9[%get3A_1673, %get3A_1674, %get3A_1675] {strides = array<i32>} : memref<8x200x32xf32, #tpu.memory_space<vmem>>, vector<1x1x16xf32>,
        %get3A_1677 = vector.shape_cast %get3A_1676 : vector<1x1x16xf32> to vector<16xf32>
        %add3A_1678 = arith.addf %scan3A_1556, %get3A_1677 : vector<16xf32>
        %add3A_1679 = arith.constant 6 : i32
        %add3A_1680 = arith.addi %mul3A_1561, %add3A_1679 : i32
        %get3A_1681 = arith.constant 7 : i32
        %get3A_1682 = arith.index_cast %get3A_1681 : i32 to index
        %get3A_1683 = arith.index_cast %add3A_1680 : i32 to index
        %get3A_1684 = arith.constant 16 : index
        %get3A_1685 = tpu.vector_load %arg9[%get3A_1682, %get3A_1683, %get3A_1684] {strides = array<i32>} : memref<8x200x32xf32, #tpu.memory_space<vmem>>, vector<1x1x16xf32>,
        %get3A_1686 = vector.shape_cast %get3A_1685 : vector<1x1x16xf32> to vector<16xf32>
        %add3A_1687 = arith.addf %scan3A_1557, %get3A_1686 : vector<16xf32>
        %add3A_1688 = arith.constant 7 : i32
        %add3A_1689 = arith.addi %mul3A_1561, %add3A_1688 : i32
        %get3A_1690 = arith.constant 7 : i32
        %get3A_1691 = arith.index_cast %get3A_1690 : i32 to index
        %get3A_1692 = arith.index_cast %add3A_1689 : i32 to index
        %get3A_1693 = arith.constant 0 : index
        %get3A_1694 = tpu.vector_load %arg9[%get3A_1691, %get3A_1692, %get3A_1693] {strides = array<i32>} : memref<8x200x32xf32, #tpu.memory_space<vmem>>, vector<1x1x16xf32>,
        %get3A_1695 = vector.shape_cast %get3A_1694 : vector<1x1x16xf32> to vector<16xf32>
        %add3A_1696 = arith.addf %scan3A_1558, %get3A_1695 : vector<16xf32>
        %add3A_1697 = arith.constant 7 : i32
        %add3A_1698 = arith.addi %mul3A_1561, %add3A_1697 : i32
        %get3A_1699 = arith.constant 7 : i32
        %get3A_1700 = arith.index_cast %get3A_1699 : i32 to index
        %get3A_1701 = arith.index_cast %add3A_1698 : i32 to index
        %get3A_1702 = arith.constant 16 : index
        %get3A_1703 = tpu.vector_load %arg9[%get3A_1700, %get3A_1701, %get3A_1702] {strides = array<i32>} : memref<8x200x32xf32, #tpu.memory_space<vmem>>, vector<1x1x16xf32>,
        %get3A_1704 = vector.shape_cast %get3A_1703 : vector<1x1x16xf32> to vector<16xf32>
        %add3A_1705 = arith.addf %scan3A_1559, %get3A_1704 : vector<16xf32>
        scf.yield %add3A_1570, %add3A_1579, %add3A_1588, %add3A_1597, %add3A_1606, %add3A_1615, %add3A_1624, %add3A_1633, %add3A_1642, %add3A_1651, %add3A_1660, %add3A_1669, %add3A_1678, %add3A_1687, %add3A_1696, %add3A_1705 : vector<16xf32>, vector<16xf32>, vector<16xf32>, vector<16xf32>, vector<16xf32>, vector<16xf32>, vector<16xf32>, vector<16xf32>, vector<16xf32>, vector<16xf32>, vector<16xf32>, vector<16xf32>, vector<16xf32>, vector<16xf32>, vector<16xf32>, vector<16xf32>
      }
      %scan3A_1460 = arith.constant 25 : i32
      %add3A_1461 = arith.addf %scan3A_1459#0, %scan3A_1459#2 : vector<16xf32>
      %add3A_1462 = arith.addf %scan3A_1459#1, %scan3A_1459#3 : vector<16xf32>
      %add3A_1463 = arith.addf %add3A_1461, %scan3A_1459#4 : vector<16xf32>
      %add3A_1464 = arith.addf %add3A_1462, %scan3A_1459#5 : vector<16xf32>
      %add3A_1465 = arith.addf %add3A_1463, %scan3A_1459#6 : vector<16xf32>
      %add3A_1466 = arith.addf %add3A_1464, %scan3A_1459#7 : vector<16xf32>
      %add3A_1467 = arith.addf %add3A_1465, %scan3A_1459#8 : vector<16xf32>
      %add3A_1468 = arith.addf %add3A_1466, %scan3A_1459#9 : vector<16xf32>
      %add3A_1469 = arith.addf %add3A_1467, %scan3A_1459#10 : vector<16xf32>
      %add3A_1470 = arith.addf %add3A_1468, %scan3A_1459#11 : vector<16xf32>
      %add3A_1471 = arith.addf %add3A_1469, %scan3A_1459#12 : vector<16xf32>
      %add3A_1472 = arith.addf %add3A_1470, %scan3A_1459#13 : vector<16xf32>
      %add3A_1473 = arith.addf %add3A_1471, %scan3A_1459#14 : vector<16xf32>
      %add3A_1474 = arith.addf %add3A_1472, %scan3A_1459#15 : vector<16xf32>
      %rem3A_1475 = arith.constant 16 : i32
      %rem3A_1476 = arith.remsi %add3A_1389, %rem3A_1475 : i32
      %sub3A_1477 = arith.subi %add3A_1389, %rem3A_1476 : i32
      %get3A_1478 = arith.index_cast %sub3A_1477 : i32 to index
      %get3A_1479 = tpu.vector_load %arg8[%get3A_1478] {strides = array<i32>} : memref<512xf32, #tpu.memory_space<vmem>>, vector<16xf32>,
      %get3A_1480 = vector.shape_cast %get3A_1479 : vector<16xf32> to vector<16xf32>
      %broadcast_in_dim3A_1481 = vector.broadcast %rem3A_1476 : i32 to vector<16xi32>
      %lt3A_1482 = arith.constant 0 : i32
      %lt3A_1483 = vector.broadcast %lt3A_1482 : i32 to vector<16xi32>
      %lt3A_1484 = arith.cmpi slt, %broadcast_in_dim3A_1481, %lt3A_1483 : vector<16xi32>
      %add3A_1485 = arith.constant 16 : i32
      %add3A_1486 = vector.broadcast %add3A_1485 : i32 to vector<16xi32>
      %add3A_1487 = arith.addi %broadcast_in_dim3A_1481, %add3A_1486 : vector<16xi32>
      %select_n3A_1488 = arith.select %lt3A_1484, %add3A_1487, %broadcast_in_dim3A_1481 : vector<16xi1>, vector<16xi32>
      %reshape3A_1489 = vector.shape_cast %select_n3A_1488 : vector<16xi32> to vector<16x1xi32>
      %gather3A_1490 = vector.shape_cast %reshape3A_1489 : vector<16x1xi32> to vector<16xi32>
      %gather3A_1491 = tpu.dynamic_gather %get3A_1480[%gather3A_1490] in [0] : vector<16xf32>, vector<16xi32> -> vector<16xf32>
      %jit3A_1492 = arith.constant 64 : i32
      %div3A_1493 = arith.divsi %add3A_1389, %jit3A_1492 : i32
      %sign3A_1494 = arith.constant 0 : i32
      %sign3A_1495 = arith.cmpi sgt, %add3A_1389, %sign3A_1494 : i32
      %sign3A_1496 = arith.extui %sign3A_1495 : i1 to i32
      %sign3A_1497 = arith.constant 0 : i32
      %sign3A_1498 = arith.cmpi slt, %add3A_1389, %sign3A_1497 : i32
      %sign3A_1499 = arith.extui %sign3A_1498 : i1 to i32
      %sign3A_1500 = arith.subi %sign3A_1496, %sign3A_1499 : i32
      %sign3A_1501 = arith.constant 0 : i32
      %sign3A_1502 = arith.cmpi sgt, %jit3A_1492, %sign3A_1501 : i32
      %sign3A_1503 = arith.extui %sign3A_1502 : i1 to i32
      %sign3A_1504 = arith.constant 0 : i32
      %sign3A_1505 = arith.cmpi slt, %jit3A_1492, %sign3A_1504 : i32
      %sign3A_1506 = arith.extui %sign3A_1505 : i1 to i32
      %sign3A_1507 = arith.subi %sign3A_1503, %sign3A_1506 : i32
      %ne3A_1508 = arith.cmpi ne, %sign3A_1500, %sign3A_1507 : i32
      %rem3A_1509 = arith.remsi %add3A_1389, %jit3A_1492 : i32
      %ne3A_1510 = arith.constant 0 : i32
      %ne3A_1511 = arith.cmpi ne, %rem3A_1509, %ne3A_1510 : i32
      %and3A_1512 = arith.andi %ne3A_1508, %ne3A_1511 : i1
      %sub3A_1513 = arith.constant 1 : i32
      %sub3A_1514 = arith.subi %div3A_1493, %sub3A_1513 : i32
      %select_n3A_1515 = arith.select %and3A_1512, %sub3A_1514, %div3A_1493 : i32
      %rem3A_1516 = arith.constant 2 : i32
      %rem3A_1517 = arith.remsi %select_n3A_1515, %rem3A_1516 : i32
      %rem3A_1518 = arith.constant 64 : i32
      %rem3A_1519 = arith.remsi %add3A_1389, %rem3A_1518 : i32
      %mul3A_1520 = arith.mulf %add3A_1473, %gather3A_1491 : vector<16xf32>
      %mul3A_1521 = arith.constant 32 : i32
      %mul3A_1522 = arith.muli %rem3A_1519, %mul3A_1521 : i32
      %swap3A_1523 = arith.index_cast %rem3A_1517 : i32 to index
      %swap3A_1524 = arith.index_cast %mul3A_1522 : i32 to index
      %swap3A_1525 = tpu.vector_load %arg10[%swap3A_1523, %swap3A_1524] {strides = array<i32>} : memref<2x2048xf32, #tpu.memory_space<vmem>>, vector<1x16xf32>,
      %swap3A_1526 = vector.shape_cast %swap3A_1525 : vector<1x16xf32> to vector<16xf32>
      %swap3A_1527 = vector.shape_cast %mul3A_1520 : vector<16xf32> to vector<1x16xf32>
      tpu.vector_store %arg10[%swap3A_1523, %swap3A_1524], %swap3A_1527 {strides = array<i32>} : memref<2x2048xf32, #tpu.memory_space<vmem>>, vector<1x16xf32>,
      %mul3A_1528 = arith.mulf %add3A_1474, %gather3A_1491 : vector<16xf32>
      %mul3A_1529 = arith.constant 32 : i32
      %mul3A_1530 = arith.muli %rem3A_1519, %mul3A_1529 : i32
      %add3A_1531 = arith.constant 16 : i32
      %add3A_1532 = arith.addi %mul3A_1530, %add3A_1531 : i32
      %swap3A_1533 = arith.index_cast %rem3A_1517 : i32 to index
      %swap3A_1534 = arith.index_cast %add3A_1532 : i32 to index
      %swap3A_1535 = tpu.vector_load %arg10[%swap3A_1533, %swap3A_1534] {strides = array<i32>} : memref<2x2048xf32, #tpu.memory_space<vmem>>, vector<1x16xf32>,
      %swap3A_1536 = vector.shape_cast %swap3A_1535 : vector<1x16xf32> to vector<16xf32>
      %swap3A_1537 = vector.shape_cast %mul3A_1528 : vector<16xf32> to vector<1x16xf32>
      tpu.vector_store %arg10[%swap3A_1533, %swap3A_1534], %swap3A_1537 {strides = array<i32>} : memref<2x2048xf32, #tpu.memory_space<vmem>>, vector<1x16xf32>,
      %eq3A_1538 = arith.constant 7 : i32
      %eq3A_1539 = arith.cmpi eq, %rem3A_286, %eq3A_1538 : i32
      %convert_element_type3A_1540 = arith.extui %eq3A_1539 : i1 to i32
      %cond3A_1541 = arith.constant 0 : i32
      %cond3A_1542 = arith.cmpi ne, %convert_element_type3A_1540, %cond3A_1541 : i32
      scf.if %cond3A_1542 {
        %rem3A_1543 = arith.constant 2 : i32
        %rem3A_1544 = arith.remsi %select_n3A, %rem3A_1543 : i32
        %eq3A_1545 = arith.constant 0 : i32
        %eq3A_1546 = arith.cmpi eq, %rem3A_1544, %eq3A_1545 : i32
        %convert_element_type3A_1547 = arith.extui %eq3A_1546 : i1 to i32
        %cond3A_1548 = arith.constant 0 : i32
        %cond3A_1549 = arith.cmpi ne, %convert_element_type3A_1547, %cond3A_1548 : i32
        scf.if %cond3A_1549 {
          %mul3A_1557 = arith.constant 64 : i32
          %mul3A_1558 = arith.muli %select_n3A, %mul3A_1557 : i32
          %add3A_1559 = arith.addi %mul3A_2, %mul3A_1558 : i32
          %mul3A_1560 = arith.constant 32 : i32
          %mul3A_1561 = arith.muli %add3A_1559, %mul3A_1560 : i32
          %dma_start3A_1562 = arith.constant 0 : i32
          %dma_start3A_1563 = arith.constant 0 : i32
          %dma_start3A_1564 = tpu.memref_slice %arg10[%dma_start3A_1562, %dma_start3A_1563] : memref<2x2048xf32, #tpu.memory_space<vmem>> -> memref<1x2048xf32, #tpu.memory_space<vmem>>
          %dma_start3A_1565 = tpu.memref_squeeze %dma_start3A_1564 : memref<1x2048xf32, #tpu.memory_space<vmem>> -> memref<2048xf32, #tpu.memory_space<vmem>>
          %dma_start3A_1566 = tpu.memref_slice %arg5[%mul3A_1561] : memref<524288xf32, #tpu.memory_space<hbm>> -> memref<2048xf32, #tpu.memory_space<hbm>>
          %dma_start3A_1567 = tpu.memref_slice %arg5[%mul3A_1561] : memref<524288xf32, #tpu.memory_space<hbm>> -> memref<2048xf32, #tpu.memory_space<hbm>>
          %dma_start3A_1568 = arith.constant 0 : i32
          %dma_start3A_1569 = tpu.memref_slice %arg10[%dma_start3A_1562, %dma_start3A_1568] : memref<2x2048xf32, #tpu.memory_space<vmem>> -> memref<1x2048xf32, #tpu.memory_space<vmem>>
          %dma_start3A_1570 = tpu.memref_squeeze %dma_start3A_1569 : memref<1x2048xf32, #tpu.memory_space<vmem>> -> memref<2048xf32, #tpu.memory_space<vmem>>
          tpu.enqueue_dma source(%dma_start3A_1570 : memref<2048xf32, #tpu.memory_space<vmem>>) target(%dma_start3A_1567 : memref<2048xf32, #tpu.memory_space<hbm>>) target_semaphore(%arg20 : memref<!tpu.dma_semaphore, #tpu.memory_space<semaphore_mem>>)
        } else {
        }
        %rem3A_1550 = arith.constant 2 : i32
        %rem3A_1551 = arith.remsi %select_n3A, %rem3A_1550 : i32
        %eq3A_1552 = arith.constant 1 : i32
        %eq3A_1553 = arith.cmpi eq, %rem3A_1551, %eq3A_1552 : i32
        %convert_element_type3A_1554 = arith.extui %eq3A_1553 : i1 to i32
        %cond3A_1555 = arith.constant 0 : i32
        %cond3A_1556 = arith.cmpi ne, %convert_element_type3A_1554, %cond3A_1555 : i32
        scf.if %cond3A_1556 {
          %mul3A_1557 = arith.constant 64 : i32
          %mul3A_1558 = arith.muli %select_n3A, %mul3A_1557 : i32
          %add3A_1559 = arith.addi %mul3A_2, %mul3A_1558 : i32
          %mul3A_1560 = arith.constant 32 : i32
          %mul3A_1561 = arith.muli %add3A_1559, %mul3A_1560 : i32
          %dma_start3A_1562 = arith.constant 1 : i32
          %dma_start3A_1563 = arith.constant 0 : i32
          %dma_start3A_1564 = tpu.memref_slice %arg10[%dma_start3A_1562, %dma_start3A_1563] : memref<2x2048xf32, #tpu.memory_space<vmem>> -> memref<1x2048xf32, #tpu.memory_space<vmem>>
          %dma_start3A_1565 = tpu.memref_squeeze %dma_start3A_1564 : memref<1x2048xf32, #tpu.memory_space<vmem>> -> memref<2048xf32, #tpu.memory_space<vmem>>
          %dma_start3A_1566 = tpu.memref_slice %arg5[%mul3A_1561] : memref<524288xf32, #tpu.memory_space<hbm>> -> memref<2048xf32, #tpu.memory_space<hbm>>
          %dma_start3A_1567 = tpu.memref_slice %arg5[%mul3A_1561] : memref<524288xf32, #tpu.memory_space<hbm>> -> memref<2048xf32, #tpu.memory_space<hbm>>
          %dma_start3A_1568 = arith.constant 0 : i32
          %dma_start3A_1569 = tpu.memref_slice %arg10[%dma_start3A_1562, %dma_start3A_1568] : memref<2x2048xf32, #tpu.memory_space<vmem>> -> memref<1x2048xf32, #tpu.memory_space<vmem>>
          %dma_start3A_1570 = tpu.memref_squeeze %dma_start3A_1569 : memref<1x2048xf32, #tpu.memory_space<vmem>> -> memref<2048xf32, #tpu.memory_space<vmem>>
          tpu.enqueue_dma source(%dma_start3A_1570 : memref<2048xf32, #tpu.memory_space<vmem>>) target(%dma_start3A_1567 : memref<2048xf32, #tpu.memory_space<hbm>>) target_semaphore(%arg21 : memref<!tpu.dma_semaphore, #tpu.memory_space<semaphore_mem>>)
        } else {
        }
      } else {
      }
    }
    %scan3A_257 = arith.constant 64 : i32
    %add3A_258 = arith.constant 384 : i32
    %add3A_259 = arith.addi %mul3A_2, %add3A_258 : i32
    %mul3A_260 = arith.constant 32 : i32
    %mul3A_261 = arith.muli %add3A_259, %mul3A_260 : i32
    %dma_wait3A_262 = arith.constant 0 : i32
    %dma_wait3A_263 = arith.constant 0 : i32
    %dma_wait3A_264 = tpu.memref_slice %arg10[%dma_wait3A_262, %dma_wait3A_263] : memref<2x2048xf32, #tpu.memory_space<vmem>> -> memref<1x2048xf32, #tpu.memory_space<vmem>>
    %dma_wait3A_265 = tpu.memref_squeeze %dma_wait3A_264 : memref<1x2048xf32, #tpu.memory_space<vmem>> -> memref<2048xf32, #tpu.memory_space<vmem>>
    %dma_wait3A_266 = tpu.memref_slice %arg5[%mul3A_261] : memref<524288xf32, #tpu.memory_space<hbm>> -> memref<2048xf32, #tpu.memory_space<hbm>>
    %dma_wait3A_267 = tpu.memref_slice %arg5[%mul3A_261] : memref<524288xf32, #tpu.memory_space<hbm>> -> memref<2048xf32, #tpu.memory_space<hbm>>
    %dma_wait3A_268 = arith.constant 0 : i32
    %dma_wait3A_269 = tpu.memref_slice %arg10[%dma_wait3A_262, %dma_wait3A_268] : memref<2x2048xf32, #tpu.memory_space<vmem>> -> memref<1x2048xf32, #tpu.memory_space<vmem>>
    %dma_wait3A_270 = tpu.memref_squeeze %dma_wait3A_269 : memref<1x2048xf32, #tpu.memory_space<vmem>> -> memref<2048xf32, #tpu.memory_space<vmem>>
    tpu.wait_dma2 semaphore(%arg20 : memref<!tpu.dma_semaphore, #tpu.memory_space<semaphore_mem>>) src(%dma_wait3A_270 : memref<2048xf32, #tpu.memory_space<vmem>>) dst(%dma_wait3A_267 : memref<2048xf32, #tpu.memory_space<hbm>>)
    %add3A_271 = arith.constant 448 : i32
    %add3A_272 = arith.addi %mul3A_2, %add3A_271 : i32
    %mul3A_273 = arith.constant 32 : i32
    %mul3A_274 = arith.muli %add3A_272, %mul3A_273 : i32
    %dma_wait3A_275 = arith.constant 1 : i32
    %dma_wait3A_276 = arith.constant 0 : i32
    %dma_wait3A_277 = tpu.memref_slice %arg10[%dma_wait3A_275, %dma_wait3A_276] : memref<2x2048xf32, #tpu.memory_space<vmem>> -> memref<1x2048xf32, #tpu.memory_space<vmem>>
    %dma_wait3A_278 = tpu.memref_squeeze %dma_wait3A_277 : memref<1x2048xf32, #tpu.memory_space<vmem>> -> memref<2048xf32, #tpu.memory_space<vmem>>
    %dma_wait3A_279 = tpu.memref_slice %arg5[%mul3A_274] : memref<524288xf32, #tpu.memory_space<hbm>> -> memref<2048xf32, #tpu.memory_space<hbm>>
    %dma_wait3A_280 = tpu.memref_slice %arg5[%mul3A_274] : memref<524288xf32, #tpu.memory_space<hbm>> -> memref<2048xf32, #tpu.memory_space<hbm>>
    %dma_wait3A_281 = arith.constant 0 : i32
    %dma_wait3A_282 = tpu.memref_slice %arg10[%dma_wait3A_275, %dma_wait3A_281] : memref<2x2048xf32, #tpu.memory_space<vmem>> -> memref<1x2048xf32, #tpu.memory_space<vmem>>
    %dma_wait3A_283 = tpu.memref_squeeze %dma_wait3A_282 : memref<1x2048xf32, #tpu.memory_space<vmem>> -> memref<2048xf32, #tpu.memory_space<vmem>>
    tpu.wait_dma2 semaphore(%arg21 : memref<!tpu.dma_semaphore, #tpu.memory_space<semaphore_mem>>) src(%dma_wait3A_283 : memref<2048xf32, #tpu.memory_space<vmem>>) dst(%dma_wait3A_280 : memref<2048xf32, #tpu.memory_space<hbm>>)
    return
  }
}

</mosaic_0001>

<sc_bundles>
// kernel: kernel.3.cloned.1.call-start
scs
__scs_entry_jumppad:
0x0: {  	(pc) =	sbr.rel $0x88, $3  }
0x1: {  	(tag) =	ssettag $0x0;
	lr =	simm.s32 $0x1  }
0x2: {  	[smem:$0x3F9E] =	sst lr;
	_ =	strace $0xD0000000  }
0x3: {  	_ = 	snop  }
0x4: {  	_ = 	snop  }
0x5: {  	_ = 	snop  }
0x6: {  	_ = 	snop  }
0x7: {  	_ = 	snop  }
__scs_overlays_trampoline_lowered:
0x8: {  	[smem:$0x3FAD] =	sst s0  }
0x9: {  	[smem:$0x3FAE] =	sst s1  }
0xa: {  	[smem:$0x3FAF] =	sst s2  }
0xb: {  	[smem:$0x3FB0] =	sst s3  }
0xc: {  	[smem:$0x3FB1] =	sst s4  }
0xd: {  	[smem:$0x3FB2] =	sst s5  }
0xe: {  	[smem:$0x3FB3] =	sst s6  }
0xf: {  	[smem:$0x3FB4] =	sst s7  }
0x10: {  	[smem:$0x3FB5] =	sst s8  }
0x11: {  	[smem:$0x3FB6] =	sst s9;
	s0 =	simm.s32 @!p0 $0x0  }
0x12: {  	s1 =	sld [smem:$0x3F9C];
	s0 =	simm.s32 @p0 $0x1  }
0x13: {  	[smem:$0x3FB7] =	sst s0;
	s0 =	simm.s32 @!p1 $0x0  }
0x14: {  	s2 =	sld [smem:$0x3F9B];
	s0 =	simm.s32 @p1 $0x1  }
0x15: {  	[smem:$0x3FB8] =	sst s0;
	s0 =	simm.s32 @!p2 $0x0  }
0x16: {  	s3 =	sld [smem:$0x3FDB];
	s0 =	simm.s32 @p2 $0x1  }
0x17: {  	s4 =	simm.s32 $0x1BF5;
	[smem:$0x3FBA] =	sst s0  }
0x18: {  	s0 =	sld [smem:$0x3F9D];
	_ =	swait.ge [sflag:s4], $0x0  }
0x19: {  	s7 =	sld [smem:$0x3F9E]  }
0x1a: {  	s8 =	sadd.s32 $0xFFFFE003, lr  }
0x1b: {  	s9 =	sadd.s32 $0xFFFFFEF7, lr;
	s5 =	simm.s32 $0xFFFFFFFF;
	p2 =	slt.u32 s8, $0xFFFFF086  }
0x1c: {  	p1 =	slt.u32 s9, $0xF7A;
	s5 =	simm.s32 @!p2 $0x0  }
0x1d: {  	s5 =	simm.s32 @p1 $0x1;
	p0 =	seq.s32 s7, s2  }
0x1e: {  	s7 =	smul.u32 @!p0 $0xF7A, s2;
	p2 =	seq.s32 @!p0 s5, $0x0  }
0x1f: {  	s9 =	smul.u32 $0xF7A, s1;
	s8 =	simm.s32 @!p0 $0x1BF5;
	p2 =	por !p2, p0  }
0x20: {  	[sflag:s8] =	ssyncset.s32 @!p0 $0xFFFFF086;
	s6 =	sadd.s32 @!p0 s3, s7;
	s7 =	simm.s32 @!p0 $0x108  }
0x21: {  	s3 =	sadd.s32 s3, s9;
	s6 =	sadd.s32 @!p0 $0x88, s6;
	s7 =	simm.s32 @p2 $0x1082  }
0x22: {  	[simem:s7], [sflag:s8] =	dma.local @!p0 [hbm:s6], $0xF7A  }
0x23: {  	s9 =	sor.u32 $0xD0000000, s2;
	s6 =	simm.s32 $0x108;
	_ =	swait.ge @!p0 [sflag:s8], $0x0  }
0x24: {  	s3 =	sadd.s32 $0x88, s3;
	s6 =	simm.s32 @!p1 $0x1082;
	[sflag:s4] =	ssyncset.s32 $0xFFFFF086  }
0x25: {  	[simem:s6], [sflag:s4] =	dma.local [hbm:s3], $0xF7A  }
0x26: {  	[smem:$0x3F9E] =	sst s1;
	(tag) =	ssettag s2;
	_ =	strace s9  }
0x27: {  	s1 =	sld [smem:$0x3FAE]  }
0x28: {  	s2 =	sld [smem:$0x3FAF]  }
0x29: {  	s4 =	sld [smem:$0x3FB1]  }
0x2a: {  	p0 =	seq.s32 s5, $0x0;
	s5 =	sld [smem:$0x3FB2]  }
0x2b: {  	s6 =	sld [smem:$0x3FB3]  }
0x2c: {  	s7 =	sld [smem:$0x3FB4]  }
0x2d: {  	s3 =	simm.s32 $0x108;
	s8 =	sld [smem:$0x3FB5]  }
0x2e: {  	s3 =	simm.s32 @!p0 $0x1082;
	s9 =	sld [smem:$0x3FB6]  }
0x2f: {  	lr =	sadd.s32 s0, s3;
	s0 =	sld [smem:$0x3FAD]  }
0x30: {  	s3 =	sld [smem:$0x3FB0]  }
0x31: {  	[smem:$0x3FB9] =	sst s10  }
0x32: {  	s10 =	sld [smem:$0x3FB7];
	_ =	sdelay $0x3  }
0x33: {  	p0 =	seq.s32 s10, $0x1;
	s10 =	sld [smem:$0x3FB9];
	_ =	sdelay $0x3  }
0x34: {  	[smem:$0x3FB9] =	sst s10  }
0x35: {  	s10 =	sld [smem:$0x3FB8];
	_ =	sdelay $0x3  }
0x36: {  	p1 =	seq.s32 s10, $0x1;
	s10 =	sld [smem:$0x3FB9];
	_ =	sdelay $0x3  }
0x37: {  	[smem:$0x3FB9] =	sst s10  }
0x38: {  	s10 =	sld [smem:$0x3FBA]  }
0x39: {  	_ = 	snop;
	(pc) =	sbr.ind lr, $3  }
0x3a: {  	_ = 	snop  }
0x3b: {  	_ = 	snop  }
0x3c: {  	p2 =	seq.s32 s10, $0x1;
	s10 =	sld [smem:$0x3FB9]  }
0x3d: {  	_ =	shalt  }
0x3e: {  	_ =	shalt  }
0x3f: {  	_ =	shalt  }
0x40: {  	_ =	shalt  }
0x41: {  	_ =	shalt  }
0x42: {  	_ =	shalt  }
0x43: {  	_ =	shalt  }
0x44: {  	_ =	shalt  }
0x45: {  	_ =	shalt  }
0x46: {  	_ =	shalt  }
0x47: {  	_ =	shalt  }
0x48: {  	_ =	shalt  }
0x49: {  	_ =	shalt  }
0x4a: {  	_ =	shalt  }
0x4b: {  	_ =	shalt  }
0x4c: {  	_ =	shalt  }
0x4d: {  	_ =	shalt  }
0x4e: {  	_ =	shalt  }
0x4f: {  	_ =	shalt  }
0x50: {  	_ =	shalt  }
0x51: {  	_ =	shalt  }
0x52: {  	_ =	shalt  }
0x53: {  	_ =	shalt  }
0x54: {  	_ =	shalt  }
0x55: {  	_ =	shalt  }
0x56: {  	_ =	shalt  }
0x57: {  	_ =	shalt  }
0x58: {  	_ =	shalt  }
0x59: {  	_ =	shalt  }
0x5a: {  	_ =	shalt  }
0x5b: {  	_ =	shalt  }
0x5c: {  	_ =	shalt  }
0x5d: {  	_ =	shalt  }
0x5e: {  	_ =	shalt  }
0x5f: {  	_ =	shalt  }
0x60: {  	_ =	shalt  }
0x61: {  	_ =	shalt  }
0x62: {  	_ =	shalt  }
0x63: {  	_ =	shalt  }
0x64: {  	_ =	shalt  }
0x65: {  	_ =	shalt  }
0x66: {  	_ =	shalt  }
0x67: {  	_ =	shalt  }
0x68: {  	_ =	shalt  }
0x69: {  	_ =	shalt  }
0x6a: {  	_ =	shalt  }
0x6b: {  	_ =	shalt  }
0x6c: {  	_ =	shalt  }
0x6d: {  	_ =	shalt  }
0x6e: {  	_ =	shalt  }
0x6f: {  	_ =	shalt  }
0x70: {  	_ =	shalt  }
0x71: {  	_ =	shalt  }
0x72: {  	_ =	shalt  }
0x73: {  	_ =	shalt  }
0x74: {  	_ =	shalt  }
0x75: {  	_ =	shalt  }
0x76: {  	_ =	shalt  }
0x77: {  	_ =	shalt  }
0x78: {  	_ =	shalt  }
0x79: {  	_ =	shalt  }
0x7a: {  	_ =	shalt  }
0x7b: {  	_ =	shalt  }
0x7c: {  	_ =	shalt  }
0x7d: {  	_ =	shalt  }
0x7e: {  	_ =	shalt  }
0x7f: {  	_ =	shalt  }
0x80: {  	_ =	shalt  }
0x81: {  	_ =	shalt  }
0x82: {  	_ =	shalt  }
0x83: {  	_ =	shalt  }
0x84: {  	_ =	shalt  }
0x85: {  	_ =	shalt  }
0x86: {  	_ =	shalt  }
0x87: {  	_ =	shalt  }
.Lfunc_end0:
.L_simem_size_0:
called_computation_lowered:
.L_overlay_start_0:
0x88: {  	s2 =	sld [smem:$0x3FD9]  }
0x89: {  	s3 =	sld [smem:$0x3FFE];
	_ =	sdelay $0x1  }
0x8a: {  	s1 =	srdreg.scid  }
0x8b: {  	s0 =	sand.u32 $0x1, s1  }
0x8c: {  	s17 =	sshll.u32 s0, $0xA;
	s2 =	sadd.s32 s3, s2  }
0x8d: {  	s2 =	sadd.s32 s2, s17  }
0x8e: {  	[smem:$0x3FC5] =	sst s2  }
0x8f: {  	_ = 	snop  }
0x90: {  	s2 =	sld [smem:$0x3FC8]  }
0x91: {  	s18 =	sld [smem:$0x3FD0];
	(tm) =	ssettm $0x1  }
0x92: {  	s4 =	sld [smem:$0x3FFB];
	_ =	sdelay $0x3  }
0x93: {  	_ =	strace s4  }
0x94: {  	s4 =	sld [smem:$0x3FFC];
	_ =	sdelay $0x3  }
0x95: {  	_ =	strace s4  }
0x96: {  	s4 =	sld [smem:$0x3FFD];
	_ =	sdelay $0x3  }
0x97: {  	_ =	strace s4  }
0x98: {  	_ =	strace $0x8FFFFFFF  }
0x99: {  	s19 =	sld [smem:$0x3FDB];
	_ =	sdelay $0x1  }
0x9a: {  	s5 =	simm.s32 $_scs_section_size  }
0x9b: {  	s6 =	simm.s32 $_size__tile_overlayer_lowered;
	s7 =	simm.s32 $_tile_overlayer_lowered  }
0x9c: {  	s22 =	simm.s32 $0x1BFF;
	s21 =	sshll.u32 s7, $0x1;
	s4 =	sadd.s32 s5, s19  }
0x9d: {  	s8 =	simm.s32 $0x0;
	s20 =	sshll.u32 s6, $0x1;
	s6 =	sadd.s32 s21, s4  }
0x9e: {  	[timem:s8], [sflag:s22] =	dma.local [hbm:s6], s20  }
0x9f: {  	_ =	swait.ge [sflag:s22], s20  }
0xa0: {  	s5 =	ssub.s32 $0x0, s20;
	[sflag:s22] =	ssyncset.done $0x0  }
0xa1: {  	[sflag:s22] =	ssyncadd.s32 s5;
	_ =	sdelay $0x1  }
0xa2: {  	s23 =	simm.s32 $0x1B8B  }
0xa3: {  	_ =	swait.ge [sflag:s23], $0x1  }
0xa4: {  	[sflag:s23] =	ssyncset.done $0x0  }
0xa5: {  	s25 =	simm.s32 $0x1B8E;
	s24 =	sld [smem:$0x3FFE];
	[sflag:s23] =	ssyncadd.s32 $0xFFFFFFFF  }
0xa6: {  	s26 =	simm.s32 $execute0_lowered;
	[smem:$0x3FD2] =	sst s25  }
0xa7: {  	s6 =	sshll.u32 s26, $0x1;
	_ =	strace $0x80000046;
	[dreg:$0x1] =	wrdreg $0xFFFFFFFF  }
0xa8: {  	s28 =	simm.s32 $_size_execute0_lowered;
	s4 =	sadd.s32 s4, s6;
	[dreg:$0x0] =	wrdreg $0x0  }
0xa9: {  	s6 =	sshll.u32 s28, $0x1;
	[dreg:$0x2] =	wrdreg s4  }
0xaa: {  	[dreg:$0x3] =	wrdreg s6  }
0xab: {  	[dreg:$0x4] =	wrdreg $0xC0  }
0xac: {  	_ =	task [dreg:s8], $0x5FFFF  }
0xad: {  	[dreg:$0x1] =	wrdreg $0xFFFFFFFF  }
0xae: {  	[dreg:$0x0] =	wrdreg $0x60  }
0xaf: {  	[dreg:$0x2] =	wrdreg s24  }
0xb0: {  	[dreg:$0x3] =	wrdreg s2  }
0xb1: {  	[dreg:$0x4] =	wrdreg s18  }
0xb2: {  	[dreg:$0x5] =	wrdreg $0x9  }
0xb3: {  	_ =	task.clear_ibuf [dreg:s8], $0x6FFFF;
	_ =	strace $0x90000046  }
0xb4: {  	s29 =	simm.s32 $0x9;
	_ =	strace $0x80000048  }
0xb5: {  	_ =	swait.ge [sflag:s29], $0x1  }
0xb6: {  	[sflag:s29] =	ssyncadd.s32 $0xFFFFFFFF  }
0xb7: {  	_ =	strace $0x90000048  }
0xb8: {  	_ =	sfence  }
0xb9: {  	s30 =	sld [smem:$0x0];
	_ =	sdelay $0x2  }
0xba: {  	s31 =	sshll.u32 s1, $0xD;
	s1 =	sshrl.u32 s1, $0x2  }
0xbb: {  	s3 =	sand.u32 $0x4000, s31;
	s1 =	sadd.s32 s1, s30  }
0xbc: {  	s0 =	sor.u32 s3, s0;
	s1 =	sshll.u32 s1, $0x11  }
0xbd: {  	s0 =	sor.u32 s1, s0  }
0xbe: {  	s0 =	sadd.s32 $0x8F2B, s0  }
0xbf: {  	[sflag:s0] =	ssyncadd.remote.s32 $0x1  }
0xc0: {  	_ =	sfence.sel $0xFFFF  }
0xc1: {  	[dreg:$0x0] =	wrdreg $0xFFFFFFFF;
	(pc) =	sbr.abs _section_cstart, $3  }
0xc2: {  	[dreg:$0x1] =	wrdreg $0xFFFFFFFF  }
0xc3: {  	_ =	task.clear_ibuf [dreg:s8], $0x2FFFF;
	_ =	strace $0x9FFFFFFF  }
0xc4: {  	(tm) =	ssettm $0x7FFFFFFF  }
0xc5: {  	_ =	shalt  }
tec
execute0_lowered:
.L_overlay_start_1:
0x0: {  	(tag) =	ssettag $0x1  }
0x1: {  	s0 =	rddreg [dreg:$0x0]  }
0x2: {  	s1 =	rddreg [dreg:$0x1]  }
0x3: {  	s6 =	rddreg [dreg:$0x2];
	s2 =	simm.s32 $0x0  }
0x4: {  	s3 =	srdreg.scid;
	s7 =	stileid.u32;
	s12 =	simm.s32 $0x9  }
0x5: {  	s13 =	simm.s32 $0x60;
	s15 =	simm.s32 $0x68;
	s22 =	simm.s32 $0x11700  }
0x6: {  	s23 =	simm.s32 $0x12300;
	s28 =	simm.s32 $0x4;
	s29 =	simm.s32 $0x5  }
0x7: {  	s30 =	simm.s32 $0x6;
	s31 =	simm.s32 $0x7;
	s10 =	simm.s32 $0xB  }
0x8: {  	s14 =	simm.s32 $0x0;
	[smem:$0x7FF] =	sst s2;
	s4 =	sand.u32 $0x1, s3  }
0x9: {  	s7 =	sshll.u32 s7, $0x1;
	s3 =	sadd.s32 $0x600, s0;
	_ =	strace $0x80000047  }
0xa: {  	s5 =	ssub.s32 $0x2, s4;
	s7 =	sor.u32 s4, s7;
	s4 =	sadd.s32 $0xF42A00, s0  }
0xb: {  	s8 =	sshrl.u32 s5, $0x1;
	s25 =	smul.u32 $0x3200, s7;
	s9 =	sshll.u32 s7, $0x6  }
0xc: {  	s24 =	ssub.s32 s5, s8;
	s5 =	sshll.u32 s7, $0x9;
	s1 =	sadd.s32 s1, s9  }
0xd: {  	s7 =	sshll.u32 s7, $0xB;
	[dreg:$0x4] =	wrdreg s1;
	s26 =	sadd.s32 s3, s25  }
0xe: {  	s8 =	sadd.s32 s6, s7;
	s0 =	smax.u32 s24, $0x1;
	s24 =	simm.s32 $0x1  }
0xf: {  	s25 =	simm.s32 $0x2;
	s1 =	simm.s32 $0xA;
	[dreg:$0x5] =	wrdreg s26  }
0x10: {  	[dreg:$0x6] =	wrdreg s0;
	s26 =	simm.s32 $0x3;
	s0 =	simm.s32 $0x8  }
.LBB2_1:
0x11: {  	s6 =	rddreg [dreg:$0x4];
	s7 =	simm.s32 $0x6400;
	s21 =	simm.s32 $0xC  }
0x12: {  	[tilespmem:s7], [sflag:$0xC] =	stream.linear.gather [hbm4b:s6+s2], $0x200, $0x38;
	[tilespmem:$0x14000] =	vst v63  }
0x13: {  	_ =	swait.ge [sflag:s21], $0x200  }
0x14: {  	[sflag:s21] =	ssyncset.done $0x0  }
0x15: {  	s6 =	simm.s32 $0x0;
	[sflag:s21] =	ssyncadd.s32 $0xFFFFFE00  }
0x16: {  	s7 =	simm.s32 $0x10;
	v0 =	vld [tilespmem:s6+$0x6400]  }
0x17: {  	v1 =	vld [tilespmem:s7+$0x6400];
	_ =	sdelay $0x3  }
0x18: {  	v0 =	vcvt.s32.f32 v0  }
0x19: {  	v1 =	vcvt.s32.f32 v1  }
0x1a: {  	v0 =	vmax.f32 v0, $1.000000000e+00  }
0x1b: {  	v1 =	vmax.f32 v1, $1.000000000e+00;
	(erf) = vrcp.f32 v0  }
0x1c: {  	s9 =	simm.s32 $0x20;
	(erf) = vrcp.f32 v1  }
0x1d: {  	s16 =	simm.s32 $0xC0;
	v0 =	vld [tilespmem:s9+$0x6400]  }
.LBB2_2:
0x1e: {  	_ =	sdelay $0x1  }
0x1f: {  	p0 =	sne.s32 s16, $0x7C0  }
.Ltmp0:
0x20: {  	_ = 	snop;
	(pc) =	sbr.rel @p0 .LBB2_2-.Ltmp0, $3  }
0x21: {  	v1 =	vcvt.s32.f32 v0;
	_ =	sdelay $0x1  }
0x22: {  	s17 =	sshra.s32 s16, $0x2;
	s16 =	sadd.s32 $0x40, s16;
	v2 =	vpop (erf);
	v1 =	vmax.f32 v1, $1.000000000e+00  }
0x23: {  	v0 =	vld [tilespmem:s17+$0x6400];
	[tilespmem:s6+$0x6600] =	vst v2;
	s6 =	smov.u32 s7;
	s7 =	smov.u32 s9;
	s9 =	smov.u32 s17;
	(erf) = vrcp.f32 v1  }
0x24: {  	_ =	sdelay $0x3  }
0x25: {  	v0 =	vcvt.s32.f32 v0;
	_ =	sdelay $0x1  }
0x26: {  	v0 =	vmax.f32 v0, $1.000000000e+00  }
0x27: {  	(erf) = vrcp.f32 v0;
	_ =	sdelay $0x6  }
0x28: {  	v61 =	vpop (erf)  }
0x29: {  	[tilespmem:s6+$0x6600] =	vst v61;
	v62 =	vpop (erf)  }
0x2a: {  	[tilespmem:s7+$0x6600] =	vst v62;
	v63 =	vpop (erf)  }
0x2b: {  	s16 =	simm.s32 $0x0;
	s19 =	rddreg [dreg:$0x5];
	[tilespmem:s9+$0x6600] =	vst v63  }
0x2c: {  	[tilespmem:s16], [sflag:$0x9] =	stream.linear.gather [hbm4b:s19+s16], $0x3200, $0x38;
	[tilespmem:$0x14000] =	vst v63  }
0x2d: {  	_ =	swait.ge [sflag:s12], $0x3200  }
0x2e: {  	[sflag:s12] =	ssyncset.done $0x0  }
0x2f: {  	s20 =	simm.s32 $0x6800;
	[sflag:s12] =	ssyncadd.s32 $0xFFFFCE00  }
0x30: {  	[tilespmem:s20], [sflag:$0x1] =	stream.indirect.gather [hbm4b:s4+s13], $0x20, s16, s13, $0xb8;
	[tilespmem:$0x14000] =	vst v63  }
0x31: {  	s21 =	simm.s32 $0x7400  }
0x32: {  	[tilespmem:s21], [sflag:$0x1] =	stream.indirect.gather [hbm4b:s4+s15], $0x20, s13, s15, $0xb8;
	[tilespmem:$0x14000] =	vst v63  }
0x33: {  	s7 =	simm.s32 $0xC8;
	s9 =	simm.s32 $0x8100  }
0x34: {  	[tilespmem:s9], [sflag:$0x2] =	stream.indirect.gather [hbm4b:s4+s13], $0x20, s7, s13, $0xb8;
	[tilespmem:$0x14000] =	vst v63  }
0x35: {  	s11 =	simm.s32 $0x128;
	s17 =	simm.s32 $0x8D00  }
0x36: {  	[tilespmem:s17], [sflag:$0x2] =	stream.indirect.gather [hbm4b:s4+s15], $0x20, s11, s15, $0xb8;
	[tilespmem:$0x14000] =	vst v63  }
0x37: {  	s18 =	simm.s32 $0x190;
	s19 =	simm.s32 $0x9A00  }
0x38: {  	[tilespmem:s19], [sflag:$0x3] =	stream.indirect.gather [hbm4b:s4+s13], $0x20, s18, s13, $0xb8;
	[tilespmem:$0x14000] =	vst v63  }
0x39: {  	s20 =	simm.s32 $0x1F0;
	s21 =	simm.s32 $0xA600  }
0x3a: {  	[tilespmem:s21], [sflag:$0x3] =	stream.indirect.gather [hbm4b:s4+s15], $0x20, s20, s15, $0xb8;
	[tilespmem:$0x14000] =	vst v63  }
0x3b: {  	s7 =	simm.s32 $0x258;
	s9 =	simm.s32 $0xB300  }
0x3c: {  	[tilespmem:s9], [sflag:$0x4] =	stream.indirect.gather [hbm4b:s4+s13], $0x20, s7, s13, $0xb8;
	[tilespmem:$0x14000] =	vst v63  }
0x3d: {  	s11 =	simm.s32 $0x2B8;
	s17 =	simm.s32 $0xBF00  }
0x3e: {  	[tilespmem:s17], [sflag:$0x4] =	stream.indirect.gather [hbm4b:s4+s15], $0x20, s11, s15, $0xb8;
	[tilespmem:$0x14000] =	vst v63  }
0x3f: {  	s18 =	simm.s32 $0x320;
	s19 =	simm.s32 $0xCC00  }
0x40: {  	[tilespmem:s19], [sflag:$0x5] =	stream.indirect.gather [hbm4b:s4+s13], $0x20, s18, s13, $0xb8;
	[tilespmem:$0x14000] =	vst v63  }
0x41: {  	s20 =	simm.s32 $0x380;
	s21 =	simm.s32 $0xD800  }
0x42: {  	[tilespmem:s21], [sflag:$0x5] =	stream.indirect.gather [hbm4b:s4+s15], $0x20, s20, s15, $0xb8;
	[tilespmem:$0x14000] =	vst v63  }
0x43: {  	s7 =	simm.s32 $0x3E8;
	s9 =	simm.s32 $0xE500  }
0x44: {  	[tilespmem:s9], [sflag:$0x6] =	stream.indirect.gather [hbm4b:s4+s13], $0x20, s7, s13, $0xb8;
	[tilespmem:$0x14000] =	vst v63  }
0x45: {  	s11 =	simm.s32 $0x448;
	s17 =	simm.s32 $0xF100  }
0x46: {  	[tilespmem:s17], [sflag:$0x6] =	stream.indirect.gather [hbm4b:s4+s15], $0x20, s11, s15, $0xb8;
	[tilespmem:$0x14000] =	vst v63  }
0x47: {  	s18 =	simm.s32 $0x4B0;
	s19 =	simm.s32 $0xFE00  }
0x48: {  	[tilespmem:s19], [sflag:$0x7] =	stream.indirect.gather [hbm4b:s4+s13], $0x20, s18, s13, $0xb8;
	[tilespmem:$0x14000] =	vst v63  }
0x49: {  	s20 =	simm.s32 $0x510;
	s21 =	simm.s32 $0x10A00  }
0x4a: {  	[tilespmem:s21], [sflag:$0x7] =	stream.indirect.gather [hbm4b:s4+s15], $0x20, s20, s15, $0xb8;
	[tilespmem:$0x14000] =	vst v63  }
.LBB2_4:
0x4b: {  	s6 =	sand.u32 $0x7, s16;
	p1 =	sgt.u32 s16, $0x37  }
0x4c: {  	p0 =	sne.s32 @!p1 s6, $0x1  }
0x4d: {  	p0 =	por p1, p0  }
.Ltmp1:
0x4e: {  	_ = 	snop;
	(pc) =	sbr.rel @p0 .LBB2_6-.Ltmp1, $2  }
0x4f: {  	_ =	sdelay $0x2  }
0x50: {  	s17 =	sshrl.u32 s16, $0x3  }
0x51: {  	s6 =	sadd.s32 $0x1, s17  }
0x52: {  	s7 =	sshll.u32 s6, $0x6  }
.Ltmp2:
0x53: {  	s7 =	sadd.s32 s5, s7;
	(pc) =	sbr.rel .LBB2_9-.Ltmp2, $4  }
0x54: {  	s6 =	sand.u32 $0x1, s6;
	s7 =	smul.u32 $0x19, s7  }
0x55: {  	p0 =	seq.s32 s6, $0x1;
	s6 =	simm.s32 $0x3200  }
0x56: {  	s6 =	simm.s32 @!p0 $0x0;
	p0 =	por $0x0, $0x0;
	s7 =	sadd.s32 s3, s7  }
0x57: {  	[tilespmem:s6], [sflag:$0x9] =	stream.linear.gather [hbm4b:s7+s2], $0x3200, $0x38;
	[tilespmem:$0x14000] =	vst v63  }
.LBB2_6:
0x58: {  	p0 =	slt.u32 s16, $0x10  }
0x59: {  	p2 =	sne.s32 @!p0 s6, $0x0  }
0x5a: {  	p0 =	por p0, p2  }
.Ltmp3:
0x5b: {  	_ = 	snop;
	(pc) =	sbr.rel @p0 .LBB2_8-.Ltmp3, $1  }
0x5c: {  	_ =	sdelay $0x3  }
0x5d: {  	s6 =	sand.u32 $0x1, s17  }
0x5e: {  	p1 =	seq.s32 s6, $0x1  }
0x5f: {  	s6 =	simm.s32 @p1 $0xB  }
0x60: {  	_ =	swait.ge @p1 [sflag:s6], $0x800  }
.Ltmp4:
0x61: {  	[sflag:s6] =	ssyncset.done @p1 $0x0;
	(pc) =	sbr.rel .LBB2_9-.Ltmp4, $4  }
0x62: {  	[sflag:s6] =	ssyncadd.s32 @p1 $0xFFFFF800;
	s6 =	simm.s32 @!p1 $0xA  }
0x63: {  	_ =	swait.ge @!p1 [sflag:s6], $0x800  }
0x64: {  	p0 =	por @p1 $0x0, $0x0;
	p2 =	por @!p1 $0x0, $0x0;
	[sflag:s6] =	ssyncset.done @!p1 $0x0  }
0x65: {  	p0 =	por @!p1 p2, p2;
	[sflag:s6] =	ssyncadd.s32 @!p1 $0xFFFFF800  }
.LBB2_8:
0x66: {  	p2 =	sne.s32 @!p1 s6, $0x7  }
0x67: {  	p3 =	por p2, p1  }
0x68: {  	p0 =	seq.s32 s6, $0x7;
	s6 =	simm.s32 @!p3 $0x9  }
0x69: {  	p2 =	por !p2, p1;
	p4 =	por @!p3 $0x1, $0x1;
	_ =	swait.ge @!p3 [sflag:s6], $0x3200  }
0x6a: {  	p4 =	por @!p2 p0, p0;
	[sflag:s6] =	ssyncset.done @!p3 $0x0  }
0x6b: {  	p0 =	por @!p1 p4, p4;
	[sflag:s6] =	ssyncadd.s32 @!p3 $0xFFFFCE00  }
.LBB2_9:
0x6c: {  	s21 =	sshll.u32 s16, $0x3  }
0x6d: {  	s18 =	sor.u32 $0x7, s21  }
0x6e: {  	s6 =	sand.u32 $0x3F, s18  }
0x6f: {  	s7 =	sshll.u32 s16, $0x1C;
	s6 =	smul.u32 $0x320, s6  }
0x70: {  	s7 =	sshra.s32 s7, $0x1F  }
0x71: {  	s7 =	sand.u32 $0x3200, s7;
	s6 =	sshrl.u32 s6, $0x2  }
0x72: {  	s6 =	sadd.s32 s6, s7  }
0x73: {  	[tilespmem:s22], [sflag:$0x8] =	stream.indirect.gather [hbm4b:s4+s13], $0x20, s6, s13, $0xb8;
	[tilespmem:$0x14000] =	vst v63  }
0x74: {  	s6 =	sadd.s32 $0x60, s6  }
0x75: {  	[tilespmem:s23], [sflag:$0x8] =	stream.indirect.gather [hbm4b:s4+s15], $0x20, s6, s15, $0xb8;
	[tilespmem:$0x14000] =	vst v63  }
0x76: {  	_ =	swait.ge [sflag:s24], $0xC00  }
0x77: {  	[sflag:s24] =	ssyncset.done $0x0  }
0x78: {  	[sflag:s24] =	ssyncadd.s32 $0xFFFFF400  }
0x79: {  	_ =	swait.ge [sflag:s24], $0xD00  }
0x7a: {  	[sflag:s24] =	ssyncset.done $0x0  }
0x7b: {  	s9 =	simm.s32 $0x0;
	[sflag:s24] =	ssyncadd.s32 $0xFFFFF300  }
0x7c: {  	v0 =	vld [tilespmem:s9+$0x68F0]  }
0x7d: {  	v1 =	vld [tilespmem:s9+$0x6800]  }
0x7e: {  	v2 =	vld [tilespmem:s9+$0x6810]  }
0x7f: {  	v3 =	vld [tilespmem:s9+$0x6820]  }
0x80: {  	v4 =	vld [tilespmem:s9+$0x6830]  }
0x81: {  	v5 =	vld [tilespmem:s9+$0x6840]  }
0x82: {  	v12 =	vld [tilespmem:s9+$0x6850]  }
0x83: {  	v13 =	vld [tilespmem:s9+$0x6860]  }
0x84: {  	v14 =	vld [tilespmem:s9+$0x6870]  }
0x85: {  	v11 =	vimm.f32 $0.0e+00;
	v15 =	vld [tilespmem:s9+$0x6880]  }
0x86: {  	v20 =	vld [tilespmem:s9+$0x6890];
	v0 =	vadd.f32 v0, v11  }
0x87: {  	v9 =	vadd.f32 v1, v11;
	v6 =	vadd.f32 v2, v11  }
0x88: {  	v16 =	vld [tilespmem:s9+$0x68A0];
	v10 =	vadd.f32 v3, v11;
	v7 =	vadd.f32 v4, v11  }
0x89: {  	v17 =	vld [tilespmem:s9+$0x68B0];
	v8 =	vadd.f32 v5, v11;
	v5 =	vadd.f32 v12, v11  }
0x8a: {  	v18 =	vld [tilespmem:s9+$0x68C0];
	v4 =	vadd.f32 v13, v11;
	v3 =	vadd.f32 v14, v11  }
0x8b: {  	v19 =	vld [tilespmem:s9+$0x68D0];
	v2 =	vadd.f32 v15, v11;
	v1 =	vadd.f32 v20, v11;
	v12 =	vimm.f32 $0.0e+00  }
0x8c: {  	s7 =	simm.s32 $0x800;
	s6 =	simm.s32 $0x100;
	v20 =	vld [tilespmem:s9+$0x68E0];
	v15 =	vimm.f32 $0.0e+00;
	v13 =	vimm.f32 $0.0e+00;
	v14 =	vimm.f32 $0.0e+00  }
.LBB2_10:
0x8d: {  	p1 =	sne.s32 s7, $0x6000;
	v21 =	vld [tilespmem:s6+$0x68F0];
	v11 =	vadd.f32 v16, v11  }
0x8e: {  	v16 =	vld [tilespmem:s6+$0x6800];
	v12 =	vadd.f32 v17, v12  }
0x8f: {  	v17 =	vld [tilespmem:s6+$0x6810];
	v15 =	vadd.f32 v18, v15  }
0x90: {  	v18 =	vld [tilespmem:s6+$0x6820];
	v13 =	vadd.f32 v19, v13  }
0x91: {  	v19 =	vld [tilespmem:s6+$0x6830];
	v14 =	vadd.f32 v20, v14  }
0x92: {  	v20 =	vld [tilespmem:s6+$0x6840];
	v0 =	vadd.f32 v21, v0  }
0x93: {  	v9 =	vadd.f32 v16, v9;
	v16 =	vld [tilespmem:s6+$0x6850]  }
0x94: {  	v6 =	vadd.f32 v17, v6;
	v17 =	vld [tilespmem:s6+$0x6860]  }
0x95: {  	v10 =	vadd.f32 v18, v10;
	v18 =	vld [tilespmem:s6+$0x6870]  }
0x96: {  	v7 =	vadd.f32 v19, v7;
	v19 =	vld [tilespmem:s6+$0x6880]  }
0x97: {  	v8 =	vadd.f32 v20, v8;
	v20 =	vld [tilespmem:s6+$0x6890]  }
.Ltmp5:
0x98: {  	v5 =	vadd.f32 v16, v5;
	v16 =	vld [tilespmem:s6+$0x68A0];
	(pc) =	sbr.rel @p1 .LBB2_10-.Ltmp5, $4  }
0x99: {  	v4 =	vadd.f32 v17, v4;
	v17 =	vld [tilespmem:s6+$0x68B0]  }
0x9a: {  	v3 =	vadd.f32 v18, v3;
	v18 =	vld [tilespmem:s6+$0x68C0]  }
0x9b: {  	v2 =	vadd.f32 v19, v2;
	v19 =	vld [tilespmem:s6+$0x68D0]  }
0x9c: {  	v1 =	vadd.f32 v20, v1;
	v20 =	vld [tilespmem:s6+$0x68E0];
	s6 =	sshra.s32 s7, $0x2;
	s7 =	sadd.s32 $0x400, s7  }
0x9d: {  	v21 =	vld [tilespmem:s6+$0x6800]  }
0x9e: {  	v22 =	vld [tilespmem:s6+$0x6810]  }
0x9f: {  	v23 =	vld [tilespmem:s6+$0x6820]  }
0xa0: {  	v24 =	vld [tilespmem:s6+$0x6830]  }
0xa1: {  	v11 =	vadd.f32 v16, v11;
	v16 =	vld [tilespmem:s6+$0x6840]  }
0xa2: {  	v12 =	vadd.f32 v17, v12;
	v17 =	vld [tilespmem:s6+$0x6850];
	v15 =	vadd.f32 v18, v15  }
0xa3: {  	v18 =	vld [tilespmem:s6+$0x6860];
	v13 =	vadd.f32 v19, v13;
	v14 =	vadd.f32 v20, v14  }
0xa4: {  	v19 =	vld [tilespmem:s6+$0x6870];
	v9 =	vadd.f32 v21, v9;
	v10 =	vadd.f32 v23, v10  }
0xa5: {  	v20 =	vld [tilespmem:s6+$0x6880];
	v6 =	vadd.f32 v22, v6;
	v7 =	vadd.f32 v24, v7  }
0xa6: {  	v8 =	vadd.f32 v16, v8;
	v16 =	vld [tilespmem:s6+$0x6890];
	v9 =	vadd.f32 v10, v9  }
0xa7: {  	v5 =	vadd.f32 v17, v5;
	v10 =	vld [tilespmem:s6+$0x68A0];
	v6 =	vadd.f32 v7, v6  }
0xa8: {  	v4 =	vadd.f32 v18, v4;
	v7 =	vld [tilespmem:s6+$0x68B0];
	v8 =	vadd.f32 v8, v9  }
0xa9: {  	v3 =	vadd.f32 v19, v3;
	v9 =	vld [tilespmem:s6+$0x68C0];
	v5 =	vadd.f32 v5, v6  }
0xaa: {  	v2 =	vadd.f32 v20, v2;
	v6 =	vld [tilespmem:s6+$0x68D0];
	v4 =	vadd.f32 v4, v8  }
0xab: {  	v1 =	vadd.f32 v16, v1;
	v8 =	vld [tilespmem:s6+$0x68E0];
	v3 =	vadd.f32 v3, v5  }
0xac: {  	s19 =	sand.u32 $0x1F0, s21;
	v5 =	vld [tilespmem:s6+$0x68F0];
	v10 =	vadd.f32 v10, v11;
	v2 =	vadd.f32 v2, v4  }
0xad: {  	v4 =	vadd.f32 v7, v12;
	v1 =	vadd.f32 v1, v3;
	v3 =	vld [tilespmem:s19+$0x6600]  }
0xae: {  	v7 =	vadd.f32 v9, v15;
	v2 =	vadd.f32 v10, v2  }
0xaf: {  	v6 =	vadd.f32 v6, v13;
	v1 =	vadd.f32 v4, v1  }
0xb0: {  	s11 =	sand.u32 $0x8, s21;
	v4 =	vadd.f32 v8, v14;
	v2 =	vadd.f32 v7, v2  }
0xb1: {  	p1 =	seq.s32 s16, $0x3F;
	v0 =	vadd.f32 v5, v0;
	v5 =	vmov s11;
	v1 =	vadd.f32 v6, v1  }
0xb2: {  	s20 =	sshll.u32 s16, $0x8;
	s7 =	sadd.s32 @!p1 $0x8, s21;
	v3 =	vperm.xlane v3, v5;
	v2 =	vadd.f32 v4, v2  }
0xb3: {  	s9 =	sand.u32 $0x700, s20;
	s6 =	sand.u32 $0x800, s20;
	s11 =	sand.u32 @!p1 $0x38, s7;
	v0 =	vadd.f32 v0, v1  }
0xb4: {  	s20 =	sor.u32 $0x13000, s6;
	s6 =	sshll.u32 @!p1 s7, $0x19;
	s7 =	smul.u32 @!p1 $0x320, s11;
	v1 =	vmul.f32 v3, v2  }
0xb5: {  	s9 =	sor.u32 s9, s20;
	s6 =	sshra.s32 @!p1 s6, $0x1F;
	v0 =	vmul.f32 v3, v0  }
0xb6: {  	s6 =	sand.u32 @!p1 $0x3200, s6;
	s7 =	sshrl.u32 @!p1 s7, $0x2;
	[tilespmem:s9+$0x0] =	vst v1  }
0xb7: {  	s6 =	sadd.s32 @!p1 s7, s6;
	s7 =	simm.s32 @!p1 $0x60;
	[tilespmem:s9+$0x10] =	vst v0;
	s9 =	simm.s32 @!p1 $0x6800  }
0xb8: {  	[tilespmem:s9], [sflag:$0x1] =	stream.indirect.gather @!p1 [hbm4b:s4+s7], $0x20, s6, s7, $0xb8;
	[tilespmem:$0x14000] =	vst v63  }
0xb9: {  	s6 =	sadd.s32 @!p1 $0x60, s6;
	s7 =	simm.s32 @!p1 $0x68;
	s9 =	simm.s32 @!p1 $0x7400  }
0xba: {  	[tilespmem:s9], [sflag:$0x1] =	stream.indirect.gather @!p1 [hbm4b:s4+s7], $0x20, s6, s7, $0xb8;
	[tilespmem:$0x14000] =	vst v63  }
0xbb: {  	_ =	swait.ge [sflag:s25], $0xC00  }
0xbc: {  	[sflag:s25] =	ssyncset.done $0x0  }
0xbd: {  	[sflag:s25] =	ssyncadd.s32 $0xFFFFF400  }
0xbe: {  	_ =	swait.ge [sflag:s25], $0xD00  }
0xbf: {  	[sflag:s25] =	ssyncset.done $0x0  }
0xc0: {  	s11 =	simm.s32 $0x0;
	[sflag:s25] =	ssyncadd.s32 $0xFFFFF300  }
0xc1: {  	v0 =	vld [tilespmem:s11+$0x81F0]  }
0xc2: {  	v1 =	vld [tilespmem:s11+$0x8100]  }
0xc3: {  	v2 =	vld [tilespmem:s11+$0x8110]  }
0xc4: {  	v3 =	vld [tilespmem:s11+$0x8120]  }
0xc5: {  	v4 =	vld [tilespmem:s11+$0x8130]  }
0xc6: {  	v5 =	vld [tilespmem:s11+$0x8140]  }
0xc7: {  	v12 =	vld [tilespmem:s11+$0x8150]  }
0xc8: {  	v13 =	vld [tilespmem:s11+$0x8160]  }
0xc9: {  	v14 =	vld [tilespmem:s11+$0x8170]  }
0xca: {  	v11 =	vimm.f32 $0.0e+00;
	v15 =	vld [tilespmem:s11+$0x8180]  }
0xcb: {  	v20 =	vld [tilespmem:s11+$0x8190];
	v0 =	vadd.f32 v0, v11  }
0xcc: {  	v9 =	vadd.f32 v1, v11;
	v6 =	vadd.f32 v2, v11  }
0xcd: {  	v16 =	vld [tilespmem:s11+$0x81A0];
	v10 =	vadd.f32 v3, v11;
	v7 =	vadd.f32 v4, v11  }
0xce: {  	v17 =	vld [tilespmem:s11+$0x81B0];
	v8 =	vadd.f32 v5, v11;
	v5 =	vadd.f32 v12, v11  }
0xcf: {  	v18 =	vld [tilespmem:s11+$0x81C0];
	v4 =	vadd.f32 v13, v11;
	v3 =	vadd.f32 v14, v11  }
0xd0: {  	v19 =	vld [tilespmem:s11+$0x81D0];
	v2 =	vadd.f32 v15, v11;
	v1 =	vadd.f32 v20, v11;
	v12 =	vimm.f32 $0.0e+00  }
0xd1: {  	s6 =	sor.u32 $0x1, s21;
	s7 =	simm.s32 $0x100;
	s9 =	simm.s32 $0x800;
	v20 =	vld [tilespmem:s11+$0x81E0];
	v15 =	vimm.f32 $0.0e+00;
	v13 =	vimm.f32 $0.0e+00;
	v14 =	vimm.f32 $0.0e+00  }
.LBB2_12:
0xd2: {  	p2 =	sne.s32 s9, $0x6000;
	v21 =	vld [tilespmem:s7+$0x81F0];
	v11 =	vadd.f32 v16, v11  }
0xd3: {  	v16 =	vld [tilespmem:s7+$0x8100];
	v12 =	vadd.f32 v17, v12  }
0xd4: {  	v17 =	vld [tilespmem:s7+$0x8110];
	v15 =	vadd.f32 v18, v15  }
0xd5: {  	v18 =	vld [tilespmem:s7+$0x8120];
	v13 =	vadd.f32 v19, v13  }
0xd6: {  	v19 =	vld [tilespmem:s7+$0x8130];
	v14 =	vadd.f32 v20, v14  }
0xd7: {  	v20 =	vld [tilespmem:s7+$0x8140];
	v0 =	vadd.f32 v21, v0  }
0xd8: {  	v9 =	vadd.f32 v16, v9;
	v16 =	vld [tilespmem:s7+$0x8150]  }
0xd9: {  	v6 =	vadd.f32 v17, v6;
	v17 =	vld [tilespmem:s7+$0x8160]  }
0xda: {  	v10 =	vadd.f32 v18, v10;
	v18 =	vld [tilespmem:s7+$0x8170]  }
0xdb: {  	v7 =	vadd.f32 v19, v7;
	v19 =	vld [tilespmem:s7+$0x8180]  }
0xdc: {  	v8 =	vadd.f32 v20, v8;
	v20 =	vld [tilespmem:s7+$0x8190]  }
.Ltmp6:
0xdd: {  	v5 =	vadd.f32 v16, v5;
	v16 =	vld [tilespmem:s7+$0x81A0];
	(pc) =	sbr.rel @p2 .LBB2_12-.Ltmp6, $4  }
0xde: {  	v4 =	vadd.f32 v17, v4;
	v17 =	vld [tilespmem:s7+$0x81B0]  }
0xdf: {  	v3 =	vadd.f32 v18, v3;
	v18 =	vld [tilespmem:s7+$0x81C0]  }
0xe0: {  	v2 =	vadd.f32 v19, v2;
	v19 =	vld [tilespmem:s7+$0x81D0]  }
0xe1: {  	v1 =	vadd.f32 v20, v1;
	v20 =	vld [tilespmem:s7+$0x81E0];
	s7 =	sshra.s32 s9, $0x2;
	s9 =	sadd.s32 $0x400, s9  }
0xe2: {  	v21 =	vld [tilespmem:s7+$0x8100]  }
0xe3: {  	v22 =	vld [tilespmem:s7+$0x8110]  }
0xe4: {  	v23 =	vld [tilespmem:s7+$0x8120]  }
0xe5: {  	v24 =	vld [tilespmem:s7+$0x8130]  }
0xe6: {  	v11 =	vadd.f32 v16, v11;
	v16 =	vld [tilespmem:s7+$0x8140]  }
0xe7: {  	v12 =	vadd.f32 v17, v12;
	v17 =	vld [tilespmem:s7+$0x8150];
	v15 =	vadd.f32 v18, v15  }
0xe8: {  	v18 =	vld [tilespmem:s7+$0x8160];
	v13 =	vadd.f32 v19, v13;
	v14 =	vadd.f32 v20, v14  }
0xe9: {  	v19 =	vld [tilespmem:s7+$0x8170];
	v9 =	vadd.f32 v21, v9;
	v10 =	vadd.f32 v23, v10  }
0xea: {  	v20 =	vld [tilespmem:s7+$0x8180];
	v6 =	vadd.f32 v22, v6;
	v7 =	vadd.f32 v24, v7  }
0xeb: {  	v8 =	vadd.f32 v16, v8;
	v16 =	vld [tilespmem:s7+$0x8190];
	v9 =	vadd.f32 v10, v9  }
0xec: {  	v5 =	vadd.f32 v17, v5;
	v10 =	vld [tilespmem:s7+$0x81A0];
	v6 =	vadd.f32 v7, v6  }
0xed: {  	v4 =	vadd.f32 v18, v4;
	v7 =	vld [tilespmem:s7+$0x81B0];
	v8 =	vadd.f32 v8, v9  }
0xee: {  	v3 =	vadd.f32 v19, v3;
	v9 =	vld [tilespmem:s7+$0x81C0];
	v5 =	vadd.f32 v5, v6  }
0xef: {  	v2 =	vadd.f32 v20, v2;
	v6 =	vld [tilespmem:s7+$0x81D0];
	v4 =	vadd.f32 v4, v8  }
0xf0: {  	v1 =	vadd.f32 v16, v1;
	v8 =	vld [tilespmem:s7+$0x81E0];
	v3 =	vadd.f32 v3, v5  }
0xf1: {  	v5 =	vld [tilespmem:s7+$0x81F0];
	v10 =	vadd.f32 v10, v11;
	v2 =	vadd.f32 v2, v4  }
0xf2: {  	v4 =	vadd.f32 v7, v12;
	v1 =	vadd.f32 v1, v3;
	v3 =	vld [tilespmem:s19+$0x6600]  }
0xf3: {  	v7 =	vadd.f32 v9, v15;
	v2 =	vadd.f32 v10, v2  }
0xf4: {  	v6 =	vadd.f32 v6, v13;
	v1 =	vadd.f32 v4, v1  }
0xf5: {  	s9 =	sand.u32 $0x9, s6;
	v4 =	vadd.f32 v8, v14;
	v2 =	vadd.f32 v7, v2  }
0xf6: {  	v0 =	vadd.f32 v5, v0;
	v5 =	vmov s9;
	v1 =	vadd.f32 v6, v1  }
0xf7: {  	s7 =	sadd.s32 @!p1 $0x9, s21;
	v3 =	vperm.xlane v3, v5;
	v2 =	vadd.f32 v4, v2  }
0xf8: {  	s11 =	sshll.u32 s6, $0x5;
	s9 =	sand.u32 @!p1 $0x39, s7;
	v0 =	vadd.f32 v0, v1  }
0xf9: {  	s6 =	sand.u32 $0x720, s11;
	s7 =	sshll.u32 @!p1 s7, $0x19;
	s9 =	smul.u32 @!p1 $0x320, s9;
	v1 =	vmul.f32 v3, v2  }
0xfa: {  	s6 =	sadd.s32 s6, s20;
	s7 =	sshra.s32 @!p1 s7, $0x1F;
	v0 =	vmul.f32 v3, v0  }
0xfb: {  	s7 =	sand.u32 @!p1 $0x3200, s7;
	s9 =	sshrl.u32 @!p1 s9, $0x2;
	[tilespmem:s6+$0x0] =	vst v1  }
0xfc: {  	[tilespmem:s6+$0x10] =	vst v0;
	s6 =	sadd.s32 @!p1 s9, s7;
	s7 =	simm.s32 @!p1 $0x60;
	s9 =	simm.s32 @!p1 $0x8100  }
0xfd: {  	[tilespmem:s9], [sflag:$0x2] =	stream.indirect.gather @!p1 [hbm4b:s4+s7], $0x20, s6, s7, $0xb8;
	[tilespmem:$0x14000] =	vst v63  }
0xfe: {  	s6 =	sadd.s32 @!p1 $0x60, s6;
	s7 =	simm.s32 @!p1 $0x68;
	s9 =	simm.s32 @!p1 $0x8D00  }
0xff: {  	[tilespmem:s9], [sflag:$0x2] =	stream.indirect.gather @!p1 [hbm4b:s4+s7], $0x20, s6, s7, $0xb8;
	[tilespmem:$0x14000] =	vst v63  }
0x100: {  	_ =	swait.ge [sflag:s26], $0xC00  }
0x101: {  	[sflag:s26] =	ssyncset.done $0x0  }
0x102: {  	[sflag:s26] =	ssyncadd.s32 $0xFFFFF400  }
0x103: {  	_ =	swait.ge [sflag:s26], $0xD00  }
0x104: {  	[sflag:s26] =	ssyncset.done $0x0  }
0x105: {  	s11 =	simm.s32 $0x0;
	[sflag:s26] =	ssyncadd.s32 $0xFFFFF300  }
0x106: {  	v0 =	vld [tilespmem:s11+$0x9AF0]  }
0x107: {  	v1 =	vld [tilespmem:s11+$0x9A00]  }
0x108: {  	v2 =	vld [tilespmem:s11+$0x9A10]  }
0x109: {  	v3 =	vld [tilespmem:s11+$0x9A20]  }
0x10a: {  	v4 =	vld [tilespmem:s11+$0x9A30]  }
0x10b: {  	v5 =	vld [tilespmem:s11+$0x9A40]  }
0x10c: {  	v12 =	vld [tilespmem:s11+$0x9A50]  }
0x10d: {  	v13 =	vld [tilespmem:s11+$0x9A60]  }
0x10e: {  	v14 =	vld [tilespmem:s11+$0x9A70]  }
0x10f: {  	v11 =	vimm.f32 $0.0e+00;
	v15 =	vld [tilespmem:s11+$0x9A80]  }
0x110: {  	v20 =	vld [tilespmem:s11+$0x9A90];
	v0 =	vadd.f32 v0, v11  }
0x111: {  	v9 =	vadd.f32 v1, v11;
	v6 =	vadd.f32 v2, v11  }
0x112: {  	v16 =	vld [tilespmem:s11+$0x9AA0];
	v10 =	vadd.f32 v3, v11;
	v7 =	vadd.f32 v4, v11  }
0x113: {  	v17 =	vld [tilespmem:s11+$0x9AB0];
	v8 =	vadd.f32 v5, v11;
	v5 =	vadd.f32 v12, v11  }
0x114: {  	v18 =	vld [tilespmem:s11+$0x9AC0];
	v4 =	vadd.f32 v13, v11;
	v3 =	vadd.f32 v14, v11  }
0x115: {  	v19 =	vld [tilespmem:s11+$0x9AD0];
	v2 =	vadd.f32 v15, v11;
	v1 =	vadd.f32 v20, v11;
	v12 =	vimm.f32 $0.0e+00  }
0x116: {  	s6 =	sor.u32 $0x2, s21;
	s7 =	simm.s32 $0x100;
	s9 =	simm.s32 $0x800;
	v20 =	vld [tilespmem:s11+$0x9AE0];
	v15 =	vimm.f32 $0.0e+00;
	v13 =	vimm.f32 $0.0e+00;
	v14 =	vimm.f32 $0.0e+00  }
.LBB2_14:
0x117: {  	p2 =	sne.s32 s9, $0x6000;
	v21 =	vld [tilespmem:s7+$0x9AF0];
	v11 =	vadd.f32 v16, v11  }
0x118: {  	v16 =	vld [tilespmem:s7+$0x9A00];
	v12 =	vadd.f32 v17, v12  }
0x119: {  	v17 =	vld [tilespmem:s7+$0x9A10];
	v15 =	vadd.f32 v18, v15  }
0x11a: {  	v18 =	vld [tilespmem:s7+$0x9A20];
	v13 =	vadd.f32 v19, v13  }
0x11b: {  	v19 =	vld [tilespmem:s7+$0x9A30];
	v14 =	vadd.f32 v20, v14  }
0x11c: {  	v20 =	vld [tilespmem:s7+$0x9A40];
	v0 =	vadd.f32 v21, v0  }
0x11d: {  	v9 =	vadd.f32 v16, v9;
	v16 =	vld [tilespmem:s7+$0x9A50]  }
0x11e: {  	v6 =	vadd.f32 v17, v6;
	v17 =	vld [tilespmem:s7+$0x9A60]  }
0x11f: {  	v10 =	vadd.f32 v18, v10;
	v18 =	vld [tilespmem:s7+$0x9A70]  }
0x120: {  	v7 =	vadd.f32 v19, v7;
	v19 =	vld [tilespmem:s7+$0x9A80]  }
0x121: {  	v8 =	vadd.f32 v20, v8;
	v20 =	vld [tilespmem:s7+$0x9A90]  }
.Ltmp7:
0x122: {  	v5 =	vadd.f32 v16, v5;
	v16 =	vld [tilespmem:s7+$0x9AA0];
	(pc) =	sbr.rel @p2 .LBB2_14-.Ltmp7, $4  }
0x123: {  	v4 =	vadd.f32 v17, v4;
	v17 =	vld [tilespmem:s7+$0x9AB0]  }
0x124: {  	v3 =	vadd.f32 v18, v3;
	v18 =	vld [tilespmem:s7+$0x9AC0]  }
0x125: {  	v2 =	vadd.f32 v19, v2;
	v19 =	vld [tilespmem:s7+$0x9AD0]  }
0x126: {  	v1 =	vadd.f32 v20, v1;
	v20 =	vld [tilespmem:s7+$0x9AE0];
	s7 =	sshra.s32 s9, $0x2;
	s9 =	sadd.s32 $0x400, s9  }
0x127: {  	v21 =	vld [tilespmem:s7+$0x9A00]  }
0x128: {  	v22 =	vld [tilespmem:s7+$0x9A10]  }
0x129: {  	v23 =	vld [tilespmem:s7+$0x9A20]  }
0x12a: {  	v24 =	vld [tilespmem:s7+$0x9A30]  }
0x12b: {  	v11 =	vadd.f32 v16, v11;
	v16 =	vld [tilespmem:s7+$0x9A40]  }
0x12c: {  	v12 =	vadd.f32 v17, v12;
	v17 =	vld [tilespmem:s7+$0x9A50];
	v15 =	vadd.f32 v18, v15  }
0x12d: {  	v18 =	vld [tilespmem:s7+$0x9A60];
	v13 =	vadd.f32 v19, v13;
	v14 =	vadd.f32 v20, v14  }
0x12e: {  	v19 =	vld [tilespmem:s7+$0x9A70];
	v9 =	vadd.f32 v21, v9;
	v10 =	vadd.f32 v23, v10  }
0x12f: {  	v20 =	vld [tilespmem:s7+$0x9A80];
	v6 =	vadd.f32 v22, v6;
	v7 =	vadd.f32 v24, v7  }
0x130: {  	v8 =	vadd.f32 v16, v8;
	v16 =	vld [tilespmem:s7+$0x9A90];
	v9 =	vadd.f32 v10, v9  }
0x131: {  	v5 =	vadd.f32 v17, v5;
	v10 =	vld [tilespmem:s7+$0x9AA0];
	v6 =	vadd.f32 v7, v6  }
0x132: {  	v4 =	vadd.f32 v18, v4;
	v7 =	vld [tilespmem:s7+$0x9AB0];
	v8 =	vadd.f32 v8, v9  }
0x133: {  	v3 =	vadd.f32 v19, v3;
	v9 =	vld [tilespmem:s7+$0x9AC0];
	v5 =	vadd.f32 v5, v6  }
0x134: {  	v2 =	vadd.f32 v20, v2;
	v6 =	vld [tilespmem:s7+$0x9AD0];
	v4 =	vadd.f32 v4, v8  }
0x135: {  	v1 =	vadd.f32 v16, v1;
	v8 =	vld [tilespmem:s7+$0x9AE0];
	v3 =	vadd.f32 v3, v5  }
0x136: {  	v5 =	vld [tilespmem:s7+$0x9AF0];
	v10 =	vadd.f32 v10, v11;
	v2 =	vadd.f32 v2, v4  }
0x137: {  	v4 =	vadd.f32 v7, v12;
	v1 =	vadd.f32 v1, v3;
	v3 =	vld [tilespmem:s19+$0x6600]  }
0x138: {  	v7 =	vadd.f32 v9, v15;
	v2 =	vadd.f32 v10, v2  }
0x139: {  	v6 =	vadd.f32 v6, v13;
	v1 =	vadd.f32 v4, v1  }
0x13a: {  	s9 =	sand.u32 $0xA, s6;
	v4 =	vadd.f32 v8, v14;
	v2 =	vadd.f32 v7, v2  }
0x13b: {  	v0 =	vadd.f32 v5, v0;
	v5 =	vmov s9;
	v1 =	vadd.f32 v6, v1  }
0x13c: {  	s7 =	sadd.s32 @!p1 $0xA, s21;
	v3 =	vperm.xlane v3, v5;
	v2 =	vadd.f32 v4, v2  }
0x13d: {  	s11 =	sshll.u32 s6, $0x5;
	s9 =	sand.u32 @!p1 $0x3A, s7;
	v0 =	vadd.f32 v0, v1  }
0x13e: {  	s6 =	sand.u32 $0x740, s11;
	s7 =	sshll.u32 @!p1 s7, $0x19;
	s9 =	smul.u32 @!p1 $0x320, s9;
	v1 =	vmul.f32 v3, v2  }
0x13f: {  	s6 =	sadd.s32 s6, s20;
	s7 =	sshra.s32 @!p1 s7, $0x1F;
	v0 =	vmul.f32 v3, v0  }
0x140: {  	s7 =	sand.u32 @!p1 $0x3200, s7;
	s9 =	sshrl.u32 @!p1 s9, $0x2;
	[tilespmem:s6+$0x0] =	vst v1  }
0x141: {  	[tilespmem:s6+$0x10] =	vst v0;
	s6 =	sadd.s32 @!p1 s9, s7;
	s7 =	simm.s32 @!p1 $0x60;
	s9 =	simm.s32 @!p1 $0x9A00  }
0x142: {  	[tilespmem:s9], [sflag:$0x3] =	stream.indirect.gather @!p1 [hbm4b:s4+s7], $0x20, s6, s7, $0xb8;
	[tilespmem:$0x14000] =	vst v63  }
0x143: {  	s6 =	sadd.s32 @!p1 $0x60, s6;
	s7 =	simm.s32 @!p1 $0x68;
	s9 =	simm.s32 @!p1 $0xA600  }
0x144: {  	[tilespmem:s9], [sflag:$0x3] =	stream.indirect.gather @!p1 [hbm4b:s4+s7], $0x20, s6, s7, $0xb8;
	[tilespmem:$0x14000] =	vst v63  }
0x145: {  	_ =	swait.ge [sflag:s28], $0xC00  }
0x146: {  	[sflag:s28] =	ssyncset.done $0x0  }
0x147: {  	[sflag:s28] =	ssyncadd.s32 $0xFFFFF400  }
0x148: {  	_ =	swait.ge [sflag:s28], $0xD00  }
0x149: {  	[sflag:s28] =	ssyncset.done $0x0  }
0x14a: {  	s11 =	simm.s32 $0x0;
	[sflag:s28] =	ssyncadd.s32 $0xFFFFF300  }
0x14b: {  	v0 =	vld [tilespmem:s11+$0xB3F0]  }
0x14c: {  	v1 =	vld [tilespmem:s11+$0xB300]  }
0x14d: {  	v2 =	vld [tilespmem:s11+$0xB310]  }
0x14e: {  	v3 =	vld [tilespmem:s11+$0xB320]  }
0x14f: {  	v4 =	vld [tilespmem:s11+$0xB330]  }
0x150: {  	v5 =	vld [tilespmem:s11+$0xB340]  }
0x151: {  	v12 =	vld [tilespmem:s11+$0xB350]  }
0x152: {  	v13 =	vld [tilespmem:s11+$0xB360]  }
0x153: {  	v14 =	vld [tilespmem:s11+$0xB370]  }
0x154: {  	v11 =	vimm.f32 $0.0e+00;
	v15 =	vld [tilespmem:s11+$0xB380]  }
0x155: {  	v20 =	vld [tilespmem:s11+$0xB390];
	v0 =	vadd.f32 v0, v11  }
0x156: {  	v9 =	vadd.f32 v1, v11;
	v6 =	vadd.f32 v2, v11  }
0x157: {  	v16 =	vld [tilespmem:s11+$0xB3A0];
	v10 =	vadd.f32 v3, v11;
	v7 =	vadd.f32 v4, v11  }
0x158: {  	v17 =	vld [tilespmem:s11+$0xB3B0];
	v8 =	vadd.f32 v5, v11;
	v5 =	vadd.f32 v12, v11  }
0x159: {  	v18 =	vld [tilespmem:s11+$0xB3C0];
	v4 =	vadd.f32 v13, v11;
	v3 =	vadd.f32 v14, v11  }
0x15a: {  	v19 =	vld [tilespmem:s11+$0xB3D0];
	v2 =	vadd.f32 v15, v11;
	v1 =	vadd.f32 v20, v11;
	v12 =	vimm.f32 $0.0e+00  }
0x15b: {  	s6 =	sor.u32 $0x3, s21;
	s7 =	simm.s32 $0x100;
	s9 =	simm.s32 $0x800;
	v20 =	vld [tilespmem:s11+$0xB3E0];
	v15 =	vimm.f32 $0.0e+00;
	v13 =	vimm.f32 $0.0e+00;
	v14 =	vimm.f32 $0.0e+00  }
.LBB2_16:
0x15c: {  	p2 =	sne.s32 s9, $0x6000;
	v21 =	vld [tilespmem:s7+$0xB3F0];
	v11 =	vadd.f32 v16, v11  }
0x15d: {  	v16 =	vld [tilespmem:s7+$0xB300];
	v12 =	vadd.f32 v17, v12  }
0x15e: {  	v17 =	vld [tilespmem:s7+$0xB310];
	v15 =	vadd.f32 v18, v15  }
0x15f: {  	v18 =	vld [tilespmem:s7+$0xB320];
	v13 =	vadd.f32 v19, v13  }
0x160: {  	v19 =	vld [tilespmem:s7+$0xB330];
	v14 =	vadd.f32 v20, v14  }
0x161: {  	v20 =	vld [tilespmem:s7+$0xB340];
	v0 =	vadd.f32 v21, v0  }
0x162: {  	v9 =	vadd.f32 v16, v9;
	v16 =	vld [tilespmem:s7+$0xB350]  }
0x163: {  	v6 =	vadd.f32 v17, v6;
	v17 =	vld [tilespmem:s7+$0xB360]  }
0x164: {  	v10 =	vadd.f32 v18, v10;
	v18 =	vld [tilespmem:s7+$0xB370]  }
0x165: {  	v7 =	vadd.f32 v19, v7;
	v19 =	vld [tilespmem:s7+$0xB380]  }
0x166: {  	v8 =	vadd.f32 v20, v8;
	v20 =	vld [tilespmem:s7+$0xB390]  }
.Ltmp8:
0x167: {  	v5 =	vadd.f32 v16, v5;
	v16 =	vld [tilespmem:s7+$0xB3A0];
	(pc) =	sbr.rel @p2 .LBB2_16-.Ltmp8, $4  }
0x168: {  	v4 =	vadd.f32 v17, v4;
	v17 =	vld [tilespmem:s7+$0xB3B0]  }
0x169: {  	v3 =	vadd.f32 v18, v3;
	v18 =	vld [tilespmem:s7+$0xB3C0]  }
0x16a: {  	v2 =	vadd.f32 v19, v2;
	v19 =	vld [tilespmem:s7+$0xB3D0]  }
0x16b: {  	v1 =	vadd.f32 v20, v1;
	v20 =	vld [tilespmem:s7+$0xB3E0];
	s7 =	sshra.s32 s9, $0x2;
	s9 =	sadd.s32 $0x400, s9  }
0x16c: {  	v21 =	vld [tilespmem:s7+$0xB300]  }
0x16d: {  	v22 =	vld [tilespmem:s7+$0xB310]  }
0x16e: {  	v23 =	vld [tilespmem:s7+$0xB320]  }
0x16f: {  	v24 =	vld [tilespmem:s7+$0xB330]  }
0x170: {  	v11 =	vadd.f32 v16, v11;
	v16 =	vld [tilespmem:s7+$0xB340]  }
0x171: {  	v12 =	vadd.f32 v17, v12;
	v17 =	vld [tilespmem:s7+$0xB350];
	v15 =	vadd.f32 v18, v15  }
0x172: {  	v18 =	vld [tilespmem:s7+$0xB360];
	v13 =	vadd.f32 v19, v13;
	v14 =	vadd.f32 v20, v14  }
0x173: {  	v19 =	vld [tilespmem:s7+$0xB370];
	v9 =	vadd.f32 v21, v9;
	v10 =	vadd.f32 v23, v10  }
0x174: {  	v20 =	vld [tilespmem:s7+$0xB380];
	v6 =	vadd.f32 v22, v6;
	v7 =	vadd.f32 v24, v7  }
0x175: {  	v8 =	vadd.f32 v16, v8;
	v16 =	vld [tilespmem:s7+$0xB390];
	v9 =	vadd.f32 v10, v9  }
0x176: {  	v5 =	vadd.f32 v17, v5;
	v10 =	vld [tilespmem:s7+$0xB3A0];
	v6 =	vadd.f32 v7, v6  }
0x177: {  	v4 =	vadd.f32 v18, v4;
	v7 =	vld [tilespmem:s7+$0xB3B0];
	v8 =	vadd.f32 v8, v9  }
0x178: {  	v3 =	vadd.f32 v19, v3;
	v9 =	vld [tilespmem:s7+$0xB3C0];
	v5 =	vadd.f32 v5, v6  }
0x179: {  	v2 =	vadd.f32 v20, v2;
	v6 =	vld [tilespmem:s7+$0xB3D0];
	v4 =	vadd.f32 v4, v8  }
0x17a: {  	v1 =	vadd.f32 v16, v1;
	v8 =	vld [tilespmem:s7+$0xB3E0];
	v3 =	vadd.f32 v3, v5  }
0x17b: {  	v5 =	vld [tilespmem:s7+$0xB3F0];
	v10 =	vadd.f32 v10, v11;
	v2 =	vadd.f32 v2, v4  }
0x17c: {  	v4 =	vadd.f32 v7, v12;
	v1 =	vadd.f32 v1, v3;
	v3 =	vld [tilespmem:s19+$0x6600]  }
0x17d: {  	v7 =	vadd.f32 v9, v15;
	v2 =	vadd.f32 v10, v2  }
0x17e: {  	v6 =	vadd.f32 v6, v13;
	v1 =	vadd.f32 v4, v1  }
0x17f: {  	s9 =	sand.u32 $0xB, s6;
	v4 =	vadd.f32 v8, v14;
	v2 =	vadd.f32 v7, v2  }
0x180: {  	v0 =	vadd.f32 v5, v0;
	v5 =	vmov s9;
	v1 =	vadd.f32 v6, v1  }
0x181: {  	s7 =	sadd.s32 @!p1 $0xB, s21;
	v3 =	vperm.xlane v3, v5;
	v2 =	vadd.f32 v4, v2  }
0x182: {  	s11 =	sshll.u32 s6, $0x5;
	s9 =	sand.u32 @!p1 $0x3B, s7;
	v0 =	vadd.f32 v0, v1  }
0x183: {  	s6 =	sand.u32 $0x760, s11;
	s7 =	sshll.u32 @!p1 s7, $0x19;
	s9 =	smul.u32 @!p1 $0x320, s9;
	v1 =	vmul.f32 v3, v2  }
0x184: {  	s6 =	sadd.s32 s6, s20;
	s7 =	sshra.s32 @!p1 s7, $0x1F;
	v0 =	vmul.f32 v3, v0  }
0x185: {  	s7 =	sand.u32 @!p1 $0x3200, s7;
	s9 =	sshrl.u32 @!p1 s9, $0x2;
	[tilespmem:s6+$0x0] =	vst v1  }
0x186: {  	[tilespmem:s6+$0x10] =	vst v0;
	s6 =	sadd.s32 @!p1 s9, s7;
	s7 =	simm.s32 @!p1 $0x60;
	s9 =	simm.s32 @!p1 $0xB300  }
0x187: {  	[tilespmem:s9], [sflag:$0x4] =	stream.indirect.gather @!p1 [hbm4b:s4+s7], $0x20, s6, s7, $0xb8;
	[tilespmem:$0x14000] =	vst v63  }
0x188: {  	s6 =	sadd.s32 @!p1 $0x60, s6;
	s7 =	simm.s32 @!p1 $0x68;
	s9 =	simm.s32 @!p1 $0xBF00  }
0x189: {  	[tilespmem:s9], [sflag:$0x4] =	stream.indirect.gather @!p1 [hbm4b:s4+s7], $0x20, s6, s7, $0xb8;
	[tilespmem:$0x14000] =	vst v63  }
0x18a: {  	_ =	swait.ge [sflag:s29], $0xC00  }
0x18b: {  	[sflag:s29] =	ssyncset.done $0x0  }
0x18c: {  	[sflag:s29] =	ssyncadd.s32 $0xFFFFF400  }
0x18d: {  	_ =	swait.ge [sflag:s29], $0xD00  }
0x18e: {  	[sflag:s29] =	ssyncset.done $0x0  }
0x18f: {  	s11 =	simm.s32 $0x0;
	[sflag:s29] =	ssyncadd.s32 $0xFFFFF300  }
0x190: {  	v0 =	vld [tilespmem:s11+$0xCCF0]  }
0x191: {  	v1 =	vld [tilespmem:s11+$0xCC00]  }
0x192: {  	v2 =	vld [tilespmem:s11+$0xCC10]  }
0x193: {  	v3 =	vld [tilespmem:s11+$0xCC20]  }
0x194: {  	v4 =	vld [tilespmem:s11+$0xCC30]  }
0x195: {  	v5 =	vld [tilespmem:s11+$0xCC40]  }
0x196: {  	v12 =	vld [tilespmem:s11+$0xCC50]  }
0x197: {  	v13 =	vld [tilespmem:s11+$0xCC60]  }
0x198: {  	v14 =	vld [tilespmem:s11+$0xCC70]  }
0x199: {  	v11 =	vimm.f32 $0.0e+00;
	v15 =	vld [tilespmem:s11+$0xCC80]  }
0x19a: {  	v20 =	vld [tilespmem:s11+$0xCC90];
	v0 =	vadd.f32 v0, v11  }
0x19b: {  	v9 =	vadd.f32 v1, v11;
	v6 =	vadd.f32 v2, v11  }
0x19c: {  	v16 =	vld [tilespmem:s11+$0xCCA0];
	v10 =	vadd.f32 v3, v11;
	v7 =	vadd.f32 v4, v11  }
0x19d: {  	v17 =	vld [tilespmem:s11+$0xCCB0];
	v8 =	vadd.f32 v5, v11;
	v5 =	vadd.f32 v12, v11  }
0x19e: {  	v18 =	vld [tilespmem:s11+$0xCCC0];
	v4 =	vadd.f32 v13, v11;
	v3 =	vadd.f32 v14, v11  }
0x19f: {  	v19 =	vld [tilespmem:s11+$0xCCD0];
	v2 =	vadd.f32 v15, v11;
	v1 =	vadd.f32 v20, v11;
	v12 =	vimm.f32 $0.0e+00  }
0x1a0: {  	s6 =	sor.u32 $0x4, s21;
	s7 =	simm.s32 $0x100;
	s9 =	simm.s32 $0x800;
	v20 =	vld [tilespmem:s11+$0xCCE0];
	v15 =	vimm.f32 $0.0e+00;
	v13 =	vimm.f32 $0.0e+00;
	v14 =	vimm.f32 $0.0e+00  }
.LBB2_18:
0x1a1: {  	p2 =	sne.s32 s9, $0x6000;
	v21 =	vld [tilespmem:s7+$0xCCF0];
	v11 =	vadd.f32 v16, v11  }
0x1a2: {  	v16 =	vld [tilespmem:s7+$0xCC00];
	v12 =	vadd.f32 v17, v12  }
0x1a3: {  	v17 =	vld [tilespmem:s7+$0xCC10];
	v15 =	vadd.f32 v18, v15  }
0x1a4: {  	v18 =	vld [tilespmem:s7+$0xCC20];
	v13 =	vadd.f32 v19, v13  }
0x1a5: {  	v19 =	vld [tilespmem:s7+$0xCC30];
	v14 =	vadd.f32 v20, v14  }
0x1a6: {  	v20 =	vld [tilespmem:s7+$0xCC40];
	v0 =	vadd.f32 v21, v0  }
0x1a7: {  	v9 =	vadd.f32 v16, v9;
	v16 =	vld [tilespmem:s7+$0xCC50]  }
0x1a8: {  	v6 =	vadd.f32 v17, v6;
	v17 =	vld [tilespmem:s7+$0xCC60]  }
0x1a9: {  	v10 =	vadd.f32 v18, v10;
	v18 =	vld [tilespmem:s7+$0xCC70]  }
0x1aa: {  	v7 =	vadd.f32 v19, v7;
	v19 =	vld [tilespmem:s7+$0xCC80]  }
0x1ab: {  	v8 =	vadd.f32 v20, v8;
	v20 =	vld [tilespmem:s7+$0xCC90]  }
.Ltmp9:
0x1ac: {  	v5 =	vadd.f32 v16, v5;
	v16 =	vld [tilespmem:s7+$0xCCA0];
	(pc) =	sbr.rel @p2 .LBB2_18-.Ltmp9, $4  }
0x1ad: {  	v4 =	vadd.f32 v17, v4;
	v17 =	vld [tilespmem:s7+$0xCCB0]  }
0x1ae: {  	v3 =	vadd.f32 v18, v3;
	v18 =	vld [tilespmem:s7+$0xCCC0]  }
0x1af: {  	v2 =	vadd.f32 v19, v2;
	v19 =	vld [tilespmem:s7+$0xCCD0]  }
0x1b0: {  	v1 =	vadd.f32 v20, v1;
	v20 =	vld [tilespmem:s7+$0xCCE0];
	s7 =	sshra.s32 s9, $0x2;
	s9 =	sadd.s32 $0x400, s9  }
0x1b1: {  	v21 =	vld [tilespmem:s7+$0xCC00]  }
0x1b2: {  	v22 =	vld [tilespmem:s7+$0xCC10]  }
0x1b3: {  	v23 =	vld [tilespmem:s7+$0xCC20]  }
0x1b4: {  	v24 =	vld [tilespmem:s7+$0xCC30]  }
0x1b5: {  	v11 =	vadd.f32 v16, v11;
	v16 =	vld [tilespmem:s7+$0xCC40]  }
0x1b6: {  	v12 =	vadd.f32 v17, v12;
	v17 =	vld [tilespmem:s7+$0xCC50];
	v15 =	vadd.f32 v18, v15  }
0x1b7: {  	v18 =	vld [tilespmem:s7+$0xCC60];
	v13 =	vadd.f32 v19, v13;
	v14 =	vadd.f32 v20, v14  }
0x1b8: {  	v19 =	vld [tilespmem:s7+$0xCC70];
	v9 =	vadd.f32 v21, v9;
	v10 =	vadd.f32 v23, v10  }
0x1b9: {  	v20 =	vld [tilespmem:s7+$0xCC80];
	v6 =	vadd.f32 v22, v6;
	v7 =	vadd.f32 v24, v7  }
0x1ba: {  	v8 =	vadd.f32 v16, v8;
	v16 =	vld [tilespmem:s7+$0xCC90];
	v9 =	vadd.f32 v10, v9  }
0x1bb: {  	v5 =	vadd.f32 v17, v5;
	v10 =	vld [tilespmem:s7+$0xCCA0];
	v6 =	vadd.f32 v7, v6  }
0x1bc: {  	v4 =	vadd.f32 v18, v4;
	v7 =	vld [tilespmem:s7+$0xCCB0];
	v8 =	vadd.f32 v8, v9  }
0x1bd: {  	v3 =	vadd.f32 v19, v3;
	v9 =	vld [tilespmem:s7+$0xCCC0];
	v5 =	vadd.f32 v5, v6  }
0x1be: {  	v2 =	vadd.f32 v20, v2;
	v6 =	vld [tilespmem:s7+$0xCCD0];
	v4 =	vadd.f32 v4, v8  }
0x1bf: {  	v1 =	vadd.f32 v16, v1;
	v8 =	vld [tilespmem:s7+$0xCCE0];
	v3 =	vadd.f32 v3, v5  }
0x1c0: {  	v5 =	vld [tilespmem:s7+$0xCCF0];
	v10 =	vadd.f32 v10, v11;
	v2 =	vadd.f32 v2, v4  }
0x1c1: {  	v4 =	vadd.f32 v7, v12;
	v1 =	vadd.f32 v1, v3;
	v3 =	vld [tilespmem:s19+$0x6600]  }
0x1c2: {  	v7 =	vadd.f32 v9, v15;
	v2 =	vadd.f32 v10, v2  }
0x1c3: {  	v6 =	vadd.f32 v6, v13;
	v1 =	vadd.f32 v4, v1  }
0x1c4: {  	s9 =	sand.u32 $0xC, s6;
	v4 =	vadd.f32 v8, v14;
	v2 =	vadd.f32 v7, v2  }
0x1c5: {  	v0 =	vadd.f32 v5, v0;
	v5 =	vmov s9;
	v1 =	vadd.f32 v6, v1  }
0x1c6: {  	s7 =	sadd.s32 @!p1 $0xC, s21;
	v3 =	vperm.xlane v3, v5;
	v2 =	vadd.f32 v4, v2  }
0x1c7: {  	s11 =	sshll.u32 s6, $0x5;
	s9 =	sand.u32 @!p1 $0x3C, s7;
	v0 =	vadd.f32 v0, v1  }
0x1c8: {  	s6 =	sand.u32 $0x780, s11;
	s7 =	sshll.u32 @!p1 s7, $0x19;
	s9 =	smul.u32 @!p1 $0x320, s9;
	v1 =	vmul.f32 v3, v2  }
0x1c9: {  	s6 =	sadd.s32 s6, s20;
	s7 =	sshra.s32 @!p1 s7, $0x1F;
	v0 =	vmul.f32 v3, v0  }
0x1ca: {  	s7 =	sand.u32 @!p1 $0x3200, s7;
	s9 =	sshrl.u32 @!p1 s9, $0x2;
	[tilespmem:s6+$0x0] =	vst v1  }
0x1cb: {  	[tilespmem:s6+$0x10] =	vst v0;
	s6 =	sadd.s32 @!p1 s9, s7;
	s7 =	simm.s32 @!p1 $0x60;
	s9 =	simm.s32 @!p1 $0xCC00  }
0x1cc: {  	[tilespmem:s9], [sflag:$0x5] =	stream.indirect.gather @!p1 [hbm4b:s4+s7], $0x20, s6, s7, $0xb8;
	[tilespmem:$0x14000] =	vst v63  }
0x1cd: {  	s6 =	sadd.s32 @!p1 $0x60, s6;
	s7 =	simm.s32 @!p1 $0x68;
	s9 =	simm.s32 @!p1 $0xD800  }
0x1ce: {  	[tilespmem:s9], [sflag:$0x5] =	stream.indirect.gather @!p1 [hbm4b:s4+s7], $0x20, s6, s7, $0xb8;
	[tilespmem:$0x14000] =	vst v63  }
0x1cf: {  	_ =	swait.ge [sflag:s30], $0xC00  }
0x1d0: {  	[sflag:s30] =	ssyncset.done $0x0  }
0x1d1: {  	[sflag:s30] =	ssyncadd.s32 $0xFFFFF400  }
0x1d2: {  	_ =	swait.ge [sflag:s30], $0xD00  }
0x1d3: {  	[sflag:s30] =	ssyncset.done $0x0  }
0x1d4: {  	s11 =	simm.s32 $0x0;
	[sflag:s30] =	ssyncadd.s32 $0xFFFFF300  }
0x1d5: {  	v0 =	vld [tilespmem:s11+$0xE5F0]  }
0x1d6: {  	v1 =	vld [tilespmem:s11+$0xE500]  }
0x1d7: {  	v2 =	vld [tilespmem:s11+$0xE510]  }
0x1d8: {  	v3 =	vld [tilespmem:s11+$0xE520]  }
0x1d9: {  	v4 =	vld [tilespmem:s11+$0xE530]  }
0x1da: {  	v5 =	vld [tilespmem:s11+$0xE540]  }
0x1db: {  	v12 =	vld [tilespmem:s11+$0xE550]  }
0x1dc: {  	v13 =	vld [tilespmem:s11+$0xE560]  }
0x1dd: {  	v14 =	vld [tilespmem:s11+$0xE570]  }
0x1de: {  	v11 =	vimm.f32 $0.0e+00;
	v15 =	vld [tilespmem:s11+$0xE580]  }
0x1df: {  	v20 =	vld [tilespmem:s11+$0xE590];
	v0 =	vadd.f32 v0, v11  }
0x1e0: {  	v9 =	vadd.f32 v1, v11;
	v6 =	vadd.f32 v2, v11  }
0x1e1: {  	v16 =	vld [tilespmem:s11+$0xE5A0];
	v10 =	vadd.f32 v3, v11;
	v7 =	vadd.f32 v4, v11  }
0x1e2: {  	v17 =	vld [tilespmem:s11+$0xE5B0];
	v8 =	vadd.f32 v5, v11;
	v5 =	vadd.f32 v12, v11  }
0x1e3: {  	v18 =	vld [tilespmem:s11+$0xE5C0];
	v4 =	vadd.f32 v13, v11;
	v3 =	vadd.f32 v14, v11  }
0x1e4: {  	v19 =	vld [tilespmem:s11+$0xE5D0];
	v2 =	vadd.f32 v15, v11;
	v1 =	vadd.f32 v20, v11;
	v12 =	vimm.f32 $0.0e+00  }
0x1e5: {  	s6 =	sor.u32 $0x5, s21;
	s7 =	simm.s32 $0x100;
	s9 =	simm.s32 $0x800;
	v20 =	vld [tilespmem:s11+$0xE5E0];
	v15 =	vimm.f32 $0.0e+00;
	v13 =	vimm.f32 $0.0e+00;
	v14 =	vimm.f32 $0.0e+00  }
.LBB2_20:
0x1e6: {  	p2 =	sne.s32 s9, $0x6000;
	v21 =	vld [tilespmem:s7+$0xE5F0];
	v11 =	vadd.f32 v16, v11  }
0x1e7: {  	v16 =	vld [tilespmem:s7+$0xE500];
	v12 =	vadd.f32 v17, v12  }
0x1e8: {  	v17 =	vld [tilespmem:s7+$0xE510];
	v15 =	vadd.f32 v18, v15  }
0x1e9: {  	v18 =	vld [tilespmem:s7+$0xE520];
	v13 =	vadd.f32 v19, v13  }
0x1ea: {  	v19 =	vld [tilespmem:s7+$0xE530];
	v14 =	vadd.f32 v20, v14  }
0x1eb: {  	v20 =	vld [tilespmem:s7+$0xE540];
	v0 =	vadd.f32 v21, v0  }
0x1ec: {  	v9 =	vadd.f32 v16, v9;
	v16 =	vld [tilespmem:s7+$0xE550]  }
0x1ed: {  	v6 =	vadd.f32 v17, v6;
	v17 =	vld [tilespmem:s7+$0xE560]  }
0x1ee: {  	v10 =	vadd.f32 v18, v10;
	v18 =	vld [tilespmem:s7+$0xE570]  }
0x1ef: {  	v7 =	vadd.f32 v19, v7;
	v19 =	vld [tilespmem:s7+$0xE580]  }
0x1f0: {  	v8 =	vadd.f32 v20, v8;
	v20 =	vld [tilespmem:s7+$0xE590]  }
.Ltmp10:
0x1f1: {  	v5 =	vadd.f32 v16, v5;
	v16 =	vld [tilespmem:s7+$0xE5A0];
	(pc) =	sbr.rel @p2 .LBB2_20-.Ltmp10, $4  }
0x1f2: {  	v4 =	vadd.f32 v17, v4;
	v17 =	vld [tilespmem:s7+$0xE5B0]  }
0x1f3: {  	v3 =	vadd.f32 v18, v3;
	v18 =	vld [tilespmem:s7+$0xE5C0]  }
0x1f4: {  	v2 =	vadd.f32 v19, v2;
	v19 =	vld [tilespmem:s7+$0xE5D0]  }
0x1f5: {  	v1 =	vadd.f32 v20, v1;
	v20 =	vld [tilespmem:s7+$0xE5E0];
	s7 =	sshra.s32 s9, $0x2;
	s9 =	sadd.s32 $0x400, s9  }
0x1f6: {  	v21 =	vld [tilespmem:s7+$0xE500]  }
0x1f7: {  	v22 =	vld [tilespmem:s7+$0xE510]  }
0x1f8: {  	v23 =	vld [tilespmem:s7+$0xE520]  }
0x1f9: {  	v24 =	vld [tilespmem:s7+$0xE530]  }
0x1fa: {  	v11 =	vadd.f32 v16, v11;
	v16 =	vld [tilespmem:s7+$0xE540]  }
0x1fb: {  	v12 =	vadd.f32 v17, v12;
	v17 =	vld [tilespmem:s7+$0xE550];
	v15 =	vadd.f32 v18, v15  }
0x1fc: {  	v18 =	vld [tilespmem:s7+$0xE560];
	v13 =	vadd.f32 v19, v13;
	v14 =	vadd.f32 v20, v14  }
0x1fd: {  	v19 =	vld [tilespmem:s7+$0xE570];
	v9 =	vadd.f32 v21, v9;
	v10 =	vadd.f32 v23, v10  }
0x1fe: {  	v20 =	vld [tilespmem:s7+$0xE580];
	v6 =	vadd.f32 v22, v6;
	v7 =	vadd.f32 v24, v7  }
0x1ff: {  	v8 =	vadd.f32 v16, v8;
	v16 =	vld [tilespmem:s7+$0xE590];
	v9 =	vadd.f32 v10, v9  }
0x200: {  	v5 =	vadd.f32 v17, v5;
	v10 =	vld [tilespmem:s7+$0xE5A0];
	v6 =	vadd.f32 v7, v6  }
0x201: {  	v4 =	vadd.f32 v18, v4;
	v7 =	vld [tilespmem:s7+$0xE5B0];
	v8 =	vadd.f32 v8, v9  }
0x202: {  	v3 =	vadd.f32 v19, v3;
	v9 =	vld [tilespmem:s7+$0xE5C0];
	v5 =	vadd.f32 v5, v6  }
0x203: {  	v2 =	vadd.f32 v20, v2;
	v6 =	vld [tilespmem:s7+$0xE5D0];
	v4 =	vadd.f32 v4, v8  }
0x204: {  	v1 =	vadd.f32 v16, v1;
	v8 =	vld [tilespmem:s7+$0xE5E0];
	v3 =	vadd.f32 v3, v5  }
0x205: {  	v5 =	vld [tilespmem:s7+$0xE5F0];
	v10 =	vadd.f32 v10, v11;
	v2 =	vadd.f32 v2, v4  }
0x206: {  	v4 =	vadd.f32 v7, v12;
	v1 =	vadd.f32 v1, v3;
	v3 =	vld [tilespmem:s19+$0x6600]  }
0x207: {  	v7 =	vadd.f32 v9, v15;
	v2 =	vadd.f32 v10, v2  }
0x208: {  	v6 =	vadd.f32 v6, v13;
	v1 =	vadd.f32 v4, v1  }
0x209: {  	s9 =	sand.u32 $0xD, s6;
	v4 =	vadd.f32 v8, v14;
	v2 =	vadd.f32 v7, v2  }
0x20a: {  	v0 =	vadd.f32 v5, v0;
	v5 =	vmov s9;
	v1 =	vadd.f32 v6, v1  }
0x20b: {  	s7 =	sadd.s32 @!p1 $0xD, s21;
	v3 =	vperm.xlane v3, v5;
	v2 =	vadd.f32 v4, v2  }
0x20c: {  	s11 =	sshll.u32 s6, $0x5;
	s9 =	sand.u32 @!p1 $0x3D, s7;
	v0 =	vadd.f32 v0, v1  }
0x20d: {  	s6 =	sand.u32 $0x7A0, s11;
	s7 =	sshll.u32 @!p1 s7, $0x19;
	s9 =	smul.u32 @!p1 $0x320, s9;
	v1 =	vmul.f32 v3, v2  }
0x20e: {  	s6 =	sadd.s32 s6, s20;
	s7 =	sshra.s32 @!p1 s7, $0x1F;
	v0 =	vmul.f32 v3, v0  }
0x20f: {  	s7 =	sand.u32 @!p1 $0x3200, s7;
	s9 =	sshrl.u32 @!p1 s9, $0x2;
	[tilespmem:s6+$0x0] =	vst v1  }
0x210: {  	[tilespmem:s6+$0x10] =	vst v0;
	s6 =	sadd.s32 @!p1 s9, s7;
	s7 =	simm.s32 @!p1 $0x60;
	s9 =	simm.s32 @!p1 $0xE500  }
0x211: {  	[tilespmem:s9], [sflag:$0x6] =	stream.indirect.gather @!p1 [hbm4b:s4+s7], $0x20, s6, s7, $0xb8;
	[tilespmem:$0x14000] =	vst v63  }
0x212: {  	s6 =	sadd.s32 @!p1 $0x60, s6;
	s7 =	simm.s32 @!p1 $0x68;
	s9 =	simm.s32 @!p1 $0xF100  }
0x213: {  	[tilespmem:s9], [sflag:$0x6] =	stream.indirect.gather @!p1 [hbm4b:s4+s7], $0x20, s6, s7, $0xb8;
	[tilespmem:$0x14000] =	vst v63  }
0x214: {  	_ =	swait.ge [sflag:s31], $0xC00  }
0x215: {  	[sflag:s31] =	ssyncset.done $0x0  }
0x216: {  	[sflag:s31] =	ssyncadd.s32 $0xFFFFF400  }
0x217: {  	_ =	swait.ge [sflag:s31], $0xD00  }
0x218: {  	[sflag:s31] =	ssyncset.done $0x0  }
0x219: {  	s11 =	simm.s32 $0x0;
	[sflag:s31] =	ssyncadd.s32 $0xFFFFF300  }
0x21a: {  	v0 =	vld [tilespmem:s11+$0xFEF0]  }
0x21b: {  	v1 =	vld [tilespmem:s11+$0xFE00]  }
0x21c: {  	v2 =	vld [tilespmem:s11+$0xFE10]  }
0x21d: {  	v3 =	vld [tilespmem:s11+$0xFE20]  }
0x21e: {  	v4 =	vld [tilespmem:s11+$0xFE30]  }
0x21f: {  	v5 =	vld [tilespmem:s11+$0xFE40]  }
0x220: {  	v12 =	vld [tilespmem:s11+$0xFE50]  }
0x221: {  	v13 =	vld [tilespmem:s11+$0xFE60]  }
0x222: {  	v14 =	vld [tilespmem:s11+$0xFE70]  }
0x223: {  	v11 =	vimm.f32 $0.0e+00;
	v15 =	vld [tilespmem:s11+$0xFE80]  }
0x224: {  	v20 =	vld [tilespmem:s11+$0xFE90];
	v0 =	vadd.f32 v0, v11  }
0x225: {  	v9 =	vadd.f32 v1, v11;
	v6 =	vadd.f32 v2, v11  }
0x226: {  	v16 =	vld [tilespmem:s11+$0xFEA0];
	v10 =	vadd.f32 v3, v11;
	v7 =	vadd.f32 v4, v11  }
0x227: {  	v17 =	vld [tilespmem:s11+$0xFEB0];
	v8 =	vadd.f32 v5, v11;
	v5 =	vadd.f32 v12, v11  }
0x228: {  	v18 =	vld [tilespmem:s11+$0xFEC0];
	v4 =	vadd.f32 v13, v11;
	v3 =	vadd.f32 v14, v11  }
0x229: {  	v19 =	vld [tilespmem:s11+$0xFED0];
	v2 =	vadd.f32 v15, v11;
	v1 =	vadd.f32 v20, v11;
	v12 =	vimm.f32 $0.0e+00  }
0x22a: {  	s6 =	sor.u32 $0x6, s21;
	s7 =	simm.s32 $0x100;
	s9 =	simm.s32 $0x800;
	v20 =	vld [tilespmem:s11+$0xFEE0];
	v15 =	vimm.f32 $0.0e+00;
	v13 =	vimm.f32 $0.0e+00;
	v14 =	vimm.f32 $0.0e+00  }
.LBB2_22:
0x22b: {  	p2 =	sne.s32 s9, $0x6000;
	v21 =	vld [tilespmem:s7+$0xFEF0];
	v11 =	vadd.f32 v16, v11  }
0x22c: {  	v16 =	vld [tilespmem:s7+$0xFE00];
	v12 =	vadd.f32 v17, v12  }
0x22d: {  	v17 =	vld [tilespmem:s7+$0xFE10];
	v15 =	vadd.f32 v18, v15  }
0x22e: {  	v18 =	vld [tilespmem:s7+$0xFE20];
	v13 =	vadd.f32 v19, v13  }
0x22f: {  	v19 =	vld [tilespmem:s7+$0xFE30];
	v14 =	vadd.f32 v20, v14  }
0x230: {  	v20 =	vld [tilespmem:s7+$0xFE40];
	v0 =	vadd.f32 v21, v0  }
0x231: {  	v9 =	vadd.f32 v16, v9;
	v16 =	vld [tilespmem:s7+$0xFE50]  }
0x232: {  	v6 =	vadd.f32 v17, v6;
	v17 =	vld [tilespmem:s7+$0xFE60]  }
0x233: {  	v10 =	vadd.f32 v18, v10;
	v18 =	vld [tilespmem:s7+$0xFE70]  }
0x234: {  	v7 =	vadd.f32 v19, v7;
	v19 =	vld [tilespmem:s7+$0xFE80]  }
0x235: {  	v8 =	vadd.f32 v20, v8;
	v20 =	vld [tilespmem:s7+$0xFE90]  }
.Ltmp11:
0x236: {  	v5 =	vadd.f32 v16, v5;
	v16 =	vld [tilespmem:s7+$0xFEA0];
	(pc) =	sbr.rel @p2 .LBB2_22-.Ltmp11, $4  }
0x237: {  	v4 =	vadd.f32 v17, v4;
	v17 =	vld [tilespmem:s7+$0xFEB0]  }
0x238: {  	v3 =	vadd.f32 v18, v3;
	v18 =	vld [tilespmem:s7+$0xFEC0]  }
0x239: {  	v2 =	vadd.f32 v19, v2;
	v19 =	vld [tilespmem:s7+$0xFED0]  }
0x23a: {  	v1 =	vadd.f32 v20, v1;
	v20 =	vld [tilespmem:s7+$0xFEE0];
	s7 =	sshra.s32 s9, $0x2;
	s9 =	sadd.s32 $0x400, s9  }
0x23b: {  	v21 =	vld [tilespmem:s7+$0xFE00]  }
0x23c: {  	v22 =	vld [tilespmem:s7+$0xFE10]  }
0x23d: {  	v23 =	vld [tilespmem:s7+$0xFE20]  }
0x23e: {  	v24 =	vld [tilespmem:s7+$0xFE30]  }
0x23f: {  	v11 =	vadd.f32 v16, v11;
	v16 =	vld [tilespmem:s7+$0xFE40]  }
0x240: {  	v12 =	vadd.f32 v17, v12;
	v17 =	vld [tilespmem:s7+$0xFE50];
	v15 =	vadd.f32 v18, v15  }
0x241: {  	v18 =	vld [tilespmem:s7+$0xFE60];
	v13 =	vadd.f32 v19, v13;
	v14 =	vadd.f32 v20, v14  }
0x242: {  	v19 =	vld [tilespmem:s7+$0xFE70];
	v9 =	vadd.f32 v21, v9;
	v10 =	vadd.f32 v23, v10  }
0x243: {  	v20 =	vld [tilespmem:s7+$0xFE80];
	v6 =	vadd.f32 v22, v6;
	v7 =	vadd.f32 v24, v7  }
0x244: {  	v8 =	vadd.f32 v16, v8;
	v16 =	vld [tilespmem:s7+$0xFE90];
	v9 =	vadd.f32 v10, v9  }
0x245: {  	v5 =	vadd.f32 v17, v5;
	v10 =	vld [tilespmem:s7+$0xFEA0];
	v6 =	vadd.f32 v7, v6  }
0x246: {  	v4 =	vadd.f32 v18, v4;
	v7 =	vld [tilespmem:s7+$0xFEB0];
	v8 =	vadd.f32 v8, v9  }
0x247: {  	v3 =	vadd.f32 v19, v3;
	v9 =	vld [tilespmem:s7+$0xFEC0];
	v5 =	vadd.f32 v5, v6  }
0x248: {  	v2 =	vadd.f32 v20, v2;
	v6 =	vld [tilespmem:s7+$0xFED0];
	v4 =	vadd.f32 v4, v8  }
0x249: {  	v1 =	vadd.f32 v16, v1;
	v8 =	vld [tilespmem:s7+$0xFEE0];
	v3 =	vadd.f32 v3, v5  }
0x24a: {  	v5 =	vld [tilespmem:s7+$0xFEF0];
	v10 =	vadd.f32 v10, v11;
	v2 =	vadd.f32 v2, v4  }
0x24b: {  	v4 =	vadd.f32 v7, v12;
	v1 =	vadd.f32 v1, v3;
	v3 =	vld [tilespmem:s19+$0x6600]  }
0x24c: {  	v7 =	vadd.f32 v9, v15;
	v2 =	vadd.f32 v10, v2  }
0x24d: {  	v6 =	vadd.f32 v6, v13;
	v1 =	vadd.f32 v4, v1  }
0x24e: {  	s9 =	sand.u32 $0xE, s6;
	v4 =	vadd.f32 v8, v14;
	v2 =	vadd.f32 v7, v2  }
0x24f: {  	v0 =	vadd.f32 v5, v0;
	v5 =	vmov s9;
	v1 =	vadd.f32 v6, v1  }
0x250: {  	s7 =	sadd.s32 @!p1 $0xE, s21;
	v3 =	vperm.xlane v3, v5;
	v2 =	vadd.f32 v4, v2  }
0x251: {  	s11 =	sshll.u32 s6, $0x5;
	s9 =	sand.u32 @!p1 $0x3E, s7;
	v0 =	vadd.f32 v0, v1  }
0x252: {  	s6 =	sand.u32 $0x7C0, s11;
	s7 =	sshll.u32 @!p1 s7, $0x19;
	s9 =	smul.u32 @!p1 $0x320, s9;
	v1 =	vmul.f32 v3, v2  }
0x253: {  	s6 =	sadd.s32 s6, s20;
	s7 =	sshra.s32 @!p1 s7, $0x1F;
	v0 =	vmul.f32 v3, v0  }
0x254: {  	s7 =	sand.u32 @!p1 $0x3200, s7;
	s9 =	sshrl.u32 @!p1 s9, $0x2;
	[tilespmem:s6+$0x0] =	vst v1  }
0x255: {  	[tilespmem:s6+$0x10] =	vst v0;
	s6 =	sadd.s32 @!p1 s9, s7;
	s7 =	simm.s32 @!p1 $0x60;
	s9 =	simm.s32 @!p1 $0xFE00  }
0x256: {  	[tilespmem:s9], [sflag:$0x7] =	stream.indirect.gather @!p1 [hbm4b:s4+s7], $0x20, s6, s7, $0xb8;
	[tilespmem:$0x14000] =	vst v63  }
0x257: {  	s6 =	sadd.s32 @!p1 $0x60, s6;
	s7 =	simm.s32 @!p1 $0x68;
	s9 =	simm.s32 @!p1 $0x10A00  }
0x258: {  	[tilespmem:s9], [sflag:$0x7] =	stream.indirect.gather @!p1 [hbm4b:s4+s7], $0x20, s6, s7, $0xb8;
	[tilespmem:$0x14000] =	vst v63  }
0x259: {  	_ =	swait.ge [sflag:s0], $0xC00  }
0x25a: {  	[sflag:s0] =	ssyncset.done $0x0  }
0x25b: {  	[sflag:s0] =	ssyncadd.s32 $0xFFFFF400  }
0x25c: {  	_ =	swait.ge [sflag:s0], $0xD00  }
0x25d: {  	[sflag:s0] =	ssyncset.done $0x0  }
0x25e: {  	s21 =	simm.s32 $0x0;
	[sflag:s0] =	ssyncadd.s32 $0xFFFFF300  }
0x25f: {  	v0 =	vld [tilespmem:s21+$0x117F0]  }
0x260: {  	v1 =	vld [tilespmem:s21+$0x11700]  }
0x261: {  	v2 =	vld [tilespmem:s21+$0x11710]  }
0x262: {  	v3 =	vld [tilespmem:s21+$0x11720]  }
0x263: {  	v4 =	vld [tilespmem:s21+$0x11730]  }
0x264: {  	v5 =	vld [tilespmem:s21+$0x11740]  }
0x265: {  	v12 =	vld [tilespmem:s21+$0x11750]  }
0x266: {  	v13 =	vld [tilespmem:s21+$0x11760]  }
0x267: {  	v14 =	vld [tilespmem:s21+$0x11770]  }
0x268: {  	v11 =	vimm.f32 $0.0e+00;
	v15 =	vld [tilespmem:s21+$0x11780]  }
0x269: {  	v20 =	vld [tilespmem:s21+$0x11790];
	v0 =	vadd.f32 v0, v11  }
0x26a: {  	v9 =	vadd.f32 v1, v11;
	v6 =	vadd.f32 v2, v11  }
0x26b: {  	v16 =	vld [tilespmem:s21+$0x117A0];
	v10 =	vadd.f32 v3, v11;
	v7 =	vadd.f32 v4, v11  }
0x26c: {  	v17 =	vld [tilespmem:s21+$0x117B0];
	v8 =	vadd.f32 v5, v11;
	v5 =	vadd.f32 v12, v11  }
0x26d: {  	v18 =	vld [tilespmem:s21+$0x117C0];
	v4 =	vadd.f32 v13, v11;
	v3 =	vadd.f32 v14, v11  }
0x26e: {  	v19 =	vld [tilespmem:s21+$0x117D0];
	v2 =	vadd.f32 v15, v11;
	v1 =	vadd.f32 v20, v11;
	v12 =	vimm.f32 $0.0e+00  }
0x26f: {  	s6 =	simm.s32 $0x100;
	s7 =	simm.s32 $0x800;
	v20 =	vld [tilespmem:s21+$0x117E0];
	v15 =	vimm.f32 $0.0e+00;
	v13 =	vimm.f32 $0.0e+00;
	v14 =	vimm.f32 $0.0e+00  }
.LBB2_24:
0x270: {  	p1 =	sne.s32 s7, $0x6000;
	v21 =	vld [tilespmem:s6+$0x117F0];
	v11 =	vadd.f32 v16, v11  }
0x271: {  	v16 =	vld [tilespmem:s6+$0x11700];
	v12 =	vadd.f32 v17, v12  }
0x272: {  	v17 =	vld [tilespmem:s6+$0x11710];
	v15 =	vadd.f32 v18, v15  }
0x273: {  	v18 =	vld [tilespmem:s6+$0x11720];
	v13 =	vadd.f32 v19, v13  }
0x274: {  	v19 =	vld [tilespmem:s6+$0x11730];
	v14 =	vadd.f32 v20, v14  }
0x275: {  	v20 =	vld [tilespmem:s6+$0x11740];
	v0 =	vadd.f32 v21, v0  }
0x276: {  	v9 =	vadd.f32 v16, v9;
	v16 =	vld [tilespmem:s6+$0x11750]  }
0x277: {  	v6 =	vadd.f32 v17, v6;
	v17 =	vld [tilespmem:s6+$0x11760]  }
0x278: {  	v10 =	vadd.f32 v18, v10;
	v18 =	vld [tilespmem:s6+$0x11770]  }
0x279: {  	v7 =	vadd.f32 v19, v7;
	v19 =	vld [tilespmem:s6+$0x11780]  }
0x27a: {  	v8 =	vadd.f32 v20, v8;
	v20 =	vld [tilespmem:s6+$0x11790]  }
.Ltmp12:
0x27b: {  	v5 =	vadd.f32 v16, v5;
	v16 =	vld [tilespmem:s6+$0x117A0];
	(pc) =	sbr.rel @p1 .LBB2_24-.Ltmp12, $4  }
0x27c: {  	v4 =	vadd.f32 v17, v4;
	v17 =	vld [tilespmem:s6+$0x117B0]  }
0x27d: {  	v3 =	vadd.f32 v18, v3;
	v18 =	vld [tilespmem:s6+$0x117C0]  }
0x27e: {  	v2 =	vadd.f32 v19, v2;
	v19 =	vld [tilespmem:s6+$0x117D0]  }
0x27f: {  	v1 =	vadd.f32 v20, v1;
	v20 =	vld [tilespmem:s6+$0x117E0];
	s6 =	sshra.s32 s7, $0x2;
	s7 =	sadd.s32 $0x400, s7  }
0x280: {  	v21 =	vld [tilespmem:s6+$0x11700]  }
0x281: {  	v22 =	vld [tilespmem:s6+$0x11710]  }
0x282: {  	v23 =	vld [tilespmem:s6+$0x11720]  }
0x283: {  	v24 =	vld [tilespmem:s6+$0x11730]  }
0x284: {  	v11 =	vadd.f32 v16, v11;
	v46 =	vld [tilespmem:s6+$0x11740]  }
0x285: {  	v47 =	vld [tilespmem:s6+$0x11750];
	v12 =	vadd.f32 v17, v12;
	v15 =	vadd.f32 v18, v15  }
0x286: {  	v48 =	vld [tilespmem:s6+$0x11760];
	v13 =	vadd.f32 v19, v13;
	v14 =	vadd.f32 v20, v14  }
0x287: {  	v49 =	vld [tilespmem:s6+$0x11770];
	v9 =	vadd.f32 v21, v9;
	v10 =	vadd.f32 v23, v10  }
0x288: {  	v50 =	vld [tilespmem:s6+$0x11780];
	v6 =	vadd.f32 v22, v6;
	v7 =	vadd.f32 v24, v7  }
0x289: {  	v51 =	vld [tilespmem:s6+$0x11790];
	v8 =	vadd.f32 v46, v8;
	v9 =	vadd.f32 v10, v9  }
0x28a: {  	v52 =	vld [tilespmem:s6+$0x117A0];
	v5 =	vadd.f32 v47, v5;
	v6 =	vadd.f32 v7, v6  }
0x28b: {  	v53 =	vld [tilespmem:s6+$0x117B0];
	v4 =	vadd.f32 v48, v4;
	v8 =	vadd.f32 v8, v9  }
0x28c: {  	v54 =	vld [tilespmem:s6+$0x117C0];
	v3 =	vadd.f32 v49, v3;
	v5 =	vadd.f32 v5, v6  }
0x28d: {  	v55 =	vld [tilespmem:s6+$0x117D0];
	v2 =	vadd.f32 v50, v2;
	v4 =	vadd.f32 v4, v8  }
0x28e: {  	v56 =	vld [tilespmem:s6+$0x117E0];
	v1 =	vadd.f32 v51, v1;
	v3 =	vadd.f32 v3, v5  }
0x28f: {  	v57 =	vld [tilespmem:s6+$0x117F0];
	v10 =	vadd.f32 v52, v11;
	v2 =	vadd.f32 v2, v4  }
0x290: {  	v59 =	vld [tilespmem:s19+$0x6600];
	v58 =	vadd.f32 v53, v12;
	v1 =	vadd.f32 v1, v3  }
0x291: {  	v60 =	vadd.f32 v54, v15;
	v2 =	vadd.f32 v10, v2  }
0x292: {  	v6 =	vadd.f32 v55, v13;
	v1 =	vadd.f32 v58, v1  }
0x293: {  	v61 =	vadd.f32 v56, v14;
	v2 =	vadd.f32 v60, v2  }
0x294: {  	v62 =	vmov s18;
	v0 =	vadd.f32 v57, v0;
	v1 =	vadd.f32 v6, v1  }
0x295: {  	v3 =	vperm.xlane v59, v62;
	v2 =	vadd.f32 v61, v2  }
0x296: {  	s21 =	sshll.u32 s18, $0x5;
	s7 =	sand.u32 @p0 $0x1, s17;
	v0 =	vadd.f32 v0, v1  }
0x297: {  	s6 =	sand.u32 $0x7E0, s21;
	p1 =	seq.s32 @p0 s7, $0x1;
	v63 =	vmul.f32 v3, v2  }
0x298: {  	s6 =	sadd.s32 s6, s20;
	p2 =	por !p1, !p0;
	v0 =	vmul.f32 v3, v0  }
0x299: {  	s7 =	sshll.u32 @p0 s17, $0x8;
	s9 =	simm.s32 @!p2 $0x13800;
	[tilespmem:s6+$0x0] =	vst v63  }
0x29a: {  	[tilespmem:s6+$0x10] =	vst v0;
	s6 =	sadd.s32 @p0 s7, s8;
	s7 =	simm.s32 @!p2 $0x0;
	p0 =	por p1, !p0  }
0x29b: {  	[hbm4b:s6+s7] =	stream.linear.scatter @!p2 [tilespmem:s9], [sflag:$0xB], $0x800, $0x38;
	[tilespmem:$0x14000] =	vst v63  }
0x29c: {  	s16 =	sadd.s32 $0x1, s16;
	s7 =	simm.s32 @!p0 $0x0;
	s9 =	simm.s32 @!p0 $0x13000  }
0x29d: {  	[hbm4b:s6+s7] =	stream.linear.scatter @!p0 [tilespmem:s9], [sflag:$0xA], $0x800, $0x38;
	[tilespmem:$0x14000] =	vst v63  }
0x29e: {  	p0 =	sne.s32 s16, $0x40  }
.Ltmp13:
0x29f: {  	_ = 	snop;
	(pc) =	sbr.rel @p0 .LBB2_4-.Ltmp13, $1  }
0x2a0: {  	_ =	sdelay $0x3  }
0x2a1: {  	_ =	swait.ge [sflag:s1], $0x800  }
0x2a2: {  	[sflag:s1] =	ssyncset.done $0x0  }
0x2a3: {  	[sflag:s1] =	ssyncadd.s32 $0xFFFFF800  }
0x2a4: {  	_ =	swait.ge [sflag:s10], $0x800  }
0x2a5: {  	s14 =	sadd.s32 $0x1, s14;
	s6 =	rddreg [dreg:$0x6]  }
0x2a6: {  	p0 =	sne.s32 s14, s6  }
.Ltmp14:
0x2a7: {  	_ = 	snop;
	(pc) =	sbr.rel @p0 .LBB2_1-.Ltmp14, $3  }
0x2a8: {  	_ =	sdelay $0x1  }
0x2a9: {  	[sflag:s10] =	ssyncset.done $0x0  }
0x2aa: {  	[sflag:s10] =	ssyncadd.s32 $0xFFFFF800  }
0x2ab: {  	_ =	sfence.sel $0x180000  }
0x2ac: {  	[bflag:$0x0] =	sbarrier.arrive $0xFFFF  }
0x2ad: {  	_ =	strace $0x90000047  }
0x2ae: {  	s0 =	stileid.u32;
	[bflag:$0x2] =	sbarrier.arrive $0xFFFF  }
0x2af: {  	p0 =	sne.s32 s0, $0x0;
	s0 =	rddreg [dreg:$0x3]  }
0x2b0: {  	s0 =	sadd.s32 @!p0 $0x100000, s0  }
0x2b1: {  	[sflag:s0] =	ssyncadd.tile.s32 @!p0 $0x1;
	_ =	shalt  }
.Lfunc_end2:
_tile_overlayer_lowered:
.L_overlay_start_2:
0x2b2: {  	(tag) =	ssettag $0x2  }
0x2b3: {  	s0 =	rddreg [dreg:$0x0];
	s2 =	stileid.u32  }
0x2b4: {  	s1 =	rddreg [dreg:$0x1];
	p0 =	sne.s32 s2, $0x0  }
0x2b5: {  	s3 =	rddreg [dreg:$0x2];
	[bflag:$0x3] =	sbarrier.arrive $0xFFFF;
	s2 =	simm.s32 @!p0 $0x1C0C  }
0x2b6: {  	[timem:s3], [sflag:s2] =	dma.local @!p0 [hbm:s0], s1  }
0x2b7: {  	s0 =	simm.s32 @!p0 $0xC  }
0x2b8: {  	_ =	swait.ge @!p0 [sflag:s0], s1  }
0x2b9: {  	s1 =	ssub.s32 @!p0 $0x0, s1;
	[sflag:s0] =	ssyncset.done @!p0 $0x0  }
0x2ba: {  	[sflag:s0] =	ssyncadd.s32 @!p0 s1  }
0x2bb: {  	[bflag:$0x3] =	sbarrier.arrive $0xFFFF  }
0x2bc: {  	_ =	shalt  }

</sc_bundles>
